<compile_context>
chip_gen: v7x
topology: tpu7x:2x2x1
jax: 0.10.2.dev20260603
libtpu: 0.0.44.dev20260713+nightly
codegen_flags: <defaults>
</compile_context>

<pallas_src>
import functools

import jax
import jax.numpy as jnp
import numpy as np
from jax import lax
from jax.experimental import pallas as pl
from jax.experimental.pallas import tpu as pltpu
from jax.experimental.pallas import tpu_sc as plsc

_PERCENT = 0.96
_CH = 32768
_NC, _NS = 1, 16
_HBINS = 4096
_IMASK = 0x7FFFFFFF


def _keys16(b):
    return b ^ ((b >> 31) & _IMASK)


def _sc_body(x_hbm, o_hbm, buf0, buf1, hist, scanb, macc, pvec,
             sem0, sem1, semm, sh_all, sh_hist, sh_params):
    nrows, ncols = x_hbm.shape
    n = nrows * ncols
    k = int(_PERCENT * (n - 1))
    ra = np.int32(k + 1)
    rb = np.int32(k + 2)

    sid = lax.axis_index("s")

    ii = lax.iota(jnp.int32, 16)
    zeros16 = jnp.zeros((16,), jnp.int32)
    ones16 = jnp.full((16,), 1, jnp.int32)

    def lane_i(vec, j):
        return jnp.sum(jnp.where(ii == j, vec, 0))

    def lane_f(vec, j):
        return jnp.sum(jnp.where(ii == j, vec, jnp.float32(0)))

    def set_lanes(vals):
        v = zeros16
        for j, s in enumerate(vals):
            v = jnp.where(ii == j, s, v)
        return v

    def zero_ref(ref, sz):
        @plsc.parallel_loop(0, sz // 16, step=1, unroll=8)
        def _(j):
            ref[pl.ds(j * 16, 16)] = zeros16

    _UN = 8

    def stream(start_row, n_row, vec_body):

        def proc(b):
            @plsc.parallel_loop(0, _CH // 16, step=1, unroll=_UN)
            def _(j):
                vec_body(b, j)

        def cp(c, b, sem):
            return pltpu.make_async_copy(x_hbm.at[start_row + c], b, sem)

        cp(0, buf0, sem0).start()

        def chunk2(c2, _):
            c = 2 * c2
            cp(c + 1, buf1, sem1).start()
            cp(c, buf0, sem0).wait()
            proc(buf0)

            @pl.when(c + 2 < n_row)
            def _():
                cp(c + 2, buf0, sem0).start()
            cp(c + 1, buf1, sem1).wait()
            proc(buf1)
            return 0

        lax.fori_loop(0, n_row // 2, chunk2, 0)

    def scan_find(base, nvec, r):
        z = jnp.int32(0)

        @plsc.parallel_loop(0, nvec, step=1, unroll=4, carry=(z, z, z))
        def carry_out(i, carry):
            run, bincnt, cumex = carry
            h = scanb[pl.ds(base + i * 16, 16)]
            cm = plsc.cumsum(h) + run
            lt = cm < r
            bincnt = bincnt + jnp.sum(jnp.where(lt, 1, 0))
            cumex = cumex + jnp.sum(jnp.where(lt, h, 0))
            run = run + jnp.sum(h)
            return (run, bincnt, cumex)
        _, bincnt, cumex = carry_out
        return bincnt, cumex

    def scan_find2(base, nvec, r_a, r_b):
        z = jnp.int32(0)

        @plsc.parallel_loop(0, nvec, step=1, unroll=4,
                            carry=(z, z, z, z, z))
        def carry_out(i, carry):
            run, bca, cxa, bcb, cxb = carry
            h = scanb[pl.ds(base + i * 16, 16)]
            cm = plsc.cumsum(h) + run
            lta = cm < r_a
            ltb = cm < r_b
            bca = bca + jnp.sum(jnp.where(lta, 1, 0))
            cxa = cxa + jnp.sum(jnp.where(lta, h, 0))
            bcb = bcb + jnp.sum(jnp.where(ltb, 1, 0))
            cxb = cxb + jnp.sum(jnp.where(ltb, h, 0))
            run = run + jnp.sum(h)
            return (run, bca, cxa, bcb, cxb)
        _, bca, cxa, bcb, cxb = carry_out
        return bca, cxa, bcb, cxb

    def merge_hist(sz):
        seg = sz // 16
        pltpu.sync_copy(hist.at[pl.ds(0, sz)], sh_all.at[sid, pl.ds(0, sz)])
        plsc.subcore_barrier()
        descs = [pltpu.make_async_copy(sh_all.at[t, pl.ds(sid * seg, seg)],
                                       scanb.at[pl.ds(t * seg, seg)], semm)
                 for t in range(_NS)]
        for d in descs:
            d.start()
        for d in descs:
            d.wait()

        @plsc.parallel_loop(0, seg // 16, step=1, unroll=2)
        def _(i):
            acc = zeros16
            for t in range(_NS):
                acc = acc + scanb[pl.ds(t * seg + i * 16, 16)]
            macc[pl.ds(i * 16, 16)] = acc
        pltpu.sync_copy(macc.at[pl.ds(0, seg)],
                        sh_hist.at[pl.ds(sid * seg, seg)])
        plsc.subcore_barrier()

    rows_per_tile = nrows // _NS
    row_start = sid * rows_per_tile

    zero_ref(hist, _HBINS)

    def l1_body(b, j):
        key = _keys16(b[pl.ds(j * 16, 16)])
        idx = (key >> 20) + 2048
        plsc.addupdate_scatter(hist, [idx], ones16)

    stream(row_start, rows_per_tile, l1_body)
    merge_hist(_HBINS)

    @pl.when(sid == 0)
    def _():
        pltpu.sync_copy(sh_hist.at[pl.ds(0, _HBINS)],
                        scanb.at[pl.ds(0, _HBINS)])
        binA, cexA, binB, cexB = scan_find2(0, _HBINS // 16, ra, rb)
        selB = (binB != binA).astype(jnp.int32)
        pvec[...] = set_lanes(
            [binA - 2048, binB - 2048, ra - cexA, rb - cexB, selB])
        pltpu.sync_copy(pvec, sh_params)

    plsc.subcore_barrier()
    pltpu.sync_copy(sh_params, pvec)
    p = pvec[...]
    preA = lane_i(p, 0)
    preB = lane_i(p, 1)
    ra2 = lane_i(p, 2)
    rb2 = lane_i(p, 3)
    selB = lane_i(p, 4)

    zero_ref(hist, 2 * _HBINS)

    preA_b = jnp.full((16,), preA, jnp.int32)
    preB_b = jnp.full((16,), preB, jnp.int32)
    selB_b = jnp.full((16,), selB, jnp.int32) == 1

    def l2_body(b, j):
        key = _keys16(b[pl.ds(j * 16, 16)])
        high = key >> 20
        mA = high == preA_b
        mB = (high == preB_b) & selB_b
        idx = ((key >> 8) & 0xFFF) + jnp.where(mB, _HBINS, 0)
        plsc.addupdate_scatter(hist, [idx], ones16, mask=mA | mB)

    stream(row_start, rows_per_tile, l2_body)
    merge_hist(2 * _HBINS)

    @pl.when(sid == 0)
    def _():
        pltpu.sync_copy(sh_hist, scanb)
        binA2, cexA2, binB2h0, cexB2h0 = scan_find2(0, _HBINS // 16, ra2, rb2)
        binB2h1, cexB2h1 = scan_find(_HBINS, _HBINS // 16, rb2)
        sel = selB == 1
        binB2 = jnp.where(sel, binB2h1, binB2h0)
        cexB2 = jnp.where(sel, cexB2h1, cexB2h0)
        preA24 = (preA << 12) | binA2
        preB24 = (preB << 12) | binB2
        sel24 = (preB24 != preA24).astype(jnp.int32)
        pvec[...] = set_lanes(
            [preA24, preB24, ra2 - cexA2, rb2 - cexB2, sel24])
        pltpu.sync_copy(pvec, sh_params)

    plsc.subcore_barrier()
    pltpu.sync_copy(sh_params, pvec)
    p = pvec[...]
    preA24 = lane_i(p, 0)
    preB24 = lane_i(p, 1)
    ra3 = lane_i(p, 2)
    rb3 = lane_i(p, 3)
    sel24 = lane_i(p, 4)

    zero_ref(hist, 512)

    preA24_b = jnp.full((16,), preA24, jnp.int32)
    preB24_b = jnp.full((16,), preB24, jnp.int32)
    sel24_b = jnp.full((16,), sel24, jnp.int32) == 1

    def l3_body(b, j):
        key = _keys16(b[pl.ds(j * 16, 16)])
        high = key >> 8
        mA = high == preA24_b
        mB = (high == preB24_b) & sel24_b
        idx = (key & 0xFF) + jnp.where(mB, 256, 0)
        plsc.addupdate_scatter(hist, [idx], ones16, mask=mA | mB)

    stream(row_start, rows_per_tile, l3_body)
    merge_hist(512)

    @pl.when(sid == 0)
    def _():
        pltpu.sync_copy(sh_hist.at[pl.ds(0, 512)], scanb.at[pl.ds(0, 512)])
        binA3, _, binB3h0, _ = scan_find2(0, 16, ra3, rb3)
        binB3h1, _ = scan_find(256, 16, rb3)
        binB3 = jnp.where(sel24 == 1, binB3h1, binB3h0)
        k1 = (preA24 << 8) | binA3
        k2 = (preB24 << 8) | binB3
        bits1 = k1 ^ ((k1 >> 31) & _IMASK)
        bits2 = k2 ^ ((k2 >> 31) & _IMASK)
        pvec[...] = set_lanes([bits1, bits2])
        pltpu.sync_copy(pvec, o_hbm)


@functools.cache
def _make_sc_kernel(nrows, ncols):
    mesh = plsc.VectorSubcoreMesh(
        core_axis_name="c", subcore_axis_name="s",
        num_cores=_NC, num_subcores=_NS)
    return pl.kernel(
        _sc_body,
        out_type=jax.ShapeDtypeStruct((16,), jnp.int32),
        mesh=mesh,
        compiler_params=pltpu.CompilerParams(needs_layout_passes=False),
        scratch_types=[
            pltpu.VMEM((_CH,), jnp.int32),
            pltpu.VMEM((_CH,), jnp.int32),
            pltpu.VMEM((2 * _HBINS,), jnp.int32),
            pltpu.VMEM((2 * _HBINS,), jnp.int32),
            pltpu.VMEM((2 * _HBINS // 16,), jnp.int32),
            pltpu.VMEM((16,), jnp.int32),
            pltpu.SemaphoreType.DMA,
            pltpu.SemaphoreType.DMA,
            pltpu.SemaphoreType.DMA,
            pltpu.VMEM_SHARED((_NS, 2 * _HBINS), jnp.int32),
            pltpu.VMEM_SHARED((2 * _HBINS,), jnp.int32),
            pltpu.VMEM_SHARED((16,), jnp.int32),
        ],
    )


def _mask_kernel(b_ref, x_ref, o_ref):
    n = 128 * 32768
    loc = _PERCENT * (n - 1)
    frac = np.float32(loc - int(loc))
    vk = jax.lax.bitcast_convert_type(b_ref[0], jnp.float32)
    vk1 = jax.lax.bitcast_convert_type(b_ref[1], jnp.float32)
    tresh = vk + frac * (vk1 - vk)
    x = x_ref[...]
    o_ref[...] = jnp.where(x > tresh, vk, x)


def kernel(tensor):
    x_bits = jax.lax.bitcast_convert_type(tensor, jnp.int32)
    bits = _make_sc_kernel(*tensor.shape)(x_bits)
    nrows, ncols = tensor.shape
    blk = ncols // 16
    return pl.pallas_call(
        _mask_kernel,
        grid=(16,),
        in_specs=[
            pl.BlockSpec(memory_space=pltpu.SMEM),
            pl.BlockSpec((nrows, blk), lambda i: (0, i)),
        ],
        out_specs=pl.BlockSpec((nrows, blk), lambda i: (0, i)),
        out_shape=jax.ShapeDtypeStruct(tensor.shape, tensor.dtype),
    )(bits, tensor)

# --- scband reference (transcript-rebuilt; emitter-appended) ---
"""Pipeline reference for scband-pre-quantile-percent-8796093022308 (READ-ONLY COPY).

The authoritative reference and input builder live on the scoring server;
editing this copy changes nothing except your own understanding.
"""

import jax, jax.numpy as jnp
import numpy as np

PERCENT = 0.96


def setup_inputs(seed: int = 0) -> dict:
    key = jax.random.key(seed)
    tensor = jax.random.normal(key, (128, 32768), dtype=jnp.float32)
    return {"tensor": tensor}


def reference(tensor):
    # tresh computed on the original tensor (global quantile, linear interpolation,
    # matching torch.quantile default)
    tresh = jnp.quantile(tensor, PERCENT)
    idx = tensor > tresh
    # torch code: tensor[idx] = tensor.min()  (min of ORIGINAL tensor, RHS evaluated first)
    t1 = jnp.where(idx, jnp.min(tensor), tensor)
    # torch code: tensor[idx] = tensor.max()  (max of the MODIFIED tensor, i.e. max of
    # non-outlier values, since outliers were just overwritten with the min)
    out = jnp.where(idx, jnp.max(t1), t1)
    return out

if __name__ == "__main__":
    import jax
    _d = setup_inputs()
    print(jax.jit(kernel)(*tuple(_d.values())))

</pallas_src>

<mosaic_0001>
#map = affine_map<(d0, d1) -> (0, 0)>
#map1 = affine_map<(d0, d1) -> (0)>
module attributes {stable_mosaic.version = 14 : i64} {
  func.func @_sc_body(%arg0: i32, %arg1: i32, %arg2: memref<128x32768xi32, #tpu.memory_space<hbm>>, %arg3: memref<16xi32, #tpu.memory_space<hbm>>, %arg4: memref<32768xi32, #tpu.memory_space<vmem>>, %arg5: memref<32768xi32, #tpu.memory_space<vmem>>, %arg6: memref<8192xi32, #tpu.memory_space<vmem>>, %arg7: memref<8192xi32, #tpu.memory_space<vmem>>, %arg8: memref<512xi32, #tpu.memory_space<vmem>>, %arg9: memref<16xi32, #tpu.memory_space<vmem>>, %arg10: memref<!tpu.dma_semaphore, #tpu.memory_space<semaphore_mem>>, %arg11: memref<!tpu.dma_semaphore, #tpu.memory_space<semaphore_mem>>, %arg12: memref<!tpu.dma_semaphore, #tpu.memory_space<semaphore_mem>>, %arg13: memref<16x8192xi32, #tpu.memory_space<vmem_shared>>, %arg14: memref<8192xi32, #tpu.memory_space<vmem_shared>>, %arg15: memref<16xi32, #tpu.memory_space<vmem_shared>>) attributes {dimension_semantics = [#tpu.dimension_semantics<core_parallel>, #tpu.dimension_semantics<subcore_parallel>], iteration_bounds = array<i64: 1, 16>, scalar_prefetch = 0 : i64, scratch_operands = 12 : i64, tpu.core_type = #tpu.core_type<sc_vector_subcore>, window_params = [{transform_indices = #map}, {transform_indices = #map1}]} {
    %iota3A = tpu.iota {dimensions = array<i32: 0>} : vector<16xi32>
    %broadcast_in_dim3A = arith.constant 0 : i32
    %broadcast_in_dim3A_0 = vector.broadcast %broadcast_in_dim3A : i32 to vector<16xi32>
    %broadcast_in_dim3A_1 = arith.constant 1 : i32
    %broadcast_in_dim3A_2 = vector.broadcast %broadcast_in_dim3A_1 : i32 to vector<16xi32>
    %mul3A = arith.constant 8 : i32
    %mul3A_3 = arith.muli %arg1, %mul3A : i32
    %parallel_loop3A = arith.constant 0 : i32
    %parallel_loop3A_4 = arith.constant 256 : i32
    %parallel_loop3A_5 = arith.constant 1 : i32
    scf.for %parallel_loop3A_1159 = %parallel_loop3A to %parallel_loop3A_4 step %parallel_loop3A_5  : i32 {
      %parallel_loop3A_1160 = arith.constant 16 : i32
      %parallel_loop3A_1161 = arith.muli %parallel_loop3A_1159, %parallel_loop3A_1160 : i32
      %parallel_loop3A_1162 = arith.index_cast %parallel_loop3A_1161 : i32 to index
      %parallel_loop3A_1163 = tpu.vector_load %arg6[%parallel_loop3A_1162] {strides = array<i32>} : memref<8192xi32, #tpu.memory_space<vmem>>, vector<16xi32>,
      tpu.vector_store %arg6[%parallel_loop3A_1162], %broadcast_in_dim3A_0 {strides = array<i32>} : memref<8192xi32, #tpu.memory_space<vmem>>, vector<16xi32>,
    } {sc.loop_unroll_factor = 8 : i64, sc.parallel_access}
    %add3A = arith.constant 0 : i32
    %add3A_6 = arith.addi %mul3A_3, %add3A : i32
    %dma_start3A = arith.constant 0 : i32
    %dma_start3A_7 = tpu.memref_slice %arg2[%add3A_6, %dma_start3A] : memref<128x32768xi32, #tpu.memory_space<hbm>> -> memref<1x32768xi32, #tpu.memory_space<hbm>>
    %dma_start3A_8 = tpu.memref_squeeze %dma_start3A_7 : memref<1x32768xi32, #tpu.memory_space<hbm>> -> memref<32768xi32, #tpu.memory_space<hbm>>
    %dma_start3A_9 = arith.constant 0 : i32
    %dma_start3A_10 = tpu.memref_slice %arg2[%add3A_6, %dma_start3A_9] : memref<128x32768xi32, #tpu.memory_space<hbm>> -> memref<1x32768xi32, #tpu.memory_space<hbm>>
    %dma_start3A_11 = tpu.memref_squeeze %dma_start3A_10 : memref<1x32768xi32, #tpu.memory_space<hbm>> -> memref<32768xi32, #tpu.memory_space<hbm>>
    tpu.enqueue_dma source(%dma_start3A_11 : memref<32768xi32, #tpu.memory_space<hbm>>) target(%arg4 : memref<32768xi32, #tpu.memory_space<vmem>>) target_semaphore(%arg10 : memref<!tpu.dma_semaphore, #tpu.memory_space<semaphore_mem>>)
    %scan3A = arith.constant 0 : i32
    %scan3A_12 = arith.constant 0 : i32
    %scan3A_13 = arith.constant 4 : i32
    %scan3A_14 = arith.addi %scan3A_12, %scan3A_13 : i32
    %scan3A_15 = arith.constant 1 : i32
    %scan3A_16 = scf.for %scan3A_1159 = %scan3A_12 to %scan3A_14 step %scan3A_15 iter_args(%scan3A_1160 = %scan3A) -> (i32)  : i32 {
      %mul3A_1161 = arith.constant 2 : i32
      %mul3A_1162 = arith.muli %mul3A_1161, %scan3A_1159 : i32
      %add3A_1163 = arith.constant 1 : i32
      %add3A_1164 = arith.addi %mul3A_1162, %add3A_1163 : i32
      %add3A_1165 = arith.addi %mul3A_3, %add3A_1164 : i32
      %dma_start3A_1166 = arith.constant 0 : i32
      %dma_start3A_1167 = tpu.memref_slice %arg2[%add3A_1165, %dma_start3A_1166] : memref<128x32768xi32, #tpu.memory_space<hbm>> -> memref<1x32768xi32, #tpu.memory_space<hbm>>
      %dma_start3A_1168 = tpu.memref_squeeze %dma_start3A_1167 : memref<1x32768xi32, #tpu.memory_space<hbm>> -> memref<32768xi32, #tpu.memory_space<hbm>>
      %dma_start3A_1169 = arith.constant 0 : i32
      %dma_start3A_1170 = tpu.memref_slice %arg2[%add3A_1165, %dma_start3A_1169] : memref<128x32768xi32, #tpu.memory_space<hbm>> -> memref<1x32768xi32, #tpu.memory_space<hbm>>
      %dma_start3A_1171 = tpu.memref_squeeze %dma_start3A_1170 : memref<1x32768xi32, #tpu.memory_space<hbm>> -> memref<32768xi32, #tpu.memory_space<hbm>>
      tpu.enqueue_dma source(%dma_start3A_1171 : memref<32768xi32, #tpu.memory_space<hbm>>) target(%arg5 : memref<32768xi32, #tpu.memory_space<vmem>>) target_semaphore(%arg11 : memref<!tpu.dma_semaphore, #tpu.memory_space<semaphore_mem>>)
      %add3A_1172 = arith.addi %mul3A_3, %mul3A_1162 : i32
      %dma_wait3A_1173 = arith.constant 0 : i32
      %dma_wait3A_1174 = tpu.memref_slice %arg2[%add3A_1172, %dma_wait3A_1173] : memref<128x32768xi32, #tpu.memory_space<hbm>> -> memref<1x32768xi32, #tpu.memory_space<hbm>>
      %dma_wait3A_1175 = tpu.memref_squeeze %dma_wait3A_1174 : memref<1x32768xi32, #tpu.memory_space<hbm>> -> memref<32768xi32, #tpu.memory_space<hbm>>
      %dma_wait3A_1176 = arith.constant 0 : i32
      %dma_wait3A_1177 = tpu.memref_slice %arg2[%add3A_1172, %dma_wait3A_1176] : memref<128x32768xi32, #tpu.memory_space<hbm>> -> memref<1x32768xi32, #tpu.memory_space<hbm>>
      %dma_wait3A_1178 = tpu.memref_squeeze %dma_wait3A_1177 : memref<1x32768xi32, #tpu.memory_space<hbm>> -> memref<32768xi32, #tpu.memory_space<hbm>>
      tpu.wait_dma2 semaphore(%arg10 : memref<!tpu.dma_semaphore, #tpu.memory_space<semaphore_mem>>) src(%dma_wait3A_1178 : memref<32768xi32, #tpu.memory_space<hbm>>) dst(%arg4 : memref<32768xi32, #tpu.memory_space<vmem>>)
      %parallel_loop3A_1179 = arith.constant 0 : i32
      %parallel_loop3A_1180 = arith.constant 2048 : i32
      %parallel_loop3A_1181 = arith.constant 1 : i32
      scf.for %parallel_loop3A_1201 = %parallel_loop3A_1179 to %parallel_loop3A_1180 step %parallel_loop3A_1181  : i32 {
        %parallel_loop3A_1202 = arith.constant 16 : i32
        %parallel_loop3A_1203 = arith.muli %parallel_loop3A_1201, %parallel_loop3A_1202 : i32
        %parallel_loop3A_1204 = arith.index_cast %parallel_loop3A_1203 : i32 to index
        %parallel_loop3A_1205 = tpu.vector_load %arg4[%parallel_loop3A_1204] {strides = array<i32>} : memref<32768xi32, #tpu.memory_space<vmem>>, vector<16xi32>,
        %parallel_loop3A_1206 = arith.constant 31 : i32
        %parallel_loop3A_1207 = vector.broadcast %parallel_loop3A_1206 : i32 to vector<16xi32>
        %parallel_loop3A_1208 = arith.shrsi %parallel_loop3A_1205, %parallel_loop3A_1207 : vector<16xi32>
        %parallel_loop3A_1209 = arith.constant 2147483647 : i32
        %parallel_loop3A_1210 = vector.broadcast %parallel_loop3A_1209 : i32 to vector<16xi32>
        %parallel_loop3A_1211 = arith.andi %parallel_loop3A_1208, %parallel_loop3A_1210 : vector<16xi32>
        %parallel_loop3A_1212 = arith.xori %parallel_loop3A_1205, %parallel_loop3A_1211 : vector<16xi32>
        %parallel_loop3A_1213 = arith.constant 20 : i32
        %parallel_loop3A_1214 = vector.broadcast %parallel_loop3A_1213 : i32 to vector<16xi32>
        %parallel_loop3A_1215 = arith.shrsi %parallel_loop3A_1212, %parallel_loop3A_1214 : vector<16xi32>
        %parallel_loop3A_1216 = arith.constant 2048 : i32
        %parallel_loop3A_1217 = vector.broadcast %parallel_loop3A_1216 : i32 to vector<16xi32>
        %parallel_loop3A_1218 = arith.addi %parallel_loop3A_1215, %parallel_loop3A_1217 : vector<16xi32>
        tpu.vector_store_idx %arg6[%parallel_loop3A_1218], %broadcast_in_dim3A_2 {add = true} : memref<8192xi32, #tpu.memory_space<vmem>>[vector<16xi32>], vector<16xi32>,
      } {sc.loop_unroll_factor = 8 : i64, sc.parallel_access}
      %add3A_1182 = arith.constant 2 : i32
      %add3A_1183 = arith.addi %mul3A_1162, %add3A_1182 : i32
      %lt3A = arith.constant 8 : i32
      %lt3A_1184 = arith.cmpi slt, %add3A_1183, %lt3A : i32
      %convert_element_type3A_1185 = arith.extui %lt3A_1184 : i1 to i32
      %cond3A_1186 = arith.constant 0 : i32
      %cond3A_1187 = arith.cmpi ne, %convert_element_type3A_1185, %cond3A_1186 : i32
      scf.if %cond3A_1187 {
        %add3A_1201 = arith.constant 2 : i32
        %add3A_1202 = arith.addi %mul3A_1162, %add3A_1201 : i32
        %add3A_1203 = arith.addi %mul3A_3, %add3A_1202 : i32
        %dma_start3A_1204 = arith.constant 0 : i32
        %dma_start3A_1205 = tpu.memref_slice %arg2[%add3A_1203, %dma_start3A_1204] : memref<128x32768xi32, #tpu.memory_space<hbm>> -> memref<1x32768xi32, #tpu.memory_space<hbm>>
        %dma_start3A_1206 = tpu.memref_squeeze %dma_start3A_1205 : memref<1x32768xi32, #tpu.memory_space<hbm>> -> memref<32768xi32, #tpu.memory_space<hbm>>
        %dma_start3A_1207 = arith.constant 0 : i32
        %dma_start3A_1208 = tpu.memref_slice %arg2[%add3A_1203, %dma_start3A_1207] : memref<128x32768xi32, #tpu.memory_space<hbm>> -> memref<1x32768xi32, #tpu.memory_space<hbm>>
        %dma_start3A_1209 = tpu.memref_squeeze %dma_start3A_1208 : memref<1x32768xi32, #tpu.memory_space<hbm>> -> memref<32768xi32, #tpu.memory_space<hbm>>
        tpu.enqueue_dma source(%dma_start3A_1209 : memref<32768xi32, #tpu.memory_space<hbm>>) target(%arg4 : memref<32768xi32, #tpu.memory_space<vmem>>) target_semaphore(%arg10 : memref<!tpu.dma_semaphore, #tpu.memory_space<semaphore_mem>>)
      } else {
      }
      %add3A_1188 = arith.constant 1 : i32
      %add3A_1189 = arith.addi %mul3A_1162, %add3A_1188 : i32
      %add3A_1190 = arith.addi %mul3A_3, %add3A_1189 : i32
      %dma_wait3A_1191 = arith.constant 0 : i32
      %dma_wait3A_1192 = tpu.memref_slice %arg2[%add3A_1190, %dma_wait3A_1191] : memref<128x32768xi32, #tpu.memory_space<hbm>> -> memref<1x32768xi32, #tpu.memory_space<hbm>>
      %dma_wait3A_1193 = tpu.memref_squeeze %dma_wait3A_1192 : memref<1x32768xi32, #tpu.memory_space<hbm>> -> memref<32768xi32, #tpu.memory_space<hbm>>
      %dma_wait3A_1194 = arith.constant 0 : i32
      %dma_wait3A_1195 = tpu.memref_slice %arg2[%add3A_1190, %dma_wait3A_1194] : memref<128x32768xi32, #tpu.memory_space<hbm>> -> memref<1x32768xi32, #tpu.memory_space<hbm>>
      %dma_wait3A_1196 = tpu.memref_squeeze %dma_wait3A_1195 : memref<1x32768xi32, #tpu.memory_space<hbm>> -> memref<32768xi32, #tpu.memory_space<hbm>>
      tpu.wait_dma2 semaphore(%arg11 : memref<!tpu.dma_semaphore, #tpu.memory_space<semaphore_mem>>) src(%dma_wait3A_1196 : memref<32768xi32, #tpu.memory_space<hbm>>) dst(%arg5 : memref<32768xi32, #tpu.memory_space<vmem>>)
      %parallel_loop3A_1197 = arith.constant 0 : i32
      %parallel_loop3A_1198 = arith.constant 2048 : i32
      %parallel_loop3A_1199 = arith.constant 1 : i32
      scf.for %parallel_loop3A_1201 = %parallel_loop3A_1197 to %parallel_loop3A_1198 step %parallel_loop3A_1199  : i32 {
        %parallel_loop3A_1202 = arith.constant 16 : i32
        %parallel_loop3A_1203 = arith.muli %parallel_loop3A_1201, %parallel_loop3A_1202 : i32
        %parallel_loop3A_1204 = arith.index_cast %parallel_loop3A_1203 : i32 to index
        %parallel_loop3A_1205 = tpu.vector_load %arg5[%parallel_loop3A_1204] {strides = array<i32>} : memref<32768xi32, #tpu.memory_space<vmem>>, vector<16xi32>,
        %parallel_loop3A_1206 = arith.constant 31 : i32
        %parallel_loop3A_1207 = vector.broadcast %parallel_loop3A_1206 : i32 to vector<16xi32>
        %parallel_loop3A_1208 = arith.shrsi %parallel_loop3A_1205, %parallel_loop3A_1207 : vector<16xi32>
        %parallel_loop3A_1209 = arith.constant 2147483647 : i32
        %parallel_loop3A_1210 = vector.broadcast %parallel_loop3A_1209 : i32 to vector<16xi32>
        %parallel_loop3A_1211 = arith.andi %parallel_loop3A_1208, %parallel_loop3A_1210 : vector<16xi32>
        %parallel_loop3A_1212 = arith.xori %parallel_loop3A_1205, %parallel_loop3A_1211 : vector<16xi32>
        %parallel_loop3A_1213 = arith.constant 20 : i32
        %parallel_loop3A_1214 = vector.broadcast %parallel_loop3A_1213 : i32 to vector<16xi32>
        %parallel_loop3A_1215 = arith.shrsi %parallel_loop3A_1212, %parallel_loop3A_1214 : vector<16xi32>
        %parallel_loop3A_1216 = arith.constant 2048 : i32
        %parallel_loop3A_1217 = vector.broadcast %parallel_loop3A_1216 : i32 to vector<16xi32>
        %parallel_loop3A_1218 = arith.addi %parallel_loop3A_1215, %parallel_loop3A_1217 : vector<16xi32>
        tpu.vector_store_idx %arg6[%parallel_loop3A_1218], %broadcast_in_dim3A_2 {add = true} : memref<8192xi32, #tpu.memory_space<vmem>>[vector<16xi32>], vector<16xi32>,
      } {sc.loop_unroll_factor = 8 : i64, sc.parallel_access}
      %scan3A_1200 = arith.constant 0 : i32
      scf.yield %scan3A_1200 : i32
    }
    %scan3A_17 = arith.constant 4 : i32
    "tpu.region"() ({
      %run_scoped3A = tpu.sem_alloc : memref<!tpu.dma_semaphore, #tpu.memory_space<semaphore_mem>>
      %dma_start3A_1159 = arith.constant 0 : i32
      %dma_start3A_1160 = tpu.memref_slice %arg6[%dma_start3A_1159] : memref<8192xi32, #tpu.memory_space<vmem>> -> memref<4096xi32, #tpu.memory_space<vmem>>
      %dma_start3A_1161 = arith.constant 0 : i32
      %dma_start3A_1162 = tpu.memref_slice %arg13[%arg1, %dma_start3A_1161] : memref<16x8192xi32, #tpu.memory_space<vmem_shared>> -> memref<1x4096xi32, #tpu.memory_space<vmem_shared>>
      %dma_start3A_1163 = tpu.memref_squeeze %dma_start3A_1162 : memref<1x4096xi32, #tpu.memory_space<vmem_shared>> -> memref<4096xi32, #tpu.memory_space<vmem_shared>>
      %dma_start3A_1164 = arith.constant 0 : i32
      %dma_start3A_1165 = tpu.memref_slice %arg13[%arg1, %dma_start3A_1164] : memref<16x8192xi32, #tpu.memory_space<vmem_shared>> -> memref<1x4096xi32, #tpu.memory_space<vmem_shared>>
      %dma_start3A_1166 = tpu.memref_squeeze %dma_start3A_1165 : memref<1x4096xi32, #tpu.memory_space<vmem_shared>> -> memref<4096xi32, #tpu.memory_space<vmem_shared>>
      %dma_start3A_1167 = arith.constant 0 : i32
      %dma_start3A_1168 = tpu.memref_slice %arg6[%dma_start3A_1167] : memref<8192xi32, #tpu.memory_space<vmem>> -> memref<4096xi32, #tpu.memory_space<vmem>>
      tpu.enqueue_dma source(%dma_start3A_1168 : memref<4096xi32, #tpu.memory_space<vmem>>) target(%dma_start3A_1166 : memref<4096xi32, #tpu.memory_space<vmem_shared>>) target_semaphore(%run_scoped3A : memref<!tpu.dma_semaphore, #tpu.memory_space<semaphore_mem>>)
      %dma_wait3A_1169 = arith.constant 0 : i32
      %dma_wait3A_1170 = tpu.memref_slice %arg6[%dma_wait3A_1169] : memref<8192xi32, #tpu.memory_space<vmem>> -> memref<4096xi32, #tpu.memory_space<vmem>>
      %dma_wait3A_1171 = arith.constant 0 : i32
      %dma_wait3A_1172 = tpu.memref_slice %arg13[%arg1, %dma_wait3A_1171] : memref<16x8192xi32, #tpu.memory_space<vmem_shared>> -> memref<1x4096xi32, #tpu.memory_space<vmem_shared>>
      %dma_wait3A_1173 = tpu.memref_squeeze %dma_wait3A_1172 : memref<1x4096xi32, #tpu.memory_space<vmem_shared>> -> memref<4096xi32, #tpu.memory_space<vmem_shared>>
      %dma_wait3A_1174 = arith.constant 0 : i32
      %dma_wait3A_1175 = tpu.memref_slice %arg13[%arg1, %dma_wait3A_1174] : memref<16x8192xi32, #tpu.memory_space<vmem_shared>> -> memref<1x4096xi32, #tpu.memory_space<vmem_shared>>
      %dma_wait3A_1176 = tpu.memref_squeeze %dma_wait3A_1175 : memref<1x4096xi32, #tpu.memory_space<vmem_shared>> -> memref<4096xi32, #tpu.memory_space<vmem_shared>>
      %dma_wait3A_1177 = arith.constant 0 : i32
      %dma_wait3A_1178 = tpu.memref_slice %arg6[%dma_wait3A_1177] : memref<8192xi32, #tpu.memory_space<vmem>> -> memref<4096xi32, #tpu.memory_space<vmem>>
      tpu.wait_dma2 semaphore(%run_scoped3A : memref<!tpu.dma_semaphore, #tpu.memory_space<semaphore_mem>>) src(%dma_wait3A_1178 : memref<4096xi32, #tpu.memory_space<vmem>>) dst(%dma_wait3A_1176 : memref<4096xi32, #tpu.memory_space<vmem_shared>>)
      tpu.yield
    }) : () -> ()
    %barrier3A = arith.constant 0 : index
    tpu.barrier barrier_id(%barrier3A)
    %mul3A_18 = arith.constant 256 : i32
    %mul3A_19 = arith.muli %arg1, %mul3A_18 : i32
    %mul3A_20 = arith.constant 256 : i32
    %mul3A_21 = arith.muli %arg1, %mul3A_20 : i32
    %mul3A_22 = arith.constant 256 : i32
    %mul3A_23 = arith.muli %arg1, %mul3A_22 : i32
    %mul3A_24 = arith.constant 256 : i32
    %mul3A_25 = arith.muli %arg1, %mul3A_24 : i32
    %mul3A_26 = arith.constant 256 : i32
    %mul3A_27 = arith.muli %arg1, %mul3A_26 : i32
    %mul3A_28 = arith.constant 256 : i32
    %mul3A_29 = arith.muli %arg1, %mul3A_28 : i32
    %mul3A_30 = arith.constant 256 : i32
    %mul3A_31 = arith.muli %arg1, %mul3A_30 : i32
    %mul3A_32 = arith.constant 256 : i32
    %mul3A_33 = arith.muli %arg1, %mul3A_32 : i32
    %mul3A_34 = arith.constant 256 : i32
    %mul3A_35 = arith.muli %arg1, %mul3A_34 : i32
    %mul3A_36 = arith.constant 256 : i32
    %mul3A_37 = arith.muli %arg1, %mul3A_36 : i32
    %mul3A_38 = arith.constant 256 : i32
    %mul3A_39 = arith.muli %arg1, %mul3A_38 : i32
    %mul3A_40 = arith.constant 256 : i32
    %mul3A_41 = arith.muli %arg1, %mul3A_40 : i32
    %mul3A_42 = arith.constant 256 : i32
    %mul3A_43 = arith.muli %arg1, %mul3A_42 : i32
    %mul3A_44 = arith.constant 256 : i32
    %mul3A_45 = arith.muli %arg1, %mul3A_44 : i32
    %mul3A_46 = arith.constant 256 : i32
    %mul3A_47 = arith.muli %arg1, %mul3A_46 : i32
    %mul3A_48 = arith.constant 256 : i32
    %mul3A_49 = arith.muli %arg1, %mul3A_48 : i32
    %dma_start3A_50 = arith.constant 0 : i32
    %dma_start3A_51 = arith.constant 0 : i32
    %dma_start3A_52 = tpu.memref_slice %arg7[%dma_start3A_51] : memref<8192xi32, #tpu.memory_space<vmem>> -> memref<256xi32, #tpu.memory_space<vmem>>
    %dma_start3A_53 = tpu.memref_slice %arg13[%dma_start3A_50, %mul3A_19] : memref<16x8192xi32, #tpu.memory_space<vmem_shared>> -> memref<1x256xi32, #tpu.memory_space<vmem_shared>>
    %dma_start3A_54 = tpu.memref_squeeze %dma_start3A_53 : memref<1x256xi32, #tpu.memory_space<vmem_shared>> -> memref<256xi32, #tpu.memory_space<vmem_shared>>
    %dma_start3A_55 = arith.constant 0 : i32
    %dma_start3A_56 = tpu.memref_slice %arg7[%dma_start3A_55] : memref<8192xi32, #tpu.memory_space<vmem>> -> memref<256xi32, #tpu.memory_space<vmem>>
    %dma_start3A_57 = tpu.memref_slice %arg13[%dma_start3A_50, %mul3A_19] : memref<16x8192xi32, #tpu.memory_space<vmem_shared>> -> memref<1x256xi32, #tpu.memory_space<vmem_shared>>
    %dma_start3A_58 = tpu.memref_squeeze %dma_start3A_57 : memref<1x256xi32, #tpu.memory_space<vmem_shared>> -> memref<256xi32, #tpu.memory_space<vmem_shared>>
    tpu.enqueue_dma source(%dma_start3A_58 : memref<256xi32, #tpu.memory_space<vmem_shared>>) target(%dma_start3A_56 : memref<256xi32, #tpu.memory_space<vmem>>) target_semaphore(%arg12 : memref<!tpu.dma_semaphore, #tpu.memory_space<semaphore_mem>>)
    %dma_start3A_59 = arith.constant 1 : i32
    %dma_start3A_60 = arith.constant 256 : i32
    %dma_start3A_61 = tpu.memref_slice %arg7[%dma_start3A_60] : memref<8192xi32, #tpu.memory_space<vmem>> -> memref<256xi32, #tpu.memory_space<vmem>>
    %dma_start3A_62 = tpu.memref_slice %arg13[%dma_start3A_59, %mul3A_21] : memref<16x8192xi32, #tpu.memory_space<vmem_shared>> -> memref<1x256xi32, #tpu.memory_space<vmem_shared>>
    %dma_start3A_63 = tpu.memref_squeeze %dma_start3A_62 : memref<1x256xi32, #tpu.memory_space<vmem_shared>> -> memref<256xi32, #tpu.memory_space<vmem_shared>>
    %dma_start3A_64 = arith.constant 256 : i32
    %dma_start3A_65 = tpu.memref_slice %arg7[%dma_start3A_64] : memref<8192xi32, #tpu.memory_space<vmem>> -> memref<256xi32, #tpu.memory_space<vmem>>
    %dma_start3A_66 = tpu.memref_slice %arg13[%dma_start3A_59, %mul3A_21] : memref<16x8192xi32, #tpu.memory_space<vmem_shared>> -> memref<1x256xi32, #tpu.memory_space<vmem_shared>>
    %dma_start3A_67 = tpu.memref_squeeze %dma_start3A_66 : memref<1x256xi32, #tpu.memory_space<vmem_shared>> -> memref<256xi32, #tpu.memory_space<vmem_shared>>
    tpu.enqueue_dma source(%dma_start3A_67 : memref<256xi32, #tpu.memory_space<vmem_shared>>) target(%dma_start3A_65 : memref<256xi32, #tpu.memory_space<vmem>>) target_semaphore(%arg12 : memref<!tpu.dma_semaphore, #tpu.memory_space<semaphore_mem>>)
    %dma_start3A_68 = arith.constant 2 : i32
    %dma_start3A_69 = arith.constant 512 : i32
    %dma_start3A_70 = tpu.memref_slice %arg7[%dma_start3A_69] : memref<8192xi32, #tpu.memory_space<vmem>> -> memref<256xi32, #tpu.memory_space<vmem>>
    %dma_start3A_71 = tpu.memref_slice %arg13[%dma_start3A_68, %mul3A_23] : memref<16x8192xi32, #tpu.memory_space<vmem_shared>> -> memref<1x256xi32, #tpu.memory_space<vmem_shared>>
    %dma_start3A_72 = tpu.memref_squeeze %dma_start3A_71 : memref<1x256xi32, #tpu.memory_space<vmem_shared>> -> memref<256xi32, #tpu.memory_space<vmem_shared>>
    %dma_start3A_73 = arith.constant 512 : i32
    %dma_start3A_74 = tpu.memref_slice %arg7[%dma_start3A_73] : memref<8192xi32, #tpu.memory_space<vmem>> -> memref<256xi32, #tpu.memory_space<vmem>>
    %dma_start3A_75 = tpu.memref_slice %arg13[%dma_start3A_68, %mul3A_23] : memref<16x8192xi32, #tpu.memory_space<vmem_shared>> -> memref<1x256xi32, #tpu.memory_space<vmem_shared>>
    %dma_start3A_76 = tpu.memref_squeeze %dma_start3A_75 : memref<1x256xi32, #tpu.memory_space<vmem_shared>> -> memref<256xi32, #tpu.memory_space<vmem_shared>>
    tpu.enqueue_dma source(%dma_start3A_76 : memref<256xi32, #tpu.memory_space<vmem_shared>>) target(%dma_start3A_74 : memref<256xi32, #tpu.memory_space<vmem>>) target_semaphore(%arg12 : memref<!tpu.dma_semaphore, #tpu.memory_space<semaphore_mem>>)
    %dma_start3A_77 = arith.constant 3 : i32
    %dma_start3A_78 = arith.constant 768 : i32
    %dma_start3A_79 = tpu.memref_slice %arg7[%dma_start3A_78] : memref<8192xi32, #tpu.memory_space<vmem>> -> memref<256xi32, #tpu.memory_space<vmem>>
    %dma_start3A_80 = tpu.memref_slice %arg13[%dma_start3A_77, %mul3A_25] : memref<16x8192xi32, #tpu.memory_space<vmem_shared>> -> memref<1x256xi32, #tpu.memory_space<vmem_shared>>
    %dma_start3A_81 = tpu.memref_squeeze %dma_start3A_80 : memref<1x256xi32, #tpu.memory_space<vmem_shared>> -> memref<256xi32, #tpu.memory_space<vmem_shared>>
    %dma_start3A_82 = arith.constant 768 : i32
    %dma_start3A_83 = tpu.memref_slice %arg7[%dma_start3A_82] : memref<8192xi32, #tpu.memory_space<vmem>> -> memref<256xi32, #tpu.memory_space<vmem>>
    %dma_start3A_84 = tpu.memref_slice %arg13[%dma_start3A_77, %mul3A_25] : memref<16x8192xi32, #tpu.memory_space<vmem_shared>> -> memref<1x256xi32, #tpu.memory_space<vmem_shared>>
    %dma_start3A_85 = tpu.memref_squeeze %dma_start3A_84 : memref<1x256xi32, #tpu.memory_space<vmem_shared>> -> memref<256xi32, #tpu.memory_space<vmem_shared>>
    tpu.enqueue_dma source(%dma_start3A_85 : memref<256xi32, #tpu.memory_space<vmem_shared>>) target(%dma_start3A_83 : memref<256xi32, #tpu.memory_space<vmem>>) target_semaphore(%arg12 : memref<!tpu.dma_semaphore, #tpu.memory_space<semaphore_mem>>)
    %dma_start3A_86 = arith.constant 4 : i32
    %dma_start3A_87 = arith.constant 1024 : i32
    %dma_start3A_88 = tpu.memref_slice %arg7[%dma_start3A_87] : memref<8192xi32, #tpu.memory_space<vmem>> -> memref<256xi32, #tpu.memory_space<vmem>>
    %dma_start3A_89 = tpu.memref_slice %arg13[%dma_start3A_86, %mul3A_27] : memref<16x8192xi32, #tpu.memory_space<vmem_shared>> -> memref<1x256xi32, #tpu.memory_space<vmem_shared>>
    %dma_start3A_90 = tpu.memref_squeeze %dma_start3A_89 : memref<1x256xi32, #tpu.memory_space<vmem_shared>> -> memref<256xi32, #tpu.memory_space<vmem_shared>>
    %dma_start3A_91 = arith.constant 1024 : i32
    %dma_start3A_92 = tpu.memref_slice %arg7[%dma_start3A_91] : memref<8192xi32, #tpu.memory_space<vmem>> -> memref<256xi32, #tpu.memory_space<vmem>>
    %dma_start3A_93 = tpu.memref_slice %arg13[%dma_start3A_86, %mul3A_27] : memref<16x8192xi32, #tpu.memory_space<vmem_shared>> -> memref<1x256xi32, #tpu.memory_space<vmem_shared>>
    %dma_start3A_94 = tpu.memref_squeeze %dma_start3A_93 : memref<1x256xi32, #tpu.memory_space<vmem_shared>> -> memref<256xi32, #tpu.memory_space<vmem_shared>>
    tpu.enqueue_dma source(%dma_start3A_94 : memref<256xi32, #tpu.memory_space<vmem_shared>>) target(%dma_start3A_92 : memref<256xi32, #tpu.memory_space<vmem>>) target_semaphore(%arg12 : memref<!tpu.dma_semaphore, #tpu.memory_space<semaphore_mem>>)
    %dma_start3A_95 = arith.constant 5 : i32
    %dma_start3A_96 = arith.constant 1280 : i32
    %dma_start3A_97 = tpu.memref_slice %arg7[%dma_start3A_96] : memref<8192xi32, #tpu.memory_space<vmem>> -> memref<256xi32, #tpu.memory_space<vmem>>
    %dma_start3A_98 = tpu.memref_slice %arg13[%dma_start3A_95, %mul3A_29] : memref<16x8192xi32, #tpu.memory_space<vmem_shared>> -> memref<1x256xi32, #tpu.memory_space<vmem_shared>>
    %dma_start3A_99 = tpu.memref_squeeze %dma_start3A_98 : memref<1x256xi32, #tpu.memory_space<vmem_shared>> -> memref<256xi32, #tpu.memory_space<vmem_shared>>
    %dma_start3A_100 = arith.constant 1280 : i32
    %dma_start3A_101 = tpu.memref_slice %arg7[%dma_start3A_100] : memref<8192xi32, #tpu.memory_space<vmem>> -> memref<256xi32, #tpu.memory_space<vmem>>
    %dma_start3A_102 = tpu.memref_slice %arg13[%dma_start3A_95, %mul3A_29] : memref<16x8192xi32, #tpu.memory_space<vmem_shared>> -> memref<1x256xi32, #tpu.memory_space<vmem_shared>>
    %dma_start3A_103 = tpu.memref_squeeze %dma_start3A_102 : memref<1x256xi32, #tpu.memory_space<vmem_shared>> -> memref<256xi32, #tpu.memory_space<vmem_shared>>
    tpu.enqueue_dma source(%dma_start3A_103 : memref<256xi32, #tpu.memory_space<vmem_shared>>) target(%dma_start3A_101 : memref<256xi32, #tpu.memory_space<vmem>>) target_semaphore(%arg12 : memref<!tpu.dma_semaphore, #tpu.memory_space<semaphore_mem>>)
    %dma_start3A_104 = arith.constant 6 : i32
    %dma_start3A_105 = arith.constant 1536 : i32
    %dma_start3A_106 = tpu.memref_slice %arg7[%dma_start3A_105] : memref<8192xi32, #tpu.memory_space<vmem>> -> memref<256xi32, #tpu.memory_space<vmem>>
    %dma_start3A_107 = tpu.memref_slice %arg13[%dma_start3A_104, %mul3A_31] : memref<16x8192xi32, #tpu.memory_space<vmem_shared>> -> memref<1x256xi32, #tpu.memory_space<vmem_shared>>
    %dma_start3A_108 = tpu.memref_squeeze %dma_start3A_107 : memref<1x256xi32, #tpu.memory_space<vmem_shared>> -> memref<256xi32, #tpu.memory_space<vmem_shared>>
    %dma_start3A_109 = arith.constant 1536 : i32
    %dma_start3A_110 = tpu.memref_slice %arg7[%dma_start3A_109] : memref<8192xi32, #tpu.memory_space<vmem>> -> memref<256xi32, #tpu.memory_space<vmem>>
    %dma_start3A_111 = tpu.memref_slice %arg13[%dma_start3A_104, %mul3A_31] : memref<16x8192xi32, #tpu.memory_space<vmem_shared>> -> memref<1x256xi32, #tpu.memory_space<vmem_shared>>
    %dma_start3A_112 = tpu.memref_squeeze %dma_start3A_111 : memref<1x256xi32, #tpu.memory_space<vmem_shared>> -> memref<256xi32, #tpu.memory_space<vmem_shared>>
    tpu.enqueue_dma source(%dma_start3A_112 : memref<256xi32, #tpu.memory_space<vmem_shared>>) target(%dma_start3A_110 : memref<256xi32, #tpu.memory_space<vmem>>) target_semaphore(%arg12 : memref<!tpu.dma_semaphore, #tpu.memory_space<semaphore_mem>>)
    %dma_start3A_113 = arith.constant 7 : i32
    %dma_start3A_114 = arith.constant 1792 : i32
    %dma_start3A_115 = tpu.memref_slice %arg7[%dma_start3A_114] : memref<8192xi32, #tpu.memory_space<vmem>> -> memref<256xi32, #tpu.memory_space<vmem>>
    %dma_start3A_116 = tpu.memref_slice %arg13[%dma_start3A_113, %mul3A_33] : memref<16x8192xi32, #tpu.memory_space<vmem_shared>> -> memref<1x256xi32, #tpu.memory_space<vmem_shared>>
    %dma_start3A_117 = tpu.memref_squeeze %dma_start3A_116 : memref<1x256xi32, #tpu.memory_space<vmem_shared>> -> memref<256xi32, #tpu.memory_space<vmem_shared>>
    %dma_start3A_118 = arith.constant 1792 : i32
    %dma_start3A_119 = tpu.memref_slice %arg7[%dma_start3A_118] : memref<8192xi32, #tpu.memory_space<vmem>> -> memref<256xi32, #tpu.memory_space<vmem>>
    %dma_start3A_120 = tpu.memref_slice %arg13[%dma_start3A_113, %mul3A_33] : memref<16x8192xi32, #tpu.memory_space<vmem_shared>> -> memref<1x256xi32, #tpu.memory_space<vmem_shared>>
    %dma_start3A_121 = tpu.memref_squeeze %dma_start3A_120 : memref<1x256xi32, #tpu.memory_space<vmem_shared>> -> memref<256xi32, #tpu.memory_space<vmem_shared>>
    tpu.enqueue_dma source(%dma_start3A_121 : memref<256xi32, #tpu.memory_space<vmem_shared>>) target(%dma_start3A_119 : memref<256xi32, #tpu.memory_space<vmem>>) target_semaphore(%arg12 : memref<!tpu.dma_semaphore, #tpu.memory_space<semaphore_mem>>)
    %dma_start3A_122 = arith.constant 8 : i32
    %dma_start3A_123 = arith.constant 2048 : i32
    %dma_start3A_124 = tpu.memref_slice %arg7[%dma_start3A_123] : memref<8192xi32, #tpu.memory_space<vmem>> -> memref<256xi32, #tpu.memory_space<vmem>>
    %dma_start3A_125 = tpu.memref_slice %arg13[%dma_start3A_122, %mul3A_35] : memref<16x8192xi32, #tpu.memory_space<vmem_shared>> -> memref<1x256xi32, #tpu.memory_space<vmem_shared>>
    %dma_start3A_126 = tpu.memref_squeeze %dma_start3A_125 : memref<1x256xi32, #tpu.memory_space<vmem_shared>> -> memref<256xi32, #tpu.memory_space<vmem_shared>>
    %dma_start3A_127 = arith.constant 2048 : i32
    %dma_start3A_128 = tpu.memref_slice %arg7[%dma_start3A_127] : memref<8192xi32, #tpu.memory_space<vmem>> -> memref<256xi32, #tpu.memory_space<vmem>>
    %dma_start3A_129 = tpu.memref_slice %arg13[%dma_start3A_122, %mul3A_35] : memref<16x8192xi32, #tpu.memory_space<vmem_shared>> -> memref<1x256xi32, #tpu.memory_space<vmem_shared>>
    %dma_start3A_130 = tpu.memref_squeeze %dma_start3A_129 : memref<1x256xi32, #tpu.memory_space<vmem_shared>> -> memref<256xi32, #tpu.memory_space<vmem_shared>>
    tpu.enqueue_dma source(%dma_start3A_130 : memref<256xi32, #tpu.memory_space<vmem_shared>>) target(%dma_start3A_128 : memref<256xi32, #tpu.memory_space<vmem>>) target_semaphore(%arg12 : memref<!tpu.dma_semaphore, #tpu.memory_space<semaphore_mem>>)
    %dma_start3A_131 = arith.constant 9 : i32
    %dma_start3A_132 = arith.constant 2304 : i32
    %dma_start3A_133 = tpu.memref_slice %arg7[%dma_start3A_132] : memref<8192xi32, #tpu.memory_space<vmem>> -> memref<256xi32, #tpu.memory_space<vmem>>
    %dma_start3A_134 = tpu.memref_slice %arg13[%dma_start3A_131, %mul3A_37] : memref<16x8192xi32, #tpu.memory_space<vmem_shared>> -> memref<1x256xi32, #tpu.memory_space<vmem_shared>>
    %dma_start3A_135 = tpu.memref_squeeze %dma_start3A_134 : memref<1x256xi32, #tpu.memory_space<vmem_shared>> -> memref<256xi32, #tpu.memory_space<vmem_shared>>
    %dma_start3A_136 = arith.constant 2304 : i32
    %dma_start3A_137 = tpu.memref_slice %arg7[%dma_start3A_136] : memref<8192xi32, #tpu.memory_space<vmem>> -> memref<256xi32, #tpu.memory_space<vmem>>
    %dma_start3A_138 = tpu.memref_slice %arg13[%dma_start3A_131, %mul3A_37] : memref<16x8192xi32, #tpu.memory_space<vmem_shared>> -> memref<1x256xi32, #tpu.memory_space<vmem_shared>>
    %dma_start3A_139 = tpu.memref_squeeze %dma_start3A_138 : memref<1x256xi32, #tpu.memory_space<vmem_shared>> -> memref<256xi32, #tpu.memory_space<vmem_shared>>
    tpu.enqueue_dma source(%dma_start3A_139 : memref<256xi32, #tpu.memory_space<vmem_shared>>) target(%dma_start3A_137 : memref<256xi32, #tpu.memory_space<vmem>>) target_semaphore(%arg12 : memref<!tpu.dma_semaphore, #tpu.memory_space<semaphore_mem>>)
    %dma_start3A_140 = arith.constant 10 : i32
    %dma_start3A_141 = arith.constant 2560 : i32
    %dma_start3A_142 = tpu.memref_slice %arg7[%dma_start3A_141] : memref<8192xi32, #tpu.memory_space<vmem>> -> memref<256xi32, #tpu.memory_space<vmem>>
    %dma_start3A_143 = tpu.memref_slice %arg13[%dma_start3A_140, %mul3A_39] : memref<16x8192xi32, #tpu.memory_space<vmem_shared>> -> memref<1x256xi32, #tpu.memory_space<vmem_shared>>
    %dma_start3A_144 = tpu.memref_squeeze %dma_start3A_143 : memref<1x256xi32, #tpu.memory_space<vmem_shared>> -> memref<256xi32, #tpu.memory_space<vmem_shared>>
    %dma_start3A_145 = arith.constant 2560 : i32
    %dma_start3A_146 = tpu.memref_slice %arg7[%dma_start3A_145] : memref<8192xi32, #tpu.memory_space<vmem>> -> memref<256xi32, #tpu.memory_space<vmem>>
    %dma_start3A_147 = tpu.memref_slice %arg13[%dma_start3A_140, %mul3A_39] : memref<16x8192xi32, #tpu.memory_space<vmem_shared>> -> memref<1x256xi32, #tpu.memory_space<vmem_shared>>
    %dma_start3A_148 = tpu.memref_squeeze %dma_start3A_147 : memref<1x256xi32, #tpu.memory_space<vmem_shared>> -> memref<256xi32, #tpu.memory_space<vmem_shared>>
    tpu.enqueue_dma source(%dma_start3A_148 : memref<256xi32, #tpu.memory_space<vmem_shared>>) target(%dma_start3A_146 : memref<256xi32, #tpu.memory_space<vmem>>) target_semaphore(%arg12 : memref<!tpu.dma_semaphore, #tpu.memory_space<semaphore_mem>>)
    %dma_start3A_149 = arith.constant 11 : i32
    %dma_start3A_150 = arith.constant 2816 : i32
    %dma_start3A_151 = tpu.memref_slice %arg7[%dma_start3A_150] : memref<8192xi32, #tpu.memory_space<vmem>> -> memref<256xi32, #tpu.memory_space<vmem>>
    %dma_start3A_152 = tpu.memref_slice %arg13[%dma_start3A_149, %mul3A_41] : memref<16x8192xi32, #tpu.memory_space<vmem_shared>> -> memref<1x256xi32, #tpu.memory_space<vmem_shared>>
    %dma_start3A_153 = tpu.memref_squeeze %dma_start3A_152 : memref<1x256xi32, #tpu.memory_space<vmem_shared>> -> memref<256xi32, #tpu.memory_space<vmem_shared>>
    %dma_start3A_154 = arith.constant 2816 : i32
    %dma_start3A_155 = tpu.memref_slice %arg7[%dma_start3A_154] : memref<8192xi32, #tpu.memory_space<vmem>> -> memref<256xi32, #tpu.memory_space<vmem>>
    %dma_start3A_156 = tpu.memref_slice %arg13[%dma_start3A_149, %mul3A_41] : memref<16x8192xi32, #tpu.memory_space<vmem_shared>> -> memref<1x256xi32, #tpu.memory_space<vmem_shared>>
    %dma_start3A_157 = tpu.memref_squeeze %dma_start3A_156 : memref<1x256xi32, #tpu.memory_space<vmem_shared>> -> memref<256xi32, #tpu.memory_space<vmem_shared>>
    tpu.enqueue_dma source(%dma_start3A_157 : memref<256xi32, #tpu.memory_space<vmem_shared>>) target(%dma_start3A_155 : memref<256xi32, #tpu.memory_space<vmem>>) target_semaphore(%arg12 : memref<!tpu.dma_semaphore, #tpu.memory_space<semaphore_mem>>)
    %dma_start3A_158 = arith.constant 12 : i32
    %dma_start3A_159 = arith.constant 3072 : i32
    %dma_start3A_160 = tpu.memref_slice %arg7[%dma_start3A_159] : memref<8192xi32, #tpu.memory_space<vmem>> -> memref<256xi32, #tpu.memory_space<vmem>>
    %dma_start3A_161 = tpu.memref_slice %arg13[%dma_start3A_158, %mul3A_43] : memref<16x8192xi32, #tpu.memory_space<vmem_shared>> -> memref<1x256xi32, #tpu.memory_space<vmem_shared>>
    %dma_start3A_162 = tpu.memref_squeeze %dma_start3A_161 : memref<1x256xi32, #tpu.memory_space<vmem_shared>> -> memref<256xi32, #tpu.memory_space<vmem_shared>>
    %dma_start3A_163 = arith.constant 3072 : i32
    %dma_start3A_164 = tpu.memref_slice %arg7[%dma_start3A_163] : memref<8192xi32, #tpu.memory_space<vmem>> -> memref<256xi32, #tpu.memory_space<vmem>>
    %dma_start3A_165 = tpu.memref_slice %arg13[%dma_start3A_158, %mul3A_43] : memref<16x8192xi32, #tpu.memory_space<vmem_shared>> -> memref<1x256xi32, #tpu.memory_space<vmem_shared>>
    %dma_start3A_166 = tpu.memref_squeeze %dma_start3A_165 : memref<1x256xi32, #tpu.memory_space<vmem_shared>> -> memref<256xi32, #tpu.memory_space<vmem_shared>>
    tpu.enqueue_dma source(%dma_start3A_166 : memref<256xi32, #tpu.memory_space<vmem_shared>>) target(%dma_start3A_164 : memref<256xi32, #tpu.memory_space<vmem>>) target_semaphore(%arg12 : memref<!tpu.dma_semaphore, #tpu.memory_space<semaphore_mem>>)
    %dma_start3A_167 = arith.constant 13 : i32
    %dma_start3A_168 = arith.constant 3328 : i32
    %dma_start3A_169 = tpu.memref_slice %arg7[%dma_start3A_168] : memref<8192xi32, #tpu.memory_space<vmem>> -> memref<256xi32, #tpu.memory_space<vmem>>
    %dma_start3A_170 = tpu.memref_slice %arg13[%dma_start3A_167, %mul3A_45] : memref<16x8192xi32, #tpu.memory_space<vmem_shared>> -> memref<1x256xi32, #tpu.memory_space<vmem_shared>>
    %dma_start3A_171 = tpu.memref_squeeze %dma_start3A_170 : memref<1x256xi32, #tpu.memory_space<vmem_shared>> -> memref<256xi32, #tpu.memory_space<vmem_shared>>
    %dma_start3A_172 = arith.constant 3328 : i32
    %dma_start3A_173 = tpu.memref_slice %arg7[%dma_start3A_172] : memref<8192xi32, #tpu.memory_space<vmem>> -> memref<256xi32, #tpu.memory_space<vmem>>
    %dma_start3A_174 = tpu.memref_slice %arg13[%dma_start3A_167, %mul3A_45] : memref<16x8192xi32, #tpu.memory_space<vmem_shared>> -> memref<1x256xi32, #tpu.memory_space<vmem_shared>>
    %dma_start3A_175 = tpu.memref_squeeze %dma_start3A_174 : memref<1x256xi32, #tpu.memory_space<vmem_shared>> -> memref<256xi32, #tpu.memory_space<vmem_shared>>
    tpu.enqueue_dma source(%dma_start3A_175 : memref<256xi32, #tpu.memory_space<vmem_shared>>) target(%dma_start3A_173 : memref<256xi32, #tpu.memory_space<vmem>>) target_semaphore(%arg12 : memref<!tpu.dma_semaphore, #tpu.memory_space<semaphore_mem>>)
    %dma_start3A_176 = arith.constant 14 : i32
    %dma_start3A_177 = arith.constant 3584 : i32
    %dma_start3A_178 = tpu.memref_slice %arg7[%dma_start3A_177] : memref<8192xi32, #tpu.memory_space<vmem>> -> memref<256xi32, #tpu.memory_space<vmem>>
    %dma_start3A_179 = tpu.memref_slice %arg13[%dma_start3A_176, %mul3A_47] : memref<16x8192xi32, #tpu.memory_space<vmem_shared>> -> memref<1x256xi32, #tpu.memory_space<vmem_shared>>
    %dma_start3A_180 = tpu.memref_squeeze %dma_start3A_179 : memref<1x256xi32, #tpu.memory_space<vmem_shared>> -> memref<256xi32, #tpu.memory_space<vmem_shared>>
    %dma_start3A_181 = arith.constant 3584 : i32
    %dma_start3A_182 = tpu.memref_slice %arg7[%dma_start3A_181] : memref<8192xi32, #tpu.memory_space<vmem>> -> memref<256xi32, #tpu.memory_space<vmem>>
    %dma_start3A_183 = tpu.memref_slice %arg13[%dma_start3A_176, %mul3A_47] : memref<16x8192xi32, #tpu.memory_space<vmem_shared>> -> memref<1x256xi32, #tpu.memory_space<vmem_shared>>
    %dma_start3A_184 = tpu.memref_squeeze %dma_start3A_183 : memref<1x256xi32, #tpu.memory_space<vmem_shared>> -> memref<256xi32, #tpu.memory_space<vmem_shared>>
    tpu.enqueue_dma source(%dma_start3A_184 : memref<256xi32, #tpu.memory_space<vmem_shared>>) target(%dma_start3A_182 : memref<256xi32, #tpu.memory_space<vmem>>) target_semaphore(%arg12 : memref<!tpu.dma_semaphore, #tpu.memory_space<semaphore_mem>>)
    %dma_start3A_185 = arith.constant 15 : i32
    %dma_start3A_186 = arith.constant 3840 : i32
    %dma_start3A_187 = tpu.memref_slice %arg7[%dma_start3A_186] : memref<8192xi32, #tpu.memory_space<vmem>> -> memref<256xi32, #tpu.memory_space<vmem>>
    %dma_start3A_188 = tpu.memref_slice %arg13[%dma_start3A_185, %mul3A_49] : memref<16x8192xi32, #tpu.memory_space<vmem_shared>> -> memref<1x256xi32, #tpu.memory_space<vmem_shared>>
    %dma_start3A_189 = tpu.memref_squeeze %dma_start3A_188 : memref<1x256xi32, #tpu.memory_space<vmem_shared>> -> memref<256xi32, #tpu.memory_space<vmem_shared>>
    %dma_start3A_190 = arith.constant 3840 : i32
    %dma_start3A_191 = tpu.memref_slice %arg7[%dma_start3A_190] : memref<8192xi32, #tpu.memory_space<vmem>> -> memref<256xi32, #tpu.memory_space<vmem>>
    %dma_start3A_192 = tpu.memref_slice %arg13[%dma_start3A_185, %mul3A_49] : memref<16x8192xi32, #tpu.memory_space<vmem_shared>> -> memref<1x256xi32, #tpu.memory_space<vmem_shared>>
    %dma_start3A_193 = tpu.memref_squeeze %dma_start3A_192 : memref<1x256xi32, #tpu.memory_space<vmem_shared>> -> memref<256xi32, #tpu.memory_space<vmem_shared>>
    tpu.enqueue_dma source(%dma_start3A_193 : memref<256xi32, #tpu.memory_space<vmem_shared>>) target(%dma_start3A_191 : memref<256xi32, #tpu.memory_space<vmem>>) target_semaphore(%arg12 : memref<!tpu.dma_semaphore, #tpu.memory_space<semaphore_mem>>)
    %dma_wait3A = arith.constant 0 : i32
    %dma_wait3A_194 = arith.constant 0 : i32
    %dma_wait3A_195 = tpu.memref_slice %arg7[%dma_wait3A_194] : memref<8192xi32, #tpu.memory_space<vmem>> -> memref<256xi32, #tpu.memory_space<vmem>>
    %dma_wait3A_196 = tpu.memref_slice %arg13[%dma_wait3A, %mul3A_19] : memref<16x8192xi32, #tpu.memory_space<vmem_shared>> -> memref<1x256xi32, #tpu.memory_space<vmem_shared>>
    %dma_wait3A_197 = tpu.memref_squeeze %dma_wait3A_196 : memref<1x256xi32, #tpu.memory_space<vmem_shared>> -> memref<256xi32, #tpu.memory_space<vmem_shared>>
    %dma_wait3A_198 = arith.constant 0 : i32
    %dma_wait3A_199 = tpu.memref_slice %arg7[%dma_wait3A_198] : memref<8192xi32, #tpu.memory_space<vmem>> -> memref<256xi32, #tpu.memory_space<vmem>>
    %dma_wait3A_200 = tpu.memref_slice %arg13[%dma_wait3A, %mul3A_19] : memref<16x8192xi32, #tpu.memory_space<vmem_shared>> -> memref<1x256xi32, #tpu.memory_space<vmem_shared>>
    %dma_wait3A_201 = tpu.memref_squeeze %dma_wait3A_200 : memref<1x256xi32, #tpu.memory_space<vmem_shared>> -> memref<256xi32, #tpu.memory_space<vmem_shared>>
    tpu.wait_dma2 semaphore(%arg12 : memref<!tpu.dma_semaphore, #tpu.memory_space<semaphore_mem>>) src(%dma_wait3A_201 : memref<256xi32, #tpu.memory_space<vmem_shared>>) dst(%dma_wait3A_199 : memref<256xi32, #tpu.memory_space<vmem>>)
    %dma_wait3A_202 = arith.constant 1 : i32
    %dma_wait3A_203 = arith.constant 256 : i32
    %dma_wait3A_204 = tpu.memref_slice %arg7[%dma_wait3A_203] : memref<8192xi32, #tpu.memory_space<vmem>> -> memref<256xi32, #tpu.memory_space<vmem>>
    %dma_wait3A_205 = tpu.memref_slice %arg13[%dma_wait3A_202, %mul3A_21] : memref<16x8192xi32, #tpu.memory_space<vmem_shared>> -> memref<1x256xi32, #tpu.memory_space<vmem_shared>>
    %dma_wait3A_206 = tpu.memref_squeeze %dma_wait3A_205 : memref<1x256xi32, #tpu.memory_space<vmem_shared>> -> memref<256xi32, #tpu.memory_space<vmem_shared>>
    %dma_wait3A_207 = arith.constant 256 : i32
    %dma_wait3A_208 = tpu.memref_slice %arg7[%dma_wait3A_207] : memref<8192xi32, #tpu.memory_space<vmem>> -> memref<256xi32, #tpu.memory_space<vmem>>
    %dma_wait3A_209 = tpu.memref_slice %arg13[%dma_wait3A_202, %mul3A_21] : memref<16x8192xi32, #tpu.memory_space<vmem_shared>> -> memref<1x256xi32, #tpu.memory_space<vmem_shared>>
    %dma_wait3A_210 = tpu.memref_squeeze %dma_wait3A_209 : memref<1x256xi32, #tpu.memory_space<vmem_shared>> -> memref<256xi32, #tpu.memory_space<vmem_shared>>
    tpu.wait_dma2 semaphore(%arg12 : memref<!tpu.dma_semaphore, #tpu.memory_space<semaphore_mem>>) src(%dma_wait3A_210 : memref<256xi32, #tpu.memory_space<vmem_shared>>) dst(%dma_wait3A_208 : memref<256xi32, #tpu.memory_space<vmem>>)
    %dma_wait3A_211 = arith.constant 2 : i32
    %dma_wait3A_212 = arith.constant 512 : i32
    %dma_wait3A_213 = tpu.memref_slice %arg7[%dma_wait3A_212] : memref<8192xi32, #tpu.memory_space<vmem>> -> memref<256xi32, #tpu.memory_space<vmem>>
    %dma_wait3A_214 = tpu.memref_slice %arg13[%dma_wait3A_211, %mul3A_23] : memref<16x8192xi32, #tpu.memory_space<vmem_shared>> -> memref<1x256xi32, #tpu.memory_space<vmem_shared>>
    %dma_wait3A_215 = tpu.memref_squeeze %dma_wait3A_214 : memref<1x256xi32, #tpu.memory_space<vmem_shared>> -> memref<256xi32, #tpu.memory_space<vmem_shared>>
    %dma_wait3A_216 = arith.constant 512 : i32
    %dma_wait3A_217 = tpu.memref_slice %arg7[%dma_wait3A_216] : memref<8192xi32, #tpu.memory_space<vmem>> -> memref<256xi32, #tpu.memory_space<vmem>>
    %dma_wait3A_218 = tpu.memref_slice %arg13[%dma_wait3A_211, %mul3A_23] : memref<16x8192xi32, #tpu.memory_space<vmem_shared>> -> memref<1x256xi32, #tpu.memory_space<vmem_shared>>
    %dma_wait3A_219 = tpu.memref_squeeze %dma_wait3A_218 : memref<1x256xi32, #tpu.memory_space<vmem_shared>> -> memref<256xi32, #tpu.memory_space<vmem_shared>>
    tpu.wait_dma2 semaphore(%arg12 : memref<!tpu.dma_semaphore, #tpu.memory_space<semaphore_mem>>) src(%dma_wait3A_219 : memref<256xi32, #tpu.memory_space<vmem_shared>>) dst(%dma_wait3A_217 : memref<256xi32, #tpu.memory_space<vmem>>)
    %dma_wait3A_220 = arith.constant 3 : i32
    %dma_wait3A_221 = arith.constant 768 : i32
    %dma_wait3A_222 = tpu.memref_slice %arg7[%dma_wait3A_221] : memref<8192xi32, #tpu.memory_space<vmem>> -> memref<256xi32, #tpu.memory_space<vmem>>
    %dma_wait3A_223 = tpu.memref_slice %arg13[%dma_wait3A_220, %mul3A_25] : memref<16x8192xi32, #tpu.memory_space<vmem_shared>> -> memref<1x256xi32, #tpu.memory_space<vmem_shared>>
    %dma_wait3A_224 = tpu.memref_squeeze %dma_wait3A_223 : memref<1x256xi32, #tpu.memory_space<vmem_shared>> -> memref<256xi32, #tpu.memory_space<vmem_shared>>
    %dma_wait3A_225 = arith.constant 768 : i32
    %dma_wait3A_226 = tpu.memref_slice %arg7[%dma_wait3A_225] : memref<8192xi32, #tpu.memory_space<vmem>> -> memref<256xi32, #tpu.memory_space<vmem>>
    %dma_wait3A_227 = tpu.memref_slice %arg13[%dma_wait3A_220, %mul3A_25] : memref<16x8192xi32, #tpu.memory_space<vmem_shared>> -> memref<1x256xi32, #tpu.memory_space<vmem_shared>>
    %dma_wait3A_228 = tpu.memref_squeeze %dma_wait3A_227 : memref<1x256xi32, #tpu.memory_space<vmem_shared>> -> memref<256xi32, #tpu.memory_space<vmem_shared>>
    tpu.wait_dma2 semaphore(%arg12 : memref<!tpu.dma_semaphore, #tpu.memory_space<semaphore_mem>>) src(%dma_wait3A_228 : memref<256xi32, #tpu.memory_space<vmem_shared>>) dst(%dma_wait3A_226 : memref<256xi32, #tpu.memory_space<vmem>>)
    %dma_wait3A_229 = arith.constant 4 : i32
    %dma_wait3A_230 = arith.constant 1024 : i32
    %dma_wait3A_231 = tpu.memref_slice %arg7[%dma_wait3A_230] : memref<8192xi32, #tpu.memory_space<vmem>> -> memref<256xi32, #tpu.memory_space<vmem>>
    %dma_wait3A_232 = tpu.memref_slice %arg13[%dma_wait3A_229, %mul3A_27] : memref<16x8192xi32, #tpu.memory_space<vmem_shared>> -> memref<1x256xi32, #tpu.memory_space<vmem_shared>>
    %dma_wait3A_233 = tpu.memref_squeeze %dma_wait3A_232 : memref<1x256xi32, #tpu.memory_space<vmem_shared>> -> memref<256xi32, #tpu.memory_space<vmem_shared>>
    %dma_wait3A_234 = arith.constant 1024 : i32
    %dma_wait3A_235 = tpu.memref_slice %arg7[%dma_wait3A_234] : memref<8192xi32, #tpu.memory_space<vmem>> -> memref<256xi32, #tpu.memory_space<vmem>>
    %dma_wait3A_236 = tpu.memref_slice %arg13[%dma_wait3A_229, %mul3A_27] : memref<16x8192xi32, #tpu.memory_space<vmem_shared>> -> memref<1x256xi32, #tpu.memory_space<vmem_shared>>
    %dma_wait3A_237 = tpu.memref_squeeze %dma_wait3A_236 : memref<1x256xi32, #tpu.memory_space<vmem_shared>> -> memref<256xi32, #tpu.memory_space<vmem_shared>>
    tpu.wait_dma2 semaphore(%arg12 : memref<!tpu.dma_semaphore, #tpu.memory_space<semaphore_mem>>) src(%dma_wait3A_237 : memref<256xi32, #tpu.memory_space<vmem_shared>>) dst(%dma_wait3A_235 : memref<256xi32, #tpu.memory_space<vmem>>)
    %dma_wait3A_238 = arith.constant 5 : i32
    %dma_wait3A_239 = arith.constant 1280 : i32
    %dma_wait3A_240 = tpu.memref_slice %arg7[%dma_wait3A_239] : memref<8192xi32, #tpu.memory_space<vmem>> -> memref<256xi32, #tpu.memory_space<vmem>>
    %dma_wait3A_241 = tpu.memref_slice %arg13[%dma_wait3A_238, %mul3A_29] : memref<16x8192xi32, #tpu.memory_space<vmem_shared>> -> memref<1x256xi32, #tpu.memory_space<vmem_shared>>
    %dma_wait3A_242 = tpu.memref_squeeze %dma_wait3A_241 : memref<1x256xi32, #tpu.memory_space<vmem_shared>> -> memref<256xi32, #tpu.memory_space<vmem_shared>>
    %dma_wait3A_243 = arith.constant 1280 : i32
    %dma_wait3A_244 = tpu.memref_slice %arg7[%dma_wait3A_243] : memref<8192xi32, #tpu.memory_space<vmem>> -> memref<256xi32, #tpu.memory_space<vmem>>
    %dma_wait3A_245 = tpu.memref_slice %arg13[%dma_wait3A_238, %mul3A_29] : memref<16x8192xi32, #tpu.memory_space<vmem_shared>> -> memref<1x256xi32, #tpu.memory_space<vmem_shared>>
    %dma_wait3A_246 = tpu.memref_squeeze %dma_wait3A_245 : memref<1x256xi32, #tpu.memory_space<vmem_shared>> -> memref<256xi32, #tpu.memory_space<vmem_shared>>
    tpu.wait_dma2 semaphore(%arg12 : memref<!tpu.dma_semaphore, #tpu.memory_space<semaphore_mem>>) src(%dma_wait3A_246 : memref<256xi32, #tpu.memory_space<vmem_shared>>) dst(%dma_wait3A_244 : memref<256xi32, #tpu.memory_space<vmem>>)
    %dma_wait3A_247 = arith.constant 6 : i32
    %dma_wait3A_248 = arith.constant 1536 : i32
    %dma_wait3A_249 = tpu.memref_slice %arg7[%dma_wait3A_248] : memref<8192xi32, #tpu.memory_space<vmem>> -> memref<256xi32, #tpu.memory_space<vmem>>
    %dma_wait3A_250 = tpu.memref_slice %arg13[%dma_wait3A_247, %mul3A_31] : memref<16x8192xi32, #tpu.memory_space<vmem_shared>> -> memref<1x256xi32, #tpu.memory_space<vmem_shared>>
    %dma_wait3A_251 = tpu.memref_squeeze %dma_wait3A_250 : memref<1x256xi32, #tpu.memory_space<vmem_shared>> -> memref<256xi32, #tpu.memory_space<vmem_shared>>
    %dma_wait3A_252 = arith.constant 1536 : i32
    %dma_wait3A_253 = tpu.memref_slice %arg7[%dma_wait3A_252] : memref<8192xi32, #tpu.memory_space<vmem>> -> memref<256xi32, #tpu.memory_space<vmem>>
    %dma_wait3A_254 = tpu.memref_slice %arg13[%dma_wait3A_247, %mul3A_31] : memref<16x8192xi32, #tpu.memory_space<vmem_shared>> -> memref<1x256xi32, #tpu.memory_space<vmem_shared>>
    %dma_wait3A_255 = tpu.memref_squeeze %dma_wait3A_254 : memref<1x256xi32, #tpu.memory_space<vmem_shared>> -> memref<256xi32, #tpu.memory_space<vmem_shared>>
    tpu.wait_dma2 semaphore(%arg12 : memref<!tpu.dma_semaphore, #tpu.memory_space<semaphore_mem>>) src(%dma_wait3A_255 : memref<256xi32, #tpu.memory_space<vmem_shared>>) dst(%dma_wait3A_253 : memref<256xi32, #tpu.memory_space<vmem>>)
    %dma_wait3A_256 = arith.constant 7 : i32
    %dma_wait3A_257 = arith.constant 1792 : i32
    %dma_wait3A_258 = tpu.memref_slice %arg7[%dma_wait3A_257] : memref<8192xi32, #tpu.memory_space<vmem>> -> memref<256xi32, #tpu.memory_space<vmem>>
    %dma_wait3A_259 = tpu.memref_slice %arg13[%dma_wait3A_256, %mul3A_33] : memref<16x8192xi32, #tpu.memory_space<vmem_shared>> -> memref<1x256xi32, #tpu.memory_space<vmem_shared>>
    %dma_wait3A_260 = tpu.memref_squeeze %dma_wait3A_259 : memref<1x256xi32, #tpu.memory_space<vmem_shared>> -> memref<256xi32, #tpu.memory_space<vmem_shared>>
    %dma_wait3A_261 = arith.constant 1792 : i32
    %dma_wait3A_262 = tpu.memref_slice %arg7[%dma_wait3A_261] : memref<8192xi32, #tpu.memory_space<vmem>> -> memref<256xi32, #tpu.memory_space<vmem>>
    %dma_wait3A_263 = tpu.memref_slice %arg13[%dma_wait3A_256, %mul3A_33] : memref<16x8192xi32, #tpu.memory_space<vmem_shared>> -> memref<1x256xi32, #tpu.memory_space<vmem_shared>>
    %dma_wait3A_264 = tpu.memref_squeeze %dma_wait3A_263 : memref<1x256xi32, #tpu.memory_space<vmem_shared>> -> memref<256xi32, #tpu.memory_space<vmem_shared>>
    tpu.wait_dma2 semaphore(%arg12 : memref<!tpu.dma_semaphore, #tpu.memory_space<semaphore_mem>>) src(%dma_wait3A_264 : memref<256xi32, #tpu.memory_space<vmem_shared>>) dst(%dma_wait3A_262 : memref<256xi32, #tpu.memory_space<vmem>>)
    %dma_wait3A_265 = arith.constant 8 : i32
    %dma_wait3A_266 = arith.constant 2048 : i32
    %dma_wait3A_267 = tpu.memref_slice %arg7[%dma_wait3A_266] : memref<8192xi32, #tpu.memory_space<vmem>> -> memref<256xi32, #tpu.memory_space<vmem>>
    %dma_wait3A_268 = tpu.memref_slice %arg13[%dma_wait3A_265, %mul3A_35] : memref<16x8192xi32, #tpu.memory_space<vmem_shared>> -> memref<1x256xi32, #tpu.memory_space<vmem_shared>>
    %dma_wait3A_269 = tpu.memref_squeeze %dma_wait3A_268 : memref<1x256xi32, #tpu.memory_space<vmem_shared>> -> memref<256xi32, #tpu.memory_space<vmem_shared>>
    %dma_wait3A_270 = arith.constant 2048 : i32
    %dma_wait3A_271 = tpu.memref_slice %arg7[%dma_wait3A_270] : memref<8192xi32, #tpu.memory_space<vmem>> -> memref<256xi32, #tpu.memory_space<vmem>>
    %dma_wait3A_272 = tpu.memref_slice %arg13[%dma_wait3A_265, %mul3A_35] : memref<16x8192xi32, #tpu.memory_space<vmem_shared>> -> memref<1x256xi32, #tpu.memory_space<vmem_shared>>
    %dma_wait3A_273 = tpu.memref_squeeze %dma_wait3A_272 : memref<1x256xi32, #tpu.memory_space<vmem_shared>> -> memref<256xi32, #tpu.memory_space<vmem_shared>>
    tpu.wait_dma2 semaphore(%arg12 : memref<!tpu.dma_semaphore, #tpu.memory_space<semaphore_mem>>) src(%dma_wait3A_273 : memref<256xi32, #tpu.memory_space<vmem_shared>>) dst(%dma_wait3A_271 : memref<256xi32, #tpu.memory_space<vmem>>)
    %dma_wait3A_274 = arith.constant 9 : i32
    %dma_wait3A_275 = arith.constant 2304 : i32
    %dma_wait3A_276 = tpu.memref_slice %arg7[%dma_wait3A_275] : memref<8192xi32, #tpu.memory_space<vmem>> -> memref<256xi32, #tpu.memory_space<vmem>>
    %dma_wait3A_277 = tpu.memref_slice %arg13[%dma_wait3A_274, %mul3A_37] : memref<16x8192xi32, #tpu.memory_space<vmem_shared>> -> memref<1x256xi32, #tpu.memory_space<vmem_shared>>
    %dma_wait3A_278 = tpu.memref_squeeze %dma_wait3A_277 : memref<1x256xi32, #tpu.memory_space<vmem_shared>> -> memref<256xi32, #tpu.memory_space<vmem_shared>>
    %dma_wait3A_279 = arith.constant 2304 : i32
    %dma_wait3A_280 = tpu.memref_slice %arg7[%dma_wait3A_279] : memref<8192xi32, #tpu.memory_space<vmem>> -> memref<256xi32, #tpu.memory_space<vmem>>
    %dma_wait3A_281 = tpu.memref_slice %arg13[%dma_wait3A_274, %mul3A_37] : memref<16x8192xi32, #tpu.memory_space<vmem_shared>> -> memref<1x256xi32, #tpu.memory_space<vmem_shared>>
    %dma_wait3A_282 = tpu.memref_squeeze %dma_wait3A_281 : memref<1x256xi32, #tpu.memory_space<vmem_shared>> -> memref<256xi32, #tpu.memory_space<vmem_shared>>
    tpu.wait_dma2 semaphore(%arg12 : memref<!tpu.dma_semaphore, #tpu.memory_space<semaphore_mem>>) src(%dma_wait3A_282 : memref<256xi32, #tpu.memory_space<vmem_shared>>) dst(%dma_wait3A_280 : memref<256xi32, #tpu.memory_space<vmem>>)
    %dma_wait3A_283 = arith.constant 10 : i32
    %dma_wait3A_284 = arith.constant 2560 : i32
    %dma_wait3A_285 = tpu.memref_slice %arg7[%dma_wait3A_284] : memref<8192xi32, #tpu.memory_space<vmem>> -> memref<256xi32, #tpu.memory_space<vmem>>
    %dma_wait3A_286 = tpu.memref_slice %arg13[%dma_wait3A_283, %mul3A_39] : memref<16x8192xi32, #tpu.memory_space<vmem_shared>> -> memref<1x256xi32, #tpu.memory_space<vmem_shared>>
    %dma_wait3A_287 = tpu.memref_squeeze %dma_wait3A_286 : memref<1x256xi32, #tpu.memory_space<vmem_shared>> -> memref<256xi32, #tpu.memory_space<vmem_shared>>
    %dma_wait3A_288 = arith.constant 2560 : i32
    %dma_wait3A_289 = tpu.memref_slice %arg7[%dma_wait3A_288] : memref<8192xi32, #tpu.memory_space<vmem>> -> memref<256xi32, #tpu.memory_space<vmem>>
    %dma_wait3A_290 = tpu.memref_slice %arg13[%dma_wait3A_283, %mul3A_39] : memref<16x8192xi32, #tpu.memory_space<vmem_shared>> -> memref<1x256xi32, #tpu.memory_space<vmem_shared>>
    %dma_wait3A_291 = tpu.memref_squeeze %dma_wait3A_290 : memref<1x256xi32, #tpu.memory_space<vmem_shared>> -> memref<256xi32, #tpu.memory_space<vmem_shared>>
    tpu.wait_dma2 semaphore(%arg12 : memref<!tpu.dma_semaphore, #tpu.memory_space<semaphore_mem>>) src(%dma_wait3A_291 : memref<256xi32, #tpu.memory_space<vmem_shared>>) dst(%dma_wait3A_289 : memref<256xi32, #tpu.memory_space<vmem>>)
    %dma_wait3A_292 = arith.constant 11 : i32
    %dma_wait3A_293 = arith.constant 2816 : i32
    %dma_wait3A_294 = tpu.memref_slice %arg7[%dma_wait3A_293] : memref<8192xi32, #tpu.memory_space<vmem>> -> memref<256xi32, #tpu.memory_space<vmem>>
    %dma_wait3A_295 = tpu.memref_slice %arg13[%dma_wait3A_292, %mul3A_41] : memref<16x8192xi32, #tpu.memory_space<vmem_shared>> -> memref<1x256xi32, #tpu.memory_space<vmem_shared>>
    %dma_wait3A_296 = tpu.memref_squeeze %dma_wait3A_295 : memref<1x256xi32, #tpu.memory_space<vmem_shared>> -> memref<256xi32, #tpu.memory_space<vmem_shared>>
    %dma_wait3A_297 = arith.constant 2816 : i32
    %dma_wait3A_298 = tpu.memref_slice %arg7[%dma_wait3A_297] : memref<8192xi32, #tpu.memory_space<vmem>> -> memref<256xi32, #tpu.memory_space<vmem>>
    %dma_wait3A_299 = tpu.memref_slice %arg13[%dma_wait3A_292, %mul3A_41] : memref<16x8192xi32, #tpu.memory_space<vmem_shared>> -> memref<1x256xi32, #tpu.memory_space<vmem_shared>>
    %dma_wait3A_300 = tpu.memref_squeeze %dma_wait3A_299 : memref<1x256xi32, #tpu.memory_space<vmem_shared>> -> memref<256xi32, #tpu.memory_space<vmem_shared>>
    tpu.wait_dma2 semaphore(%arg12 : memref<!tpu.dma_semaphore, #tpu.memory_space<semaphore_mem>>) src(%dma_wait3A_300 : memref<256xi32, #tpu.memory_space<vmem_shared>>) dst(%dma_wait3A_298 : memref<256xi32, #tpu.memory_space<vmem>>)
    %dma_wait3A_301 = arith.constant 12 : i32
    %dma_wait3A_302 = arith.constant 3072 : i32
    %dma_wait3A_303 = tpu.memref_slice %arg7[%dma_wait3A_302] : memref<8192xi32, #tpu.memory_space<vmem>> -> memref<256xi32, #tpu.memory_space<vmem>>
    %dma_wait3A_304 = tpu.memref_slice %arg13[%dma_wait3A_301, %mul3A_43] : memref<16x8192xi32, #tpu.memory_space<vmem_shared>> -> memref<1x256xi32, #tpu.memory_space<vmem_shared>>
    %dma_wait3A_305 = tpu.memref_squeeze %dma_wait3A_304 : memref<1x256xi32, #tpu.memory_space<vmem_shared>> -> memref<256xi32, #tpu.memory_space<vmem_shared>>
    %dma_wait3A_306 = arith.constant 3072 : i32
    %dma_wait3A_307 = tpu.memref_slice %arg7[%dma_wait3A_306] : memref<8192xi32, #tpu.memory_space<vmem>> -> memref<256xi32, #tpu.memory_space<vmem>>
    %dma_wait3A_308 = tpu.memref_slice %arg13[%dma_wait3A_301, %mul3A_43] : memref<16x8192xi32, #tpu.memory_space<vmem_shared>> -> memref<1x256xi32, #tpu.memory_space<vmem_shared>>
    %dma_wait3A_309 = tpu.memref_squeeze %dma_wait3A_308 : memref<1x256xi32, #tpu.memory_space<vmem_shared>> -> memref<256xi32, #tpu.memory_space<vmem_shared>>
    tpu.wait_dma2 semaphore(%arg12 : memref<!tpu.dma_semaphore, #tpu.memory_space<semaphore_mem>>) src(%dma_wait3A_309 : memref<256xi32, #tpu.memory_space<vmem_shared>>) dst(%dma_wait3A_307 : memref<256xi32, #tpu.memory_space<vmem>>)
    %dma_wait3A_310 = arith.constant 13 : i32
    %dma_wait3A_311 = arith.constant 3328 : i32
    %dma_wait3A_312 = tpu.memref_slice %arg7[%dma_wait3A_311] : memref<8192xi32, #tpu.memory_space<vmem>> -> memref<256xi32, #tpu.memory_space<vmem>>
    %dma_wait3A_313 = tpu.memref_slice %arg13[%dma_wait3A_310, %mul3A_45] : memref<16x8192xi32, #tpu.memory_space<vmem_shared>> -> memref<1x256xi32, #tpu.memory_space<vmem_shared>>
    %dma_wait3A_314 = tpu.memref_squeeze %dma_wait3A_313 : memref<1x256xi32, #tpu.memory_space<vmem_shared>> -> memref<256xi32, #tpu.memory_space<vmem_shared>>
    %dma_wait3A_315 = arith.constant 3328 : i32
    %dma_wait3A_316 = tpu.memref_slice %arg7[%dma_wait3A_315] : memref<8192xi32, #tpu.memory_space<vmem>> -> memref<256xi32, #tpu.memory_space<vmem>>
    %dma_wait3A_317 = tpu.memref_slice %arg13[%dma_wait3A_310, %mul3A_45] : memref<16x8192xi32, #tpu.memory_space<vmem_shared>> -> memref<1x256xi32, #tpu.memory_space<vmem_shared>>
    %dma_wait3A_318 = tpu.memref_squeeze %dma_wait3A_317 : memref<1x256xi32, #tpu.memory_space<vmem_shared>> -> memref<256xi32, #tpu.memory_space<vmem_shared>>
    tpu.wait_dma2 semaphore(%arg12 : memref<!tpu.dma_semaphore, #tpu.memory_space<semaphore_mem>>) src(%dma_wait3A_318 : memref<256xi32, #tpu.memory_space<vmem_shared>>) dst(%dma_wait3A_316 : memref<256xi32, #tpu.memory_space<vmem>>)
    %dma_wait3A_319 = arith.constant 14 : i32
    %dma_wait3A_320 = arith.constant 3584 : i32
    %dma_wait3A_321 = tpu.memref_slice %arg7[%dma_wait3A_320] : memref<8192xi32, #tpu.memory_space<vmem>> -> memref<256xi32, #tpu.memory_space<vmem>>
    %dma_wait3A_322 = tpu.memref_slice %arg13[%dma_wait3A_319, %mul3A_47] : memref<16x8192xi32, #tpu.memory_space<vmem_shared>> -> memref<1x256xi32, #tpu.memory_space<vmem_shared>>
    %dma_wait3A_323 = tpu.memref_squeeze %dma_wait3A_322 : memref<1x256xi32, #tpu.memory_space<vmem_shared>> -> memref<256xi32, #tpu.memory_space<vmem_shared>>
    %dma_wait3A_324 = arith.constant 3584 : i32
    %dma_wait3A_325 = tpu.memref_slice %arg7[%dma_wait3A_324] : memref<8192xi32, #tpu.memory_space<vmem>> -> memref<256xi32, #tpu.memory_space<vmem>>
    %dma_wait3A_326 = tpu.memref_slice %arg13[%dma_wait3A_319, %mul3A_47] : memref<16x8192xi32, #tpu.memory_space<vmem_shared>> -> memref<1x256xi32, #tpu.memory_space<vmem_shared>>
    %dma_wait3A_327 = tpu.memref_squeeze %dma_wait3A_326 : memref<1x256xi32, #tpu.memory_space<vmem_shared>> -> memref<256xi32, #tpu.memory_space<vmem_shared>>
    tpu.wait_dma2 semaphore(%arg12 : memref<!tpu.dma_semaphore, #tpu.memory_space<semaphore_mem>>) src(%dma_wait3A_327 : memref<256xi32, #tpu.memory_space<vmem_shared>>) dst(%dma_wait3A_325 : memref<256xi32, #tpu.memory_space<vmem>>)
    %dma_wait3A_328 = arith.constant 15 : i32
    %dma_wait3A_329 = arith.constant 3840 : i32
    %dma_wait3A_330 = tpu.memref_slice %arg7[%dma_wait3A_329] : memref<8192xi32, #tpu.memory_space<vmem>> -> memref<256xi32, #tpu.memory_space<vmem>>
    %dma_wait3A_331 = tpu.memref_slice %arg13[%dma_wait3A_328, %mul3A_49] : memref<16x8192xi32, #tpu.memory_space<vmem_shared>> -> memref<1x256xi32, #tpu.memory_space<vmem_shared>>
    %dma_wait3A_332 = tpu.memref_squeeze %dma_wait3A_331 : memref<1x256xi32, #tpu.memory_space<vmem_shared>> -> memref<256xi32, #tpu.memory_space<vmem_shared>>
    %dma_wait3A_333 = arith.constant 3840 : i32
    %dma_wait3A_334 = tpu.memref_slice %arg7[%dma_wait3A_333] : memref<8192xi32, #tpu.memory_space<vmem>> -> memref<256xi32, #tpu.memory_space<vmem>>
    %dma_wait3A_335 = tpu.memref_slice %arg13[%dma_wait3A_328, %mul3A_49] : memref<16x8192xi32, #tpu.memory_space<vmem_shared>> -> memref<1x256xi32, #tpu.memory_space<vmem_shared>>
    %dma_wait3A_336 = tpu.memref_squeeze %dma_wait3A_335 : memref<1x256xi32, #tpu.memory_space<vmem_shared>> -> memref<256xi32, #tpu.memory_space<vmem_shared>>
    tpu.wait_dma2 semaphore(%arg12 : memref<!tpu.dma_semaphore, #tpu.memory_space<semaphore_mem>>) src(%dma_wait3A_336 : memref<256xi32, #tpu.memory_space<vmem_shared>>) dst(%dma_wait3A_334 : memref<256xi32, #tpu.memory_space<vmem>>)
    %parallel_loop3A_337 = arith.constant 0 : i32
    %parallel_loop3A_338 = arith.constant 16 : i32
    %parallel_loop3A_339 = arith.constant 1 : i32
    scf.for %parallel_loop3A_1159 = %parallel_loop3A_337 to %parallel_loop3A_338 step %parallel_loop3A_339  : i32 {
      %parallel_loop3A_1160 = arith.constant 16 : i32
      %parallel_loop3A_1161 = arith.muli %parallel_loop3A_1159, %parallel_loop3A_1160 : i32
      %parallel_loop3A_1162 = arith.constant 0 : i32
      %parallel_loop3A_1163 = arith.addi %parallel_loop3A_1162, %parallel_loop3A_1161 : i32
      %parallel_loop3A_1164 = arith.index_cast %parallel_loop3A_1163 : i32 to index
      %parallel_loop3A_1165 = tpu.vector_load %arg7[%parallel_loop3A_1164] {strides = array<i32>} : memref<8192xi32, #tpu.memory_space<vmem>>, vector<16xi32>,
      %parallel_loop3A_1166 = arith.addi %broadcast_in_dim3A_0, %parallel_loop3A_1165 : vector<16xi32>
      %parallel_loop3A_1167 = arith.constant 16 : i32
      %parallel_loop3A_1168 = arith.muli %parallel_loop3A_1159, %parallel_loop3A_1167 : i32
      %parallel_loop3A_1169 = arith.constant 256 : i32
      %parallel_loop3A_1170 = arith.addi %parallel_loop3A_1169, %parallel_loop3A_1168 : i32
      %parallel_loop3A_1171 = arith.index_cast %parallel_loop3A_1170 : i32 to index
      %parallel_loop3A_1172 = tpu.vector_load %arg7[%parallel_loop3A_1171] {strides = array<i32>} : memref<8192xi32, #tpu.memory_space<vmem>>, vector<16xi32>,
      %parallel_loop3A_1173 = arith.addi %parallel_loop3A_1166, %parallel_loop3A_1172 : vector<16xi32>
      %parallel_loop3A_1174 = arith.constant 16 : i32
      %parallel_loop3A_1175 = arith.muli %parallel_loop3A_1159, %parallel_loop3A_1174 : i32
      %parallel_loop3A_1176 = arith.constant 512 : i32
      %parallel_loop3A_1177 = arith.addi %parallel_loop3A_1176, %parallel_loop3A_1175 : i32
      %parallel_loop3A_1178 = arith.index_cast %parallel_loop3A_1177 : i32 to index
      %parallel_loop3A_1179 = tpu.vector_load %arg7[%parallel_loop3A_1178] {strides = array<i32>} : memref<8192xi32, #tpu.memory_space<vmem>>, vector<16xi32>,
      %parallel_loop3A_1180 = arith.addi %parallel_loop3A_1173, %parallel_loop3A_1179 : vector<16xi32>
      %parallel_loop3A_1181 = arith.constant 16 : i32
      %parallel_loop3A_1182 = arith.muli %parallel_loop3A_1159, %parallel_loop3A_1181 : i32
      %parallel_loop3A_1183 = arith.constant 768 : i32
      %parallel_loop3A_1184 = arith.addi %parallel_loop3A_1183, %parallel_loop3A_1182 : i32
      %parallel_loop3A_1185 = arith.index_cast %parallel_loop3A_1184 : i32 to index
      %parallel_loop3A_1186 = tpu.vector_load %arg7[%parallel_loop3A_1185] {strides = array<i32>} : memref<8192xi32, #tpu.memory_space<vmem>>, vector<16xi32>,
      %parallel_loop3A_1187 = arith.addi %parallel_loop3A_1180, %parallel_loop3A_1186 : vector<16xi32>
      %parallel_loop3A_1188 = arith.constant 16 : i32
      %parallel_loop3A_1189 = arith.muli %parallel_loop3A_1159, %parallel_loop3A_1188 : i32
      %parallel_loop3A_1190 = arith.constant 1024 : i32
      %parallel_loop3A_1191 = arith.addi %parallel_loop3A_1190, %parallel_loop3A_1189 : i32
      %parallel_loop3A_1192 = arith.index_cast %parallel_loop3A_1191 : i32 to index
      %parallel_loop3A_1193 = tpu.vector_load %arg7[%parallel_loop3A_1192] {strides = array<i32>} : memref<8192xi32, #tpu.memory_space<vmem>>, vector<16xi32>,
      %parallel_loop3A_1194 = arith.addi %parallel_loop3A_1187, %parallel_loop3A_1193 : vector<16xi32>
      %parallel_loop3A_1195 = arith.constant 16 : i32
      %parallel_loop3A_1196 = arith.muli %parallel_loop3A_1159, %parallel_loop3A_1195 : i32
      %parallel_loop3A_1197 = arith.constant 1280 : i32
      %parallel_loop3A_1198 = arith.addi %parallel_loop3A_1197, %parallel_loop3A_1196 : i32
      %parallel_loop3A_1199 = arith.index_cast %parallel_loop3A_1198 : i32 to index
      %parallel_loop3A_1200 = tpu.vector_load %arg7[%parallel_loop3A_1199] {strides = array<i32>} : memref<8192xi32, #tpu.memory_space<vmem>>, vector<16xi32>,
      %parallel_loop3A_1201 = arith.addi %parallel_loop3A_1194, %parallel_loop3A_1200 : vector<16xi32>
      %parallel_loop3A_1202 = arith.constant 16 : i32
      %parallel_loop3A_1203 = arith.muli %parallel_loop3A_1159, %parallel_loop3A_1202 : i32
      %parallel_loop3A_1204 = arith.constant 1536 : i32
      %parallel_loop3A_1205 = arith.addi %parallel_loop3A_1204, %parallel_loop3A_1203 : i32
      %parallel_loop3A_1206 = arith.index_cast %parallel_loop3A_1205 : i32 to index
      %parallel_loop3A_1207 = tpu.vector_load %arg7[%parallel_loop3A_1206] {strides = array<i32>} : memref<8192xi32, #tpu.memory_space<vmem>>, vector<16xi32>,
      %parallel_loop3A_1208 = arith.addi %parallel_loop3A_1201, %parallel_loop3A_1207 : vector<16xi32>
      %parallel_loop3A_1209 = arith.constant 16 : i32
      %parallel_loop3A_1210 = arith.muli %parallel_loop3A_1159, %parallel_loop3A_1209 : i32
      %parallel_loop3A_1211 = arith.constant 1792 : i32
      %parallel_loop3A_1212 = arith.addi %parallel_loop3A_1211, %parallel_loop3A_1210 : i32
      %parallel_loop3A_1213 = arith.index_cast %parallel_loop3A_1212 : i32 to index
      %parallel_loop3A_1214 = tpu.vector_load %arg7[%parallel_loop3A_1213] {strides = array<i32>} : memref<8192xi32, #tpu.memory_space<vmem>>, vector<16xi32>,
      %parallel_loop3A_1215 = arith.addi %parallel_loop3A_1208, %parallel_loop3A_1214 : vector<16xi32>
      %parallel_loop3A_1216 = arith.constant 16 : i32
      %parallel_loop3A_1217 = arith.muli %parallel_loop3A_1159, %parallel_loop3A_1216 : i32
      %parallel_loop3A_1218 = arith.constant 2048 : i32
      %parallel_loop3A_1219 = arith.addi %parallel_loop3A_1218, %parallel_loop3A_1217 : i32
      %parallel_loop3A_1220 = arith.index_cast %parallel_loop3A_1219 : i32 to index
      %parallel_loop3A_1221 = tpu.vector_load %arg7[%parallel_loop3A_1220] {strides = array<i32>} : memref<8192xi32, #tpu.memory_space<vmem>>, vector<16xi32>,
      %parallel_loop3A_1222 = arith.addi %parallel_loop3A_1215, %parallel_loop3A_1221 : vector<16xi32>
      %parallel_loop3A_1223 = arith.constant 16 : i32
      %parallel_loop3A_1224 = arith.muli %parallel_loop3A_1159, %parallel_loop3A_1223 : i32
      %parallel_loop3A_1225 = arith.constant 2304 : i32
      %parallel_loop3A_1226 = arith.addi %parallel_loop3A_1225, %parallel_loop3A_1224 : i32
      %parallel_loop3A_1227 = arith.index_cast %parallel_loop3A_1226 : i32 to index
      %parallel_loop3A_1228 = tpu.vector_load %arg7[%parallel_loop3A_1227] {strides = array<i32>} : memref<8192xi32, #tpu.memory_space<vmem>>, vector<16xi32>,
      %parallel_loop3A_1229 = arith.addi %parallel_loop3A_1222, %parallel_loop3A_1228 : vector<16xi32>
      %parallel_loop3A_1230 = arith.constant 16 : i32
      %parallel_loop3A_1231 = arith.muli %parallel_loop3A_1159, %parallel_loop3A_1230 : i32
      %parallel_loop3A_1232 = arith.constant 2560 : i32
      %parallel_loop3A_1233 = arith.addi %parallel_loop3A_1232, %parallel_loop3A_1231 : i32
      %parallel_loop3A_1234 = arith.index_cast %parallel_loop3A_1233 : i32 to index
      %parallel_loop3A_1235 = tpu.vector_load %arg7[%parallel_loop3A_1234] {strides = array<i32>} : memref<8192xi32, #tpu.memory_space<vmem>>, vector<16xi32>,
      %parallel_loop3A_1236 = arith.addi %parallel_loop3A_1229, %parallel_loop3A_1235 : vector<16xi32>
      %parallel_loop3A_1237 = arith.constant 16 : i32
      %parallel_loop3A_1238 = arith.muli %parallel_loop3A_1159, %parallel_loop3A_1237 : i32
      %parallel_loop3A_1239 = arith.constant 2816 : i32
      %parallel_loop3A_1240 = arith.addi %parallel_loop3A_1239, %parallel_loop3A_1238 : i32
      %parallel_loop3A_1241 = arith.index_cast %parallel_loop3A_1240 : i32 to index
      %parallel_loop3A_1242 = tpu.vector_load %arg7[%parallel_loop3A_1241] {strides = array<i32>} : memref<8192xi32, #tpu.memory_space<vmem>>, vector<16xi32>,
      %parallel_loop3A_1243 = arith.addi %parallel_loop3A_1236, %parallel_loop3A_1242 : vector<16xi32>
      %parallel_loop3A_1244 = arith.constant 16 : i32
      %parallel_loop3A_1245 = arith.muli %parallel_loop3A_1159, %parallel_loop3A_1244 : i32
      %parallel_loop3A_1246 = arith.constant 3072 : i32
      %parallel_loop3A_1247 = arith.addi %parallel_loop3A_1246, %parallel_loop3A_1245 : i32
      %parallel_loop3A_1248 = arith.index_cast %parallel_loop3A_1247 : i32 to index
      %parallel_loop3A_1249 = tpu.vector_load %arg7[%parallel_loop3A_1248] {strides = array<i32>} : memref<8192xi32, #tpu.memory_space<vmem>>, vector<16xi32>,
      %parallel_loop3A_1250 = arith.addi %parallel_loop3A_1243, %parallel_loop3A_1249 : vector<16xi32>
      %parallel_loop3A_1251 = arith.constant 16 : i32
      %parallel_loop3A_1252 = arith.muli %parallel_loop3A_1159, %parallel_loop3A_1251 : i32
      %parallel_loop3A_1253 = arith.constant 3328 : i32
      %parallel_loop3A_1254 = arith.addi %parallel_loop3A_1253, %parallel_loop3A_1252 : i32
      %parallel_loop3A_1255 = arith.index_cast %parallel_loop3A_1254 : i32 to index
      %parallel_loop3A_1256 = tpu.vector_load %arg7[%parallel_loop3A_1255] {strides = array<i32>} : memref<8192xi32, #tpu.memory_space<vmem>>, vector<16xi32>,
      %parallel_loop3A_1257 = arith.addi %parallel_loop3A_1250, %parallel_loop3A_1256 : vector<16xi32>
      %parallel_loop3A_1258 = arith.constant 16 : i32
      %parallel_loop3A_1259 = arith.muli %parallel_loop3A_1159, %parallel_loop3A_1258 : i32
      %parallel_loop3A_1260 = arith.constant 3584 : i32
      %parallel_loop3A_1261 = arith.addi %parallel_loop3A_1260, %parallel_loop3A_1259 : i32
      %parallel_loop3A_1262 = arith.index_cast %parallel_loop3A_1261 : i32 to index
      %parallel_loop3A_1263 = tpu.vector_load %arg7[%parallel_loop3A_1262] {strides = array<i32>} : memref<8192xi32, #tpu.memory_space<vmem>>, vector<16xi32>,
      %parallel_loop3A_1264 = arith.addi %parallel_loop3A_1257, %parallel_loop3A_1263 : vector<16xi32>
      %parallel_loop3A_1265 = arith.constant 16 : i32
      %parallel_loop3A_1266 = arith.muli %parallel_loop3A_1159, %parallel_loop3A_1265 : i32
      %parallel_loop3A_1267 = arith.constant 3840 : i32
      %parallel_loop3A_1268 = arith.addi %parallel_loop3A_1267, %parallel_loop3A_1266 : i32
      %parallel_loop3A_1269 = arith.index_cast %parallel_loop3A_1268 : i32 to index
      %parallel_loop3A_1270 = tpu.vector_load %arg7[%parallel_loop3A_1269] {strides = array<i32>} : memref<8192xi32, #tpu.memory_space<vmem>>, vector<16xi32>,
      %parallel_loop3A_1271 = arith.addi %parallel_loop3A_1264, %parallel_loop3A_1270 : vector<16xi32>
      %parallel_loop3A_1272 = arith.constant 16 : i32
      %parallel_loop3A_1273 = arith.muli %parallel_loop3A_1159, %parallel_loop3A_1272 : i32
      %parallel_loop3A_1274 = arith.index_cast %parallel_loop3A_1273 : i32 to index
      %parallel_loop3A_1275 = tpu.vector_load %arg8[%parallel_loop3A_1274] {strides = array<i32>} : memref<512xi32, #tpu.memory_space<vmem>>, vector<16xi32>,
      tpu.vector_store %arg8[%parallel_loop3A_1274], %parallel_loop3A_1271 {strides = array<i32>} : memref<512xi32, #tpu.memory_space<vmem>>, vector<16xi32>,
    } {sc.loop_unroll_factor = 2 : i64, sc.parallel_access}
    %mul3A_340 = arith.constant 256 : i32
    %mul3A_341 = arith.muli %arg1, %mul3A_340 : i32
    "tpu.region"() ({
      %run_scoped3A = tpu.sem_alloc : memref<!tpu.dma_semaphore, #tpu.memory_space<semaphore_mem>>
      %dma_start3A_1159 = arith.constant 0 : i32
      %dma_start3A_1160 = tpu.memref_slice %arg8[%dma_start3A_1159] : memref<512xi32, #tpu.memory_space<vmem>> -> memref<256xi32, #tpu.memory_space<vmem>>
      %dma_start3A_1161 = tpu.memref_slice %arg14[%mul3A_341] : memref<8192xi32, #tpu.memory_space<vmem_shared>> -> memref<256xi32, #tpu.memory_space<vmem_shared>>
      %dma_start3A_1162 = tpu.memref_slice %arg14[%mul3A_341] : memref<8192xi32, #tpu.memory_space<vmem_shared>> -> memref<256xi32, #tpu.memory_space<vmem_shared>>
      %dma_start3A_1163 = arith.constant 0 : i32
      %dma_start3A_1164 = tpu.memref_slice %arg8[%dma_start3A_1163] : memref<512xi32, #tpu.memory_space<vmem>> -> memref<256xi32, #tpu.memory_space<vmem>>
      tpu.enqueue_dma source(%dma_start3A_1164 : memref<256xi32, #tpu.memory_space<vmem>>) target(%dma_start3A_1162 : memref<256xi32, #tpu.memory_space<vmem_shared>>) target_semaphore(%run_scoped3A : memref<!tpu.dma_semaphore, #tpu.memory_space<semaphore_mem>>)
      %dma_wait3A_1165 = arith.constant 0 : i32
      %dma_wait3A_1166 = tpu.memref_slice %arg8[%dma_wait3A_1165] : memref<512xi32, #tpu.memory_space<vmem>> -> memref<256xi32, #tpu.memory_space<vmem>>
      %dma_wait3A_1167 = tpu.memref_slice %arg14[%mul3A_341] : memref<8192xi32, #tpu.memory_space<vmem_shared>> -> memref<256xi32, #tpu.memory_space<vmem_shared>>
      %dma_wait3A_1168 = tpu.memref_slice %arg14[%mul3A_341] : memref<8192xi32, #tpu.memory_space<vmem_shared>> -> memref<256xi32, #tpu.memory_space<vmem_shared>>
      %dma_wait3A_1169 = arith.constant 0 : i32
      %dma_wait3A_1170 = tpu.memref_slice %arg8[%dma_wait3A_1169] : memref<512xi32, #tpu.memory_space<vmem>> -> memref<256xi32, #tpu.memory_space<vmem>>
      tpu.wait_dma2 semaphore(%run_scoped3A : memref<!tpu.dma_semaphore, #tpu.memory_space<semaphore_mem>>) src(%dma_wait3A_1170 : memref<256xi32, #tpu.memory_space<vmem>>) dst(%dma_wait3A_1168 : memref<256xi32, #tpu.memory_space<vmem_shared>>)
      tpu.yield
    }) : () -> ()
    %barrier3A_342 = arith.constant 0 : index
    tpu.barrier barrier_id(%barrier3A_342)
    %eq3A = arith.constant 0 : i32
    %eq3A_343 = arith.cmpi eq, %arg1, %eq3A : i32
    %convert_element_type3A = arith.extui %eq3A_343 : i1 to i32
    %cond3A = arith.constant 0 : i32
    %cond3A_344 = arith.cmpi ne, %convert_element_type3A, %cond3A : i32
    scf.if %cond3A_344 {
      "tpu.region"() ({
        %run_scoped3A = tpu.sem_alloc : memref<!tpu.dma_semaphore, #tpu.memory_space<semaphore_mem>>
        %dma_start3A_1202 = arith.constant 0 : i32
        %dma_start3A_1203 = tpu.memref_slice %arg7[%dma_start3A_1202] : memref<8192xi32, #tpu.memory_space<vmem>> -> memref<4096xi32, #tpu.memory_space<vmem>>
        %dma_start3A_1204 = arith.constant 0 : i32
        %dma_start3A_1205 = tpu.memref_slice %arg14[%dma_start3A_1204] : memref<8192xi32, #tpu.memory_space<vmem_shared>> -> memref<4096xi32, #tpu.memory_space<vmem_shared>>
        %dma_start3A_1206 = arith.constant 0 : i32
        %dma_start3A_1207 = tpu.memref_slice %arg7[%dma_start3A_1206] : memref<8192xi32, #tpu.memory_space<vmem>> -> memref<4096xi32, #tpu.memory_space<vmem>>
        %dma_start3A_1208 = arith.constant 0 : i32
        %dma_start3A_1209 = tpu.memref_slice %arg14[%dma_start3A_1208] : memref<8192xi32, #tpu.memory_space<vmem_shared>> -> memref<4096xi32, #tpu.memory_space<vmem_shared>>
        tpu.enqueue_dma source(%dma_start3A_1209 : memref<4096xi32, #tpu.memory_space<vmem_shared>>) target(%dma_start3A_1207 : memref<4096xi32, #tpu.memory_space<vmem>>) target_semaphore(%run_scoped3A : memref<!tpu.dma_semaphore, #tpu.memory_space<semaphore_mem>>)
        %dma_wait3A_1210 = arith.constant 0 : i32
        %dma_wait3A_1211 = tpu.memref_slice %arg7[%dma_wait3A_1210] : memref<8192xi32, #tpu.memory_space<vmem>> -> memref<4096xi32, #tpu.memory_space<vmem>>
        %dma_wait3A_1212 = arith.constant 0 : i32
        %dma_wait3A_1213 = tpu.memref_slice %arg14[%dma_wait3A_1212] : memref<8192xi32, #tpu.memory_space<vmem_shared>> -> memref<4096xi32, #tpu.memory_space<vmem_shared>>
        %dma_wait3A_1214 = arith.constant 0 : i32
        %dma_wait3A_1215 = tpu.memref_slice %arg7[%dma_wait3A_1214] : memref<8192xi32, #tpu.memory_space<vmem>> -> memref<4096xi32, #tpu.memory_space<vmem>>
        %dma_wait3A_1216 = arith.constant 0 : i32
        %dma_wait3A_1217 = tpu.memref_slice %arg14[%dma_wait3A_1216] : memref<8192xi32, #tpu.memory_space<vmem_shared>> -> memref<4096xi32, #tpu.memory_space<vmem_shared>>
        tpu.wait_dma2 semaphore(%run_scoped3A : memref<!tpu.dma_semaphore, #tpu.memory_space<semaphore_mem>>) src(%dma_wait3A_1217 : memref<4096xi32, #tpu.memory_space<vmem_shared>>) dst(%dma_wait3A_1215 : memref<4096xi32, #tpu.memory_space<vmem>>)
        tpu.yield
      }) : () -> ()
      %parallel_loop3A_1159 = arith.constant 0 : i32
      %parallel_loop3A_1160 = arith.constant 256 : i32
      %parallel_loop3A_1161 = arith.constant 1 : i32
      %parallel_loop3A_1162 = arith.constant 0 : i32
      %parallel_loop3A_1163 = arith.constant 0 : i32
      %parallel_loop3A_1164 = arith.constant 0 : i32
      %parallel_loop3A_1165 = arith.constant 0 : i32
      %parallel_loop3A_1166 = arith.constant 0 : i32
      %parallel_loop3A_1167:5 = scf.for %parallel_loop3A_1202 = %parallel_loop3A_1159 to %parallel_loop3A_1160 step %parallel_loop3A_1161 iter_args(%parallel_loop3A_1203 = %parallel_loop3A_1162, %parallel_loop3A_1204 = %parallel_loop3A_1163, %parallel_loop3A_1205 = %parallel_loop3A_1164, %parallel_loop3A_1206 = %parallel_loop3A_1165, %parallel_loop3A_1207 = %parallel_loop3A_1166) -> (i32, i32, i32, i32, i32)  : i32 {
        %parallel_loop3A_1208 = arith.constant 16 : i32
        %parallel_loop3A_1209 = arith.muli %parallel_loop3A_1202, %parallel_loop3A_1208 : i32
        %parallel_loop3A_1210 = arith.constant 0 : i32
        %parallel_loop3A_1211 = arith.addi %parallel_loop3A_1210, %parallel_loop3A_1209 : i32
        %parallel_loop3A_1212 = arith.index_cast %parallel_loop3A_1211 : i32 to index
        %parallel_loop3A_1213 = tpu.vector_load %arg7[%parallel_loop3A_1212] {strides = array<i32>} : memref<8192xi32, #tpu.memory_space<vmem>>, vector<16xi32>,
        %parallel_loop3A_1214 = arith.constant true
        %parallel_loop3A_1215 = vector.broadcast %parallel_loop3A_1214 : i1 to vector<16xi1>
        %parallel_loop3A_1216 = tpu.scan <sum>, %parallel_loop3A_1213 masked %parallel_loop3A_1215 : vector<16xi32>, vector<16xi1> -> vector<16xi32>
        %parallel_loop3A_1217 = vector.broadcast %parallel_loop3A_1203 : i32 to vector<16xi32>
        %parallel_loop3A_1218 = arith.addi %parallel_loop3A_1216, %parallel_loop3A_1217 : vector<16xi32>
        %parallel_loop3A_1219 = arith.constant 4026531 : i32
        %parallel_loop3A_1220 = vector.broadcast %parallel_loop3A_1219 : i32 to vector<16xi32>
        %parallel_loop3A_1221 = arith.cmpi slt, %parallel_loop3A_1218, %parallel_loop3A_1220 : vector<16xi32>
        %parallel_loop3A_1222 = arith.constant 4026532 : i32
        %parallel_loop3A_1223 = vector.broadcast %parallel_loop3A_1222 : i32 to vector<16xi32>
        %parallel_loop3A_1224 = arith.cmpi slt, %parallel_loop3A_1218, %parallel_loop3A_1223 : vector<16xi32>
        %parallel_loop3A_1225 = arith.constant 1 : i32
        %parallel_loop3A_1226 = arith.constant 0 : i32
        %parallel_loop3A_1227 = vector.broadcast %parallel_loop3A_1225 : i32 to vector<16xi32>
        %parallel_loop3A_1228 = vector.broadcast %parallel_loop3A_1226 : i32 to vector<16xi32>
        %parallel_loop3A_1229 = arith.select %parallel_loop3A_1221, %parallel_loop3A_1227, %parallel_loop3A_1228 : vector<16xi1>, vector<16xi32>
        %parallel_loop3A_1230 = arith.constant true
        %parallel_loop3A_1231 = vector.broadcast %parallel_loop3A_1230 : i1 to vector<16xi1>
        %parallel_loop3A_1232 = tpu.scan <sum>, %parallel_loop3A_1229 masked %parallel_loop3A_1231 : vector<16xi32>, vector<16xi1> -> vector<16xi32>
        %parallel_loop3A_1233 = vector.extract %parallel_loop3A_1232[15] : i32 from vector<16xi32>
        %parallel_loop3A_1234 = arith.addi %parallel_loop3A_1204, %parallel_loop3A_1233 : i32
        %parallel_loop3A_1235 = arith.constant 0 : i32
        %parallel_loop3A_1236 = vector.broadcast %parallel_loop3A_1235 : i32 to vector<16xi32>
        %parallel_loop3A_1237 = arith.select %parallel_loop3A_1221, %parallel_loop3A_1213, %parallel_loop3A_1236 : vector<16xi1>, vector<16xi32>
        %parallel_loop3A_1238 = arith.constant true
        %parallel_loop3A_1239 = vector.broadcast %parallel_loop3A_1238 : i1 to vector<16xi1>
        %parallel_loop3A_1240 = tpu.scan <sum>, %parallel_loop3A_1237 masked %parallel_loop3A_1239 : vector<16xi32>, vector<16xi1> -> vector<16xi32>
        %parallel_loop3A_1241 = vector.extract %parallel_loop3A_1240[15] : i32 from vector<16xi32>
        %parallel_loop3A_1242 = arith.addi %parallel_loop3A_1205, %parallel_loop3A_1241 : i32
        %parallel_loop3A_1243 = arith.constant 1 : i32
        %parallel_loop3A_1244 = arith.constant 0 : i32
        %parallel_loop3A_1245 = vector.broadcast %parallel_loop3A_1243 : i32 to vector<16xi32>
        %parallel_loop3A_1246 = vector.broadcast %parallel_loop3A_1244 : i32 to vector<16xi32>
        %parallel_loop3A_1247 = arith.select %parallel_loop3A_1224, %parallel_loop3A_1245, %parallel_loop3A_1246 : vector<16xi1>, vector<16xi32>
        %parallel_loop3A_1248 = arith.constant true
        %parallel_loop3A_1249 = vector.broadcast %parallel_loop3A_1248 : i1 to vector<16xi1>
        %parallel_loop3A_1250 = tpu.scan <sum>, %parallel_loop3A_1247 masked %parallel_loop3A_1249 : vector<16xi32>, vector<16xi1> -> vector<16xi32>
        %parallel_loop3A_1251 = vector.extract %parallel_loop3A_1250[15] : i32 from vector<16xi32>
        %parallel_loop3A_1252 = arith.addi %parallel_loop3A_1206, %parallel_loop3A_1251 : i32
        %parallel_loop3A_1253 = arith.constant 0 : i32
        %parallel_loop3A_1254 = vector.broadcast %parallel_loop3A_1253 : i32 to vector<16xi32>
        %parallel_loop3A_1255 = arith.select %parallel_loop3A_1224, %parallel_loop3A_1213, %parallel_loop3A_1254 : vector<16xi1>, vector<16xi32>
        %parallel_loop3A_1256 = arith.constant true
        %parallel_loop3A_1257 = vector.broadcast %parallel_loop3A_1256 : i1 to vector<16xi1>
        %parallel_loop3A_1258 = tpu.scan <sum>, %parallel_loop3A_1255 masked %parallel_loop3A_1257 : vector<16xi32>, vector<16xi1> -> vector<16xi32>
        %parallel_loop3A_1259 = vector.extract %parallel_loop3A_1258[15] : i32 from vector<16xi32>
        %parallel_loop3A_1260 = arith.addi %parallel_loop3A_1207, %parallel_loop3A_1259 : i32
        %parallel_loop3A_1261 = arith.constant true
        %parallel_loop3A_1262 = vector.broadcast %parallel_loop3A_1261 : i1 to vector<16xi1>
        %parallel_loop3A_1263 = tpu.scan <sum>, %parallel_loop3A_1213 masked %parallel_loop3A_1262 : vector<16xi32>, vector<16xi1> -> vector<16xi32>
        %parallel_loop3A_1264 = vector.extract %parallel_loop3A_1263[15] : i32 from vector<16xi32>
        %parallel_loop3A_1265 = arith.addi %parallel_loop3A_1203, %parallel_loop3A_1264 : i32
        scf.yield %parallel_loop3A_1265, %parallel_loop3A_1234, %parallel_loop3A_1242, %parallel_loop3A_1252, %parallel_loop3A_1260 : i32, i32, i32, i32, i32
      } {sc.loop_unroll_factor = 4 : i64, sc.parallel_access}
      %ne3A = arith.cmpi ne, %parallel_loop3A_1167#3, %parallel_loop3A_1167#1 : i32
      %convert_element_type3A_1168 = arith.extui %ne3A : i1 to i32
      %sub3A = arith.constant 2048 : i32
      %sub3A_1169 = arith.subi %parallel_loop3A_1167#1, %sub3A : i32
      %sub3A_1170 = arith.constant 2048 : i32
      %sub3A_1171 = arith.subi %parallel_loop3A_1167#3, %sub3A_1170 : i32
      %sub3A_1172 = arith.constant 4026531 : i32
      %sub3A_1173 = arith.subi %sub3A_1172, %parallel_loop3A_1167#2 : i32
      %sub3A_1174 = arith.constant 4026532 : i32
      %sub3A_1175 = arith.subi %sub3A_1174, %parallel_loop3A_1167#4 : i32
      %eq3A_1176 = arith.constant 0 : i32
      %eq3A_1177 = vector.broadcast %eq3A_1176 : i32 to vector<16xi32>
      %eq3A_1178 = arith.cmpi eq, %iota3A, %eq3A_1177 : vector<16xi32>
      %broadcast_in_dim3A_1179 = vector.broadcast %sub3A_1169 : i32 to vector<16xi32>
      %select_n3A_1180 = arith.select %eq3A_1178, %broadcast_in_dim3A_1179, %broadcast_in_dim3A_0 : vector<16xi1>, vector<16xi32>
      %eq3A_1181 = arith.constant 1 : i32
      %eq3A_1182 = vector.broadcast %eq3A_1181 : i32 to vector<16xi32>
      %eq3A_1183 = arith.cmpi eq, %iota3A, %eq3A_1182 : vector<16xi32>
      %broadcast_in_dim3A_1184 = vector.broadcast %sub3A_1171 : i32 to vector<16xi32>
      %select_n3A_1185 = arith.select %eq3A_1183, %broadcast_in_dim3A_1184, %select_n3A_1180 : vector<16xi1>, vector<16xi32>
      %eq3A_1186 = arith.constant 2 : i32
      %eq3A_1187 = vector.broadcast %eq3A_1186 : i32 to vector<16xi32>
      %eq3A_1188 = arith.cmpi eq, %iota3A, %eq3A_1187 : vector<16xi32>
      %broadcast_in_dim3A_1189 = vector.broadcast %sub3A_1173 : i32 to vector<16xi32>
      %select_n3A_1190 = arith.select %eq3A_1188, %broadcast_in_dim3A_1189, %select_n3A_1185 : vector<16xi1>, vector<16xi32>
      %eq3A_1191 = arith.constant 3 : i32
      %eq3A_1192 = vector.broadcast %eq3A_1191 : i32 to vector<16xi32>
      %eq3A_1193 = arith.cmpi eq, %iota3A, %eq3A_1192 : vector<16xi32>
      %broadcast_in_dim3A_1194 = vector.broadcast %sub3A_1175 : i32 to vector<16xi32>
      %select_n3A_1195 = arith.select %eq3A_1193, %broadcast_in_dim3A_1194, %select_n3A_1190 : vector<16xi1>, vector<16xi32>
      %eq3A_1196 = arith.constant 4 : i32
      %eq3A_1197 = vector.broadcast %eq3A_1196 : i32 to vector<16xi32>
      %eq3A_1198 = arith.cmpi eq, %iota3A, %eq3A_1197 : vector<16xi32>
      %broadcast_in_dim3A_1199 = vector.broadcast %convert_element_type3A_1168 : i32 to vector<16xi32>
      %select_n3A_1200 = arith.select %eq3A_1198, %broadcast_in_dim3A_1199, %select_n3A_1195 : vector<16xi1>, vector<16xi32>
      %swap3A = arith.constant 0 : index
      %swap3A_1201 = tpu.vector_load %arg9[%swap3A] {strides = array<i32>} : memref<16xi32, #tpu.memory_space<vmem>>, vector<16xi32>,
      tpu.vector_store %arg9[%swap3A], %select_n3A_1200 {strides = array<i32>} : memref<16xi32, #tpu.memory_space<vmem>>, vector<16xi32>,
      "tpu.region"() ({
        %run_scoped3A = tpu.sem_alloc : memref<!tpu.dma_semaphore, #tpu.memory_space<semaphore_mem>>
        tpu.enqueue_dma source(%arg9 : memref<16xi32, #tpu.memory_space<vmem>>) target(%arg15 : memref<16xi32, #tpu.memory_space<vmem_shared>>) target_semaphore(%run_scoped3A : memref<!tpu.dma_semaphore, #tpu.memory_space<semaphore_mem>>)
        tpu.wait_dma2 semaphore(%run_scoped3A : memref<!tpu.dma_semaphore, #tpu.memory_space<semaphore_mem>>) src(%arg9 : memref<16xi32, #tpu.memory_space<vmem>>) dst(%arg15 : memref<16xi32, #tpu.memory_space<vmem_shared>>)
        tpu.yield
      }) : () -> ()
    } else {
    }
    %barrier3A_345 = arith.constant 0 : index
    tpu.barrier barrier_id(%barrier3A_345)
    "tpu.region"() ({
      %run_scoped3A = tpu.sem_alloc : memref<!tpu.dma_semaphore, #tpu.memory_space<semaphore_mem>>
      tpu.enqueue_dma source(%arg15 : memref<16xi32, #tpu.memory_space<vmem_shared>>) target(%arg9 : memref<16xi32, #tpu.memory_space<vmem>>) target_semaphore(%run_scoped3A : memref<!tpu.dma_semaphore, #tpu.memory_space<semaphore_mem>>)
      tpu.wait_dma2 semaphore(%run_scoped3A : memref<!tpu.dma_semaphore, #tpu.memory_space<semaphore_mem>>) src(%arg15 : memref<16xi32, #tpu.memory_space<vmem_shared>>) dst(%arg9 : memref<16xi32, #tpu.memory_space<vmem>>)
      tpu.yield
    }) : () -> ()
    %get3A = arith.constant 0 : index
    %get3A_346 = tpu.vector_load %arg9[%get3A] {strides = array<i32>} : memref<16xi32, #tpu.memory_space<vmem>>, vector<16xi32>,
    %eq3A_347 = arith.constant 0 : i32
    %eq3A_348 = vector.broadcast %eq3A_347 : i32 to vector<16xi32>
    %eq3A_349 = arith.cmpi eq, %iota3A, %eq3A_348 : vector<16xi32>
    %jit3A = arith.constant 0 : i32
    %broadcast_in_dim3A_350 = vector.broadcast %jit3A : i32 to vector<16xi32>
    %select_n3A = arith.select %eq3A_349, %get3A_346, %broadcast_in_dim3A_350 : vector<16xi1>, vector<16xi32>
    %reduce_sum3A = arith.constant true
    %reduce_sum3A_351 = vector.broadcast %reduce_sum3A : i1 to vector<16xi1>
    %reduce_sum3A_352 = tpu.scan <sum>, %select_n3A masked %reduce_sum3A_351 : vector<16xi32>, vector<16xi1> -> vector<16xi32>
    %reduce_sum3A_353 = vector.extract %reduce_sum3A_352[15] : i32 from vector<16xi32>
    %eq3A_354 = arith.constant 1 : i32
    %eq3A_355 = vector.broadcast %eq3A_354 : i32 to vector<16xi32>
    %eq3A_356 = arith.cmpi eq, %iota3A, %eq3A_355 : vector<16xi32>
    %jit3A_357 = arith.constant 0 : i32
    %broadcast_in_dim3A_358 = vector.broadcast %jit3A_357 : i32 to vector<16xi32>
    %select_n3A_359 = arith.select %eq3A_356, %get3A_346, %broadcast_in_dim3A_358 : vector<16xi1>, vector<16xi32>
    %reduce_sum3A_360 = arith.constant true
    %reduce_sum3A_361 = vector.broadcast %reduce_sum3A_360 : i1 to vector<16xi1>
    %reduce_sum3A_362 = tpu.scan <sum>, %select_n3A_359 masked %reduce_sum3A_361 : vector<16xi32>, vector<16xi1> -> vector<16xi32>
    %reduce_sum3A_363 = vector.extract %reduce_sum3A_362[15] : i32 from vector<16xi32>
    %eq3A_364 = arith.constant 2 : i32
    %eq3A_365 = vector.broadcast %eq3A_364 : i32 to vector<16xi32>
    %eq3A_366 = arith.cmpi eq, %iota3A, %eq3A_365 : vector<16xi32>
    %jit3A_367 = arith.constant 0 : i32
    %broadcast_in_dim3A_368 = vector.broadcast %jit3A_367 : i32 to vector<16xi32>
    %select_n3A_369 = arith.select %eq3A_366, %get3A_346, %broadcast_in_dim3A_368 : vector<16xi1>, vector<16xi32>
    %reduce_sum3A_370 = arith.constant true
    %reduce_sum3A_371 = vector.broadcast %reduce_sum3A_370 : i1 to vector<16xi1>
    %reduce_sum3A_372 = tpu.scan <sum>, %select_n3A_369 masked %reduce_sum3A_371 : vector<16xi32>, vector<16xi1> -> vector<16xi32>
    %reduce_sum3A_373 = vector.extract %reduce_sum3A_372[15] : i32 from vector<16xi32>
    %eq3A_374 = arith.constant 3 : i32
    %eq3A_375 = vector.broadcast %eq3A_374 : i32 to vector<16xi32>
    %eq3A_376 = arith.cmpi eq, %iota3A, %eq3A_375 : vector<16xi32>
    %jit3A_377 = arith.constant 0 : i32
    %broadcast_in_dim3A_378 = vector.broadcast %jit3A_377 : i32 to vector<16xi32>
    %select_n3A_379 = arith.select %eq3A_376, %get3A_346, %broadcast_in_dim3A_378 : vector<16xi1>, vector<16xi32>
    %reduce_sum3A_380 = arith.constant true
    %reduce_sum3A_381 = vector.broadcast %reduce_sum3A_380 : i1 to vector<16xi1>
    %reduce_sum3A_382 = tpu.scan <sum>, %select_n3A_379 masked %reduce_sum3A_381 : vector<16xi32>, vector<16xi1> -> vector<16xi32>
    %reduce_sum3A_383 = vector.extract %reduce_sum3A_382[15] : i32 from vector<16xi32>
    %eq3A_384 = arith.constant 4 : i32
    %eq3A_385 = vector.broadcast %eq3A_384 : i32 to vector<16xi32>
    %eq3A_386 = arith.cmpi eq, %iota3A, %eq3A_385 : vector<16xi32>
    %jit3A_387 = arith.constant 0 : i32
    %broadcast_in_dim3A_388 = vector.broadcast %jit3A_387 : i32 to vector<16xi32>
    %select_n3A_389 = arith.select %eq3A_386, %get3A_346, %broadcast_in_dim3A_388 : vector<16xi1>, vector<16xi32>
    %reduce_sum3A_390 = arith.constant true
    %reduce_sum3A_391 = vector.broadcast %reduce_sum3A_390 : i1 to vector<16xi1>
    %reduce_sum3A_392 = tpu.scan <sum>, %select_n3A_389 masked %reduce_sum3A_391 : vector<16xi32>, vector<16xi1> -> vector<16xi32>
    %reduce_sum3A_393 = vector.extract %reduce_sum3A_392[15] : i32 from vector<16xi32>
    %parallel_loop3A_394 = arith.constant 0 : i32
    %parallel_loop3A_395 = arith.constant 512 : i32
    %parallel_loop3A_396 = arith.constant 1 : i32
    scf.for %parallel_loop3A_1159 = %parallel_loop3A_394 to %parallel_loop3A_395 step %parallel_loop3A_396  : i32 {
      %parallel_loop3A_1160 = arith.constant 16 : i32
      %parallel_loop3A_1161 = arith.muli %parallel_loop3A_1159, %parallel_loop3A_1160 : i32
      %parallel_loop3A_1162 = arith.index_cast %parallel_loop3A_1161 : i32 to index
      %parallel_loop3A_1163 = tpu.vector_load %arg6[%parallel_loop3A_1162] {strides = array<i32>} : memref<8192xi32, #tpu.memory_space<vmem>>, vector<16xi32>,
      tpu.vector_store %arg6[%parallel_loop3A_1162], %broadcast_in_dim3A_0 {strides = array<i32>} : memref<8192xi32, #tpu.memory_space<vmem>>, vector<16xi32>,
    } {sc.loop_unroll_factor = 8 : i64, sc.parallel_access}
    %broadcast_in_dim3A_397 = vector.broadcast %reduce_sum3A_353 : i32 to vector<16xi32>
    %broadcast_in_dim3A_398 = vector.broadcast %reduce_sum3A_363 : i32 to vector<16xi32>
    %broadcast_in_dim3A_399 = vector.broadcast %reduce_sum3A_393 : i32 to vector<16xi32>
    %eq3A_400 = arith.constant 1 : i32
    %eq3A_401 = vector.broadcast %eq3A_400 : i32 to vector<16xi32>
    %eq3A_402 = arith.cmpi eq, %broadcast_in_dim3A_399, %eq3A_401 : vector<16xi32>
    %add3A_403 = arith.constant 0 : i32
    %add3A_404 = arith.addi %mul3A_3, %add3A_403 : i32
    %dma_start3A_405 = arith.constant 0 : i32
    %dma_start3A_406 = tpu.memref_slice %arg2[%add3A_404, %dma_start3A_405] : memref<128x32768xi32, #tpu.memory_space<hbm>> -> memref<1x32768xi32, #tpu.memory_space<hbm>>
    %dma_start3A_407 = tpu.memref_squeeze %dma_start3A_406 : memref<1x32768xi32, #tpu.memory_space<hbm>> -> memref<32768xi32, #tpu.memory_space<hbm>>
    %dma_start3A_408 = arith.constant 0 : i32
    %dma_start3A_409 = tpu.memref_slice %arg2[%add3A_404, %dma_start3A_408] : memref<128x32768xi32, #tpu.memory_space<hbm>> -> memref<1x32768xi32, #tpu.memory_space<hbm>>
    %dma_start3A_410 = tpu.memref_squeeze %dma_start3A_409 : memref<1x32768xi32, #tpu.memory_space<hbm>> -> memref<32768xi32, #tpu.memory_space<hbm>>
    tpu.enqueue_dma source(%dma_start3A_410 : memref<32768xi32, #tpu.memory_space<hbm>>) target(%arg4 : memref<32768xi32, #tpu.memory_space<vmem>>) target_semaphore(%arg10 : memref<!tpu.dma_semaphore, #tpu.memory_space<semaphore_mem>>)
    %scan3A_411 = arith.constant 0 : i32
    %scan3A_412 = arith.constant 0 : i32
    %scan3A_413 = arith.constant 4 : i32
    %scan3A_414 = arith.addi %scan3A_412, %scan3A_413 : i32
    %scan3A_415 = arith.constant 1 : i32
    %scan3A_416 = scf.for %scan3A_1159 = %scan3A_412 to %scan3A_414 step %scan3A_415 iter_args(%scan3A_1160 = %scan3A_411) -> (i32)  : i32 {
      %mul3A_1161 = arith.constant 2 : i32
      %mul3A_1162 = arith.muli %mul3A_1161, %scan3A_1159 : i32
      %add3A_1163 = arith.constant 1 : i32
      %add3A_1164 = arith.addi %mul3A_1162, %add3A_1163 : i32
      %add3A_1165 = arith.addi %mul3A_3, %add3A_1164 : i32
      %dma_start3A_1166 = arith.constant 0 : i32
      %dma_start3A_1167 = tpu.memref_slice %arg2[%add3A_1165, %dma_start3A_1166] : memref<128x32768xi32, #tpu.memory_space<hbm>> -> memref<1x32768xi32, #tpu.memory_space<hbm>>
      %dma_start3A_1168 = tpu.memref_squeeze %dma_start3A_1167 : memref<1x32768xi32, #tpu.memory_space<hbm>> -> memref<32768xi32, #tpu.memory_space<hbm>>
      %dma_start3A_1169 = arith.constant 0 : i32
      %dma_start3A_1170 = tpu.memref_slice %arg2[%add3A_1165, %dma_start3A_1169] : memref<128x32768xi32, #tpu.memory_space<hbm>> -> memref<1x32768xi32, #tpu.memory_space<hbm>>
      %dma_start3A_1171 = tpu.memref_squeeze %dma_start3A_1170 : memref<1x32768xi32, #tpu.memory_space<hbm>> -> memref<32768xi32, #tpu.memory_space<hbm>>
      tpu.enqueue_dma source(%dma_start3A_1171 : memref<32768xi32, #tpu.memory_space<hbm>>) target(%arg5 : memref<32768xi32, #tpu.memory_space<vmem>>) target_semaphore(%arg11 : memref<!tpu.dma_semaphore, #tpu.memory_space<semaphore_mem>>)
      %add3A_1172 = arith.addi %mul3A_3, %mul3A_1162 : i32
      %dma_wait3A_1173 = arith.constant 0 : i32
      %dma_wait3A_1174 = tpu.memref_slice %arg2[%add3A_1172, %dma_wait3A_1173] : memref<128x32768xi32, #tpu.memory_space<hbm>> -> memref<1x32768xi32, #tpu.memory_space<hbm>>
      %dma_wait3A_1175 = tpu.memref_squeeze %dma_wait3A_1174 : memref<1x32768xi32, #tpu.memory_space<hbm>> -> memref<32768xi32, #tpu.memory_space<hbm>>
      %dma_wait3A_1176 = arith.constant 0 : i32
      %dma_wait3A_1177 = tpu.memref_slice %arg2[%add3A_1172, %dma_wait3A_1176] : memref<128x32768xi32, #tpu.memory_space<hbm>> -> memref<1x32768xi32, #tpu.memory_space<hbm>>
      %dma_wait3A_1178 = tpu.memref_squeeze %dma_wait3A_1177 : memref<1x32768xi32, #tpu.memory_space<hbm>> -> memref<32768xi32, #tpu.memory_space<hbm>>
      tpu.wait_dma2 semaphore(%arg10 : memref<!tpu.dma_semaphore, #tpu.memory_space<semaphore_mem>>) src(%dma_wait3A_1178 : memref<32768xi32, #tpu.memory_space<hbm>>) dst(%arg4 : memref<32768xi32, #tpu.memory_space<vmem>>)
      %parallel_loop3A_1179 = arith.constant 0 : i32
      %parallel_loop3A_1180 = arith.constant 2048 : i32
      %parallel_loop3A_1181 = arith.constant 1 : i32
      scf.for %parallel_loop3A_1201 = %parallel_loop3A_1179 to %parallel_loop3A_1180 step %parallel_loop3A_1181  : i32 {
        %parallel_loop3A_1202 = arith.constant 16 : i32
        %parallel_loop3A_1203 = arith.muli %parallel_loop3A_1201, %parallel_loop3A_1202 : i32
        %parallel_loop3A_1204 = arith.index_cast %parallel_loop3A_1203 : i32 to index
        %parallel_loop3A_1205 = tpu.vector_load %arg4[%parallel_loop3A_1204] {strides = array<i32>} : memref<32768xi32, #tpu.memory_space<vmem>>, vector<16xi32>,
        %parallel_loop3A_1206 = arith.constant 31 : i32
        %parallel_loop3A_1207 = vector.broadcast %parallel_loop3A_1206 : i32 to vector<16xi32>
        %parallel_loop3A_1208 = arith.shrsi %parallel_loop3A_1205, %parallel_loop3A_1207 : vector<16xi32>
        %parallel_loop3A_1209 = arith.constant 2147483647 : i32
        %parallel_loop3A_1210 = vector.broadcast %parallel_loop3A_1209 : i32 to vector<16xi32>
        %parallel_loop3A_1211 = arith.andi %parallel_loop3A_1208, %parallel_loop3A_1210 : vector<16xi32>
        %parallel_loop3A_1212 = arith.xori %parallel_loop3A_1205, %parallel_loop3A_1211 : vector<16xi32>
        %parallel_loop3A_1213 = arith.constant 20 : i32
        %parallel_loop3A_1214 = vector.broadcast %parallel_loop3A_1213 : i32 to vector<16xi32>
        %parallel_loop3A_1215 = arith.shrsi %parallel_loop3A_1212, %parallel_loop3A_1214 : vector<16xi32>
        %parallel_loop3A_1216 = arith.cmpi eq, %parallel_loop3A_1215, %broadcast_in_dim3A_397 : vector<16xi32>
        %parallel_loop3A_1217 = arith.cmpi eq, %parallel_loop3A_1215, %broadcast_in_dim3A_398 : vector<16xi32>
        %parallel_loop3A_1218 = arith.andi %parallel_loop3A_1217, %eq3A_402 : vector<16xi1>
        %parallel_loop3A_1219 = arith.constant 8 : i32
        %parallel_loop3A_1220 = vector.broadcast %parallel_loop3A_1219 : i32 to vector<16xi32>
        %parallel_loop3A_1221 = arith.shrsi %parallel_loop3A_1212, %parallel_loop3A_1220 : vector<16xi32>
        %parallel_loop3A_1222 = arith.constant 4095 : i32
        %parallel_loop3A_1223 = vector.broadcast %parallel_loop3A_1222 : i32 to vector<16xi32>
        %parallel_loop3A_1224 = arith.andi %parallel_loop3A_1221, %parallel_loop3A_1223 : vector<16xi32>
        %parallel_loop3A_1225 = arith.constant 4096 : i32
        %parallel_loop3A_1226 = arith.constant 0 : i32
        %parallel_loop3A_1227 = vector.broadcast %parallel_loop3A_1225 : i32 to vector<16xi32>
        %parallel_loop3A_1228 = vector.broadcast %parallel_loop3A_1226 : i32 to vector<16xi32>
        %parallel_loop3A_1229 = arith.select %parallel_loop3A_1218, %parallel_loop3A_1227, %parallel_loop3A_1228 : vector<16xi1>, vector<16xi32>
        %parallel_loop3A_1230 = arith.addi %parallel_loop3A_1224, %parallel_loop3A_1229 : vector<16xi32>
        %parallel_loop3A_1231 = arith.ori %parallel_loop3A_1216, %parallel_loop3A_1218 : vector<16xi1>
        tpu.vector_store_idx %arg6[%parallel_loop3A_1230], %broadcast_in_dim3A_2 masked %parallel_loop3A_1231 {add = true} : memref<8192xi32, #tpu.memory_space<vmem>>[vector<16xi32>], vector<16xi32>, vector<16xi1>
      } {sc.loop_unroll_factor = 8 : i64, sc.parallel_access}
      %add3A_1182 = arith.constant 2 : i32
      %add3A_1183 = arith.addi %mul3A_1162, %add3A_1182 : i32
      %lt3A = arith.constant 8 : i32
      %lt3A_1184 = arith.cmpi slt, %add3A_1183, %lt3A : i32
      %convert_element_type3A_1185 = arith.extui %lt3A_1184 : i1 to i32
      %cond3A_1186 = arith.constant 0 : i32
      %cond3A_1187 = arith.cmpi ne, %convert_element_type3A_1185, %cond3A_1186 : i32
      scf.if %cond3A_1187 {
        %add3A_1201 = arith.constant 2 : i32
        %add3A_1202 = arith.addi %mul3A_1162, %add3A_1201 : i32
        %add3A_1203 = arith.addi %mul3A_3, %add3A_1202 : i32
        %dma_start3A_1204 = arith.constant 0 : i32
        %dma_start3A_1205 = tpu.memref_slice %arg2[%add3A_1203, %dma_start3A_1204] : memref<128x32768xi32, #tpu.memory_space<hbm>> -> memref<1x32768xi32, #tpu.memory_space<hbm>>
        %dma_start3A_1206 = tpu.memref_squeeze %dma_start3A_1205 : memref<1x32768xi32, #tpu.memory_space<hbm>> -> memref<32768xi32, #tpu.memory_space<hbm>>
        %dma_start3A_1207 = arith.constant 0 : i32
        %dma_start3A_1208 = tpu.memref_slice %arg2[%add3A_1203, %dma_start3A_1207] : memref<128x32768xi32, #tpu.memory_space<hbm>> -> memref<1x32768xi32, #tpu.memory_space<hbm>>
        %dma_start3A_1209 = tpu.memref_squeeze %dma_start3A_1208 : memref<1x32768xi32, #tpu.memory_space<hbm>> -> memref<32768xi32, #tpu.memory_space<hbm>>
        tpu.enqueue_dma source(%dma_start3A_1209 : memref<32768xi32, #tpu.memory_space<hbm>>) target(%arg4 : memref<32768xi32, #tpu.memory_space<vmem>>) target_semaphore(%arg10 : memref<!tpu.dma_semaphore, #tpu.memory_space<semaphore_mem>>)
      } else {
      }
      %add3A_1188 = arith.constant 1 : i32
      %add3A_1189 = arith.addi %mul3A_1162, %add3A_1188 : i32
      %add3A_1190 = arith.addi %mul3A_3, %add3A_1189 : i32
      %dma_wait3A_1191 = arith.constant 0 : i32
      %dma_wait3A_1192 = tpu.memref_slice %arg2[%add3A_1190, %dma_wait3A_1191] : memref<128x32768xi32, #tpu.memory_space<hbm>> -> memref<1x32768xi32, #tpu.memory_space<hbm>>
      %dma_wait3A_1193 = tpu.memref_squeeze %dma_wait3A_1192 : memref<1x32768xi32, #tpu.memory_space<hbm>> -> memref<32768xi32, #tpu.memory_space<hbm>>
      %dma_wait3A_1194 = arith.constant 0 : i32
      %dma_wait3A_1195 = tpu.memref_slice %arg2[%add3A_1190, %dma_wait3A_1194] : memref<128x32768xi32, #tpu.memory_space<hbm>> -> memref<1x32768xi32, #tpu.memory_space<hbm>>
      %dma_wait3A_1196 = tpu.memref_squeeze %dma_wait3A_1195 : memref<1x32768xi32, #tpu.memory_space<hbm>> -> memref<32768xi32, #tpu.memory_space<hbm>>
      tpu.wait_dma2 semaphore(%arg11 : memref<!tpu.dma_semaphore, #tpu.memory_space<semaphore_mem>>) src(%dma_wait3A_1196 : memref<32768xi32, #tpu.memory_space<hbm>>) dst(%arg5 : memref<32768xi32, #tpu.memory_space<vmem>>)
      %parallel_loop3A_1197 = arith.constant 0 : i32
      %parallel_loop3A_1198 = arith.constant 2048 : i32
      %parallel_loop3A_1199 = arith.constant 1 : i32
      scf.for %parallel_loop3A_1201 = %parallel_loop3A_1197 to %parallel_loop3A_1198 step %parallel_loop3A_1199  : i32 {
        %parallel_loop3A_1202 = arith.constant 16 : i32
        %parallel_loop3A_1203 = arith.muli %parallel_loop3A_1201, %parallel_loop3A_1202 : i32
        %parallel_loop3A_1204 = arith.index_cast %parallel_loop3A_1203 : i32 to index
        %parallel_loop3A_1205 = tpu.vector_load %arg5[%parallel_loop3A_1204] {strides = array<i32>} : memref<32768xi32, #tpu.memory_space<vmem>>, vector<16xi32>,
        %parallel_loop3A_1206 = arith.constant 31 : i32
        %parallel_loop3A_1207 = vector.broadcast %parallel_loop3A_1206 : i32 to vector<16xi32>
        %parallel_loop3A_1208 = arith.shrsi %parallel_loop3A_1205, %parallel_loop3A_1207 : vector<16xi32>
        %parallel_loop3A_1209 = arith.constant 2147483647 : i32
        %parallel_loop3A_1210 = vector.broadcast %parallel_loop3A_1209 : i32 to vector<16xi32>
        %parallel_loop3A_1211 = arith.andi %parallel_loop3A_1208, %parallel_loop3A_1210 : vector<16xi32>
        %parallel_loop3A_1212 = arith.xori %parallel_loop3A_1205, %parallel_loop3A_1211 : vector<16xi32>
        %parallel_loop3A_1213 = arith.constant 20 : i32
        %parallel_loop3A_1214 = vector.broadcast %parallel_loop3A_1213 : i32 to vector<16xi32>
        %parallel_loop3A_1215 = arith.shrsi %parallel_loop3A_1212, %parallel_loop3A_1214 : vector<16xi32>
        %parallel_loop3A_1216 = arith.cmpi eq, %parallel_loop3A_1215, %broadcast_in_dim3A_397 : vector<16xi32>
        %parallel_loop3A_1217 = arith.cmpi eq, %parallel_loop3A_1215, %broadcast_in_dim3A_398 : vector<16xi32>
        %parallel_loop3A_1218 = arith.andi %parallel_loop3A_1217, %eq3A_402 : vector<16xi1>
        %parallel_loop3A_1219 = arith.constant 8 : i32
        %parallel_loop3A_1220 = vector.broadcast %parallel_loop3A_1219 : i32 to vector<16xi32>
        %parallel_loop3A_1221 = arith.shrsi %parallel_loop3A_1212, %parallel_loop3A_1220 : vector<16xi32>
        %parallel_loop3A_1222 = arith.constant 4095 : i32
        %parallel_loop3A_1223 = vector.broadcast %parallel_loop3A_1222 : i32 to vector<16xi32>
        %parallel_loop3A_1224 = arith.andi %parallel_loop3A_1221, %parallel_loop3A_1223 : vector<16xi32>
        %parallel_loop3A_1225 = arith.constant 4096 : i32
        %parallel_loop3A_1226 = arith.constant 0 : i32
        %parallel_loop3A_1227 = vector.broadcast %parallel_loop3A_1225 : i32 to vector<16xi32>
        %parallel_loop3A_1228 = vector.broadcast %parallel_loop3A_1226 : i32 to vector<16xi32>
        %parallel_loop3A_1229 = arith.select %parallel_loop3A_1218, %parallel_loop3A_1227, %parallel_loop3A_1228 : vector<16xi1>, vector<16xi32>
        %parallel_loop3A_1230 = arith.addi %parallel_loop3A_1224, %parallel_loop3A_1229 : vector<16xi32>
        %parallel_loop3A_1231 = arith.ori %parallel_loop3A_1216, %parallel_loop3A_1218 : vector<16xi1>
        tpu.vector_store_idx %arg6[%parallel_loop3A_1230], %broadcast_in_dim3A_2 masked %parallel_loop3A_1231 {add = true} : memref<8192xi32, #tpu.memory_space<vmem>>[vector<16xi32>], vector<16xi32>, vector<16xi1>
      } {sc.loop_unroll_factor = 8 : i64, sc.parallel_access}
      %scan3A_1200 = arith.constant 0 : i32
      scf.yield %scan3A_1200 : i32
    }
    %scan3A_417 = arith.constant 4 : i32
    "tpu.region"() ({
      %run_scoped3A = tpu.sem_alloc : memref<!tpu.dma_semaphore, #tpu.memory_space<semaphore_mem>>
      %dma_start3A_1159 = arith.constant 0 : i32
      %dma_start3A_1160 = tpu.memref_slice %arg6[%dma_start3A_1159] : memref<8192xi32, #tpu.memory_space<vmem>> -> memref<8192xi32, #tpu.memory_space<vmem>>
      %dma_start3A_1161 = arith.constant 0 : i32
      %dma_start3A_1162 = tpu.memref_slice %arg13[%arg1, %dma_start3A_1161] : memref<16x8192xi32, #tpu.memory_space<vmem_shared>> -> memref<1x8192xi32, #tpu.memory_space<vmem_shared>>
      %dma_start3A_1163 = tpu.memref_squeeze %dma_start3A_1162 : memref<1x8192xi32, #tpu.memory_space<vmem_shared>> -> memref<8192xi32, #tpu.memory_space<vmem_shared>>
      %dma_start3A_1164 = arith.constant 0 : i32
      %dma_start3A_1165 = tpu.memref_slice %arg13[%arg1, %dma_start3A_1164] : memref<16x8192xi32, #tpu.memory_space<vmem_shared>> -> memref<1x8192xi32, #tpu.memory_space<vmem_shared>>
      %dma_start3A_1166 = tpu.memref_squeeze %dma_start3A_1165 : memref<1x8192xi32, #tpu.memory_space<vmem_shared>> -> memref<8192xi32, #tpu.memory_space<vmem_shared>>
      %dma_start3A_1167 = arith.constant 0 : i32
      %dma_start3A_1168 = tpu.memref_slice %arg6[%dma_start3A_1167] : memref<8192xi32, #tpu.memory_space<vmem>> -> memref<8192xi32, #tpu.memory_space<vmem>>
      tpu.enqueue_dma source(%dma_start3A_1168 : memref<8192xi32, #tpu.memory_space<vmem>>) target(%dma_start3A_1166 : memref<8192xi32, #tpu.memory_space<vmem_shared>>) target_semaphore(%run_scoped3A : memref<!tpu.dma_semaphore, #tpu.memory_space<semaphore_mem>>)
      %dma_wait3A_1169 = arith.constant 0 : i32
      %dma_wait3A_1170 = tpu.memref_slice %arg6[%dma_wait3A_1169] : memref<8192xi32, #tpu.memory_space<vmem>> -> memref<8192xi32, #tpu.memory_space<vmem>>
      %dma_wait3A_1171 = arith.constant 0 : i32
      %dma_wait3A_1172 = tpu.memref_slice %arg13[%arg1, %dma_wait3A_1171] : memref<16x8192xi32, #tpu.memory_space<vmem_shared>> -> memref<1x8192xi32, #tpu.memory_space<vmem_shared>>
      %dma_wait3A_1173 = tpu.memref_squeeze %dma_wait3A_1172 : memref<1x8192xi32, #tpu.memory_space<vmem_shared>> -> memref<8192xi32, #tpu.memory_space<vmem_shared>>
      %dma_wait3A_1174 = arith.constant 0 : i32
      %dma_wait3A_1175 = tpu.memref_slice %arg13[%arg1, %dma_wait3A_1174] : memref<16x8192xi32, #tpu.memory_space<vmem_shared>> -> memref<1x8192xi32, #tpu.memory_space<vmem_shared>>
      %dma_wait3A_1176 = tpu.memref_squeeze %dma_wait3A_1175 : memref<1x8192xi32, #tpu.memory_space<vmem_shared>> -> memref<8192xi32, #tpu.memory_space<vmem_shared>>
      %dma_wait3A_1177 = arith.constant 0 : i32
      %dma_wait3A_1178 = tpu.memref_slice %arg6[%dma_wait3A_1177] : memref<8192xi32, #tpu.memory_space<vmem>> -> memref<8192xi32, #tpu.memory_space<vmem>>
      tpu.wait_dma2 semaphore(%run_scoped3A : memref<!tpu.dma_semaphore, #tpu.memory_space<semaphore_mem>>) src(%dma_wait3A_1178 : memref<8192xi32, #tpu.memory_space<vmem>>) dst(%dma_wait3A_1176 : memref<8192xi32, #tpu.memory_space<vmem_shared>>)
      tpu.yield
    }) : () -> ()
    %barrier3A_418 = arith.constant 0 : index
    tpu.barrier barrier_id(%barrier3A_418)
    %mul3A_419 = arith.constant 512 : i32
    %mul3A_420 = arith.muli %arg1, %mul3A_419 : i32
    %mul3A_421 = arith.constant 512 : i32
    %mul3A_422 = arith.muli %arg1, %mul3A_421 : i32
    %mul3A_423 = arith.constant 512 : i32
    %mul3A_424 = arith.muli %arg1, %mul3A_423 : i32
    %mul3A_425 = arith.constant 512 : i32
    %mul3A_426 = arith.muli %arg1, %mul3A_425 : i32
    %mul3A_427 = arith.constant 512 : i32
    %mul3A_428 = arith.muli %arg1, %mul3A_427 : i32
    %mul3A_429 = arith.constant 512 : i32
    %mul3A_430 = arith.muli %arg1, %mul3A_429 : i32
    %mul3A_431 = arith.constant 512 : i32
    %mul3A_432 = arith.muli %arg1, %mul3A_431 : i32
    %mul3A_433 = arith.constant 512 : i32
    %mul3A_434 = arith.muli %arg1, %mul3A_433 : i32
    %mul3A_435 = arith.constant 512 : i32
    %mul3A_436 = arith.muli %arg1, %mul3A_435 : i32
    %mul3A_437 = arith.constant 512 : i32
    %mul3A_438 = arith.muli %arg1, %mul3A_437 : i32
    %mul3A_439 = arith.constant 512 : i32
    %mul3A_440 = arith.muli %arg1, %mul3A_439 : i32
    %mul3A_441 = arith.constant 512 : i32
    %mul3A_442 = arith.muli %arg1, %mul3A_441 : i32
    %mul3A_443 = arith.constant 512 : i32
    %mul3A_444 = arith.muli %arg1, %mul3A_443 : i32
    %mul3A_445 = arith.constant 512 : i32
    %mul3A_446 = arith.muli %arg1, %mul3A_445 : i32
    %mul3A_447 = arith.constant 512 : i32
    %mul3A_448 = arith.muli %arg1, %mul3A_447 : i32
    %mul3A_449 = arith.constant 512 : i32
    %mul3A_450 = arith.muli %arg1, %mul3A_449 : i32
    %dma_start3A_451 = arith.constant 0 : i32
    %dma_start3A_452 = arith.constant 0 : i32
    %dma_start3A_453 = tpu.memref_slice %arg7[%dma_start3A_452] : memref<8192xi32, #tpu.memory_space<vmem>> -> memref<512xi32, #tpu.memory_space<vmem>>
    %dma_start3A_454 = tpu.memref_slice %arg13[%dma_start3A_451, %mul3A_420] : memref<16x8192xi32, #tpu.memory_space<vmem_shared>> -> memref<1x512xi32, #tpu.memory_space<vmem_shared>>
    %dma_start3A_455 = tpu.memref_squeeze %dma_start3A_454 : memref<1x512xi32, #tpu.memory_space<vmem_shared>> -> memref<512xi32, #tpu.memory_space<vmem_shared>>
    %dma_start3A_456 = arith.constant 0 : i32
    %dma_start3A_457 = tpu.memref_slice %arg7[%dma_start3A_456] : memref<8192xi32, #tpu.memory_space<vmem>> -> memref<512xi32, #tpu.memory_space<vmem>>
    %dma_start3A_458 = tpu.memref_slice %arg13[%dma_start3A_451, %mul3A_420] : memref<16x8192xi32, #tpu.memory_space<vmem_shared>> -> memref<1x512xi32, #tpu.memory_space<vmem_shared>>
    %dma_start3A_459 = tpu.memref_squeeze %dma_start3A_458 : memref<1x512xi32, #tpu.memory_space<vmem_shared>> -> memref<512xi32, #tpu.memory_space<vmem_shared>>
    tpu.enqueue_dma source(%dma_start3A_459 : memref<512xi32, #tpu.memory_space<vmem_shared>>) target(%dma_start3A_457 : memref<512xi32, #tpu.memory_space<vmem>>) target_semaphore(%arg12 : memref<!tpu.dma_semaphore, #tpu.memory_space<semaphore_mem>>)
    %dma_start3A_460 = arith.constant 1 : i32
    %dma_start3A_461 = arith.constant 512 : i32
    %dma_start3A_462 = tpu.memref_slice %arg7[%dma_start3A_461] : memref<8192xi32, #tpu.memory_space<vmem>> -> memref<512xi32, #tpu.memory_space<vmem>>
    %dma_start3A_463 = tpu.memref_slice %arg13[%dma_start3A_460, %mul3A_422] : memref<16x8192xi32, #tpu.memory_space<vmem_shared>> -> memref<1x512xi32, #tpu.memory_space<vmem_shared>>
    %dma_start3A_464 = tpu.memref_squeeze %dma_start3A_463 : memref<1x512xi32, #tpu.memory_space<vmem_shared>> -> memref<512xi32, #tpu.memory_space<vmem_shared>>
    %dma_start3A_465 = arith.constant 512 : i32
    %dma_start3A_466 = tpu.memref_slice %arg7[%dma_start3A_465] : memref<8192xi32, #tpu.memory_space<vmem>> -> memref<512xi32, #tpu.memory_space<vmem>>
    %dma_start3A_467 = tpu.memref_slice %arg13[%dma_start3A_460, %mul3A_422] : memref<16x8192xi32, #tpu.memory_space<vmem_shared>> -> memref<1x512xi32, #tpu.memory_space<vmem_shared>>
    %dma_start3A_468 = tpu.memref_squeeze %dma_start3A_467 : memref<1x512xi32, #tpu.memory_space<vmem_shared>> -> memref<512xi32, #tpu.memory_space<vmem_shared>>
    tpu.enqueue_dma source(%dma_start3A_468 : memref<512xi32, #tpu.memory_space<vmem_shared>>) target(%dma_start3A_466 : memref<512xi32, #tpu.memory_space<vmem>>) target_semaphore(%arg12 : memref<!tpu.dma_semaphore, #tpu.memory_space<semaphore_mem>>)
    %dma_start3A_469 = arith.constant 2 : i32
    %dma_start3A_470 = arith.constant 1024 : i32
    %dma_start3A_471 = tpu.memref_slice %arg7[%dma_start3A_470] : memref<8192xi32, #tpu.memory_space<vmem>> -> memref<512xi32, #tpu.memory_space<vmem>>
    %dma_start3A_472 = tpu.memref_slice %arg13[%dma_start3A_469, %mul3A_424] : memref<16x8192xi32, #tpu.memory_space<vmem_shared>> -> memref<1x512xi32, #tpu.memory_space<vmem_shared>>
    %dma_start3A_473 = tpu.memref_squeeze %dma_start3A_472 : memref<1x512xi32, #tpu.memory_space<vmem_shared>> -> memref<512xi32, #tpu.memory_space<vmem_shared>>
    %dma_start3A_474 = arith.constant 1024 : i32
    %dma_start3A_475 = tpu.memref_slice %arg7[%dma_start3A_474] : memref<8192xi32, #tpu.memory_space<vmem>> -> memref<512xi32, #tpu.memory_space<vmem>>
    %dma_start3A_476 = tpu.memref_slice %arg13[%dma_start3A_469, %mul3A_424] : memref<16x8192xi32, #tpu.memory_space<vmem_shared>> -> memref<1x512xi32, #tpu.memory_space<vmem_shared>>
    %dma_start3A_477 = tpu.memref_squeeze %dma_start3A_476 : memref<1x512xi32, #tpu.memory_space<vmem_shared>> -> memref<512xi32, #tpu.memory_space<vmem_shared>>
    tpu.enqueue_dma source(%dma_start3A_477 : memref<512xi32, #tpu.memory_space<vmem_shared>>) target(%dma_start3A_475 : memref<512xi32, #tpu.memory_space<vmem>>) target_semaphore(%arg12 : memref<!tpu.dma_semaphore, #tpu.memory_space<semaphore_mem>>)
    %dma_start3A_478 = arith.constant 3 : i32
    %dma_start3A_479 = arith.constant 1536 : i32
    %dma_start3A_480 = tpu.memref_slice %arg7[%dma_start3A_479] : memref<8192xi32, #tpu.memory_space<vmem>> -> memref<512xi32, #tpu.memory_space<vmem>>
    %dma_start3A_481 = tpu.memref_slice %arg13[%dma_start3A_478, %mul3A_426] : memref<16x8192xi32, #tpu.memory_space<vmem_shared>> -> memref<1x512xi32, #tpu.memory_space<vmem_shared>>
    %dma_start3A_482 = tpu.memref_squeeze %dma_start3A_481 : memref<1x512xi32, #tpu.memory_space<vmem_shared>> -> memref<512xi32, #tpu.memory_space<vmem_shared>>
    %dma_start3A_483 = arith.constant 1536 : i32
    %dma_start3A_484 = tpu.memref_slice %arg7[%dma_start3A_483] : memref<8192xi32, #tpu.memory_space<vmem>> -> memref<512xi32, #tpu.memory_space<vmem>>
    %dma_start3A_485 = tpu.memref_slice %arg13[%dma_start3A_478, %mul3A_426] : memref<16x8192xi32, #tpu.memory_space<vmem_shared>> -> memref<1x512xi32, #tpu.memory_space<vmem_shared>>
    %dma_start3A_486 = tpu.memref_squeeze %dma_start3A_485 : memref<1x512xi32, #tpu.memory_space<vmem_shared>> -> memref<512xi32, #tpu.memory_space<vmem_shared>>
    tpu.enqueue_dma source(%dma_start3A_486 : memref<512xi32, #tpu.memory_space<vmem_shared>>) target(%dma_start3A_484 : memref<512xi32, #tpu.memory_space<vmem>>) target_semaphore(%arg12 : memref<!tpu.dma_semaphore, #tpu.memory_space<semaphore_mem>>)
    %dma_start3A_487 = arith.constant 4 : i32
    %dma_start3A_488 = arith.constant 2048 : i32
    %dma_start3A_489 = tpu.memref_slice %arg7[%dma_start3A_488] : memref<8192xi32, #tpu.memory_space<vmem>> -> memref<512xi32, #tpu.memory_space<vmem>>
    %dma_start3A_490 = tpu.memref_slice %arg13[%dma_start3A_487, %mul3A_428] : memref<16x8192xi32, #tpu.memory_space<vmem_shared>> -> memref<1x512xi32, #tpu.memory_space<vmem_shared>>
    %dma_start3A_491 = tpu.memref_squeeze %dma_start3A_490 : memref<1x512xi32, #tpu.memory_space<vmem_shared>> -> memref<512xi32, #tpu.memory_space<vmem_shared>>
    %dma_start3A_492 = arith.constant 2048 : i32
    %dma_start3A_493 = tpu.memref_slice %arg7[%dma_start3A_492] : memref<8192xi32, #tpu.memory_space<vmem>> -> memref<512xi32, #tpu.memory_space<vmem>>
    %dma_start3A_494 = tpu.memref_slice %arg13[%dma_start3A_487, %mul3A_428] : memref<16x8192xi32, #tpu.memory_space<vmem_shared>> -> memref<1x512xi32, #tpu.memory_space<vmem_shared>>
    %dma_start3A_495 = tpu.memref_squeeze %dma_start3A_494 : memref<1x512xi32, #tpu.memory_space<vmem_shared>> -> memref<512xi32, #tpu.memory_space<vmem_shared>>
    tpu.enqueue_dma source(%dma_start3A_495 : memref<512xi32, #tpu.memory_space<vmem_shared>>) target(%dma_start3A_493 : memref<512xi32, #tpu.memory_space<vmem>>) target_semaphore(%arg12 : memref<!tpu.dma_semaphore, #tpu.memory_space<semaphore_mem>>)
    %dma_start3A_496 = arith.constant 5 : i32
    %dma_start3A_497 = arith.constant 2560 : i32
    %dma_start3A_498 = tpu.memref_slice %arg7[%dma_start3A_497] : memref<8192xi32, #tpu.memory_space<vmem>> -> memref<512xi32, #tpu.memory_space<vmem>>
    %dma_start3A_499 = tpu.memref_slice %arg13[%dma_start3A_496, %mul3A_430] : memref<16x8192xi32, #tpu.memory_space<vmem_shared>> -> memref<1x512xi32, #tpu.memory_space<vmem_shared>>
    %dma_start3A_500 = tpu.memref_squeeze %dma_start3A_499 : memref<1x512xi32, #tpu.memory_space<vmem_shared>> -> memref<512xi32, #tpu.memory_space<vmem_shared>>
    %dma_start3A_501 = arith.constant 2560 : i32
    %dma_start3A_502 = tpu.memref_slice %arg7[%dma_start3A_501] : memref<8192xi32, #tpu.memory_space<vmem>> -> memref<512xi32, #tpu.memory_space<vmem>>
    %dma_start3A_503 = tpu.memref_slice %arg13[%dma_start3A_496, %mul3A_430] : memref<16x8192xi32, #tpu.memory_space<vmem_shared>> -> memref<1x512xi32, #tpu.memory_space<vmem_shared>>
    %dma_start3A_504 = tpu.memref_squeeze %dma_start3A_503 : memref<1x512xi32, #tpu.memory_space<vmem_shared>> -> memref<512xi32, #tpu.memory_space<vmem_shared>>
    tpu.enqueue_dma source(%dma_start3A_504 : memref<512xi32, #tpu.memory_space<vmem_shared>>) target(%dma_start3A_502 : memref<512xi32, #tpu.memory_space<vmem>>) target_semaphore(%arg12 : memref<!tpu.dma_semaphore, #tpu.memory_space<semaphore_mem>>)
    %dma_start3A_505 = arith.constant 6 : i32
    %dma_start3A_506 = arith.constant 3072 : i32
    %dma_start3A_507 = tpu.memref_slice %arg7[%dma_start3A_506] : memref<8192xi32, #tpu.memory_space<vmem>> -> memref<512xi32, #tpu.memory_space<vmem>>
    %dma_start3A_508 = tpu.memref_slice %arg13[%dma_start3A_505, %mul3A_432] : memref<16x8192xi32, #tpu.memory_space<vmem_shared>> -> memref<1x512xi32, #tpu.memory_space<vmem_shared>>
    %dma_start3A_509 = tpu.memref_squeeze %dma_start3A_508 : memref<1x512xi32, #tpu.memory_space<vmem_shared>> -> memref<512xi32, #tpu.memory_space<vmem_shared>>
    %dma_start3A_510 = arith.constant 3072 : i32
    %dma_start3A_511 = tpu.memref_slice %arg7[%dma_start3A_510] : memref<8192xi32, #tpu.memory_space<vmem>> -> memref<512xi32, #tpu.memory_space<vmem>>
    %dma_start3A_512 = tpu.memref_slice %arg13[%dma_start3A_505, %mul3A_432] : memref<16x8192xi32, #tpu.memory_space<vmem_shared>> -> memref<1x512xi32, #tpu.memory_space<vmem_shared>>
    %dma_start3A_513 = tpu.memref_squeeze %dma_start3A_512 : memref<1x512xi32, #tpu.memory_space<vmem_shared>> -> memref<512xi32, #tpu.memory_space<vmem_shared>>
    tpu.enqueue_dma source(%dma_start3A_513 : memref<512xi32, #tpu.memory_space<vmem_shared>>) target(%dma_start3A_511 : memref<512xi32, #tpu.memory_space<vmem>>) target_semaphore(%arg12 : memref<!tpu.dma_semaphore, #tpu.memory_space<semaphore_mem>>)
    %dma_start3A_514 = arith.constant 7 : i32
    %dma_start3A_515 = arith.constant 3584 : i32
    %dma_start3A_516 = tpu.memref_slice %arg7[%dma_start3A_515] : memref<8192xi32, #tpu.memory_space<vmem>> -> memref<512xi32, #tpu.memory_space<vmem>>
    %dma_start3A_517 = tpu.memref_slice %arg13[%dma_start3A_514, %mul3A_434] : memref<16x8192xi32, #tpu.memory_space<vmem_shared>> -> memref<1x512xi32, #tpu.memory_space<vmem_shared>>
    %dma_start3A_518 = tpu.memref_squeeze %dma_start3A_517 : memref<1x512xi32, #tpu.memory_space<vmem_shared>> -> memref<512xi32, #tpu.memory_space<vmem_shared>>
    %dma_start3A_519 = arith.constant 3584 : i32
    %dma_start3A_520 = tpu.memref_slice %arg7[%dma_start3A_519] : memref<8192xi32, #tpu.memory_space<vmem>> -> memref<512xi32, #tpu.memory_space<vmem>>
    %dma_start3A_521 = tpu.memref_slice %arg13[%dma_start3A_514, %mul3A_434] : memref<16x8192xi32, #tpu.memory_space<vmem_shared>> -> memref<1x512xi32, #tpu.memory_space<vmem_shared>>
    %dma_start3A_522 = tpu.memref_squeeze %dma_start3A_521 : memref<1x512xi32, #tpu.memory_space<vmem_shared>> -> memref<512xi32, #tpu.memory_space<vmem_shared>>
    tpu.enqueue_dma source(%dma_start3A_522 : memref<512xi32, #tpu.memory_space<vmem_shared>>) target(%dma_start3A_520 : memref<512xi32, #tpu.memory_space<vmem>>) target_semaphore(%arg12 : memref<!tpu.dma_semaphore, #tpu.memory_space<semaphore_mem>>)
    %dma_start3A_523 = arith.constant 8 : i32
    %dma_start3A_524 = arith.constant 4096 : i32
    %dma_start3A_525 = tpu.memref_slice %arg7[%dma_start3A_524] : memref<8192xi32, #tpu.memory_space<vmem>> -> memref<512xi32, #tpu.memory_space<vmem>>
    %dma_start3A_526 = tpu.memref_slice %arg13[%dma_start3A_523, %mul3A_436] : memref<16x8192xi32, #tpu.memory_space<vmem_shared>> -> memref<1x512xi32, #tpu.memory_space<vmem_shared>>
    %dma_start3A_527 = tpu.memref_squeeze %dma_start3A_526 : memref<1x512xi32, #tpu.memory_space<vmem_shared>> -> memref<512xi32, #tpu.memory_space<vmem_shared>>
    %dma_start3A_528 = arith.constant 4096 : i32
    %dma_start3A_529 = tpu.memref_slice %arg7[%dma_start3A_528] : memref<8192xi32, #tpu.memory_space<vmem>> -> memref<512xi32, #tpu.memory_space<vmem>>
    %dma_start3A_530 = tpu.memref_slice %arg13[%dma_start3A_523, %mul3A_436] : memref<16x8192xi32, #tpu.memory_space<vmem_shared>> -> memref<1x512xi32, #tpu.memory_space<vmem_shared>>
    %dma_start3A_531 = tpu.memref_squeeze %dma_start3A_530 : memref<1x512xi32, #tpu.memory_space<vmem_shared>> -> memref<512xi32, #tpu.memory_space<vmem_shared>>
    tpu.enqueue_dma source(%dma_start3A_531 : memref<512xi32, #tpu.memory_space<vmem_shared>>) target(%dma_start3A_529 : memref<512xi32, #tpu.memory_space<vmem>>) target_semaphore(%arg12 : memref<!tpu.dma_semaphore, #tpu.memory_space<semaphore_mem>>)
    %dma_start3A_532 = arith.constant 9 : i32
    %dma_start3A_533 = arith.constant 4608 : i32
    %dma_start3A_534 = tpu.memref_slice %arg7[%dma_start3A_533] : memref<8192xi32, #tpu.memory_space<vmem>> -> memref<512xi32, #tpu.memory_space<vmem>>
    %dma_start3A_535 = tpu.memref_slice %arg13[%dma_start3A_532, %mul3A_438] : memref<16x8192xi32, #tpu.memory_space<vmem_shared>> -> memref<1x512xi32, #tpu.memory_space<vmem_shared>>
    %dma_start3A_536 = tpu.memref_squeeze %dma_start3A_535 : memref<1x512xi32, #tpu.memory_space<vmem_shared>> -> memref<512xi32, #tpu.memory_space<vmem_shared>>
    %dma_start3A_537 = arith.constant 4608 : i32
    %dma_start3A_538 = tpu.memref_slice %arg7[%dma_start3A_537] : memref<8192xi32, #tpu.memory_space<vmem>> -> memref<512xi32, #tpu.memory_space<vmem>>
    %dma_start3A_539 = tpu.memref_slice %arg13[%dma_start3A_532, %mul3A_438] : memref<16x8192xi32, #tpu.memory_space<vmem_shared>> -> memref<1x512xi32, #tpu.memory_space<vmem_shared>>
    %dma_start3A_540 = tpu.memref_squeeze %dma_start3A_539 : memref<1x512xi32, #tpu.memory_space<vmem_shared>> -> memref<512xi32, #tpu.memory_space<vmem_shared>>
    tpu.enqueue_dma source(%dma_start3A_540 : memref<512xi32, #tpu.memory_space<vmem_shared>>) target(%dma_start3A_538 : memref<512xi32, #tpu.memory_space<vmem>>) target_semaphore(%arg12 : memref<!tpu.dma_semaphore, #tpu.memory_space<semaphore_mem>>)
    %dma_start3A_541 = arith.constant 10 : i32
    %dma_start3A_542 = arith.constant 5120 : i32
    %dma_start3A_543 = tpu.memref_slice %arg7[%dma_start3A_542] : memref<8192xi32, #tpu.memory_space<vmem>> -> memref<512xi32, #tpu.memory_space<vmem>>
    %dma_start3A_544 = tpu.memref_slice %arg13[%dma_start3A_541, %mul3A_440] : memref<16x8192xi32, #tpu.memory_space<vmem_shared>> -> memref<1x512xi32, #tpu.memory_space<vmem_shared>>
    %dma_start3A_545 = tpu.memref_squeeze %dma_start3A_544 : memref<1x512xi32, #tpu.memory_space<vmem_shared>> -> memref<512xi32, #tpu.memory_space<vmem_shared>>
    %dma_start3A_546 = arith.constant 5120 : i32
    %dma_start3A_547 = tpu.memref_slice %arg7[%dma_start3A_546] : memref<8192xi32, #tpu.memory_space<vmem>> -> memref<512xi32, #tpu.memory_space<vmem>>
    %dma_start3A_548 = tpu.memref_slice %arg13[%dma_start3A_541, %mul3A_440] : memref<16x8192xi32, #tpu.memory_space<vmem_shared>> -> memref<1x512xi32, #tpu.memory_space<vmem_shared>>
    %dma_start3A_549 = tpu.memref_squeeze %dma_start3A_548 : memref<1x512xi32, #tpu.memory_space<vmem_shared>> -> memref<512xi32, #tpu.memory_space<vmem_shared>>
    tpu.enqueue_dma source(%dma_start3A_549 : memref<512xi32, #tpu.memory_space<vmem_shared>>) target(%dma_start3A_547 : memref<512xi32, #tpu.memory_space<vmem>>) target_semaphore(%arg12 : memref<!tpu.dma_semaphore, #tpu.memory_space<semaphore_mem>>)
    %dma_start3A_550 = arith.constant 11 : i32
    %dma_start3A_551 = arith.constant 5632 : i32
    %dma_start3A_552 = tpu.memref_slice %arg7[%dma_start3A_551] : memref<8192xi32, #tpu.memory_space<vmem>> -> memref<512xi32, #tpu.memory_space<vmem>>
    %dma_start3A_553 = tpu.memref_slice %arg13[%dma_start3A_550, %mul3A_442] : memref<16x8192xi32, #tpu.memory_space<vmem_shared>> -> memref<1x512xi32, #tpu.memory_space<vmem_shared>>
    %dma_start3A_554 = tpu.memref_squeeze %dma_start3A_553 : memref<1x512xi32, #tpu.memory_space<vmem_shared>> -> memref<512xi32, #tpu.memory_space<vmem_shared>>
    %dma_start3A_555 = arith.constant 5632 : i32
    %dma_start3A_556 = tpu.memref_slice %arg7[%dma_start3A_555] : memref<8192xi32, #tpu.memory_space<vmem>> -> memref<512xi32, #tpu.memory_space<vmem>>
    %dma_start3A_557 = tpu.memref_slice %arg13[%dma_start3A_550, %mul3A_442] : memref<16x8192xi32, #tpu.memory_space<vmem_shared>> -> memref<1x512xi32, #tpu.memory_space<vmem_shared>>
    %dma_start3A_558 = tpu.memref_squeeze %dma_start3A_557 : memref<1x512xi32, #tpu.memory_space<vmem_shared>> -> memref<512xi32, #tpu.memory_space<vmem_shared>>
    tpu.enqueue_dma source(%dma_start3A_558 : memref<512xi32, #tpu.memory_space<vmem_shared>>) target(%dma_start3A_556 : memref<512xi32, #tpu.memory_space<vmem>>) target_semaphore(%arg12 : memref<!tpu.dma_semaphore, #tpu.memory_space<semaphore_mem>>)
    %dma_start3A_559 = arith.constant 12 : i32
    %dma_start3A_560 = arith.constant 6144 : i32
    %dma_start3A_561 = tpu.memref_slice %arg7[%dma_start3A_560] : memref<8192xi32, #tpu.memory_space<vmem>> -> memref<512xi32, #tpu.memory_space<vmem>>
    %dma_start3A_562 = tpu.memref_slice %arg13[%dma_start3A_559, %mul3A_444] : memref<16x8192xi32, #tpu.memory_space<vmem_shared>> -> memref<1x512xi32, #tpu.memory_space<vmem_shared>>
    %dma_start3A_563 = tpu.memref_squeeze %dma_start3A_562 : memref<1x512xi32, #tpu.memory_space<vmem_shared>> -> memref<512xi32, #tpu.memory_space<vmem_shared>>
    %dma_start3A_564 = arith.constant 6144 : i32
    %dma_start3A_565 = tpu.memref_slice %arg7[%dma_start3A_564] : memref<8192xi32, #tpu.memory_space<vmem>> -> memref<512xi32, #tpu.memory_space<vmem>>
    %dma_start3A_566 = tpu.memref_slice %arg13[%dma_start3A_559, %mul3A_444] : memref<16x8192xi32, #tpu.memory_space<vmem_shared>> -> memref<1x512xi32, #tpu.memory_space<vmem_shared>>
    %dma_start3A_567 = tpu.memref_squeeze %dma_start3A_566 : memref<1x512xi32, #tpu.memory_space<vmem_shared>> -> memref<512xi32, #tpu.memory_space<vmem_shared>>
    tpu.enqueue_dma source(%dma_start3A_567 : memref<512xi32, #tpu.memory_space<vmem_shared>>) target(%dma_start3A_565 : memref<512xi32, #tpu.memory_space<vmem>>) target_semaphore(%arg12 : memref<!tpu.dma_semaphore, #tpu.memory_space<semaphore_mem>>)
    %dma_start3A_568 = arith.constant 13 : i32
    %dma_start3A_569 = arith.constant 6656 : i32
    %dma_start3A_570 = tpu.memref_slice %arg7[%dma_start3A_569] : memref<8192xi32, #tpu.memory_space<vmem>> -> memref<512xi32, #tpu.memory_space<vmem>>
    %dma_start3A_571 = tpu.memref_slice %arg13[%dma_start3A_568, %mul3A_446] : memref<16x8192xi32, #tpu.memory_space<vmem_shared>> -> memref<1x512xi32, #tpu.memory_space<vmem_shared>>
    %dma_start3A_572 = tpu.memref_squeeze %dma_start3A_571 : memref<1x512xi32, #tpu.memory_space<vmem_shared>> -> memref<512xi32, #tpu.memory_space<vmem_shared>>
    %dma_start3A_573 = arith.constant 6656 : i32
    %dma_start3A_574 = tpu.memref_slice %arg7[%dma_start3A_573] : memref<8192xi32, #tpu.memory_space<vmem>> -> memref<512xi32, #tpu.memory_space<vmem>>
    %dma_start3A_575 = tpu.memref_slice %arg13[%dma_start3A_568, %mul3A_446] : memref<16x8192xi32, #tpu.memory_space<vmem_shared>> -> memref<1x512xi32, #tpu.memory_space<vmem_shared>>
    %dma_start3A_576 = tpu.memref_squeeze %dma_start3A_575 : memref<1x512xi32, #tpu.memory_space<vmem_shared>> -> memref<512xi32, #tpu.memory_space<vmem_shared>>
    tpu.enqueue_dma source(%dma_start3A_576 : memref<512xi32, #tpu.memory_space<vmem_shared>>) target(%dma_start3A_574 : memref<512xi32, #tpu.memory_space<vmem>>) target_semaphore(%arg12 : memref<!tpu.dma_semaphore, #tpu.memory_space<semaphore_mem>>)
    %dma_start3A_577 = arith.constant 14 : i32
    %dma_start3A_578 = arith.constant 7168 : i32
    %dma_start3A_579 = tpu.memref_slice %arg7[%dma_start3A_578] : memref<8192xi32, #tpu.memory_space<vmem>> -> memref<512xi32, #tpu.memory_space<vmem>>
    %dma_start3A_580 = tpu.memref_slice %arg13[%dma_start3A_577, %mul3A_448] : memref<16x8192xi32, #tpu.memory_space<vmem_shared>> -> memref<1x512xi32, #tpu.memory_space<vmem_shared>>
    %dma_start3A_581 = tpu.memref_squeeze %dma_start3A_580 : memref<1x512xi32, #tpu.memory_space<vmem_shared>> -> memref<512xi32, #tpu.memory_space<vmem_shared>>
    %dma_start3A_582 = arith.constant 7168 : i32
    %dma_start3A_583 = tpu.memref_slice %arg7[%dma_start3A_582] : memref<8192xi32, #tpu.memory_space<vmem>> -> memref<512xi32, #tpu.memory_space<vmem>>
    %dma_start3A_584 = tpu.memref_slice %arg13[%dma_start3A_577, %mul3A_448] : memref<16x8192xi32, #tpu.memory_space<vmem_shared>> -> memref<1x512xi32, #tpu.memory_space<vmem_shared>>
    %dma_start3A_585 = tpu.memref_squeeze %dma_start3A_584 : memref<1x512xi32, #tpu.memory_space<vmem_shared>> -> memref<512xi32, #tpu.memory_space<vmem_shared>>
    tpu.enqueue_dma source(%dma_start3A_585 : memref<512xi32, #tpu.memory_space<vmem_shared>>) target(%dma_start3A_583 : memref<512xi32, #tpu.memory_space<vmem>>) target_semaphore(%arg12 : memref<!tpu.dma_semaphore, #tpu.memory_space<semaphore_mem>>)
    %dma_start3A_586 = arith.constant 15 : i32
    %dma_start3A_587 = arith.constant 7680 : i32
    %dma_start3A_588 = tpu.memref_slice %arg7[%dma_start3A_587] : memref<8192xi32, #tpu.memory_space<vmem>> -> memref<512xi32, #tpu.memory_space<vmem>>
    %dma_start3A_589 = tpu.memref_slice %arg13[%dma_start3A_586, %mul3A_450] : memref<16x8192xi32, #tpu.memory_space<vmem_shared>> -> memref<1x512xi32, #tpu.memory_space<vmem_shared>>
    %dma_start3A_590 = tpu.memref_squeeze %dma_start3A_589 : memref<1x512xi32, #tpu.memory_space<vmem_shared>> -> memref<512xi32, #tpu.memory_space<vmem_shared>>
    %dma_start3A_591 = arith.constant 7680 : i32
    %dma_start3A_592 = tpu.memref_slice %arg7[%dma_start3A_591] : memref<8192xi32, #tpu.memory_space<vmem>> -> memref<512xi32, #tpu.memory_space<vmem>>
    %dma_start3A_593 = tpu.memref_slice %arg13[%dma_start3A_586, %mul3A_450] : memref<16x8192xi32, #tpu.memory_space<vmem_shared>> -> memref<1x512xi32, #tpu.memory_space<vmem_shared>>
    %dma_start3A_594 = tpu.memref_squeeze %dma_start3A_593 : memref<1x512xi32, #tpu.memory_space<vmem_shared>> -> memref<512xi32, #tpu.memory_space<vmem_shared>>
    tpu.enqueue_dma source(%dma_start3A_594 : memref<512xi32, #tpu.memory_space<vmem_shared>>) target(%dma_start3A_592 : memref<512xi32, #tpu.memory_space<vmem>>) target_semaphore(%arg12 : memref<!tpu.dma_semaphore, #tpu.memory_space<semaphore_mem>>)
    %dma_wait3A_595 = arith.constant 0 : i32
    %dma_wait3A_596 = arith.constant 0 : i32
    %dma_wait3A_597 = tpu.memref_slice %arg7[%dma_wait3A_596] : memref<8192xi32, #tpu.memory_space<vmem>> -> memref<512xi32, #tpu.memory_space<vmem>>
    %dma_wait3A_598 = tpu.memref_slice %arg13[%dma_wait3A_595, %mul3A_420] : memref<16x8192xi32, #tpu.memory_space<vmem_shared>> -> memref<1x512xi32, #tpu.memory_space<vmem_shared>>
    %dma_wait3A_599 = tpu.memref_squeeze %dma_wait3A_598 : memref<1x512xi32, #tpu.memory_space<vmem_shared>> -> memref<512xi32, #tpu.memory_space<vmem_shared>>
    %dma_wait3A_600 = arith.constant 0 : i32
    %dma_wait3A_601 = tpu.memref_slice %arg7[%dma_wait3A_600] : memref<8192xi32, #tpu.memory_space<vmem>> -> memref<512xi32, #tpu.memory_space<vmem>>
    %dma_wait3A_602 = tpu.memref_slice %arg13[%dma_wait3A_595, %mul3A_420] : memref<16x8192xi32, #tpu.memory_space<vmem_shared>> -> memref<1x512xi32, #tpu.memory_space<vmem_shared>>
    %dma_wait3A_603 = tpu.memref_squeeze %dma_wait3A_602 : memref<1x512xi32, #tpu.memory_space<vmem_shared>> -> memref<512xi32, #tpu.memory_space<vmem_shared>>
    tpu.wait_dma2 semaphore(%arg12 : memref<!tpu.dma_semaphore, #tpu.memory_space<semaphore_mem>>) src(%dma_wait3A_603 : memref<512xi32, #tpu.memory_space<vmem_shared>>) dst(%dma_wait3A_601 : memref<512xi32, #tpu.memory_space<vmem>>)
    %dma_wait3A_604 = arith.constant 1 : i32
    %dma_wait3A_605 = arith.constant 512 : i32
    %dma_wait3A_606 = tpu.memref_slice %arg7[%dma_wait3A_605] : memref<8192xi32, #tpu.memory_space<vmem>> -> memref<512xi32, #tpu.memory_space<vmem>>
    %dma_wait3A_607 = tpu.memref_slice %arg13[%dma_wait3A_604, %mul3A_422] : memref<16x8192xi32, #tpu.memory_space<vmem_shared>> -> memref<1x512xi32, #tpu.memory_space<vmem_shared>>
    %dma_wait3A_608 = tpu.memref_squeeze %dma_wait3A_607 : memref<1x512xi32, #tpu.memory_space<vmem_shared>> -> memref<512xi32, #tpu.memory_space<vmem_shared>>
    %dma_wait3A_609 = arith.constant 512 : i32
    %dma_wait3A_610 = tpu.memref_slice %arg7[%dma_wait3A_609] : memref<8192xi32, #tpu.memory_space<vmem>> -> memref<512xi32, #tpu.memory_space<vmem>>
    %dma_wait3A_611 = tpu.memref_slice %arg13[%dma_wait3A_604, %mul3A_422] : memref<16x8192xi32, #tpu.memory_space<vmem_shared>> -> memref<1x512xi32, #tpu.memory_space<vmem_shared>>
    %dma_wait3A_612 = tpu.memref_squeeze %dma_wait3A_611 : memref<1x512xi32, #tpu.memory_space<vmem_shared>> -> memref<512xi32, #tpu.memory_space<vmem_shared>>
    tpu.wait_dma2 semaphore(%arg12 : memref<!tpu.dma_semaphore, #tpu.memory_space<semaphore_mem>>) src(%dma_wait3A_612 : memref<512xi32, #tpu.memory_space<vmem_shared>>) dst(%dma_wait3A_610 : memref<512xi32, #tpu.memory_space<vmem>>)
    %dma_wait3A_613 = arith.constant 2 : i32
    %dma_wait3A_614 = arith.constant 1024 : i32
    %dma_wait3A_615 = tpu.memref_slice %arg7[%dma_wait3A_614] : memref<8192xi32, #tpu.memory_space<vmem>> -> memref<512xi32, #tpu.memory_space<vmem>>
    %dma_wait3A_616 = tpu.memref_slice %arg13[%dma_wait3A_613, %mul3A_424] : memref<16x8192xi32, #tpu.memory_space<vmem_shared>> -> memref<1x512xi32, #tpu.memory_space<vmem_shared>>
    %dma_wait3A_617 = tpu.memref_squeeze %dma_wait3A_616 : memref<1x512xi32, #tpu.memory_space<vmem_shared>> -> memref<512xi32, #tpu.memory_space<vmem_shared>>
    %dma_wait3A_618 = arith.constant 1024 : i32
    %dma_wait3A_619 = tpu.memref_slice %arg7[%dma_wait3A_618] : memref<8192xi32, #tpu.memory_space<vmem>> -> memref<512xi32, #tpu.memory_space<vmem>>
    %dma_wait3A_620 = tpu.memref_slice %arg13[%dma_wait3A_613, %mul3A_424] : memref<16x8192xi32, #tpu.memory_space<vmem_shared>> -> memref<1x512xi32, #tpu.memory_space<vmem_shared>>
    %dma_wait3A_621 = tpu.memref_squeeze %dma_wait3A_620 : memref<1x512xi32, #tpu.memory_space<vmem_shared>> -> memref<512xi32, #tpu.memory_space<vmem_shared>>
    tpu.wait_dma2 semaphore(%arg12 : memref<!tpu.dma_semaphore, #tpu.memory_space<semaphore_mem>>) src(%dma_wait3A_621 : memref<512xi32, #tpu.memory_space<vmem_shared>>) dst(%dma_wait3A_619 : memref<512xi32, #tpu.memory_space<vmem>>)
    %dma_wait3A_622 = arith.constant 3 : i32
    %dma_wait3A_623 = arith.constant 1536 : i32
    %dma_wait3A_624 = tpu.memref_slice %arg7[%dma_wait3A_623] : memref<8192xi32, #tpu.memory_space<vmem>> -> memref<512xi32, #tpu.memory_space<vmem>>
    %dma_wait3A_625 = tpu.memref_slice %arg13[%dma_wait3A_622, %mul3A_426] : memref<16x8192xi32, #tpu.memory_space<vmem_shared>> -> memref<1x512xi32, #tpu.memory_space<vmem_shared>>
    %dma_wait3A_626 = tpu.memref_squeeze %dma_wait3A_625 : memref<1x512xi32, #tpu.memory_space<vmem_shared>> -> memref<512xi32, #tpu.memory_space<vmem_shared>>
    %dma_wait3A_627 = arith.constant 1536 : i32
    %dma_wait3A_628 = tpu.memref_slice %arg7[%dma_wait3A_627] : memref<8192xi32, #tpu.memory_space<vmem>> -> memref<512xi32, #tpu.memory_space<vmem>>
    %dma_wait3A_629 = tpu.memref_slice %arg13[%dma_wait3A_622, %mul3A_426] : memref<16x8192xi32, #tpu.memory_space<vmem_shared>> -> memref<1x512xi32, #tpu.memory_space<vmem_shared>>
    %dma_wait3A_630 = tpu.memref_squeeze %dma_wait3A_629 : memref<1x512xi32, #tpu.memory_space<vmem_shared>> -> memref<512xi32, #tpu.memory_space<vmem_shared>>
    tpu.wait_dma2 semaphore(%arg12 : memref<!tpu.dma_semaphore, #tpu.memory_space<semaphore_mem>>) src(%dma_wait3A_630 : memref<512xi32, #tpu.memory_space<vmem_shared>>) dst(%dma_wait3A_628 : memref<512xi32, #tpu.memory_space<vmem>>)
    %dma_wait3A_631 = arith.constant 4 : i32
    %dma_wait3A_632 = arith.constant 2048 : i32
    %dma_wait3A_633 = tpu.memref_slice %arg7[%dma_wait3A_632] : memref<8192xi32, #tpu.memory_space<vmem>> -> memref<512xi32, #tpu.memory_space<vmem>>
    %dma_wait3A_634 = tpu.memref_slice %arg13[%dma_wait3A_631, %mul3A_428] : memref<16x8192xi32, #tpu.memory_space<vmem_shared>> -> memref<1x512xi32, #tpu.memory_space<vmem_shared>>
    %dma_wait3A_635 = tpu.memref_squeeze %dma_wait3A_634 : memref<1x512xi32, #tpu.memory_space<vmem_shared>> -> memref<512xi32, #tpu.memory_space<vmem_shared>>
    %dma_wait3A_636 = arith.constant 2048 : i32
    %dma_wait3A_637 = tpu.memref_slice %arg7[%dma_wait3A_636] : memref<8192xi32, #tpu.memory_space<vmem>> -> memref<512xi32, #tpu.memory_space<vmem>>
    %dma_wait3A_638 = tpu.memref_slice %arg13[%dma_wait3A_631, %mul3A_428] : memref<16x8192xi32, #tpu.memory_space<vmem_shared>> -> memref<1x512xi32, #tpu.memory_space<vmem_shared>>
    %dma_wait3A_639 = tpu.memref_squeeze %dma_wait3A_638 : memref<1x512xi32, #tpu.memory_space<vmem_shared>> -> memref<512xi32, #tpu.memory_space<vmem_shared>>
    tpu.wait_dma2 semaphore(%arg12 : memref<!tpu.dma_semaphore, #tpu.memory_space<semaphore_mem>>) src(%dma_wait3A_639 : memref<512xi32, #tpu.memory_space<vmem_shared>>) dst(%dma_wait3A_637 : memref<512xi32, #tpu.memory_space<vmem>>)
    %dma_wait3A_640 = arith.constant 5 : i32
    %dma_wait3A_641 = arith.constant 2560 : i32
    %dma_wait3A_642 = tpu.memref_slice %arg7[%dma_wait3A_641] : memref<8192xi32, #tpu.memory_space<vmem>> -> memref<512xi32, #tpu.memory_space<vmem>>
    %dma_wait3A_643 = tpu.memref_slice %arg13[%dma_wait3A_640, %mul3A_430] : memref<16x8192xi32, #tpu.memory_space<vmem_shared>> -> memref<1x512xi32, #tpu.memory_space<vmem_shared>>
    %dma_wait3A_644 = tpu.memref_squeeze %dma_wait3A_643 : memref<1x512xi32, #tpu.memory_space<vmem_shared>> -> memref<512xi32, #tpu.memory_space<vmem_shared>>
    %dma_wait3A_645 = arith.constant 2560 : i32
    %dma_wait3A_646 = tpu.memref_slice %arg7[%dma_wait3A_645] : memref<8192xi32, #tpu.memory_space<vmem>> -> memref<512xi32, #tpu.memory_space<vmem>>
    %dma_wait3A_647 = tpu.memref_slice %arg13[%dma_wait3A_640, %mul3A_430] : memref<16x8192xi32, #tpu.memory_space<vmem_shared>> -> memref<1x512xi32, #tpu.memory_space<vmem_shared>>
    %dma_wait3A_648 = tpu.memref_squeeze %dma_wait3A_647 : memref<1x512xi32, #tpu.memory_space<vmem_shared>> -> memref<512xi32, #tpu.memory_space<vmem_shared>>
    tpu.wait_dma2 semaphore(%arg12 : memref<!tpu.dma_semaphore, #tpu.memory_space<semaphore_mem>>) src(%dma_wait3A_648 : memref<512xi32, #tpu.memory_space<vmem_shared>>) dst(%dma_wait3A_646 : memref<512xi32, #tpu.memory_space<vmem>>)
    %dma_wait3A_649 = arith.constant 6 : i32
    %dma_wait3A_650 = arith.constant 3072 : i32
    %dma_wait3A_651 = tpu.memref_slice %arg7[%dma_wait3A_650] : memref<8192xi32, #tpu.memory_space<vmem>> -> memref<512xi32, #tpu.memory_space<vmem>>
    %dma_wait3A_652 = tpu.memref_slice %arg13[%dma_wait3A_649, %mul3A_432] : memref<16x8192xi32, #tpu.memory_space<vmem_shared>> -> memref<1x512xi32, #tpu.memory_space<vmem_shared>>
    %dma_wait3A_653 = tpu.memref_squeeze %dma_wait3A_652 : memref<1x512xi32, #tpu.memory_space<vmem_shared>> -> memref<512xi32, #tpu.memory_space<vmem_shared>>
    %dma_wait3A_654 = arith.constant 3072 : i32
    %dma_wait3A_655 = tpu.memref_slice %arg7[%dma_wait3A_654] : memref<8192xi32, #tpu.memory_space<vmem>> -> memref<512xi32, #tpu.memory_space<vmem>>
    %dma_wait3A_656 = tpu.memref_slice %arg13[%dma_wait3A_649, %mul3A_432] : memref<16x8192xi32, #tpu.memory_space<vmem_shared>> -> memref<1x512xi32, #tpu.memory_space<vmem_shared>>
    %dma_wait3A_657 = tpu.memref_squeeze %dma_wait3A_656 : memref<1x512xi32, #tpu.memory_space<vmem_shared>> -> memref<512xi32, #tpu.memory_space<vmem_shared>>
    tpu.wait_dma2 semaphore(%arg12 : memref<!tpu.dma_semaphore, #tpu.memory_space<semaphore_mem>>) src(%dma_wait3A_657 : memref<512xi32, #tpu.memory_space<vmem_shared>>) dst(%dma_wait3A_655 : memref<512xi32, #tpu.memory_space<vmem>>)
    %dma_wait3A_658 = arith.constant 7 : i32
    %dma_wait3A_659 = arith.constant 3584 : i32
    %dma_wait3A_660 = tpu.memref_slice %arg7[%dma_wait3A_659] : memref<8192xi32, #tpu.memory_space<vmem>> -> memref<512xi32, #tpu.memory_space<vmem>>
    %dma_wait3A_661 = tpu.memref_slice %arg13[%dma_wait3A_658, %mul3A_434] : memref<16x8192xi32, #tpu.memory_space<vmem_shared>> -> memref<1x512xi32, #tpu.memory_space<vmem_shared>>
    %dma_wait3A_662 = tpu.memref_squeeze %dma_wait3A_661 : memref<1x512xi32, #tpu.memory_space<vmem_shared>> -> memref<512xi32, #tpu.memory_space<vmem_shared>>
    %dma_wait3A_663 = arith.constant 3584 : i32
    %dma_wait3A_664 = tpu.memref_slice %arg7[%dma_wait3A_663] : memref<8192xi32, #tpu.memory_space<vmem>> -> memref<512xi32, #tpu.memory_space<vmem>>
    %dma_wait3A_665 = tpu.memref_slice %arg13[%dma_wait3A_658, %mul3A_434] : memref<16x8192xi32, #tpu.memory_space<vmem_shared>> -> memref<1x512xi32, #tpu.memory_space<vmem_shared>>
    %dma_wait3A_666 = tpu.memref_squeeze %dma_wait3A_665 : memref<1x512xi32, #tpu.memory_space<vmem_shared>> -> memref<512xi32, #tpu.memory_space<vmem_shared>>
    tpu.wait_dma2 semaphore(%arg12 : memref<!tpu.dma_semaphore, #tpu.memory_space<semaphore_mem>>) src(%dma_wait3A_666 : memref<512xi32, #tpu.memory_space<vmem_shared>>) dst(%dma_wait3A_664 : memref<512xi32, #tpu.memory_space<vmem>>)
    %dma_wait3A_667 = arith.constant 8 : i32
    %dma_wait3A_668 = arith.constant 4096 : i32
    %dma_wait3A_669 = tpu.memref_slice %arg7[%dma_wait3A_668] : memref<8192xi32, #tpu.memory_space<vmem>> -> memref<512xi32, #tpu.memory_space<vmem>>
    %dma_wait3A_670 = tpu.memref_slice %arg13[%dma_wait3A_667, %mul3A_436] : memref<16x8192xi32, #tpu.memory_space<vmem_shared>> -> memref<1x512xi32, #tpu.memory_space<vmem_shared>>
    %dma_wait3A_671 = tpu.memref_squeeze %dma_wait3A_670 : memref<1x512xi32, #tpu.memory_space<vmem_shared>> -> memref<512xi32, #tpu.memory_space<vmem_shared>>
    %dma_wait3A_672 = arith.constant 4096 : i32
    %dma_wait3A_673 = tpu.memref_slice %arg7[%dma_wait3A_672] : memref<8192xi32, #tpu.memory_space<vmem>> -> memref<512xi32, #tpu.memory_space<vmem>>
    %dma_wait3A_674 = tpu.memref_slice %arg13[%dma_wait3A_667, %mul3A_436] : memref<16x8192xi32, #tpu.memory_space<vmem_shared>> -> memref<1x512xi32, #tpu.memory_space<vmem_shared>>
    %dma_wait3A_675 = tpu.memref_squeeze %dma_wait3A_674 : memref<1x512xi32, #tpu.memory_space<vmem_shared>> -> memref<512xi32, #tpu.memory_space<vmem_shared>>
    tpu.wait_dma2 semaphore(%arg12 : memref<!tpu.dma_semaphore, #tpu.memory_space<semaphore_mem>>) src(%dma_wait3A_675 : memref<512xi32, #tpu.memory_space<vmem_shared>>) dst(%dma_wait3A_673 : memref<512xi32, #tpu.memory_space<vmem>>)
    %dma_wait3A_676 = arith.constant 9 : i32
    %dma_wait3A_677 = arith.constant 4608 : i32
    %dma_wait3A_678 = tpu.memref_slice %arg7[%dma_wait3A_677] : memref<8192xi32, #tpu.memory_space<vmem>> -> memref<512xi32, #tpu.memory_space<vmem>>
    %dma_wait3A_679 = tpu.memref_slice %arg13[%dma_wait3A_676, %mul3A_438] : memref<16x8192xi32, #tpu.memory_space<vmem_shared>> -> memref<1x512xi32, #tpu.memory_space<vmem_shared>>
    %dma_wait3A_680 = tpu.memref_squeeze %dma_wait3A_679 : memref<1x512xi32, #tpu.memory_space<vmem_shared>> -> memref<512xi32, #tpu.memory_space<vmem_shared>>
    %dma_wait3A_681 = arith.constant 4608 : i32
    %dma_wait3A_682 = tpu.memref_slice %arg7[%dma_wait3A_681] : memref<8192xi32, #tpu.memory_space<vmem>> -> memref<512xi32, #tpu.memory_space<vmem>>
    %dma_wait3A_683 = tpu.memref_slice %arg13[%dma_wait3A_676, %mul3A_438] : memref<16x8192xi32, #tpu.memory_space<vmem_shared>> -> memref<1x512xi32, #tpu.memory_space<vmem_shared>>
    %dma_wait3A_684 = tpu.memref_squeeze %dma_wait3A_683 : memref<1x512xi32, #tpu.memory_space<vmem_shared>> -> memref<512xi32, #tpu.memory_space<vmem_shared>>
    tpu.wait_dma2 semaphore(%arg12 : memref<!tpu.dma_semaphore, #tpu.memory_space<semaphore_mem>>) src(%dma_wait3A_684 : memref<512xi32, #tpu.memory_space<vmem_shared>>) dst(%dma_wait3A_682 : memref<512xi32, #tpu.memory_space<vmem>>)
    %dma_wait3A_685 = arith.constant 10 : i32
    %dma_wait3A_686 = arith.constant 5120 : i32
    %dma_wait3A_687 = tpu.memref_slice %arg7[%dma_wait3A_686] : memref<8192xi32, #tpu.memory_space<vmem>> -> memref<512xi32, #tpu.memory_space<vmem>>
    %dma_wait3A_688 = tpu.memref_slice %arg13[%dma_wait3A_685, %mul3A_440] : memref<16x8192xi32, #tpu.memory_space<vmem_shared>> -> memref<1x512xi32, #tpu.memory_space<vmem_shared>>
    %dma_wait3A_689 = tpu.memref_squeeze %dma_wait3A_688 : memref<1x512xi32, #tpu.memory_space<vmem_shared>> -> memref<512xi32, #tpu.memory_space<vmem_shared>>
    %dma_wait3A_690 = arith.constant 5120 : i32
    %dma_wait3A_691 = tpu.memref_slice %arg7[%dma_wait3A_690] : memref<8192xi32, #tpu.memory_space<vmem>> -> memref<512xi32, #tpu.memory_space<vmem>>
    %dma_wait3A_692 = tpu.memref_slice %arg13[%dma_wait3A_685, %mul3A_440] : memref<16x8192xi32, #tpu.memory_space<vmem_shared>> -> memref<1x512xi32, #tpu.memory_space<vmem_shared>>
    %dma_wait3A_693 = tpu.memref_squeeze %dma_wait3A_692 : memref<1x512xi32, #tpu.memory_space<vmem_shared>> -> memref<512xi32, #tpu.memory_space<vmem_shared>>
    tpu.wait_dma2 semaphore(%arg12 : memref<!tpu.dma_semaphore, #tpu.memory_space<semaphore_mem>>) src(%dma_wait3A_693 : memref<512xi32, #tpu.memory_space<vmem_shared>>) dst(%dma_wait3A_691 : memref<512xi32, #tpu.memory_space<vmem>>)
    %dma_wait3A_694 = arith.constant 11 : i32
    %dma_wait3A_695 = arith.constant 5632 : i32
    %dma_wait3A_696 = tpu.memref_slice %arg7[%dma_wait3A_695] : memref<8192xi32, #tpu.memory_space<vmem>> -> memref<512xi32, #tpu.memory_space<vmem>>
    %dma_wait3A_697 = tpu.memref_slice %arg13[%dma_wait3A_694, %mul3A_442] : memref<16x8192xi32, #tpu.memory_space<vmem_shared>> -> memref<1x512xi32, #tpu.memory_space<vmem_shared>>
    %dma_wait3A_698 = tpu.memref_squeeze %dma_wait3A_697 : memref<1x512xi32, #tpu.memory_space<vmem_shared>> -> memref<512xi32, #tpu.memory_space<vmem_shared>>
    %dma_wait3A_699 = arith.constant 5632 : i32
    %dma_wait3A_700 = tpu.memref_slice %arg7[%dma_wait3A_699] : memref<8192xi32, #tpu.memory_space<vmem>> -> memref<512xi32, #tpu.memory_space<vmem>>
    %dma_wait3A_701 = tpu.memref_slice %arg13[%dma_wait3A_694, %mul3A_442] : memref<16x8192xi32, #tpu.memory_space<vmem_shared>> -> memref<1x512xi32, #tpu.memory_space<vmem_shared>>
    %dma_wait3A_702 = tpu.memref_squeeze %dma_wait3A_701 : memref<1x512xi32, #tpu.memory_space<vmem_shared>> -> memref<512xi32, #tpu.memory_space<vmem_shared>>
    tpu.wait_dma2 semaphore(%arg12 : memref<!tpu.dma_semaphore, #tpu.memory_space<semaphore_mem>>) src(%dma_wait3A_702 : memref<512xi32, #tpu.memory_space<vmem_shared>>) dst(%dma_wait3A_700 : memref<512xi32, #tpu.memory_space<vmem>>)
    %dma_wait3A_703 = arith.constant 12 : i32
    %dma_wait3A_704 = arith.constant 6144 : i32
    %dma_wait3A_705 = tpu.memref_slice %arg7[%dma_wait3A_704] : memref<8192xi32, #tpu.memory_space<vmem>> -> memref<512xi32, #tpu.memory_space<vmem>>
    %dma_wait3A_706 = tpu.memref_slice %arg13[%dma_wait3A_703, %mul3A_444] : memref<16x8192xi32, #tpu.memory_space<vmem_shared>> -> memref<1x512xi32, #tpu.memory_space<vmem_shared>>
    %dma_wait3A_707 = tpu.memref_squeeze %dma_wait3A_706 : memref<1x512xi32, #tpu.memory_space<vmem_shared>> -> memref<512xi32, #tpu.memory_space<vmem_shared>>
    %dma_wait3A_708 = arith.constant 6144 : i32
    %dma_wait3A_709 = tpu.memref_slice %arg7[%dma_wait3A_708] : memref<8192xi32, #tpu.memory_space<vmem>> -> memref<512xi32, #tpu.memory_space<vmem>>
    %dma_wait3A_710 = tpu.memref_slice %arg13[%dma_wait3A_703, %mul3A_444] : memref<16x8192xi32, #tpu.memory_space<vmem_shared>> -> memref<1x512xi32, #tpu.memory_space<vmem_shared>>
    %dma_wait3A_711 = tpu.memref_squeeze %dma_wait3A_710 : memref<1x512xi32, #tpu.memory_space<vmem_shared>> -> memref<512xi32, #tpu.memory_space<vmem_shared>>
    tpu.wait_dma2 semaphore(%arg12 : memref<!tpu.dma_semaphore, #tpu.memory_space<semaphore_mem>>) src(%dma_wait3A_711 : memref<512xi32, #tpu.memory_space<vmem_shared>>) dst(%dma_wait3A_709 : memref<512xi32, #tpu.memory_space<vmem>>)
    %dma_wait3A_712 = arith.constant 13 : i32
    %dma_wait3A_713 = arith.constant 6656 : i32
    %dma_wait3A_714 = tpu.memref_slice %arg7[%dma_wait3A_713] : memref<8192xi32, #tpu.memory_space<vmem>> -> memref<512xi32, #tpu.memory_space<vmem>>
    %dma_wait3A_715 = tpu.memref_slice %arg13[%dma_wait3A_712, %mul3A_446] : memref<16x8192xi32, #tpu.memory_space<vmem_shared>> -> memref<1x512xi32, #tpu.memory_space<vmem_shared>>
    %dma_wait3A_716 = tpu.memref_squeeze %dma_wait3A_715 : memref<1x512xi32, #tpu.memory_space<vmem_shared>> -> memref<512xi32, #tpu.memory_space<vmem_shared>>
    %dma_wait3A_717 = arith.constant 6656 : i32
    %dma_wait3A_718 = tpu.memref_slice %arg7[%dma_wait3A_717] : memref<8192xi32, #tpu.memory_space<vmem>> -> memref<512xi32, #tpu.memory_space<vmem>>
    %dma_wait3A_719 = tpu.memref_slice %arg13[%dma_wait3A_712, %mul3A_446] : memref<16x8192xi32, #tpu.memory_space<vmem_shared>> -> memref<1x512xi32, #tpu.memory_space<vmem_shared>>
    %dma_wait3A_720 = tpu.memref_squeeze %dma_wait3A_719 : memref<1x512xi32, #tpu.memory_space<vmem_shared>> -> memref<512xi32, #tpu.memory_space<vmem_shared>>
    tpu.wait_dma2 semaphore(%arg12 : memref<!tpu.dma_semaphore, #tpu.memory_space<semaphore_mem>>) src(%dma_wait3A_720 : memref<512xi32, #tpu.memory_space<vmem_shared>>) dst(%dma_wait3A_718 : memref<512xi32, #tpu.memory_space<vmem>>)
    %dma_wait3A_721 = arith.constant 14 : i32
    %dma_wait3A_722 = arith.constant 7168 : i32
    %dma_wait3A_723 = tpu.memref_slice %arg7[%dma_wait3A_722] : memref<8192xi32, #tpu.memory_space<vmem>> -> memref<512xi32, #tpu.memory_space<vmem>>
    %dma_wait3A_724 = tpu.memref_slice %arg13[%dma_wait3A_721, %mul3A_448] : memref<16x8192xi32, #tpu.memory_space<vmem_shared>> -> memref<1x512xi32, #tpu.memory_space<vmem_shared>>
    %dma_wait3A_725 = tpu.memref_squeeze %dma_wait3A_724 : memref<1x512xi32, #tpu.memory_space<vmem_shared>> -> memref<512xi32, #tpu.memory_space<vmem_shared>>
    %dma_wait3A_726 = arith.constant 7168 : i32
    %dma_wait3A_727 = tpu.memref_slice %arg7[%dma_wait3A_726] : memref<8192xi32, #tpu.memory_space<vmem>> -> memref<512xi32, #tpu.memory_space<vmem>>
    %dma_wait3A_728 = tpu.memref_slice %arg13[%dma_wait3A_721, %mul3A_448] : memref<16x8192xi32, #tpu.memory_space<vmem_shared>> -> memref<1x512xi32, #tpu.memory_space<vmem_shared>>
    %dma_wait3A_729 = tpu.memref_squeeze %dma_wait3A_728 : memref<1x512xi32, #tpu.memory_space<vmem_shared>> -> memref<512xi32, #tpu.memory_space<vmem_shared>>
    tpu.wait_dma2 semaphore(%arg12 : memref<!tpu.dma_semaphore, #tpu.memory_space<semaphore_mem>>) src(%dma_wait3A_729 : memref<512xi32, #tpu.memory_space<vmem_shared>>) dst(%dma_wait3A_727 : memref<512xi32, #tpu.memory_space<vmem>>)
    %dma_wait3A_730 = arith.constant 15 : i32
    %dma_wait3A_731 = arith.constant 7680 : i32
    %dma_wait3A_732 = tpu.memref_slice %arg7[%dma_wait3A_731] : memref<8192xi32, #tpu.memory_space<vmem>> -> memref<512xi32, #tpu.memory_space<vmem>>
    %dma_wait3A_733 = tpu.memref_slice %arg13[%dma_wait3A_730, %mul3A_450] : memref<16x8192xi32, #tpu.memory_space<vmem_shared>> -> memref<1x512xi32, #tpu.memory_space<vmem_shared>>
    %dma_wait3A_734 = tpu.memref_squeeze %dma_wait3A_733 : memref<1x512xi32, #tpu.memory_space<vmem_shared>> -> memref<512xi32, #tpu.memory_space<vmem_shared>>
    %dma_wait3A_735 = arith.constant 7680 : i32
    %dma_wait3A_736 = tpu.memref_slice %arg7[%dma_wait3A_735] : memref<8192xi32, #tpu.memory_space<vmem>> -> memref<512xi32, #tpu.memory_space<vmem>>
    %dma_wait3A_737 = tpu.memref_slice %arg13[%dma_wait3A_730, %mul3A_450] : memref<16x8192xi32, #tpu.memory_space<vmem_shared>> -> memref<1x512xi32, #tpu.memory_space<vmem_shared>>
    %dma_wait3A_738 = tpu.memref_squeeze %dma_wait3A_737 : memref<1x512xi32, #tpu.memory_space<vmem_shared>> -> memref<512xi32, #tpu.memory_space<vmem_shared>>
    tpu.wait_dma2 semaphore(%arg12 : memref<!tpu.dma_semaphore, #tpu.memory_space<semaphore_mem>>) src(%dma_wait3A_738 : memref<512xi32, #tpu.memory_space<vmem_shared>>) dst(%dma_wait3A_736 : memref<512xi32, #tpu.memory_space<vmem>>)
    %parallel_loop3A_739 = arith.constant 0 : i32
    %parallel_loop3A_740 = arith.constant 32 : i32
    %parallel_loop3A_741 = arith.constant 1 : i32
    scf.for %parallel_loop3A_1159 = %parallel_loop3A_739 to %parallel_loop3A_740 step %parallel_loop3A_741  : i32 {
      %parallel_loop3A_1160 = arith.constant 16 : i32
      %parallel_loop3A_1161 = arith.muli %parallel_loop3A_1159, %parallel_loop3A_1160 : i32
      %parallel_loop3A_1162 = arith.constant 0 : i32
      %parallel_loop3A_1163 = arith.addi %parallel_loop3A_1162, %parallel_loop3A_1161 : i32
      %parallel_loop3A_1164 = arith.index_cast %parallel_loop3A_1163 : i32 to index
      %parallel_loop3A_1165 = tpu.vector_load %arg7[%parallel_loop3A_1164] {strides = array<i32>} : memref<8192xi32, #tpu.memory_space<vmem>>, vector<16xi32>,
      %parallel_loop3A_1166 = arith.addi %broadcast_in_dim3A_0, %parallel_loop3A_1165 : vector<16xi32>
      %parallel_loop3A_1167 = arith.constant 16 : i32
      %parallel_loop3A_1168 = arith.muli %parallel_loop3A_1159, %parallel_loop3A_1167 : i32
      %parallel_loop3A_1169 = arith.constant 512 : i32
      %parallel_loop3A_1170 = arith.addi %parallel_loop3A_1169, %parallel_loop3A_1168 : i32
      %parallel_loop3A_1171 = arith.index_cast %parallel_loop3A_1170 : i32 to index
      %parallel_loop3A_1172 = tpu.vector_load %arg7[%parallel_loop3A_1171] {strides = array<i32>} : memref<8192xi32, #tpu.memory_space<vmem>>, vector<16xi32>,
      %parallel_loop3A_1173 = arith.addi %parallel_loop3A_1166, %parallel_loop3A_1172 : vector<16xi32>
      %parallel_loop3A_1174 = arith.constant 16 : i32
      %parallel_loop3A_1175 = arith.muli %parallel_loop3A_1159, %parallel_loop3A_1174 : i32
      %parallel_loop3A_1176 = arith.constant 1024 : i32
      %parallel_loop3A_1177 = arith.addi %parallel_loop3A_1176, %parallel_loop3A_1175 : i32
      %parallel_loop3A_1178 = arith.index_cast %parallel_loop3A_1177 : i32 to index
      %parallel_loop3A_1179 = tpu.vector_load %arg7[%parallel_loop3A_1178] {strides = array<i32>} : memref<8192xi32, #tpu.memory_space<vmem>>, vector<16xi32>,
      %parallel_loop3A_1180 = arith.addi %parallel_loop3A_1173, %parallel_loop3A_1179 : vector<16xi32>
      %parallel_loop3A_1181 = arith.constant 16 : i32
      %parallel_loop3A_1182 = arith.muli %parallel_loop3A_1159, %parallel_loop3A_1181 : i32
      %parallel_loop3A_1183 = arith.constant 1536 : i32
      %parallel_loop3A_1184 = arith.addi %parallel_loop3A_1183, %parallel_loop3A_1182 : i32
      %parallel_loop3A_1185 = arith.index_cast %parallel_loop3A_1184 : i32 to index
      %parallel_loop3A_1186 = tpu.vector_load %arg7[%parallel_loop3A_1185] {strides = array<i32>} : memref<8192xi32, #tpu.memory_space<vmem>>, vector<16xi32>,
      %parallel_loop3A_1187 = arith.addi %parallel_loop3A_1180, %parallel_loop3A_1186 : vector<16xi32>
      %parallel_loop3A_1188 = arith.constant 16 : i32
      %parallel_loop3A_1189 = arith.muli %parallel_loop3A_1159, %parallel_loop3A_1188 : i32
      %parallel_loop3A_1190 = arith.constant 2048 : i32
      %parallel_loop3A_1191 = arith.addi %parallel_loop3A_1190, %parallel_loop3A_1189 : i32
      %parallel_loop3A_1192 = arith.index_cast %parallel_loop3A_1191 : i32 to index
      %parallel_loop3A_1193 = tpu.vector_load %arg7[%parallel_loop3A_1192] {strides = array<i32>} : memref<8192xi32, #tpu.memory_space<vmem>>, vector<16xi32>,
      %parallel_loop3A_1194 = arith.addi %parallel_loop3A_1187, %parallel_loop3A_1193 : vector<16xi32>
      %parallel_loop3A_1195 = arith.constant 16 : i32
      %parallel_loop3A_1196 = arith.muli %parallel_loop3A_1159, %parallel_loop3A_1195 : i32
      %parallel_loop3A_1197 = arith.constant 2560 : i32
      %parallel_loop3A_1198 = arith.addi %parallel_loop3A_1197, %parallel_loop3A_1196 : i32
      %parallel_loop3A_1199 = arith.index_cast %parallel_loop3A_1198 : i32 to index
      %parallel_loop3A_1200 = tpu.vector_load %arg7[%parallel_loop3A_1199] {strides = array<i32>} : memref<8192xi32, #tpu.memory_space<vmem>>, vector<16xi32>,
      %parallel_loop3A_1201 = arith.addi %parallel_loop3A_1194, %parallel_loop3A_1200 : vector<16xi32>
      %parallel_loop3A_1202 = arith.constant 16 : i32
      %parallel_loop3A_1203 = arith.muli %parallel_loop3A_1159, %parallel_loop3A_1202 : i32
      %parallel_loop3A_1204 = arith.constant 3072 : i32
      %parallel_loop3A_1205 = arith.addi %parallel_loop3A_1204, %parallel_loop3A_1203 : i32
      %parallel_loop3A_1206 = arith.index_cast %parallel_loop3A_1205 : i32 to index
      %parallel_loop3A_1207 = tpu.vector_load %arg7[%parallel_loop3A_1206] {strides = array<i32>} : memref<8192xi32, #tpu.memory_space<vmem>>, vector<16xi32>,
      %parallel_loop3A_1208 = arith.addi %parallel_loop3A_1201, %parallel_loop3A_1207 : vector<16xi32>
      %parallel_loop3A_1209 = arith.constant 16 : i32
      %parallel_loop3A_1210 = arith.muli %parallel_loop3A_1159, %parallel_loop3A_1209 : i32
      %parallel_loop3A_1211 = arith.constant 3584 : i32
      %parallel_loop3A_1212 = arith.addi %parallel_loop3A_1211, %parallel_loop3A_1210 : i32
      %parallel_loop3A_1213 = arith.index_cast %parallel_loop3A_1212 : i32 to index
      %parallel_loop3A_1214 = tpu.vector_load %arg7[%parallel_loop3A_1213] {strides = array<i32>} : memref<8192xi32, #tpu.memory_space<vmem>>, vector<16xi32>,
      %parallel_loop3A_1215 = arith.addi %parallel_loop3A_1208, %parallel_loop3A_1214 : vector<16xi32>
      %parallel_loop3A_1216 = arith.constant 16 : i32
      %parallel_loop3A_1217 = arith.muli %parallel_loop3A_1159, %parallel_loop3A_1216 : i32
      %parallel_loop3A_1218 = arith.constant 4096 : i32
      %parallel_loop3A_1219 = arith.addi %parallel_loop3A_1218, %parallel_loop3A_1217 : i32
      %parallel_loop3A_1220 = arith.index_cast %parallel_loop3A_1219 : i32 to index
      %parallel_loop3A_1221 = tpu.vector_load %arg7[%parallel_loop3A_1220] {strides = array<i32>} : memref<8192xi32, #tpu.memory_space<vmem>>, vector<16xi32>,
      %parallel_loop3A_1222 = arith.addi %parallel_loop3A_1215, %parallel_loop3A_1221 : vector<16xi32>
      %parallel_loop3A_1223 = arith.constant 16 : i32
      %parallel_loop3A_1224 = arith.muli %parallel_loop3A_1159, %parallel_loop3A_1223 : i32
      %parallel_loop3A_1225 = arith.constant 4608 : i32
      %parallel_loop3A_1226 = arith.addi %parallel_loop3A_1225, %parallel_loop3A_1224 : i32
      %parallel_loop3A_1227 = arith.index_cast %parallel_loop3A_1226 : i32 to index
      %parallel_loop3A_1228 = tpu.vector_load %arg7[%parallel_loop3A_1227] {strides = array<i32>} : memref<8192xi32, #tpu.memory_space<vmem>>, vector<16xi32>,
      %parallel_loop3A_1229 = arith.addi %parallel_loop3A_1222, %parallel_loop3A_1228 : vector<16xi32>
      %parallel_loop3A_1230 = arith.constant 16 : i32
      %parallel_loop3A_1231 = arith.muli %parallel_loop3A_1159, %parallel_loop3A_1230 : i32
      %parallel_loop3A_1232 = arith.constant 5120 : i32
      %parallel_loop3A_1233 = arith.addi %parallel_loop3A_1232, %parallel_loop3A_1231 : i32
      %parallel_loop3A_1234 = arith.index_cast %parallel_loop3A_1233 : i32 to index
      %parallel_loop3A_1235 = tpu.vector_load %arg7[%parallel_loop3A_1234] {strides = array<i32>} : memref<8192xi32, #tpu.memory_space<vmem>>, vector<16xi32>,
      %parallel_loop3A_1236 = arith.addi %parallel_loop3A_1229, %parallel_loop3A_1235 : vector<16xi32>
      %parallel_loop3A_1237 = arith.constant 16 : i32
      %parallel_loop3A_1238 = arith.muli %parallel_loop3A_1159, %parallel_loop3A_1237 : i32
      %parallel_loop3A_1239 = arith.constant 5632 : i32
      %parallel_loop3A_1240 = arith.addi %parallel_loop3A_1239, %parallel_loop3A_1238 : i32
      %parallel_loop3A_1241 = arith.index_cast %parallel_loop3A_1240 : i32 to index
      %parallel_loop3A_1242 = tpu.vector_load %arg7[%parallel_loop3A_1241] {strides = array<i32>} : memref<8192xi32, #tpu.memory_space<vmem>>, vector<16xi32>,
      %parallel_loop3A_1243 = arith.addi %parallel_loop3A_1236, %parallel_loop3A_1242 : vector<16xi32>
      %parallel_loop3A_1244 = arith.constant 16 : i32
      %parallel_loop3A_1245 = arith.muli %parallel_loop3A_1159, %parallel_loop3A_1244 : i32
      %parallel_loop3A_1246 = arith.constant 6144 : i32
      %parallel_loop3A_1247 = arith.addi %parallel_loop3A_1246, %parallel_loop3A_1245 : i32
      %parallel_loop3A_1248 = arith.index_cast %parallel_loop3A_1247 : i32 to index
      %parallel_loop3A_1249 = tpu.vector_load %arg7[%parallel_loop3A_1248] {strides = array<i32>} : memref<8192xi32, #tpu.memory_space<vmem>>, vector<16xi32>,
      %parallel_loop3A_1250 = arith.addi %parallel_loop3A_1243, %parallel_loop3A_1249 : vector<16xi32>
      %parallel_loop3A_1251 = arith.constant 16 : i32
      %parallel_loop3A_1252 = arith.muli %parallel_loop3A_1159, %parallel_loop3A_1251 : i32
      %parallel_loop3A_1253 = arith.constant 6656 : i32
      %parallel_loop3A_1254 = arith.addi %parallel_loop3A_1253, %parallel_loop3A_1252 : i32
      %parallel_loop3A_1255 = arith.index_cast %parallel_loop3A_1254 : i32 to index
      %parallel_loop3A_1256 = tpu.vector_load %arg7[%parallel_loop3A_1255] {strides = array<i32>} : memref<8192xi32, #tpu.memory_space<vmem>>, vector<16xi32>,
      %parallel_loop3A_1257 = arith.addi %parallel_loop3A_1250, %parallel_loop3A_1256 : vector<16xi32>
      %parallel_loop3A_1258 = arith.constant 16 : i32
      %parallel_loop3A_1259 = arith.muli %parallel_loop3A_1159, %parallel_loop3A_1258 : i32
      %parallel_loop3A_1260 = arith.constant 7168 : i32
      %parallel_loop3A_1261 = arith.addi %parallel_loop3A_1260, %parallel_loop3A_1259 : i32
      %parallel_loop3A_1262 = arith.index_cast %parallel_loop3A_1261 : i32 to index
      %parallel_loop3A_1263 = tpu.vector_load %arg7[%parallel_loop3A_1262] {strides = array<i32>} : memref<8192xi32, #tpu.memory_space<vmem>>, vector<16xi32>,
      %parallel_loop3A_1264 = arith.addi %parallel_loop3A_1257, %parallel_loop3A_1263 : vector<16xi32>
      %parallel_loop3A_1265 = arith.constant 16 : i32
      %parallel_loop3A_1266 = arith.muli %parallel_loop3A_1159, %parallel_loop3A_1265 : i32
      %parallel_loop3A_1267 = arith.constant 7680 : i32
      %parallel_loop3A_1268 = arith.addi %parallel_loop3A_1267, %parallel_loop3A_1266 : i32
      %parallel_loop3A_1269 = arith.index_cast %parallel_loop3A_1268 : i32 to index
      %parallel_loop3A_1270 = tpu.vector_load %arg7[%parallel_loop3A_1269] {strides = array<i32>} : memref<8192xi32, #tpu.memory_space<vmem>>, vector<16xi32>,
      %parallel_loop3A_1271 = arith.addi %parallel_loop3A_1264, %parallel_loop3A_1270 : vector<16xi32>
      %parallel_loop3A_1272 = arith.constant 16 : i32
      %parallel_loop3A_1273 = arith.muli %parallel_loop3A_1159, %parallel_loop3A_1272 : i32
      %parallel_loop3A_1274 = arith.index_cast %parallel_loop3A_1273 : i32 to index
      %parallel_loop3A_1275 = tpu.vector_load %arg8[%parallel_loop3A_1274] {strides = array<i32>} : memref<512xi32, #tpu.memory_space<vmem>>, vector<16xi32>,
      tpu.vector_store %arg8[%parallel_loop3A_1274], %parallel_loop3A_1271 {strides = array<i32>} : memref<512xi32, #tpu.memory_space<vmem>>, vector<16xi32>,
    } {sc.loop_unroll_factor = 2 : i64, sc.parallel_access}
    %mul3A_742 = arith.constant 512 : i32
    %mul3A_743 = arith.muli %arg1, %mul3A_742 : i32
    "tpu.region"() ({
      %run_scoped3A = tpu.sem_alloc : memref<!tpu.dma_semaphore, #tpu.memory_space<semaphore_mem>>
      %dma_start3A_1159 = arith.constant 0 : i32
      %dma_start3A_1160 = tpu.memref_slice %arg8[%dma_start3A_1159] : memref<512xi32, #tpu.memory_space<vmem>> -> memref<512xi32, #tpu.memory_space<vmem>>
      %dma_start3A_1161 = tpu.memref_slice %arg14[%mul3A_743] : memref<8192xi32, #tpu.memory_space<vmem_shared>> -> memref<512xi32, #tpu.memory_space<vmem_shared>>
      %dma_start3A_1162 = tpu.memref_slice %arg14[%mul3A_743] : memref<8192xi32, #tpu.memory_space<vmem_shared>> -> memref<512xi32, #tpu.memory_space<vmem_shared>>
      %dma_start3A_1163 = arith.constant 0 : i32
      %dma_start3A_1164 = tpu.memref_slice %arg8[%dma_start3A_1163] : memref<512xi32, #tpu.memory_space<vmem>> -> memref<512xi32, #tpu.memory_space<vmem>>
      tpu.enqueue_dma source(%dma_start3A_1164 : memref<512xi32, #tpu.memory_space<vmem>>) target(%dma_start3A_1162 : memref<512xi32, #tpu.memory_space<vmem_shared>>) target_semaphore(%run_scoped3A : memref<!tpu.dma_semaphore, #tpu.memory_space<semaphore_mem>>)
      %dma_wait3A_1165 = arith.constant 0 : i32
      %dma_wait3A_1166 = tpu.memref_slice %arg8[%dma_wait3A_1165] : memref<512xi32, #tpu.memory_space<vmem>> -> memref<512xi32, #tpu.memory_space<vmem>>
      %dma_wait3A_1167 = tpu.memref_slice %arg14[%mul3A_743] : memref<8192xi32, #tpu.memory_space<vmem_shared>> -> memref<512xi32, #tpu.memory_space<vmem_shared>>
      %dma_wait3A_1168 = tpu.memref_slice %arg14[%mul3A_743] : memref<8192xi32, #tpu.memory_space<vmem_shared>> -> memref<512xi32, #tpu.memory_space<vmem_shared>>
      %dma_wait3A_1169 = arith.constant 0 : i32
      %dma_wait3A_1170 = tpu.memref_slice %arg8[%dma_wait3A_1169] : memref<512xi32, #tpu.memory_space<vmem>> -> memref<512xi32, #tpu.memory_space<vmem>>
      tpu.wait_dma2 semaphore(%run_scoped3A : memref<!tpu.dma_semaphore, #tpu.memory_space<semaphore_mem>>) src(%dma_wait3A_1170 : memref<512xi32, #tpu.memory_space<vmem>>) dst(%dma_wait3A_1168 : memref<512xi32, #tpu.memory_space<vmem_shared>>)
      tpu.yield
    }) : () -> ()
    %barrier3A_744 = arith.constant 0 : index
    tpu.barrier barrier_id(%barrier3A_744)
    %eq3A_745 = arith.constant 0 : i32
    %eq3A_746 = arith.cmpi eq, %arg1, %eq3A_745 : i32
    %convert_element_type3A_747 = arith.extui %eq3A_746 : i1 to i32
    %cond3A_748 = arith.constant 0 : i32
    %cond3A_749 = arith.cmpi ne, %convert_element_type3A_747, %cond3A_748 : i32
    scf.if %cond3A_749 {
      "tpu.region"() ({
        %run_scoped3A = tpu.sem_alloc : memref<!tpu.dma_semaphore, #tpu.memory_space<semaphore_mem>>
        tpu.enqueue_dma source(%arg14 : memref<8192xi32, #tpu.memory_space<vmem_shared>>) target(%arg7 : memref<8192xi32, #tpu.memory_space<vmem>>) target_semaphore(%run_scoped3A : memref<!tpu.dma_semaphore, #tpu.memory_space<semaphore_mem>>)
        tpu.wait_dma2 semaphore(%run_scoped3A : memref<!tpu.dma_semaphore, #tpu.memory_space<semaphore_mem>>) src(%arg14 : memref<8192xi32, #tpu.memory_space<vmem_shared>>) dst(%arg7 : memref<8192xi32, #tpu.memory_space<vmem>>)
        tpu.yield
      }) : () -> ()
      %parallel_loop3A_1159 = arith.constant 0 : i32
      %parallel_loop3A_1160 = arith.constant 256 : i32
      %parallel_loop3A_1161 = arith.constant 1 : i32
      %parallel_loop3A_1162 = arith.constant 0 : i32
      %parallel_loop3A_1163 = arith.constant 0 : i32
      %parallel_loop3A_1164 = arith.constant 0 : i32
      %parallel_loop3A_1165 = arith.constant 0 : i32
      %parallel_loop3A_1166 = arith.constant 0 : i32
      %parallel_loop3A_1167:5 = scf.for %parallel_loop3A_1211 = %parallel_loop3A_1159 to %parallel_loop3A_1160 step %parallel_loop3A_1161 iter_args(%parallel_loop3A_1212 = %parallel_loop3A_1162, %parallel_loop3A_1213 = %parallel_loop3A_1163, %parallel_loop3A_1214 = %parallel_loop3A_1164, %parallel_loop3A_1215 = %parallel_loop3A_1165, %parallel_loop3A_1216 = %parallel_loop3A_1166) -> (i32, i32, i32, i32, i32)  : i32 {
        %parallel_loop3A_1217 = arith.constant 16 : i32
        %parallel_loop3A_1218 = arith.muli %parallel_loop3A_1211, %parallel_loop3A_1217 : i32
        %parallel_loop3A_1219 = arith.constant 0 : i32
        %parallel_loop3A_1220 = arith.addi %parallel_loop3A_1219, %parallel_loop3A_1218 : i32
        %parallel_loop3A_1221 = arith.index_cast %parallel_loop3A_1220 : i32 to index
        %parallel_loop3A_1222 = tpu.vector_load %arg7[%parallel_loop3A_1221] {strides = array<i32>} : memref<8192xi32, #tpu.memory_space<vmem>>, vector<16xi32>,
        %parallel_loop3A_1223 = arith.constant true
        %parallel_loop3A_1224 = vector.broadcast %parallel_loop3A_1223 : i1 to vector<16xi1>
        %parallel_loop3A_1225 = tpu.scan <sum>, %parallel_loop3A_1222 masked %parallel_loop3A_1224 : vector<16xi32>, vector<16xi1> -> vector<16xi32>
        %parallel_loop3A_1226 = vector.broadcast %parallel_loop3A_1212 : i32 to vector<16xi32>
        %parallel_loop3A_1227 = arith.addi %parallel_loop3A_1225, %parallel_loop3A_1226 : vector<16xi32>
        %parallel_loop3A_1228 = vector.broadcast %reduce_sum3A_373 : i32 to vector<16xi32>
        %parallel_loop3A_1229 = arith.cmpi slt, %parallel_loop3A_1227, %parallel_loop3A_1228 : vector<16xi32>
        %parallel_loop3A_1230 = vector.broadcast %reduce_sum3A_383 : i32 to vector<16xi32>
        %parallel_loop3A_1231 = arith.cmpi slt, %parallel_loop3A_1227, %parallel_loop3A_1230 : vector<16xi32>
        %parallel_loop3A_1232 = arith.constant 1 : i32
        %parallel_loop3A_1233 = arith.constant 0 : i32
        %parallel_loop3A_1234 = vector.broadcast %parallel_loop3A_1232 : i32 to vector<16xi32>
        %parallel_loop3A_1235 = vector.broadcast %parallel_loop3A_1233 : i32 to vector<16xi32>
        %parallel_loop3A_1236 = arith.select %parallel_loop3A_1229, %parallel_loop3A_1234, %parallel_loop3A_1235 : vector<16xi1>, vector<16xi32>
        %parallel_loop3A_1237 = arith.constant true
        %parallel_loop3A_1238 = vector.broadcast %parallel_loop3A_1237 : i1 to vector<16xi1>
        %parallel_loop3A_1239 = tpu.scan <sum>, %parallel_loop3A_1236 masked %parallel_loop3A_1238 : vector<16xi32>, vector<16xi1> -> vector<16xi32>
        %parallel_loop3A_1240 = vector.extract %parallel_loop3A_1239[15] : i32 from vector<16xi32>
        %parallel_loop3A_1241 = arith.addi %parallel_loop3A_1213, %parallel_loop3A_1240 : i32
        %parallel_loop3A_1242 = arith.constant 0 : i32
        %parallel_loop3A_1243 = vector.broadcast %parallel_loop3A_1242 : i32 to vector<16xi32>
        %parallel_loop3A_1244 = arith.select %parallel_loop3A_1229, %parallel_loop3A_1222, %parallel_loop3A_1243 : vector<16xi1>, vector<16xi32>
        %parallel_loop3A_1245 = arith.constant true
        %parallel_loop3A_1246 = vector.broadcast %parallel_loop3A_1245 : i1 to vector<16xi1>
        %parallel_loop3A_1247 = tpu.scan <sum>, %parallel_loop3A_1244 masked %parallel_loop3A_1246 : vector<16xi32>, vector<16xi1> -> vector<16xi32>
        %parallel_loop3A_1248 = vector.extract %parallel_loop3A_1247[15] : i32 from vector<16xi32>
        %parallel_loop3A_1249 = arith.addi %parallel_loop3A_1214, %parallel_loop3A_1248 : i32
        %parallel_loop3A_1250 = arith.constant 1 : i32
        %parallel_loop3A_1251 = arith.constant 0 : i32
        %parallel_loop3A_1252 = vector.broadcast %parallel_loop3A_1250 : i32 to vector<16xi32>
        %parallel_loop3A_1253 = vector.broadcast %parallel_loop3A_1251 : i32 to vector<16xi32>
        %parallel_loop3A_1254 = arith.select %parallel_loop3A_1231, %parallel_loop3A_1252, %parallel_loop3A_1253 : vector<16xi1>, vector<16xi32>
        %parallel_loop3A_1255 = arith.constant true
        %parallel_loop3A_1256 = vector.broadcast %parallel_loop3A_1255 : i1 to vector<16xi1>
        %parallel_loop3A_1257 = tpu.scan <sum>, %parallel_loop3A_1254 masked %parallel_loop3A_1256 : vector<16xi32>, vector<16xi1> -> vector<16xi32>
        %parallel_loop3A_1258 = vector.extract %parallel_loop3A_1257[15] : i32 from vector<16xi32>
        %parallel_loop3A_1259 = arith.addi %parallel_loop3A_1215, %parallel_loop3A_1258 : i32
        %parallel_loop3A_1260 = arith.constant 0 : i32
        %parallel_loop3A_1261 = vector.broadcast %parallel_loop3A_1260 : i32 to vector<16xi32>
        %parallel_loop3A_1262 = arith.select %parallel_loop3A_1231, %parallel_loop3A_1222, %parallel_loop3A_1261 : vector<16xi1>, vector<16xi32>
        %parallel_loop3A_1263 = arith.constant true
        %parallel_loop3A_1264 = vector.broadcast %parallel_loop3A_1263 : i1 to vector<16xi1>
        %parallel_loop3A_1265 = tpu.scan <sum>, %parallel_loop3A_1262 masked %parallel_loop3A_1264 : vector<16xi32>, vector<16xi1> -> vector<16xi32>
        %parallel_loop3A_1266 = vector.extract %parallel_loop3A_1265[15] : i32 from vector<16xi32>
        %parallel_loop3A_1267 = arith.addi %parallel_loop3A_1216, %parallel_loop3A_1266 : i32
        %parallel_loop3A_1268 = arith.constant true
        %parallel_loop3A_1269 = vector.broadcast %parallel_loop3A_1268 : i1 to vector<16xi1>
        %parallel_loop3A_1270 = tpu.scan <sum>, %parallel_loop3A_1222 masked %parallel_loop3A_1269 : vector<16xi32>, vector<16xi1> -> vector<16xi32>
        %parallel_loop3A_1271 = vector.extract %parallel_loop3A_1270[15] : i32 from vector<16xi32>
        %parallel_loop3A_1272 = arith.addi %parallel_loop3A_1212, %parallel_loop3A_1271 : i32
        scf.yield %parallel_loop3A_1272, %parallel_loop3A_1241, %parallel_loop3A_1249, %parallel_loop3A_1259, %parallel_loop3A_1267 : i32, i32, i32, i32, i32
      } {sc.loop_unroll_factor = 4 : i64, sc.parallel_access}
      %parallel_loop3A_1168 = arith.constant 0 : i32
      %parallel_loop3A_1169 = arith.constant 256 : i32
      %parallel_loop3A_1170 = arith.constant 1 : i32
      %parallel_loop3A_1171 = arith.constant 0 : i32
      %parallel_loop3A_1172 = arith.constant 0 : i32
      %parallel_loop3A_1173 = arith.constant 0 : i32
      %parallel_loop3A_1174:3 = scf.for %parallel_loop3A_1211 = %parallel_loop3A_1168 to %parallel_loop3A_1169 step %parallel_loop3A_1170 iter_args(%parallel_loop3A_1212 = %parallel_loop3A_1171, %parallel_loop3A_1213 = %parallel_loop3A_1172, %parallel_loop3A_1214 = %parallel_loop3A_1173) -> (i32, i32, i32)  : i32 {
        %parallel_loop3A_1215 = arith.constant 16 : i32
        %parallel_loop3A_1216 = arith.muli %parallel_loop3A_1211, %parallel_loop3A_1215 : i32
        %parallel_loop3A_1217 = arith.constant 4096 : i32
        %parallel_loop3A_1218 = arith.addi %parallel_loop3A_1217, %parallel_loop3A_1216 : i32
        %parallel_loop3A_1219 = arith.index_cast %parallel_loop3A_1218 : i32 to index
        %parallel_loop3A_1220 = tpu.vector_load %arg7[%parallel_loop3A_1219] {strides = array<i32>} : memref<8192xi32, #tpu.memory_space<vmem>>, vector<16xi32>,
        %parallel_loop3A_1221 = arith.constant true
        %parallel_loop3A_1222 = vector.broadcast %parallel_loop3A_1221 : i1 to vector<16xi1>
        %parallel_loop3A_1223 = tpu.scan <sum>, %parallel_loop3A_1220 masked %parallel_loop3A_1222 : vector<16xi32>, vector<16xi1> -> vector<16xi32>
        %parallel_loop3A_1224 = vector.broadcast %parallel_loop3A_1212 : i32 to vector<16xi32>
        %parallel_loop3A_1225 = arith.addi %parallel_loop3A_1223, %parallel_loop3A_1224 : vector<16xi32>
        %parallel_loop3A_1226 = vector.broadcast %reduce_sum3A_383 : i32 to vector<16xi32>
        %parallel_loop3A_1227 = arith.cmpi slt, %parallel_loop3A_1225, %parallel_loop3A_1226 : vector<16xi32>
        %parallel_loop3A_1228 = arith.constant 1 : i32
        %parallel_loop3A_1229 = arith.constant 0 : i32
        %parallel_loop3A_1230 = vector.broadcast %parallel_loop3A_1228 : i32 to vector<16xi32>
        %parallel_loop3A_1231 = vector.broadcast %parallel_loop3A_1229 : i32 to vector<16xi32>
        %parallel_loop3A_1232 = arith.select %parallel_loop3A_1227, %parallel_loop3A_1230, %parallel_loop3A_1231 : vector<16xi1>, vector<16xi32>
        %parallel_loop3A_1233 = arith.constant true
        %parallel_loop3A_1234 = vector.broadcast %parallel_loop3A_1233 : i1 to vector<16xi1>
        %parallel_loop3A_1235 = tpu.scan <sum>, %parallel_loop3A_1232 masked %parallel_loop3A_1234 : vector<16xi32>, vector<16xi1> -> vector<16xi32>
        %parallel_loop3A_1236 = vector.extract %parallel_loop3A_1235[15] : i32 from vector<16xi32>
        %parallel_loop3A_1237 = arith.addi %parallel_loop3A_1213, %parallel_loop3A_1236 : i32
        %parallel_loop3A_1238 = arith.constant 0 : i32
        %parallel_loop3A_1239 = vector.broadcast %parallel_loop3A_1238 : i32 to vector<16xi32>
        %parallel_loop3A_1240 = arith.select %parallel_loop3A_1227, %parallel_loop3A_1220, %parallel_loop3A_1239 : vector<16xi1>, vector<16xi32>
        %parallel_loop3A_1241 = arith.constant true
        %parallel_loop3A_1242 = vector.broadcast %parallel_loop3A_1241 : i1 to vector<16xi1>
        %parallel_loop3A_1243 = tpu.scan <sum>, %parallel_loop3A_1240 masked %parallel_loop3A_1242 : vector<16xi32>, vector<16xi1> -> vector<16xi32>
        %parallel_loop3A_1244 = vector.extract %parallel_loop3A_1243[15] : i32 from vector<16xi32>
        %parallel_loop3A_1245 = arith.addi %parallel_loop3A_1214, %parallel_loop3A_1244 : i32
        %parallel_loop3A_1246 = arith.constant true
        %parallel_loop3A_1247 = vector.broadcast %parallel_loop3A_1246 : i1 to vector<16xi1>
        %parallel_loop3A_1248 = tpu.scan <sum>, %parallel_loop3A_1220 masked %parallel_loop3A_1247 : vector<16xi32>, vector<16xi1> -> vector<16xi32>
        %parallel_loop3A_1249 = vector.extract %parallel_loop3A_1248[15] : i32 from vector<16xi32>
        %parallel_loop3A_1250 = arith.addi %parallel_loop3A_1212, %parallel_loop3A_1249 : i32
        scf.yield %parallel_loop3A_1250, %parallel_loop3A_1237, %parallel_loop3A_1245 : i32, i32, i32
      } {sc.loop_unroll_factor = 4 : i64, sc.parallel_access}
      %eq3A_1175 = arith.constant 1 : i32
      %eq3A_1176 = arith.cmpi eq, %reduce_sum3A_393, %eq3A_1175 : i32
      %select_n3A_1177 = arith.select %eq3A_1176, %parallel_loop3A_1174#1, %parallel_loop3A_1167#3 : i32
      %select_n3A_1178 = arith.select %eq3A_1176, %parallel_loop3A_1174#2, %parallel_loop3A_1167#4 : i32
      %shift_left3A = arith.constant 12 : i32
      %shift_left3A_1179 = arith.shli %reduce_sum3A_353, %shift_left3A : i32
      %or3A = arith.ori %shift_left3A_1179, %parallel_loop3A_1167#1 : i32
      %shift_left3A_1180 = arith.constant 12 : i32
      %shift_left3A_1181 = arith.shli %reduce_sum3A_363, %shift_left3A_1180 : i32
      %or3A_1182 = arith.ori %shift_left3A_1181, %select_n3A_1177 : i32
      %ne3A = arith.cmpi ne, %or3A_1182, %or3A : i32
      %convert_element_type3A_1183 = arith.extui %ne3A : i1 to i32
      %sub3A = arith.subi %reduce_sum3A_373, %parallel_loop3A_1167#2 : i32
      %sub3A_1184 = arith.subi %reduce_sum3A_383, %select_n3A_1178 : i32
      %eq3A_1185 = arith.constant 0 : i32
      %eq3A_1186 = vector.broadcast %eq3A_1185 : i32 to vector<16xi32>
      %eq3A_1187 = arith.cmpi eq, %iota3A, %eq3A_1186 : vector<16xi32>
      %broadcast_in_dim3A_1188 = vector.broadcast %or3A : i32 to vector<16xi32>
      %select_n3A_1189 = arith.select %eq3A_1187, %broadcast_in_dim3A_1188, %broadcast_in_dim3A_0 : vector<16xi1>, vector<16xi32>
      %eq3A_1190 = arith.constant 1 : i32
      %eq3A_1191 = vector.broadcast %eq3A_1190 : i32 to vector<16xi32>
      %eq3A_1192 = arith.cmpi eq, %iota3A, %eq3A_1191 : vector<16xi32>
      %broadcast_in_dim3A_1193 = vector.broadcast %or3A_1182 : i32 to vector<16xi32>
      %select_n3A_1194 = arith.select %eq3A_1192, %broadcast_in_dim3A_1193, %select_n3A_1189 : vector<16xi1>, vector<16xi32>
      %eq3A_1195 = arith.constant 2 : i32
      %eq3A_1196 = vector.broadcast %eq3A_1195 : i32 to vector<16xi32>
      %eq3A_1197 = arith.cmpi eq, %iota3A, %eq3A_1196 : vector<16xi32>
      %broadcast_in_dim3A_1198 = vector.broadcast %sub3A : i32 to vector<16xi32>
      %select_n3A_1199 = arith.select %eq3A_1197, %broadcast_in_dim3A_1198, %select_n3A_1194 : vector<16xi1>, vector<16xi32>
      %eq3A_1200 = arith.constant 3 : i32
      %eq3A_1201 = vector.broadcast %eq3A_1200 : i32 to vector<16xi32>
      %eq3A_1202 = arith.cmpi eq, %iota3A, %eq3A_1201 : vector<16xi32>
      %broadcast_in_dim3A_1203 = vector.broadcast %sub3A_1184 : i32 to vector<16xi32>
      %select_n3A_1204 = arith.select %eq3A_1202, %broadcast_in_dim3A_1203, %select_n3A_1199 : vector<16xi1>, vector<16xi32>
      %eq3A_1205 = arith.constant 4 : i32
      %eq3A_1206 = vector.broadcast %eq3A_1205 : i32 to vector<16xi32>
      %eq3A_1207 = arith.cmpi eq, %iota3A, %eq3A_1206 : vector<16xi32>
      %broadcast_in_dim3A_1208 = vector.broadcast %convert_element_type3A_1183 : i32 to vector<16xi32>
      %select_n3A_1209 = arith.select %eq3A_1207, %broadcast_in_dim3A_1208, %select_n3A_1204 : vector<16xi1>, vector<16xi32>
      %swap3A = arith.constant 0 : index
      %swap3A_1210 = tpu.vector_load %arg9[%swap3A] {strides = array<i32>} : memref<16xi32, #tpu.memory_space<vmem>>, vector<16xi32>,
      tpu.vector_store %arg9[%swap3A], %select_n3A_1209 {strides = array<i32>} : memref<16xi32, #tpu.memory_space<vmem>>, vector<16xi32>,
      "tpu.region"() ({
        %run_scoped3A = tpu.sem_alloc : memref<!tpu.dma_semaphore, #tpu.memory_space<semaphore_mem>>
        tpu.enqueue_dma source(%arg9 : memref<16xi32, #tpu.memory_space<vmem>>) target(%arg15 : memref<16xi32, #tpu.memory_space<vmem_shared>>) target_semaphore(%run_scoped3A : memref<!tpu.dma_semaphore, #tpu.memory_space<semaphore_mem>>)
        tpu.wait_dma2 semaphore(%run_scoped3A : memref<!tpu.dma_semaphore, #tpu.memory_space<semaphore_mem>>) src(%arg9 : memref<16xi32, #tpu.memory_space<vmem>>) dst(%arg15 : memref<16xi32, #tpu.memory_space<vmem_shared>>)
        tpu.yield
      }) : () -> ()
    } else {
    }
    %barrier3A_750 = arith.constant 0 : index
    tpu.barrier barrier_id(%barrier3A_750)
    "tpu.region"() ({
      %run_scoped3A = tpu.sem_alloc : memref<!tpu.dma_semaphore, #tpu.memory_space<semaphore_mem>>
      tpu.enqueue_dma source(%arg15 : memref<16xi32, #tpu.memory_space<vmem_shared>>) target(%arg9 : memref<16xi32, #tpu.memory_space<vmem>>) target_semaphore(%run_scoped3A : memref<!tpu.dma_semaphore, #tpu.memory_space<semaphore_mem>>)
      tpu.wait_dma2 semaphore(%run_scoped3A : memref<!tpu.dma_semaphore, #tpu.memory_space<semaphore_mem>>) src(%arg15 : memref<16xi32, #tpu.memory_space<vmem_shared>>) dst(%arg9 : memref<16xi32, #tpu.memory_space<vmem>>)
      tpu.yield
    }) : () -> ()
    %get3A_751 = arith.constant 0 : index
    %get3A_752 = tpu.vector_load %arg9[%get3A_751] {strides = array<i32>} : memref<16xi32, #tpu.memory_space<vmem>>, vector<16xi32>,
    %eq3A_753 = arith.constant 0 : i32
    %eq3A_754 = vector.broadcast %eq3A_753 : i32 to vector<16xi32>
    %eq3A_755 = arith.cmpi eq, %iota3A, %eq3A_754 : vector<16xi32>
    %jit3A_756 = arith.constant 0 : i32
    %broadcast_in_dim3A_757 = vector.broadcast %jit3A_756 : i32 to vector<16xi32>
    %select_n3A_758 = arith.select %eq3A_755, %get3A_752, %broadcast_in_dim3A_757 : vector<16xi1>, vector<16xi32>
    %reduce_sum3A_759 = arith.constant true
    %reduce_sum3A_760 = vector.broadcast %reduce_sum3A_759 : i1 to vector<16xi1>
    %reduce_sum3A_761 = tpu.scan <sum>, %select_n3A_758 masked %reduce_sum3A_760 : vector<16xi32>, vector<16xi1> -> vector<16xi32>
    %reduce_sum3A_762 = vector.extract %reduce_sum3A_761[15] : i32 from vector<16xi32>
    %eq3A_763 = arith.constant 1 : i32
    %eq3A_764 = vector.broadcast %eq3A_763 : i32 to vector<16xi32>
    %eq3A_765 = arith.cmpi eq, %iota3A, %eq3A_764 : vector<16xi32>
    %jit3A_766 = arith.constant 0 : i32
    %broadcast_in_dim3A_767 = vector.broadcast %jit3A_766 : i32 to vector<16xi32>
    %select_n3A_768 = arith.select %eq3A_765, %get3A_752, %broadcast_in_dim3A_767 : vector<16xi1>, vector<16xi32>
    %reduce_sum3A_769 = arith.constant true
    %reduce_sum3A_770 = vector.broadcast %reduce_sum3A_769 : i1 to vector<16xi1>
    %reduce_sum3A_771 = tpu.scan <sum>, %select_n3A_768 masked %reduce_sum3A_770 : vector<16xi32>, vector<16xi1> -> vector<16xi32>
    %reduce_sum3A_772 = vector.extract %reduce_sum3A_771[15] : i32 from vector<16xi32>
    %eq3A_773 = arith.constant 2 : i32
    %eq3A_774 = vector.broadcast %eq3A_773 : i32 to vector<16xi32>
    %eq3A_775 = arith.cmpi eq, %iota3A, %eq3A_774 : vector<16xi32>
    %jit3A_776 = arith.constant 0 : i32
    %broadcast_in_dim3A_777 = vector.broadcast %jit3A_776 : i32 to vector<16xi32>
    %select_n3A_778 = arith.select %eq3A_775, %get3A_752, %broadcast_in_dim3A_777 : vector<16xi1>, vector<16xi32>
    %reduce_sum3A_779 = arith.constant true
    %reduce_sum3A_780 = vector.broadcast %reduce_sum3A_779 : i1 to vector<16xi1>
    %reduce_sum3A_781 = tpu.scan <sum>, %select_n3A_778 masked %reduce_sum3A_780 : vector<16xi32>, vector<16xi1> -> vector<16xi32>
    %reduce_sum3A_782 = vector.extract %reduce_sum3A_781[15] : i32 from vector<16xi32>
    %eq3A_783 = arith.constant 3 : i32
    %eq3A_784 = vector.broadcast %eq3A_783 : i32 to vector<16xi32>
    %eq3A_785 = arith.cmpi eq, %iota3A, %eq3A_784 : vector<16xi32>
    %jit3A_786 = arith.constant 0 : i32
    %broadcast_in_dim3A_787 = vector.broadcast %jit3A_786 : i32 to vector<16xi32>
    %select_n3A_788 = arith.select %eq3A_785, %get3A_752, %broadcast_in_dim3A_787 : vector<16xi1>, vector<16xi32>
    %reduce_sum3A_789 = arith.constant true
    %reduce_sum3A_790 = vector.broadcast %reduce_sum3A_789 : i1 to vector<16xi1>
    %reduce_sum3A_791 = tpu.scan <sum>, %select_n3A_788 masked %reduce_sum3A_790 : vector<16xi32>, vector<16xi1> -> vector<16xi32>
    %reduce_sum3A_792 = vector.extract %reduce_sum3A_791[15] : i32 from vector<16xi32>
    %eq3A_793 = arith.constant 4 : i32
    %eq3A_794 = vector.broadcast %eq3A_793 : i32 to vector<16xi32>
    %eq3A_795 = arith.cmpi eq, %iota3A, %eq3A_794 : vector<16xi32>
    %jit3A_796 = arith.constant 0 : i32
    %broadcast_in_dim3A_797 = vector.broadcast %jit3A_796 : i32 to vector<16xi32>
    %select_n3A_798 = arith.select %eq3A_795, %get3A_752, %broadcast_in_dim3A_797 : vector<16xi1>, vector<16xi32>
    %reduce_sum3A_799 = arith.constant true
    %reduce_sum3A_800 = vector.broadcast %reduce_sum3A_799 : i1 to vector<16xi1>
    %reduce_sum3A_801 = tpu.scan <sum>, %select_n3A_798 masked %reduce_sum3A_800 : vector<16xi32>, vector<16xi1> -> vector<16xi32>
    %reduce_sum3A_802 = vector.extract %reduce_sum3A_801[15] : i32 from vector<16xi32>
    %parallel_loop3A_803 = arith.constant 0 : i32
    %parallel_loop3A_804 = arith.constant 32 : i32
    %parallel_loop3A_805 = arith.constant 1 : i32
    scf.for %parallel_loop3A_1159 = %parallel_loop3A_803 to %parallel_loop3A_804 step %parallel_loop3A_805  : i32 {
      %parallel_loop3A_1160 = arith.constant 16 : i32
      %parallel_loop3A_1161 = arith.muli %parallel_loop3A_1159, %parallel_loop3A_1160 : i32
      %parallel_loop3A_1162 = arith.index_cast %parallel_loop3A_1161 : i32 to index
      %parallel_loop3A_1163 = tpu.vector_load %arg6[%parallel_loop3A_1162] {strides = array<i32>} : memref<8192xi32, #tpu.memory_space<vmem>>, vector<16xi32>,
      tpu.vector_store %arg6[%parallel_loop3A_1162], %broadcast_in_dim3A_0 {strides = array<i32>} : memref<8192xi32, #tpu.memory_space<vmem>>, vector<16xi32>,
    } {sc.loop_unroll_factor = 8 : i64, sc.parallel_access}
    %broadcast_in_dim3A_806 = vector.broadcast %reduce_sum3A_762 : i32 to vector<16xi32>
    %broadcast_in_dim3A_807 = vector.broadcast %reduce_sum3A_772 : i32 to vector<16xi32>
    %broadcast_in_dim3A_808 = vector.broadcast %reduce_sum3A_802 : i32 to vector<16xi32>
    %eq3A_809 = arith.constant 1 : i32
    %eq3A_810 = vector.broadcast %eq3A_809 : i32 to vector<16xi32>
    %eq3A_811 = arith.cmpi eq, %broadcast_in_dim3A_808, %eq3A_810 : vector<16xi32>
    %add3A_812 = arith.constant 0 : i32
    %add3A_813 = arith.addi %mul3A_3, %add3A_812 : i32
    %dma_start3A_814 = arith.constant 0 : i32
    %dma_start3A_815 = tpu.memref_slice %arg2[%add3A_813, %dma_start3A_814] : memref<128x32768xi32, #tpu.memory_space<hbm>> -> memref<1x32768xi32, #tpu.memory_space<hbm>>
    %dma_start3A_816 = tpu.memref_squeeze %dma_start3A_815 : memref<1x32768xi32, #tpu.memory_space<hbm>> -> memref<32768xi32, #tpu.memory_space<hbm>>
    %dma_start3A_817 = arith.constant 0 : i32
    %dma_start3A_818 = tpu.memref_slice %arg2[%add3A_813, %dma_start3A_817] : memref<128x32768xi32, #tpu.memory_space<hbm>> -> memref<1x32768xi32, #tpu.memory_space<hbm>>
    %dma_start3A_819 = tpu.memref_squeeze %dma_start3A_818 : memref<1x32768xi32, #tpu.memory_space<hbm>> -> memref<32768xi32, #tpu.memory_space<hbm>>
    tpu.enqueue_dma source(%dma_start3A_819 : memref<32768xi32, #tpu.memory_space<hbm>>) target(%arg4 : memref<32768xi32, #tpu.memory_space<vmem>>) target_semaphore(%arg10 : memref<!tpu.dma_semaphore, #tpu.memory_space<semaphore_mem>>)
    %scan3A_820 = arith.constant 0 : i32
    %scan3A_821 = arith.constant 0 : i32
    %scan3A_822 = arith.constant 4 : i32
    %scan3A_823 = arith.addi %scan3A_821, %scan3A_822 : i32
    %scan3A_824 = arith.constant 1 : i32
    %scan3A_825 = scf.for %scan3A_1159 = %scan3A_821 to %scan3A_823 step %scan3A_824 iter_args(%scan3A_1160 = %scan3A_820) -> (i32)  : i32 {
      %mul3A_1161 = arith.constant 2 : i32
      %mul3A_1162 = arith.muli %mul3A_1161, %scan3A_1159 : i32
      %add3A_1163 = arith.constant 1 : i32
      %add3A_1164 = arith.addi %mul3A_1162, %add3A_1163 : i32
      %add3A_1165 = arith.addi %mul3A_3, %add3A_1164 : i32
      %dma_start3A_1166 = arith.constant 0 : i32
      %dma_start3A_1167 = tpu.memref_slice %arg2[%add3A_1165, %dma_start3A_1166] : memref<128x32768xi32, #tpu.memory_space<hbm>> -> memref<1x32768xi32, #tpu.memory_space<hbm>>
      %dma_start3A_1168 = tpu.memref_squeeze %dma_start3A_1167 : memref<1x32768xi32, #tpu.memory_space<hbm>> -> memref<32768xi32, #tpu.memory_space<hbm>>
      %dma_start3A_1169 = arith.constant 0 : i32
      %dma_start3A_1170 = tpu.memref_slice %arg2[%add3A_1165, %dma_start3A_1169] : memref<128x32768xi32, #tpu.memory_space<hbm>> -> memref<1x32768xi32, #tpu.memory_space<hbm>>
      %dma_start3A_1171 = tpu.memref_squeeze %dma_start3A_1170 : memref<1x32768xi32, #tpu.memory_space<hbm>> -> memref<32768xi32, #tpu.memory_space<hbm>>
      tpu.enqueue_dma source(%dma_start3A_1171 : memref<32768xi32, #tpu.memory_space<hbm>>) target(%arg5 : memref<32768xi32, #tpu.memory_space<vmem>>) target_semaphore(%arg11 : memref<!tpu.dma_semaphore, #tpu.memory_space<semaphore_mem>>)
      %add3A_1172 = arith.addi %mul3A_3, %mul3A_1162 : i32
      %dma_wait3A_1173 = arith.constant 0 : i32
      %dma_wait3A_1174 = tpu.memref_slice %arg2[%add3A_1172, %dma_wait3A_1173] : memref<128x32768xi32, #tpu.memory_space<hbm>> -> memref<1x32768xi32, #tpu.memory_space<hbm>>
      %dma_wait3A_1175 = tpu.memref_squeeze %dma_wait3A_1174 : memref<1x32768xi32, #tpu.memory_space<hbm>> -> memref<32768xi32, #tpu.memory_space<hbm>>
      %dma_wait3A_1176 = arith.constant 0 : i32
      %dma_wait3A_1177 = tpu.memref_slice %arg2[%add3A_1172, %dma_wait3A_1176] : memref<128x32768xi32, #tpu.memory_space<hbm>> -> memref<1x32768xi32, #tpu.memory_space<hbm>>
      %dma_wait3A_1178 = tpu.memref_squeeze %dma_wait3A_1177 : memref<1x32768xi32, #tpu.memory_space<hbm>> -> memref<32768xi32, #tpu.memory_space<hbm>>
      tpu.wait_dma2 semaphore(%arg10 : memref<!tpu.dma_semaphore, #tpu.memory_space<semaphore_mem>>) src(%dma_wait3A_1178 : memref<32768xi32, #tpu.memory_space<hbm>>) dst(%arg4 : memref<32768xi32, #tpu.memory_space<vmem>>)
      %parallel_loop3A_1179 = arith.constant 0 : i32
      %parallel_loop3A_1180 = arith.constant 2048 : i32
      %parallel_loop3A_1181 = arith.constant 1 : i32
      scf.for %parallel_loop3A_1201 = %parallel_loop3A_1179 to %parallel_loop3A_1180 step %parallel_loop3A_1181  : i32 {
        %parallel_loop3A_1202 = arith.constant 16 : i32
        %parallel_loop3A_1203 = arith.muli %parallel_loop3A_1201, %parallel_loop3A_1202 : i32
        %parallel_loop3A_1204 = arith.index_cast %parallel_loop3A_1203 : i32 to index
        %parallel_loop3A_1205 = tpu.vector_load %arg4[%parallel_loop3A_1204] {strides = array<i32>} : memref<32768xi32, #tpu.memory_space<vmem>>, vector<16xi32>,
        %parallel_loop3A_1206 = arith.constant 31 : i32
        %parallel_loop3A_1207 = vector.broadcast %parallel_loop3A_1206 : i32 to vector<16xi32>
        %parallel_loop3A_1208 = arith.shrsi %parallel_loop3A_1205, %parallel_loop3A_1207 : vector<16xi32>
        %parallel_loop3A_1209 = arith.constant 2147483647 : i32
        %parallel_loop3A_1210 = vector.broadcast %parallel_loop3A_1209 : i32 to vector<16xi32>
        %parallel_loop3A_1211 = arith.andi %parallel_loop3A_1208, %parallel_loop3A_1210 : vector<16xi32>
        %parallel_loop3A_1212 = arith.xori %parallel_loop3A_1205, %parallel_loop3A_1211 : vector<16xi32>
        %parallel_loop3A_1213 = arith.constant 8 : i32
        %parallel_loop3A_1214 = vector.broadcast %parallel_loop3A_1213 : i32 to vector<16xi32>
        %parallel_loop3A_1215 = arith.shrsi %parallel_loop3A_1212, %parallel_loop3A_1214 : vector<16xi32>
        %parallel_loop3A_1216 = arith.cmpi eq, %parallel_loop3A_1215, %broadcast_in_dim3A_806 : vector<16xi32>
        %parallel_loop3A_1217 = arith.cmpi eq, %parallel_loop3A_1215, %broadcast_in_dim3A_807 : vector<16xi32>
        %parallel_loop3A_1218 = arith.andi %parallel_loop3A_1217, %eq3A_811 : vector<16xi1>
        %parallel_loop3A_1219 = arith.constant 255 : i32
        %parallel_loop3A_1220 = vector.broadcast %parallel_loop3A_1219 : i32 to vector<16xi32>
        %parallel_loop3A_1221 = arith.andi %parallel_loop3A_1212, %parallel_loop3A_1220 : vector<16xi32>
        %parallel_loop3A_1222 = arith.constant 256 : i32
        %parallel_loop3A_1223 = arith.constant 0 : i32
        %parallel_loop3A_1224 = vector.broadcast %parallel_loop3A_1222 : i32 to vector<16xi32>
        %parallel_loop3A_1225 = vector.broadcast %parallel_loop3A_1223 : i32 to vector<16xi32>
        %parallel_loop3A_1226 = arith.select %parallel_loop3A_1218, %parallel_loop3A_1224, %parallel_loop3A_1225 : vector<16xi1>, vector<16xi32>
        %parallel_loop3A_1227 = arith.addi %parallel_loop3A_1221, %parallel_loop3A_1226 : vector<16xi32>
        %parallel_loop3A_1228 = arith.ori %parallel_loop3A_1216, %parallel_loop3A_1218 : vector<16xi1>
        tpu.vector_store_idx %arg6[%parallel_loop3A_1227], %broadcast_in_dim3A_2 masked %parallel_loop3A_1228 {add = true} : memref<8192xi32, #tpu.memory_space<vmem>>[vector<16xi32>], vector<16xi32>, vector<16xi1>
      } {sc.loop_unroll_factor = 8 : i64, sc.parallel_access}
      %add3A_1182 = arith.constant 2 : i32
      %add3A_1183 = arith.addi %mul3A_1162, %add3A_1182 : i32
      %lt3A = arith.constant 8 : i32
      %lt3A_1184 = arith.cmpi slt, %add3A_1183, %lt3A : i32
      %convert_element_type3A_1185 = arith.extui %lt3A_1184 : i1 to i32
      %cond3A_1186 = arith.constant 0 : i32
      %cond3A_1187 = arith.cmpi ne, %convert_element_type3A_1185, %cond3A_1186 : i32
      scf.if %cond3A_1187 {
        %add3A_1201 = arith.constant 2 : i32
        %add3A_1202 = arith.addi %mul3A_1162, %add3A_1201 : i32
        %add3A_1203 = arith.addi %mul3A_3, %add3A_1202 : i32
        %dma_start3A_1204 = arith.constant 0 : i32
        %dma_start3A_1205 = tpu.memref_slice %arg2[%add3A_1203, %dma_start3A_1204] : memref<128x32768xi32, #tpu.memory_space<hbm>> -> memref<1x32768xi32, #tpu.memory_space<hbm>>
        %dma_start3A_1206 = tpu.memref_squeeze %dma_start3A_1205 : memref<1x32768xi32, #tpu.memory_space<hbm>> -> memref<32768xi32, #tpu.memory_space<hbm>>
        %dma_start3A_1207 = arith.constant 0 : i32
        %dma_start3A_1208 = tpu.memref_slice %arg2[%add3A_1203, %dma_start3A_1207] : memref<128x32768xi32, #tpu.memory_space<hbm>> -> memref<1x32768xi32, #tpu.memory_space<hbm>>
        %dma_start3A_1209 = tpu.memref_squeeze %dma_start3A_1208 : memref<1x32768xi32, #tpu.memory_space<hbm>> -> memref<32768xi32, #tpu.memory_space<hbm>>
        tpu.enqueue_dma source(%dma_start3A_1209 : memref<32768xi32, #tpu.memory_space<hbm>>) target(%arg4 : memref<32768xi32, #tpu.memory_space<vmem>>) target_semaphore(%arg10 : memref<!tpu.dma_semaphore, #tpu.memory_space<semaphore_mem>>)
      } else {
      }
      %add3A_1188 = arith.constant 1 : i32
      %add3A_1189 = arith.addi %mul3A_1162, %add3A_1188 : i32
      %add3A_1190 = arith.addi %mul3A_3, %add3A_1189 : i32
      %dma_wait3A_1191 = arith.constant 0 : i32
      %dma_wait3A_1192 = tpu.memref_slice %arg2[%add3A_1190, %dma_wait3A_1191] : memref<128x32768xi32, #tpu.memory_space<hbm>> -> memref<1x32768xi32, #tpu.memory_space<hbm>>
      %dma_wait3A_1193 = tpu.memref_squeeze %dma_wait3A_1192 : memref<1x32768xi32, #tpu.memory_space<hbm>> -> memref<32768xi32, #tpu.memory_space<hbm>>
      %dma_wait3A_1194 = arith.constant 0 : i32
      %dma_wait3A_1195 = tpu.memref_slice %arg2[%add3A_1190, %dma_wait3A_1194] : memref<128x32768xi32, #tpu.memory_space<hbm>> -> memref<1x32768xi32, #tpu.memory_space<hbm>>
      %dma_wait3A_1196 = tpu.memref_squeeze %dma_wait3A_1195 : memref<1x32768xi32, #tpu.memory_space<hbm>> -> memref<32768xi32, #tpu.memory_space<hbm>>
      tpu.wait_dma2 semaphore(%arg11 : memref<!tpu.dma_semaphore, #tpu.memory_space<semaphore_mem>>) src(%dma_wait3A_1196 : memref<32768xi32, #tpu.memory_space<hbm>>) dst(%arg5 : memref<32768xi32, #tpu.memory_space<vmem>>)
      %parallel_loop3A_1197 = arith.constant 0 : i32
      %parallel_loop3A_1198 = arith.constant 2048 : i32
      %parallel_loop3A_1199 = arith.constant 1 : i32
      scf.for %parallel_loop3A_1201 = %parallel_loop3A_1197 to %parallel_loop3A_1198 step %parallel_loop3A_1199  : i32 {
        %parallel_loop3A_1202 = arith.constant 16 : i32
        %parallel_loop3A_1203 = arith.muli %parallel_loop3A_1201, %parallel_loop3A_1202 : i32
        %parallel_loop3A_1204 = arith.index_cast %parallel_loop3A_1203 : i32 to index
        %parallel_loop3A_1205 = tpu.vector_load %arg5[%parallel_loop3A_1204] {strides = array<i32>} : memref<32768xi32, #tpu.memory_space<vmem>>, vector<16xi32>,
        %parallel_loop3A_1206 = arith.constant 31 : i32
        %parallel_loop3A_1207 = vector.broadcast %parallel_loop3A_1206 : i32 to vector<16xi32>
        %parallel_loop3A_1208 = arith.shrsi %parallel_loop3A_1205, %parallel_loop3A_1207 : vector<16xi32>
        %parallel_loop3A_1209 = arith.constant 2147483647 : i32
        %parallel_loop3A_1210 = vector.broadcast %parallel_loop3A_1209 : i32 to vector<16xi32>
        %parallel_loop3A_1211 = arith.andi %parallel_loop3A_1208, %parallel_loop3A_1210 : vector<16xi32>
        %parallel_loop3A_1212 = arith.xori %parallel_loop3A_1205, %parallel_loop3A_1211 : vector<16xi32>
        %parallel_loop3A_1213 = arith.constant 8 : i32
        %parallel_loop3A_1214 = vector.broadcast %parallel_loop3A_1213 : i32 to vector<16xi32>
        %parallel_loop3A_1215 = arith.shrsi %parallel_loop3A_1212, %parallel_loop3A_1214 : vector<16xi32>
        %parallel_loop3A_1216 = arith.cmpi eq, %parallel_loop3A_1215, %broadcast_in_dim3A_806 : vector<16xi32>
        %parallel_loop3A_1217 = arith.cmpi eq, %parallel_loop3A_1215, %broadcast_in_dim3A_807 : vector<16xi32>
        %parallel_loop3A_1218 = arith.andi %parallel_loop3A_1217, %eq3A_811 : vector<16xi1>
        %parallel_loop3A_1219 = arith.constant 255 : i32
        %parallel_loop3A_1220 = vector.broadcast %parallel_loop3A_1219 : i32 to vector<16xi32>
        %parallel_loop3A_1221 = arith.andi %parallel_loop3A_1212, %parallel_loop3A_1220 : vector<16xi32>
        %parallel_loop3A_1222 = arith.constant 256 : i32
        %parallel_loop3A_1223 = arith.constant 0 : i32
        %parallel_loop3A_1224 = vector.broadcast %parallel_loop3A_1222 : i32 to vector<16xi32>
        %parallel_loop3A_1225 = vector.broadcast %parallel_loop3A_1223 : i32 to vector<16xi32>
        %parallel_loop3A_1226 = arith.select %parallel_loop3A_1218, %parallel_loop3A_1224, %parallel_loop3A_1225 : vector<16xi1>, vector<16xi32>
        %parallel_loop3A_1227 = arith.addi %parallel_loop3A_1221, %parallel_loop3A_1226 : vector<16xi32>
        %parallel_loop3A_1228 = arith.ori %parallel_loop3A_1216, %parallel_loop3A_1218 : vector<16xi1>
        tpu.vector_store_idx %arg6[%parallel_loop3A_1227], %broadcast_in_dim3A_2 masked %parallel_loop3A_1228 {add = true} : memref<8192xi32, #tpu.memory_space<vmem>>[vector<16xi32>], vector<16xi32>, vector<16xi1>
      } {sc.loop_unroll_factor = 8 : i64, sc.parallel_access}
      %scan3A_1200 = arith.constant 0 : i32
      scf.yield %scan3A_1200 : i32
    }
    %scan3A_826 = arith.constant 4 : i32
    "tpu.region"() ({
      %run_scoped3A = tpu.sem_alloc : memref<!tpu.dma_semaphore, #tpu.memory_space<semaphore_mem>>
      %dma_start3A_1159 = arith.constant 0 : i32
      %dma_start3A_1160 = tpu.memref_slice %arg6[%dma_start3A_1159] : memref<8192xi32, #tpu.memory_space<vmem>> -> memref<512xi32, #tpu.memory_space<vmem>>
      %dma_start3A_1161 = arith.constant 0 : i32
      %dma_start3A_1162 = tpu.memref_slice %arg13[%arg1, %dma_start3A_1161] : memref<16x8192xi32, #tpu.memory_space<vmem_shared>> -> memref<1x512xi32, #tpu.memory_space<vmem_shared>>
      %dma_start3A_1163 = tpu.memref_squeeze %dma_start3A_1162 : memref<1x512xi32, #tpu.memory_space<vmem_shared>> -> memref<512xi32, #tpu.memory_space<vmem_shared>>
      %dma_start3A_1164 = arith.constant 0 : i32
      %dma_start3A_1165 = tpu.memref_slice %arg13[%arg1, %dma_start3A_1164] : memref<16x8192xi32, #tpu.memory_space<vmem_shared>> -> memref<1x512xi32, #tpu.memory_space<vmem_shared>>
      %dma_start3A_1166 = tpu.memref_squeeze %dma_start3A_1165 : memref<1x512xi32, #tpu.memory_space<vmem_shared>> -> memref<512xi32, #tpu.memory_space<vmem_shared>>
      %dma_start3A_1167 = arith.constant 0 : i32
      %dma_start3A_1168 = tpu.memref_slice %arg6[%dma_start3A_1167] : memref<8192xi32, #tpu.memory_space<vmem>> -> memref<512xi32, #tpu.memory_space<vmem>>
      tpu.enqueue_dma source(%dma_start3A_1168 : memref<512xi32, #tpu.memory_space<vmem>>) target(%dma_start3A_1166 : memref<512xi32, #tpu.memory_space<vmem_shared>>) target_semaphore(%run_scoped3A : memref<!tpu.dma_semaphore, #tpu.memory_space<semaphore_mem>>)
      %dma_wait3A_1169 = arith.constant 0 : i32
      %dma_wait3A_1170 = tpu.memref_slice %arg6[%dma_wait3A_1169] : memref<8192xi32, #tpu.memory_space<vmem>> -> memref<512xi32, #tpu.memory_space<vmem>>
      %dma_wait3A_1171 = arith.constant 0 : i32
      %dma_wait3A_1172 = tpu.memref_slice %arg13[%arg1, %dma_wait3A_1171] : memref<16x8192xi32, #tpu.memory_space<vmem_shared>> -> memref<1x512xi32, #tpu.memory_space<vmem_shared>>
      %dma_wait3A_1173 = tpu.memref_squeeze %dma_wait3A_1172 : memref<1x512xi32, #tpu.memory_space<vmem_shared>> -> memref<512xi32, #tpu.memory_space<vmem_shared>>
      %dma_wait3A_1174 = arith.constant 0 : i32
      %dma_wait3A_1175 = tpu.memref_slice %arg13[%arg1, %dma_wait3A_1174] : memref<16x8192xi32, #tpu.memory_space<vmem_shared>> -> memref<1x512xi32, #tpu.memory_space<vmem_shared>>
      %dma_wait3A_1176 = tpu.memref_squeeze %dma_wait3A_1175 : memref<1x512xi32, #tpu.memory_space<vmem_shared>> -> memref<512xi32, #tpu.memory_space<vmem_shared>>
      %dma_wait3A_1177 = arith.constant 0 : i32
      %dma_wait3A_1178 = tpu.memref_slice %arg6[%dma_wait3A_1177] : memref<8192xi32, #tpu.memory_space<vmem>> -> memref<512xi32, #tpu.memory_space<vmem>>
      tpu.wait_dma2 semaphore(%run_scoped3A : memref<!tpu.dma_semaphore, #tpu.memory_space<semaphore_mem>>) src(%dma_wait3A_1178 : memref<512xi32, #tpu.memory_space<vmem>>) dst(%dma_wait3A_1176 : memref<512xi32, #tpu.memory_space<vmem_shared>>)
      tpu.yield
    }) : () -> ()
    %barrier3A_827 = arith.constant 0 : index
    tpu.barrier barrier_id(%barrier3A_827)
    %mul3A_828 = arith.constant 32 : i32
    %mul3A_829 = arith.muli %arg1, %mul3A_828 : i32
    %mul3A_830 = arith.constant 32 : i32
    %mul3A_831 = arith.muli %arg1, %mul3A_830 : i32
    %mul3A_832 = arith.constant 32 : i32
    %mul3A_833 = arith.muli %arg1, %mul3A_832 : i32
    %mul3A_834 = arith.constant 32 : i32
    %mul3A_835 = arith.muli %arg1, %mul3A_834 : i32
    %mul3A_836 = arith.constant 32 : i32
    %mul3A_837 = arith.muli %arg1, %mul3A_836 : i32
    %mul3A_838 = arith.constant 32 : i32
    %mul3A_839 = arith.muli %arg1, %mul3A_838 : i32
    %mul3A_840 = arith.constant 32 : i32
    %mul3A_841 = arith.muli %arg1, %mul3A_840 : i32
    %mul3A_842 = arith.constant 32 : i32
    %mul3A_843 = arith.muli %arg1, %mul3A_842 : i32
    %mul3A_844 = arith.constant 32 : i32
    %mul3A_845 = arith.muli %arg1, %mul3A_844 : i32
    %mul3A_846 = arith.constant 32 : i32
    %mul3A_847 = arith.muli %arg1, %mul3A_846 : i32
    %mul3A_848 = arith.constant 32 : i32
    %mul3A_849 = arith.muli %arg1, %mul3A_848 : i32
    %mul3A_850 = arith.constant 32 : i32
    %mul3A_851 = arith.muli %arg1, %mul3A_850 : i32
    %mul3A_852 = arith.constant 32 : i32
    %mul3A_853 = arith.muli %arg1, %mul3A_852 : i32
    %mul3A_854 = arith.constant 32 : i32
    %mul3A_855 = arith.muli %arg1, %mul3A_854 : i32
    %mul3A_856 = arith.constant 32 : i32
    %mul3A_857 = arith.muli %arg1, %mul3A_856 : i32
    %mul3A_858 = arith.constant 32 : i32
    %mul3A_859 = arith.muli %arg1, %mul3A_858 : i32
    %dma_start3A_860 = arith.constant 0 : i32
    %dma_start3A_861 = arith.constant 0 : i32
    %dma_start3A_862 = tpu.memref_slice %arg7[%dma_start3A_861] : memref<8192xi32, #tpu.memory_space<vmem>> -> memref<32xi32, #tpu.memory_space<vmem>>
    %dma_start3A_863 = tpu.memref_slice %arg13[%dma_start3A_860, %mul3A_829] : memref<16x8192xi32, #tpu.memory_space<vmem_shared>> -> memref<1x32xi32, #tpu.memory_space<vmem_shared>>
    %dma_start3A_864 = tpu.memref_squeeze %dma_start3A_863 : memref<1x32xi32, #tpu.memory_space<vmem_shared>> -> memref<32xi32, #tpu.memory_space<vmem_shared>>
    %dma_start3A_865 = arith.constant 0 : i32
    %dma_start3A_866 = tpu.memref_slice %arg7[%dma_start3A_865] : memref<8192xi32, #tpu.memory_space<vmem>> -> memref<32xi32, #tpu.memory_space<vmem>>
    %dma_start3A_867 = tpu.memref_slice %arg13[%dma_start3A_860, %mul3A_829] : memref<16x8192xi32, #tpu.memory_space<vmem_shared>> -> memref<1x32xi32, #tpu.memory_space<vmem_shared>>
    %dma_start3A_868 = tpu.memref_squeeze %dma_start3A_867 : memref<1x32xi32, #tpu.memory_space<vmem_shared>> -> memref<32xi32, #tpu.memory_space<vmem_shared>>
    tpu.enqueue_dma source(%dma_start3A_868 : memref<32xi32, #tpu.memory_space<vmem_shared>>) target(%dma_start3A_866 : memref<32xi32, #tpu.memory_space<vmem>>) target_semaphore(%arg12 : memref<!tpu.dma_semaphore, #tpu.memory_space<semaphore_mem>>)
    %dma_start3A_869 = arith.constant 1 : i32
    %dma_start3A_870 = arith.constant 32 : i32
    %dma_start3A_871 = tpu.memref_slice %arg7[%dma_start3A_870] : memref<8192xi32, #tpu.memory_space<vmem>> -> memref<32xi32, #tpu.memory_space<vmem>>
    %dma_start3A_872 = tpu.memref_slice %arg13[%dma_start3A_869, %mul3A_831] : memref<16x8192xi32, #tpu.memory_space<vmem_shared>> -> memref<1x32xi32, #tpu.memory_space<vmem_shared>>
    %dma_start3A_873 = tpu.memref_squeeze %dma_start3A_872 : memref<1x32xi32, #tpu.memory_space<vmem_shared>> -> memref<32xi32, #tpu.memory_space<vmem_shared>>
    %dma_start3A_874 = arith.constant 32 : i32
    %dma_start3A_875 = tpu.memref_slice %arg7[%dma_start3A_874] : memref<8192xi32, #tpu.memory_space<vmem>> -> memref<32xi32, #tpu.memory_space<vmem>>
    %dma_start3A_876 = tpu.memref_slice %arg13[%dma_start3A_869, %mul3A_831] : memref<16x8192xi32, #tpu.memory_space<vmem_shared>> -> memref<1x32xi32, #tpu.memory_space<vmem_shared>>
    %dma_start3A_877 = tpu.memref_squeeze %dma_start3A_876 : memref<1x32xi32, #tpu.memory_space<vmem_shared>> -> memref<32xi32, #tpu.memory_space<vmem_shared>>
    tpu.enqueue_dma source(%dma_start3A_877 : memref<32xi32, #tpu.memory_space<vmem_shared>>) target(%dma_start3A_875 : memref<32xi32, #tpu.memory_space<vmem>>) target_semaphore(%arg12 : memref<!tpu.dma_semaphore, #tpu.memory_space<semaphore_mem>>)
    %dma_start3A_878 = arith.constant 2 : i32
    %dma_start3A_879 = arith.constant 64 : i32
    %dma_start3A_880 = tpu.memref_slice %arg7[%dma_start3A_879] : memref<8192xi32, #tpu.memory_space<vmem>> -> memref<32xi32, #tpu.memory_space<vmem>>
    %dma_start3A_881 = tpu.memref_slice %arg13[%dma_start3A_878, %mul3A_833] : memref<16x8192xi32, #tpu.memory_space<vmem_shared>> -> memref<1x32xi32, #tpu.memory_space<vmem_shared>>
    %dma_start3A_882 = tpu.memref_squeeze %dma_start3A_881 : memref<1x32xi32, #tpu.memory_space<vmem_shared>> -> memref<32xi32, #tpu.memory_space<vmem_shared>>
    %dma_start3A_883 = arith.constant 64 : i32
    %dma_start3A_884 = tpu.memref_slice %arg7[%dma_start3A_883] : memref<8192xi32, #tpu.memory_space<vmem>> -> memref<32xi32, #tpu.memory_space<vmem>>
    %dma_start3A_885 = tpu.memref_slice %arg13[%dma_start3A_878, %mul3A_833] : memref<16x8192xi32, #tpu.memory_space<vmem_shared>> -> memref<1x32xi32, #tpu.memory_space<vmem_shared>>
    %dma_start3A_886 = tpu.memref_squeeze %dma_start3A_885 : memref<1x32xi32, #tpu.memory_space<vmem_shared>> -> memref<32xi32, #tpu.memory_space<vmem_shared>>
    tpu.enqueue_dma source(%dma_start3A_886 : memref<32xi32, #tpu.memory_space<vmem_shared>>) target(%dma_start3A_884 : memref<32xi32, #tpu.memory_space<vmem>>) target_semaphore(%arg12 : memref<!tpu.dma_semaphore, #tpu.memory_space<semaphore_mem>>)
    %dma_start3A_887 = arith.constant 3 : i32
    %dma_start3A_888 = arith.constant 96 : i32
    %dma_start3A_889 = tpu.memref_slice %arg7[%dma_start3A_888] : memref<8192xi32, #tpu.memory_space<vmem>> -> memref<32xi32, #tpu.memory_space<vmem>>
    %dma_start3A_890 = tpu.memref_slice %arg13[%dma_start3A_887, %mul3A_835] : memref<16x8192xi32, #tpu.memory_space<vmem_shared>> -> memref<1x32xi32, #tpu.memory_space<vmem_shared>>
    %dma_start3A_891 = tpu.memref_squeeze %dma_start3A_890 : memref<1x32xi32, #tpu.memory_space<vmem_shared>> -> memref<32xi32, #tpu.memory_space<vmem_shared>>
    %dma_start3A_892 = arith.constant 96 : i32
    %dma_start3A_893 = tpu.memref_slice %arg7[%dma_start3A_892] : memref<8192xi32, #tpu.memory_space<vmem>> -> memref<32xi32, #tpu.memory_space<vmem>>
    %dma_start3A_894 = tpu.memref_slice %arg13[%dma_start3A_887, %mul3A_835] : memref<16x8192xi32, #tpu.memory_space<vmem_shared>> -> memref<1x32xi32, #tpu.memory_space<vmem_shared>>
    %dma_start3A_895 = tpu.memref_squeeze %dma_start3A_894 : memref<1x32xi32, #tpu.memory_space<vmem_shared>> -> memref<32xi32, #tpu.memory_space<vmem_shared>>
    tpu.enqueue_dma source(%dma_start3A_895 : memref<32xi32, #tpu.memory_space<vmem_shared>>) target(%dma_start3A_893 : memref<32xi32, #tpu.memory_space<vmem>>) target_semaphore(%arg12 : memref<!tpu.dma_semaphore, #tpu.memory_space<semaphore_mem>>)
    %dma_start3A_896 = arith.constant 4 : i32
    %dma_start3A_897 = arith.constant 128 : i32
    %dma_start3A_898 = tpu.memref_slice %arg7[%dma_start3A_897] : memref<8192xi32, #tpu.memory_space<vmem>> -> memref<32xi32, #tpu.memory_space<vmem>>
    %dma_start3A_899 = tpu.memref_slice %arg13[%dma_start3A_896, %mul3A_837] : memref<16x8192xi32, #tpu.memory_space<vmem_shared>> -> memref<1x32xi32, #tpu.memory_space<vmem_shared>>
    %dma_start3A_900 = tpu.memref_squeeze %dma_start3A_899 : memref<1x32xi32, #tpu.memory_space<vmem_shared>> -> memref<32xi32, #tpu.memory_space<vmem_shared>>
    %dma_start3A_901 = arith.constant 128 : i32
    %dma_start3A_902 = tpu.memref_slice %arg7[%dma_start3A_901] : memref<8192xi32, #tpu.memory_space<vmem>> -> memref<32xi32, #tpu.memory_space<vmem>>
    %dma_start3A_903 = tpu.memref_slice %arg13[%dma_start3A_896, %mul3A_837] : memref<16x8192xi32, #tpu.memory_space<vmem_shared>> -> memref<1x32xi32, #tpu.memory_space<vmem_shared>>
    %dma_start3A_904 = tpu.memref_squeeze %dma_start3A_903 : memref<1x32xi32, #tpu.memory_space<vmem_shared>> -> memref<32xi32, #tpu.memory_space<vmem_shared>>
    tpu.enqueue_dma source(%dma_start3A_904 : memref<32xi32, #tpu.memory_space<vmem_shared>>) target(%dma_start3A_902 : memref<32xi32, #tpu.memory_space<vmem>>) target_semaphore(%arg12 : memref<!tpu.dma_semaphore, #tpu.memory_space<semaphore_mem>>)
    %dma_start3A_905 = arith.constant 5 : i32
    %dma_start3A_906 = arith.constant 160 : i32
    %dma_start3A_907 = tpu.memref_slice %arg7[%dma_start3A_906] : memref<8192xi32, #tpu.memory_space<vmem>> -> memref<32xi32, #tpu.memory_space<vmem>>
    %dma_start3A_908 = tpu.memref_slice %arg13[%dma_start3A_905, %mul3A_839] : memref<16x8192xi32, #tpu.memory_space<vmem_shared>> -> memref<1x32xi32, #tpu.memory_space<vmem_shared>>
    %dma_start3A_909 = tpu.memref_squeeze %dma_start3A_908 : memref<1x32xi32, #tpu.memory_space<vmem_shared>> -> memref<32xi32, #tpu.memory_space<vmem_shared>>
    %dma_start3A_910 = arith.constant 160 : i32
    %dma_start3A_911 = tpu.memref_slice %arg7[%dma_start3A_910] : memref<8192xi32, #tpu.memory_space<vmem>> -> memref<32xi32, #tpu.memory_space<vmem>>
    %dma_start3A_912 = tpu.memref_slice %arg13[%dma_start3A_905, %mul3A_839] : memref<16x8192xi32, #tpu.memory_space<vmem_shared>> -> memref<1x32xi32, #tpu.memory_space<vmem_shared>>
    %dma_start3A_913 = tpu.memref_squeeze %dma_start3A_912 : memref<1x32xi32, #tpu.memory_space<vmem_shared>> -> memref<32xi32, #tpu.memory_space<vmem_shared>>
    tpu.enqueue_dma source(%dma_start3A_913 : memref<32xi32, #tpu.memory_space<vmem_shared>>) target(%dma_start3A_911 : memref<32xi32, #tpu.memory_space<vmem>>) target_semaphore(%arg12 : memref<!tpu.dma_semaphore, #tpu.memory_space<semaphore_mem>>)
    %dma_start3A_914 = arith.constant 6 : i32
    %dma_start3A_915 = arith.constant 192 : i32
    %dma_start3A_916 = tpu.memref_slice %arg7[%dma_start3A_915] : memref<8192xi32, #tpu.memory_space<vmem>> -> memref<32xi32, #tpu.memory_space<vmem>>
    %dma_start3A_917 = tpu.memref_slice %arg13[%dma_start3A_914, %mul3A_841] : memref<16x8192xi32, #tpu.memory_space<vmem_shared>> -> memref<1x32xi32, #tpu.memory_space<vmem_shared>>
    %dma_start3A_918 = tpu.memref_squeeze %dma_start3A_917 : memref<1x32xi32, #tpu.memory_space<vmem_shared>> -> memref<32xi32, #tpu.memory_space<vmem_shared>>
    %dma_start3A_919 = arith.constant 192 : i32
    %dma_start3A_920 = tpu.memref_slice %arg7[%dma_start3A_919] : memref<8192xi32, #tpu.memory_space<vmem>> -> memref<32xi32, #tpu.memory_space<vmem>>
    %dma_start3A_921 = tpu.memref_slice %arg13[%dma_start3A_914, %mul3A_841] : memref<16x8192xi32, #tpu.memory_space<vmem_shared>> -> memref<1x32xi32, #tpu.memory_space<vmem_shared>>
    %dma_start3A_922 = tpu.memref_squeeze %dma_start3A_921 : memref<1x32xi32, #tpu.memory_space<vmem_shared>> -> memref<32xi32, #tpu.memory_space<vmem_shared>>
    tpu.enqueue_dma source(%dma_start3A_922 : memref<32xi32, #tpu.memory_space<vmem_shared>>) target(%dma_start3A_920 : memref<32xi32, #tpu.memory_space<vmem>>) target_semaphore(%arg12 : memref<!tpu.dma_semaphore, #tpu.memory_space<semaphore_mem>>)
    %dma_start3A_923 = arith.constant 7 : i32
    %dma_start3A_924 = arith.constant 224 : i32
    %dma_start3A_925 = tpu.memref_slice %arg7[%dma_start3A_924] : memref<8192xi32, #tpu.memory_space<vmem>> -> memref<32xi32, #tpu.memory_space<vmem>>
    %dma_start3A_926 = tpu.memref_slice %arg13[%dma_start3A_923, %mul3A_843] : memref<16x8192xi32, #tpu.memory_space<vmem_shared>> -> memref<1x32xi32, #tpu.memory_space<vmem_shared>>
    %dma_start3A_927 = tpu.memref_squeeze %dma_start3A_926 : memref<1x32xi32, #tpu.memory_space<vmem_shared>> -> memref<32xi32, #tpu.memory_space<vmem_shared>>
    %dma_start3A_928 = arith.constant 224 : i32
    %dma_start3A_929 = tpu.memref_slice %arg7[%dma_start3A_928] : memref<8192xi32, #tpu.memory_space<vmem>> -> memref<32xi32, #tpu.memory_space<vmem>>
    %dma_start3A_930 = tpu.memref_slice %arg13[%dma_start3A_923, %mul3A_843] : memref<16x8192xi32, #tpu.memory_space<vmem_shared>> -> memref<1x32xi32, #tpu.memory_space<vmem_shared>>
    %dma_start3A_931 = tpu.memref_squeeze %dma_start3A_930 : memref<1x32xi32, #tpu.memory_space<vmem_shared>> -> memref<32xi32, #tpu.memory_space<vmem_shared>>
    tpu.enqueue_dma source(%dma_start3A_931 : memref<32xi32, #tpu.memory_space<vmem_shared>>) target(%dma_start3A_929 : memref<32xi32, #tpu.memory_space<vmem>>) target_semaphore(%arg12 : memref<!tpu.dma_semaphore, #tpu.memory_space<semaphore_mem>>)
    %dma_start3A_932 = arith.constant 8 : i32
    %dma_start3A_933 = arith.constant 256 : i32
    %dma_start3A_934 = tpu.memref_slice %arg7[%dma_start3A_933] : memref<8192xi32, #tpu.memory_space<vmem>> -> memref<32xi32, #tpu.memory_space<vmem>>
    %dma_start3A_935 = tpu.memref_slice %arg13[%dma_start3A_932, %mul3A_845] : memref<16x8192xi32, #tpu.memory_space<vmem_shared>> -> memref<1x32xi32, #tpu.memory_space<vmem_shared>>
    %dma_start3A_936 = tpu.memref_squeeze %dma_start3A_935 : memref<1x32xi32, #tpu.memory_space<vmem_shared>> -> memref<32xi32, #tpu.memory_space<vmem_shared>>
    %dma_start3A_937 = arith.constant 256 : i32
    %dma_start3A_938 = tpu.memref_slice %arg7[%dma_start3A_937] : memref<8192xi32, #tpu.memory_space<vmem>> -> memref<32xi32, #tpu.memory_space<vmem>>
    %dma_start3A_939 = tpu.memref_slice %arg13[%dma_start3A_932, %mul3A_845] : memref<16x8192xi32, #tpu.memory_space<vmem_shared>> -> memref<1x32xi32, #tpu.memory_space<vmem_shared>>
    %dma_start3A_940 = tpu.memref_squeeze %dma_start3A_939 : memref<1x32xi32, #tpu.memory_space<vmem_shared>> -> memref<32xi32, #tpu.memory_space<vmem_shared>>
    tpu.enqueue_dma source(%dma_start3A_940 : memref<32xi32, #tpu.memory_space<vmem_shared>>) target(%dma_start3A_938 : memref<32xi32, #tpu.memory_space<vmem>>) target_semaphore(%arg12 : memref<!tpu.dma_semaphore, #tpu.memory_space<semaphore_mem>>)
    %dma_start3A_941 = arith.constant 9 : i32
    %dma_start3A_942 = arith.constant 288 : i32
    %dma_start3A_943 = tpu.memref_slice %arg7[%dma_start3A_942] : memref<8192xi32, #tpu.memory_space<vmem>> -> memref<32xi32, #tpu.memory_space<vmem>>
    %dma_start3A_944 = tpu.memref_slice %arg13[%dma_start3A_941, %mul3A_847] : memref<16x8192xi32, #tpu.memory_space<vmem_shared>> -> memref<1x32xi32, #tpu.memory_space<vmem_shared>>
    %dma_start3A_945 = tpu.memref_squeeze %dma_start3A_944 : memref<1x32xi32, #tpu.memory_space<vmem_shared>> -> memref<32xi32, #tpu.memory_space<vmem_shared>>
    %dma_start3A_946 = arith.constant 288 : i32
    %dma_start3A_947 = tpu.memref_slice %arg7[%dma_start3A_946] : memref<8192xi32, #tpu.memory_space<vmem>> -> memref<32xi32, #tpu.memory_space<vmem>>
    %dma_start3A_948 = tpu.memref_slice %arg13[%dma_start3A_941, %mul3A_847] : memref<16x8192xi32, #tpu.memory_space<vmem_shared>> -> memref<1x32xi32, #tpu.memory_space<vmem_shared>>
    %dma_start3A_949 = tpu.memref_squeeze %dma_start3A_948 : memref<1x32xi32, #tpu.memory_space<vmem_shared>> -> memref<32xi32, #tpu.memory_space<vmem_shared>>
    tpu.enqueue_dma source(%dma_start3A_949 : memref<32xi32, #tpu.memory_space<vmem_shared>>) target(%dma_start3A_947 : memref<32xi32, #tpu.memory_space<vmem>>) target_semaphore(%arg12 : memref<!tpu.dma_semaphore, #tpu.memory_space<semaphore_mem>>)
    %dma_start3A_950 = arith.constant 10 : i32
    %dma_start3A_951 = arith.constant 320 : i32
    %dma_start3A_952 = tpu.memref_slice %arg7[%dma_start3A_951] : memref<8192xi32, #tpu.memory_space<vmem>> -> memref<32xi32, #tpu.memory_space<vmem>>
    %dma_start3A_953 = tpu.memref_slice %arg13[%dma_start3A_950, %mul3A_849] : memref<16x8192xi32, #tpu.memory_space<vmem_shared>> -> memref<1x32xi32, #tpu.memory_space<vmem_shared>>
    %dma_start3A_954 = tpu.memref_squeeze %dma_start3A_953 : memref<1x32xi32, #tpu.memory_space<vmem_shared>> -> memref<32xi32, #tpu.memory_space<vmem_shared>>
    %dma_start3A_955 = arith.constant 320 : i32
    %dma_start3A_956 = tpu.memref_slice %arg7[%dma_start3A_955] : memref<8192xi32, #tpu.memory_space<vmem>> -> memref<32xi32, #tpu.memory_space<vmem>>
    %dma_start3A_957 = tpu.memref_slice %arg13[%dma_start3A_950, %mul3A_849] : memref<16x8192xi32, #tpu.memory_space<vmem_shared>> -> memref<1x32xi32, #tpu.memory_space<vmem_shared>>
    %dma_start3A_958 = tpu.memref_squeeze %dma_start3A_957 : memref<1x32xi32, #tpu.memory_space<vmem_shared>> -> memref<32xi32, #tpu.memory_space<vmem_shared>>
    tpu.enqueue_dma source(%dma_start3A_958 : memref<32xi32, #tpu.memory_space<vmem_shared>>) target(%dma_start3A_956 : memref<32xi32, #tpu.memory_space<vmem>>) target_semaphore(%arg12 : memref<!tpu.dma_semaphore, #tpu.memory_space<semaphore_mem>>)
    %dma_start3A_959 = arith.constant 11 : i32
    %dma_start3A_960 = arith.constant 352 : i32
    %dma_start3A_961 = tpu.memref_slice %arg7[%dma_start3A_960] : memref<8192xi32, #tpu.memory_space<vmem>> -> memref<32xi32, #tpu.memory_space<vmem>>
    %dma_start3A_962 = tpu.memref_slice %arg13[%dma_start3A_959, %mul3A_851] : memref<16x8192xi32, #tpu.memory_space<vmem_shared>> -> memref<1x32xi32, #tpu.memory_space<vmem_shared>>
    %dma_start3A_963 = tpu.memref_squeeze %dma_start3A_962 : memref<1x32xi32, #tpu.memory_space<vmem_shared>> -> memref<32xi32, #tpu.memory_space<vmem_shared>>
    %dma_start3A_964 = arith.constant 352 : i32
    %dma_start3A_965 = tpu.memref_slice %arg7[%dma_start3A_964] : memref<8192xi32, #tpu.memory_space<vmem>> -> memref<32xi32, #tpu.memory_space<vmem>>
    %dma_start3A_966 = tpu.memref_slice %arg13[%dma_start3A_959, %mul3A_851] : memref<16x8192xi32, #tpu.memory_space<vmem_shared>> -> memref<1x32xi32, #tpu.memory_space<vmem_shared>>
    %dma_start3A_967 = tpu.memref_squeeze %dma_start3A_966 : memref<1x32xi32, #tpu.memory_space<vmem_shared>> -> memref<32xi32, #tpu.memory_space<vmem_shared>>
    tpu.enqueue_dma source(%dma_start3A_967 : memref<32xi32, #tpu.memory_space<vmem_shared>>) target(%dma_start3A_965 : memref<32xi32, #tpu.memory_space<vmem>>) target_semaphore(%arg12 : memref<!tpu.dma_semaphore, #tpu.memory_space<semaphore_mem>>)
    %dma_start3A_968 = arith.constant 12 : i32
    %dma_start3A_969 = arith.constant 384 : i32
    %dma_start3A_970 = tpu.memref_slice %arg7[%dma_start3A_969] : memref<8192xi32, #tpu.memory_space<vmem>> -> memref<32xi32, #tpu.memory_space<vmem>>
    %dma_start3A_971 = tpu.memref_slice %arg13[%dma_start3A_968, %mul3A_853] : memref<16x8192xi32, #tpu.memory_space<vmem_shared>> -> memref<1x32xi32, #tpu.memory_space<vmem_shared>>
    %dma_start3A_972 = tpu.memref_squeeze %dma_start3A_971 : memref<1x32xi32, #tpu.memory_space<vmem_shared>> -> memref<32xi32, #tpu.memory_space<vmem_shared>>
    %dma_start3A_973 = arith.constant 384 : i32
    %dma_start3A_974 = tpu.memref_slice %arg7[%dma_start3A_973] : memref<8192xi32, #tpu.memory_space<vmem>> -> memref<32xi32, #tpu.memory_space<vmem>>
    %dma_start3A_975 = tpu.memref_slice %arg13[%dma_start3A_968, %mul3A_853] : memref<16x8192xi32, #tpu.memory_space<vmem_shared>> -> memref<1x32xi32, #tpu.memory_space<vmem_shared>>
    %dma_start3A_976 = tpu.memref_squeeze %dma_start3A_975 : memref<1x32xi32, #tpu.memory_space<vmem_shared>> -> memref<32xi32, #tpu.memory_space<vmem_shared>>
    tpu.enqueue_dma source(%dma_start3A_976 : memref<32xi32, #tpu.memory_space<vmem_shared>>) target(%dma_start3A_974 : memref<32xi32, #tpu.memory_space<vmem>>) target_semaphore(%arg12 : memref<!tpu.dma_semaphore, #tpu.memory_space<semaphore_mem>>)
    %dma_start3A_977 = arith.constant 13 : i32
    %dma_start3A_978 = arith.constant 416 : i32
    %dma_start3A_979 = tpu.memref_slice %arg7[%dma_start3A_978] : memref<8192xi32, #tpu.memory_space<vmem>> -> memref<32xi32, #tpu.memory_space<vmem>>
    %dma_start3A_980 = tpu.memref_slice %arg13[%dma_start3A_977, %mul3A_855] : memref<16x8192xi32, #tpu.memory_space<vmem_shared>> -> memref<1x32xi32, #tpu.memory_space<vmem_shared>>
    %dma_start3A_981 = tpu.memref_squeeze %dma_start3A_980 : memref<1x32xi32, #tpu.memory_space<vmem_shared>> -> memref<32xi32, #tpu.memory_space<vmem_shared>>
    %dma_start3A_982 = arith.constant 416 : i32
    %dma_start3A_983 = tpu.memref_slice %arg7[%dma_start3A_982] : memref<8192xi32, #tpu.memory_space<vmem>> -> memref<32xi32, #tpu.memory_space<vmem>>
    %dma_start3A_984 = tpu.memref_slice %arg13[%dma_start3A_977, %mul3A_855] : memref<16x8192xi32, #tpu.memory_space<vmem_shared>> -> memref<1x32xi32, #tpu.memory_space<vmem_shared>>
    %dma_start3A_985 = tpu.memref_squeeze %dma_start3A_984 : memref<1x32xi32, #tpu.memory_space<vmem_shared>> -> memref<32xi32, #tpu.memory_space<vmem_shared>>
    tpu.enqueue_dma source(%dma_start3A_985 : memref<32xi32, #tpu.memory_space<vmem_shared>>) target(%dma_start3A_983 : memref<32xi32, #tpu.memory_space<vmem>>) target_semaphore(%arg12 : memref<!tpu.dma_semaphore, #tpu.memory_space<semaphore_mem>>)
    %dma_start3A_986 = arith.constant 14 : i32
    %dma_start3A_987 = arith.constant 448 : i32
    %dma_start3A_988 = tpu.memref_slice %arg7[%dma_start3A_987] : memref<8192xi32, #tpu.memory_space<vmem>> -> memref<32xi32, #tpu.memory_space<vmem>>
    %dma_start3A_989 = tpu.memref_slice %arg13[%dma_start3A_986, %mul3A_857] : memref<16x8192xi32, #tpu.memory_space<vmem_shared>> -> memref<1x32xi32, #tpu.memory_space<vmem_shared>>
    %dma_start3A_990 = tpu.memref_squeeze %dma_start3A_989 : memref<1x32xi32, #tpu.memory_space<vmem_shared>> -> memref<32xi32, #tpu.memory_space<vmem_shared>>
    %dma_start3A_991 = arith.constant 448 : i32
    %dma_start3A_992 = tpu.memref_slice %arg7[%dma_start3A_991] : memref<8192xi32, #tpu.memory_space<vmem>> -> memref<32xi32, #tpu.memory_space<vmem>>
    %dma_start3A_993 = tpu.memref_slice %arg13[%dma_start3A_986, %mul3A_857] : memref<16x8192xi32, #tpu.memory_space<vmem_shared>> -> memref<1x32xi32, #tpu.memory_space<vmem_shared>>
    %dma_start3A_994 = tpu.memref_squeeze %dma_start3A_993 : memref<1x32xi32, #tpu.memory_space<vmem_shared>> -> memref<32xi32, #tpu.memory_space<vmem_shared>>
    tpu.enqueue_dma source(%dma_start3A_994 : memref<32xi32, #tpu.memory_space<vmem_shared>>) target(%dma_start3A_992 : memref<32xi32, #tpu.memory_space<vmem>>) target_semaphore(%arg12 : memref<!tpu.dma_semaphore, #tpu.memory_space<semaphore_mem>>)
    %dma_start3A_995 = arith.constant 15 : i32
    %dma_start3A_996 = arith.constant 480 : i32
    %dma_start3A_997 = tpu.memref_slice %arg7[%dma_start3A_996] : memref<8192xi32, #tpu.memory_space<vmem>> -> memref<32xi32, #tpu.memory_space<vmem>>
    %dma_start3A_998 = tpu.memref_slice %arg13[%dma_start3A_995, %mul3A_859] : memref<16x8192xi32, #tpu.memory_space<vmem_shared>> -> memref<1x32xi32, #tpu.memory_space<vmem_shared>>
    %dma_start3A_999 = tpu.memref_squeeze %dma_start3A_998 : memref<1x32xi32, #tpu.memory_space<vmem_shared>> -> memref<32xi32, #tpu.memory_space<vmem_shared>>
    %dma_start3A_1000 = arith.constant 480 : i32
    %dma_start3A_1001 = tpu.memref_slice %arg7[%dma_start3A_1000] : memref<8192xi32, #tpu.memory_space<vmem>> -> memref<32xi32, #tpu.memory_space<vmem>>
    %dma_start3A_1002 = tpu.memref_slice %arg13[%dma_start3A_995, %mul3A_859] : memref<16x8192xi32, #tpu.memory_space<vmem_shared>> -> memref<1x32xi32, #tpu.memory_space<vmem_shared>>
    %dma_start3A_1003 = tpu.memref_squeeze %dma_start3A_1002 : memref<1x32xi32, #tpu.memory_space<vmem_shared>> -> memref<32xi32, #tpu.memory_space<vmem_shared>>
    tpu.enqueue_dma source(%dma_start3A_1003 : memref<32xi32, #tpu.memory_space<vmem_shared>>) target(%dma_start3A_1001 : memref<32xi32, #tpu.memory_space<vmem>>) target_semaphore(%arg12 : memref<!tpu.dma_semaphore, #tpu.memory_space<semaphore_mem>>)
    %dma_wait3A_1004 = arith.constant 0 : i32
    %dma_wait3A_1005 = arith.constant 0 : i32
    %dma_wait3A_1006 = tpu.memref_slice %arg7[%dma_wait3A_1005] : memref<8192xi32, #tpu.memory_space<vmem>> -> memref<32xi32, #tpu.memory_space<vmem>>
    %dma_wait3A_1007 = tpu.memref_slice %arg13[%dma_wait3A_1004, %mul3A_829] : memref<16x8192xi32, #tpu.memory_space<vmem_shared>> -> memref<1x32xi32, #tpu.memory_space<vmem_shared>>
    %dma_wait3A_1008 = tpu.memref_squeeze %dma_wait3A_1007 : memref<1x32xi32, #tpu.memory_space<vmem_shared>> -> memref<32xi32, #tpu.memory_space<vmem_shared>>
    %dma_wait3A_1009 = arith.constant 0 : i32
    %dma_wait3A_1010 = tpu.memref_slice %arg7[%dma_wait3A_1009] : memref<8192xi32, #tpu.memory_space<vmem>> -> memref<32xi32, #tpu.memory_space<vmem>>
    %dma_wait3A_1011 = tpu.memref_slice %arg13[%dma_wait3A_1004, %mul3A_829] : memref<16x8192xi32, #tpu.memory_space<vmem_shared>> -> memref<1x32xi32, #tpu.memory_space<vmem_shared>>
    %dma_wait3A_1012 = tpu.memref_squeeze %dma_wait3A_1011 : memref<1x32xi32, #tpu.memory_space<vmem_shared>> -> memref<32xi32, #tpu.memory_space<vmem_shared>>
    tpu.wait_dma2 semaphore(%arg12 : memref<!tpu.dma_semaphore, #tpu.memory_space<semaphore_mem>>) src(%dma_wait3A_1012 : memref<32xi32, #tpu.memory_space<vmem_shared>>) dst(%dma_wait3A_1010 : memref<32xi32, #tpu.memory_space<vmem>>)
    %dma_wait3A_1013 = arith.constant 1 : i32
    %dma_wait3A_1014 = arith.constant 32 : i32
    %dma_wait3A_1015 = tpu.memref_slice %arg7[%dma_wait3A_1014] : memref<8192xi32, #tpu.memory_space<vmem>> -> memref<32xi32, #tpu.memory_space<vmem>>
    %dma_wait3A_1016 = tpu.memref_slice %arg13[%dma_wait3A_1013, %mul3A_831] : memref<16x8192xi32, #tpu.memory_space<vmem_shared>> -> memref<1x32xi32, #tpu.memory_space<vmem_shared>>
    %dma_wait3A_1017 = tpu.memref_squeeze %dma_wait3A_1016 : memref<1x32xi32, #tpu.memory_space<vmem_shared>> -> memref<32xi32, #tpu.memory_space<vmem_shared>>
    %dma_wait3A_1018 = arith.constant 32 : i32
    %dma_wait3A_1019 = tpu.memref_slice %arg7[%dma_wait3A_1018] : memref<8192xi32, #tpu.memory_space<vmem>> -> memref<32xi32, #tpu.memory_space<vmem>>
    %dma_wait3A_1020 = tpu.memref_slice %arg13[%dma_wait3A_1013, %mul3A_831] : memref<16x8192xi32, #tpu.memory_space<vmem_shared>> -> memref<1x32xi32, #tpu.memory_space<vmem_shared>>
    %dma_wait3A_1021 = tpu.memref_squeeze %dma_wait3A_1020 : memref<1x32xi32, #tpu.memory_space<vmem_shared>> -> memref<32xi32, #tpu.memory_space<vmem_shared>>
    tpu.wait_dma2 semaphore(%arg12 : memref<!tpu.dma_semaphore, #tpu.memory_space<semaphore_mem>>) src(%dma_wait3A_1021 : memref<32xi32, #tpu.memory_space<vmem_shared>>) dst(%dma_wait3A_1019 : memref<32xi32, #tpu.memory_space<vmem>>)
    %dma_wait3A_1022 = arith.constant 2 : i32
    %dma_wait3A_1023 = arith.constant 64 : i32
    %dma_wait3A_1024 = tpu.memref_slice %arg7[%dma_wait3A_1023] : memref<8192xi32, #tpu.memory_space<vmem>> -> memref<32xi32, #tpu.memory_space<vmem>>
    %dma_wait3A_1025 = tpu.memref_slice %arg13[%dma_wait3A_1022, %mul3A_833] : memref<16x8192xi32, #tpu.memory_space<vmem_shared>> -> memref<1x32xi32, #tpu.memory_space<vmem_shared>>
    %dma_wait3A_1026 = tpu.memref_squeeze %dma_wait3A_1025 : memref<1x32xi32, #tpu.memory_space<vmem_shared>> -> memref<32xi32, #tpu.memory_space<vmem_shared>>
    %dma_wait3A_1027 = arith.constant 64 : i32
    %dma_wait3A_1028 = tpu.memref_slice %arg7[%dma_wait3A_1027] : memref<8192xi32, #tpu.memory_space<vmem>> -> memref<32xi32, #tpu.memory_space<vmem>>
    %dma_wait3A_1029 = tpu.memref_slice %arg13[%dma_wait3A_1022, %mul3A_833] : memref<16x8192xi32, #tpu.memory_space<vmem_shared>> -> memref<1x32xi32, #tpu.memory_space<vmem_shared>>
    %dma_wait3A_1030 = tpu.memref_squeeze %dma_wait3A_1029 : memref<1x32xi32, #tpu.memory_space<vmem_shared>> -> memref<32xi32, #tpu.memory_space<vmem_shared>>
    tpu.wait_dma2 semaphore(%arg12 : memref<!tpu.dma_semaphore, #tpu.memory_space<semaphore_mem>>) src(%dma_wait3A_1030 : memref<32xi32, #tpu.memory_space<vmem_shared>>) dst(%dma_wait3A_1028 : memref<32xi32, #tpu.memory_space<vmem>>)
    %dma_wait3A_1031 = arith.constant 3 : i32
    %dma_wait3A_1032 = arith.constant 96 : i32
    %dma_wait3A_1033 = tpu.memref_slice %arg7[%dma_wait3A_1032] : memref<8192xi32, #tpu.memory_space<vmem>> -> memref<32xi32, #tpu.memory_space<vmem>>
    %dma_wait3A_1034 = tpu.memref_slice %arg13[%dma_wait3A_1031, %mul3A_835] : memref<16x8192xi32, #tpu.memory_space<vmem_shared>> -> memref<1x32xi32, #tpu.memory_space<vmem_shared>>
    %dma_wait3A_1035 = tpu.memref_squeeze %dma_wait3A_1034 : memref<1x32xi32, #tpu.memory_space<vmem_shared>> -> memref<32xi32, #tpu.memory_space<vmem_shared>>
    %dma_wait3A_1036 = arith.constant 96 : i32
    %dma_wait3A_1037 = tpu.memref_slice %arg7[%dma_wait3A_1036] : memref<8192xi32, #tpu.memory_space<vmem>> -> memref<32xi32, #tpu.memory_space<vmem>>
    %dma_wait3A_1038 = tpu.memref_slice %arg13[%dma_wait3A_1031, %mul3A_835] : memref<16x8192xi32, #tpu.memory_space<vmem_shared>> -> memref<1x32xi32, #tpu.memory_space<vmem_shared>>
    %dma_wait3A_1039 = tpu.memref_squeeze %dma_wait3A_1038 : memref<1x32xi32, #tpu.memory_space<vmem_shared>> -> memref<32xi32, #tpu.memory_space<vmem_shared>>
    tpu.wait_dma2 semaphore(%arg12 : memref<!tpu.dma_semaphore, #tpu.memory_space<semaphore_mem>>) src(%dma_wait3A_1039 : memref<32xi32, #tpu.memory_space<vmem_shared>>) dst(%dma_wait3A_1037 : memref<32xi32, #tpu.memory_space<vmem>>)
    %dma_wait3A_1040 = arith.constant 4 : i32
    %dma_wait3A_1041 = arith.constant 128 : i32
    %dma_wait3A_1042 = tpu.memref_slice %arg7[%dma_wait3A_1041] : memref<8192xi32, #tpu.memory_space<vmem>> -> memref<32xi32, #tpu.memory_space<vmem>>
    %dma_wait3A_1043 = tpu.memref_slice %arg13[%dma_wait3A_1040, %mul3A_837] : memref<16x8192xi32, #tpu.memory_space<vmem_shared>> -> memref<1x32xi32, #tpu.memory_space<vmem_shared>>
    %dma_wait3A_1044 = tpu.memref_squeeze %dma_wait3A_1043 : memref<1x32xi32, #tpu.memory_space<vmem_shared>> -> memref<32xi32, #tpu.memory_space<vmem_shared>>
    %dma_wait3A_1045 = arith.constant 128 : i32
    %dma_wait3A_1046 = tpu.memref_slice %arg7[%dma_wait3A_1045] : memref<8192xi32, #tpu.memory_space<vmem>> -> memref<32xi32, #tpu.memory_space<vmem>>
    %dma_wait3A_1047 = tpu.memref_slice %arg13[%dma_wait3A_1040, %mul3A_837] : memref<16x8192xi32, #tpu.memory_space<vmem_shared>> -> memref<1x32xi32, #tpu.memory_space<vmem_shared>>
    %dma_wait3A_1048 = tpu.memref_squeeze %dma_wait3A_1047 : memref<1x32xi32, #tpu.memory_space<vmem_shared>> -> memref<32xi32, #tpu.memory_space<vmem_shared>>
    tpu.wait_dma2 semaphore(%arg12 : memref<!tpu.dma_semaphore, #tpu.memory_space<semaphore_mem>>) src(%dma_wait3A_1048 : memref<32xi32, #tpu.memory_space<vmem_shared>>) dst(%dma_wait3A_1046 : memref<32xi32, #tpu.memory_space<vmem>>)
    %dma_wait3A_1049 = arith.constant 5 : i32
    %dma_wait3A_1050 = arith.constant 160 : i32
    %dma_wait3A_1051 = tpu.memref_slice %arg7[%dma_wait3A_1050] : memref<8192xi32, #tpu.memory_space<vmem>> -> memref<32xi32, #tpu.memory_space<vmem>>
    %dma_wait3A_1052 = tpu.memref_slice %arg13[%dma_wait3A_1049, %mul3A_839] : memref<16x8192xi32, #tpu.memory_space<vmem_shared>> -> memref<1x32xi32, #tpu.memory_space<vmem_shared>>
    %dma_wait3A_1053 = tpu.memref_squeeze %dma_wait3A_1052 : memref<1x32xi32, #tpu.memory_space<vmem_shared>> -> memref<32xi32, #tpu.memory_space<vmem_shared>>
    %dma_wait3A_1054 = arith.constant 160 : i32
    %dma_wait3A_1055 = tpu.memref_slice %arg7[%dma_wait3A_1054] : memref<8192xi32, #tpu.memory_space<vmem>> -> memref<32xi32, #tpu.memory_space<vmem>>
    %dma_wait3A_1056 = tpu.memref_slice %arg13[%dma_wait3A_1049, %mul3A_839] : memref<16x8192xi32, #tpu.memory_space<vmem_shared>> -> memref<1x32xi32, #tpu.memory_space<vmem_shared>>
    %dma_wait3A_1057 = tpu.memref_squeeze %dma_wait3A_1056 : memref<1x32xi32, #tpu.memory_space<vmem_shared>> -> memref<32xi32, #tpu.memory_space<vmem_shared>>
    tpu.wait_dma2 semaphore(%arg12 : memref<!tpu.dma_semaphore, #tpu.memory_space<semaphore_mem>>) src(%dma_wait3A_1057 : memref<32xi32, #tpu.memory_space<vmem_shared>>) dst(%dma_wait3A_1055 : memref<32xi32, #tpu.memory_space<vmem>>)
    %dma_wait3A_1058 = arith.constant 6 : i32
    %dma_wait3A_1059 = arith.constant 192 : i32
    %dma_wait3A_1060 = tpu.memref_slice %arg7[%dma_wait3A_1059] : memref<8192xi32, #tpu.memory_space<vmem>> -> memref<32xi32, #tpu.memory_space<vmem>>
    %dma_wait3A_1061 = tpu.memref_slice %arg13[%dma_wait3A_1058, %mul3A_841] : memref<16x8192xi32, #tpu.memory_space<vmem_shared>> -> memref<1x32xi32, #tpu.memory_space<vmem_shared>>
    %dma_wait3A_1062 = tpu.memref_squeeze %dma_wait3A_1061 : memref<1x32xi32, #tpu.memory_space<vmem_shared>> -> memref<32xi32, #tpu.memory_space<vmem_shared>>
    %dma_wait3A_1063 = arith.constant 192 : i32
    %dma_wait3A_1064 = tpu.memref_slice %arg7[%dma_wait3A_1063] : memref<8192xi32, #tpu.memory_space<vmem>> -> memref<32xi32, #tpu.memory_space<vmem>>
    %dma_wait3A_1065 = tpu.memref_slice %arg13[%dma_wait3A_1058, %mul3A_841] : memref<16x8192xi32, #tpu.memory_space<vmem_shared>> -> memref<1x32xi32, #tpu.memory_space<vmem_shared>>
    %dma_wait3A_1066 = tpu.memref_squeeze %dma_wait3A_1065 : memref<1x32xi32, #tpu.memory_space<vmem_shared>> -> memref<32xi32, #tpu.memory_space<vmem_shared>>
    tpu.wait_dma2 semaphore(%arg12 : memref<!tpu.dma_semaphore, #tpu.memory_space<semaphore_mem>>) src(%dma_wait3A_1066 : memref<32xi32, #tpu.memory_space<vmem_shared>>) dst(%dma_wait3A_1064 : memref<32xi32, #tpu.memory_space<vmem>>)
    %dma_wait3A_1067 = arith.constant 7 : i32
    %dma_wait3A_1068 = arith.constant 224 : i32
    %dma_wait3A_1069 = tpu.memref_slice %arg7[%dma_wait3A_1068] : memref<8192xi32, #tpu.memory_space<vmem>> -> memref<32xi32, #tpu.memory_space<vmem>>
    %dma_wait3A_1070 = tpu.memref_slice %arg13[%dma_wait3A_1067, %mul3A_843] : memref<16x8192xi32, #tpu.memory_space<vmem_shared>> -> memref<1x32xi32, #tpu.memory_space<vmem_shared>>
    %dma_wait3A_1071 = tpu.memref_squeeze %dma_wait3A_1070 : memref<1x32xi32, #tpu.memory_space<vmem_shared>> -> memref<32xi32, #tpu.memory_space<vmem_shared>>
    %dma_wait3A_1072 = arith.constant 224 : i32
    %dma_wait3A_1073 = tpu.memref_slice %arg7[%dma_wait3A_1072] : memref<8192xi32, #tpu.memory_space<vmem>> -> memref<32xi32, #tpu.memory_space<vmem>>
    %dma_wait3A_1074 = tpu.memref_slice %arg13[%dma_wait3A_1067, %mul3A_843] : memref<16x8192xi32, #tpu.memory_space<vmem_shared>> -> memref<1x32xi32, #tpu.memory_space<vmem_shared>>
    %dma_wait3A_1075 = tpu.memref_squeeze %dma_wait3A_1074 : memref<1x32xi32, #tpu.memory_space<vmem_shared>> -> memref<32xi32, #tpu.memory_space<vmem_shared>>
    tpu.wait_dma2 semaphore(%arg12 : memref<!tpu.dma_semaphore, #tpu.memory_space<semaphore_mem>>) src(%dma_wait3A_1075 : memref<32xi32, #tpu.memory_space<vmem_shared>>) dst(%dma_wait3A_1073 : memref<32xi32, #tpu.memory_space<vmem>>)
    %dma_wait3A_1076 = arith.constant 8 : i32
    %dma_wait3A_1077 = arith.constant 256 : i32
    %dma_wait3A_1078 = tpu.memref_slice %arg7[%dma_wait3A_1077] : memref<8192xi32, #tpu.memory_space<vmem>> -> memref<32xi32, #tpu.memory_space<vmem>>
    %dma_wait3A_1079 = tpu.memref_slice %arg13[%dma_wait3A_1076, %mul3A_845] : memref<16x8192xi32, #tpu.memory_space<vmem_shared>> -> memref<1x32xi32, #tpu.memory_space<vmem_shared>>
    %dma_wait3A_1080 = tpu.memref_squeeze %dma_wait3A_1079 : memref<1x32xi32, #tpu.memory_space<vmem_shared>> -> memref<32xi32, #tpu.memory_space<vmem_shared>>
    %dma_wait3A_1081 = arith.constant 256 : i32
    %dma_wait3A_1082 = tpu.memref_slice %arg7[%dma_wait3A_1081] : memref<8192xi32, #tpu.memory_space<vmem>> -> memref<32xi32, #tpu.memory_space<vmem>>
    %dma_wait3A_1083 = tpu.memref_slice %arg13[%dma_wait3A_1076, %mul3A_845] : memref<16x8192xi32, #tpu.memory_space<vmem_shared>> -> memref<1x32xi32, #tpu.memory_space<vmem_shared>>
    %dma_wait3A_1084 = tpu.memref_squeeze %dma_wait3A_1083 : memref<1x32xi32, #tpu.memory_space<vmem_shared>> -> memref<32xi32, #tpu.memory_space<vmem_shared>>
    tpu.wait_dma2 semaphore(%arg12 : memref<!tpu.dma_semaphore, #tpu.memory_space<semaphore_mem>>) src(%dma_wait3A_1084 : memref<32xi32, #tpu.memory_space<vmem_shared>>) dst(%dma_wait3A_1082 : memref<32xi32, #tpu.memory_space<vmem>>)
    %dma_wait3A_1085 = arith.constant 9 : i32
    %dma_wait3A_1086 = arith.constant 288 : i32
    %dma_wait3A_1087 = tpu.memref_slice %arg7[%dma_wait3A_1086] : memref<8192xi32, #tpu.memory_space<vmem>> -> memref<32xi32, #tpu.memory_space<vmem>>
    %dma_wait3A_1088 = tpu.memref_slice %arg13[%dma_wait3A_1085, %mul3A_847] : memref<16x8192xi32, #tpu.memory_space<vmem_shared>> -> memref<1x32xi32, #tpu.memory_space<vmem_shared>>
    %dma_wait3A_1089 = tpu.memref_squeeze %dma_wait3A_1088 : memref<1x32xi32, #tpu.memory_space<vmem_shared>> -> memref<32xi32, #tpu.memory_space<vmem_shared>>
    %dma_wait3A_1090 = arith.constant 288 : i32
    %dma_wait3A_1091 = tpu.memref_slice %arg7[%dma_wait3A_1090] : memref<8192xi32, #tpu.memory_space<vmem>> -> memref<32xi32, #tpu.memory_space<vmem>>
    %dma_wait3A_1092 = tpu.memref_slice %arg13[%dma_wait3A_1085, %mul3A_847] : memref<16x8192xi32, #tpu.memory_space<vmem_shared>> -> memref<1x32xi32, #tpu.memory_space<vmem_shared>>
    %dma_wait3A_1093 = tpu.memref_squeeze %dma_wait3A_1092 : memref<1x32xi32, #tpu.memory_space<vmem_shared>> -> memref<32xi32, #tpu.memory_space<vmem_shared>>
    tpu.wait_dma2 semaphore(%arg12 : memref<!tpu.dma_semaphore, #tpu.memory_space<semaphore_mem>>) src(%dma_wait3A_1093 : memref<32xi32, #tpu.memory_space<vmem_shared>>) dst(%dma_wait3A_1091 : memref<32xi32, #tpu.memory_space<vmem>>)
    %dma_wait3A_1094 = arith.constant 10 : i32
    %dma_wait3A_1095 = arith.constant 320 : i32
    %dma_wait3A_1096 = tpu.memref_slice %arg7[%dma_wait3A_1095] : memref<8192xi32, #tpu.memory_space<vmem>> -> memref<32xi32, #tpu.memory_space<vmem>>
    %dma_wait3A_1097 = tpu.memref_slice %arg13[%dma_wait3A_1094, %mul3A_849] : memref<16x8192xi32, #tpu.memory_space<vmem_shared>> -> memref<1x32xi32, #tpu.memory_space<vmem_shared>>
    %dma_wait3A_1098 = tpu.memref_squeeze %dma_wait3A_1097 : memref<1x32xi32, #tpu.memory_space<vmem_shared>> -> memref<32xi32, #tpu.memory_space<vmem_shared>>
    %dma_wait3A_1099 = arith.constant 320 : i32
    %dma_wait3A_1100 = tpu.memref_slice %arg7[%dma_wait3A_1099] : memref<8192xi32, #tpu.memory_space<vmem>> -> memref<32xi32, #tpu.memory_space<vmem>>
    %dma_wait3A_1101 = tpu.memref_slice %arg13[%dma_wait3A_1094, %mul3A_849] : memref<16x8192xi32, #tpu.memory_space<vmem_shared>> -> memref<1x32xi32, #tpu.memory_space<vmem_shared>>
    %dma_wait3A_1102 = tpu.memref_squeeze %dma_wait3A_1101 : memref<1x32xi32, #tpu.memory_space<vmem_shared>> -> memref<32xi32, #tpu.memory_space<vmem_shared>>
    tpu.wait_dma2 semaphore(%arg12 : memref<!tpu.dma_semaphore, #tpu.memory_space<semaphore_mem>>) src(%dma_wait3A_1102 : memref<32xi32, #tpu.memory_space<vmem_shared>>) dst(%dma_wait3A_1100 : memref<32xi32, #tpu.memory_space<vmem>>)
    %dma_wait3A_1103 = arith.constant 11 : i32
    %dma_wait3A_1104 = arith.constant 352 : i32
    %dma_wait3A_1105 = tpu.memref_slice %arg7[%dma_wait3A_1104] : memref<8192xi32, #tpu.memory_space<vmem>> -> memref<32xi32, #tpu.memory_space<vmem>>
    %dma_wait3A_1106 = tpu.memref_slice %arg13[%dma_wait3A_1103, %mul3A_851] : memref<16x8192xi32, #tpu.memory_space<vmem_shared>> -> memref<1x32xi32, #tpu.memory_space<vmem_shared>>
    %dma_wait3A_1107 = tpu.memref_squeeze %dma_wait3A_1106 : memref<1x32xi32, #tpu.memory_space<vmem_shared>> -> memref<32xi32, #tpu.memory_space<vmem_shared>>
    %dma_wait3A_1108 = arith.constant 352 : i32
    %dma_wait3A_1109 = tpu.memref_slice %arg7[%dma_wait3A_1108] : memref<8192xi32, #tpu.memory_space<vmem>> -> memref<32xi32, #tpu.memory_space<vmem>>
    %dma_wait3A_1110 = tpu.memref_slice %arg13[%dma_wait3A_1103, %mul3A_851] : memref<16x8192xi32, #tpu.memory_space<vmem_shared>> -> memref<1x32xi32, #tpu.memory_space<vmem_shared>>
    %dma_wait3A_1111 = tpu.memref_squeeze %dma_wait3A_1110 : memref<1x32xi32, #tpu.memory_space<vmem_shared>> -> memref<32xi32, #tpu.memory_space<vmem_shared>>
    tpu.wait_dma2 semaphore(%arg12 : memref<!tpu.dma_semaphore, #tpu.memory_space<semaphore_mem>>) src(%dma_wait3A_1111 : memref<32xi32, #tpu.memory_space<vmem_shared>>) dst(%dma_wait3A_1109 : memref<32xi32, #tpu.memory_space<vmem>>)
    %dma_wait3A_1112 = arith.constant 12 : i32
    %dma_wait3A_1113 = arith.constant 384 : i32
    %dma_wait3A_1114 = tpu.memref_slice %arg7[%dma_wait3A_1113] : memref<8192xi32, #tpu.memory_space<vmem>> -> memref<32xi32, #tpu.memory_space<vmem>>
    %dma_wait3A_1115 = tpu.memref_slice %arg13[%dma_wait3A_1112, %mul3A_853] : memref<16x8192xi32, #tpu.memory_space<vmem_shared>> -> memref<1x32xi32, #tpu.memory_space<vmem_shared>>
    %dma_wait3A_1116 = tpu.memref_squeeze %dma_wait3A_1115 : memref<1x32xi32, #tpu.memory_space<vmem_shared>> -> memref<32xi32, #tpu.memory_space<vmem_shared>>
    %dma_wait3A_1117 = arith.constant 384 : i32
    %dma_wait3A_1118 = tpu.memref_slice %arg7[%dma_wait3A_1117] : memref<8192xi32, #tpu.memory_space<vmem>> -> memref<32xi32, #tpu.memory_space<vmem>>
    %dma_wait3A_1119 = tpu.memref_slice %arg13[%dma_wait3A_1112, %mul3A_853] : memref<16x8192xi32, #tpu.memory_space<vmem_shared>> -> memref<1x32xi32, #tpu.memory_space<vmem_shared>>
    %dma_wait3A_1120 = tpu.memref_squeeze %dma_wait3A_1119 : memref<1x32xi32, #tpu.memory_space<vmem_shared>> -> memref<32xi32, #tpu.memory_space<vmem_shared>>
    tpu.wait_dma2 semaphore(%arg12 : memref<!tpu.dma_semaphore, #tpu.memory_space<semaphore_mem>>) src(%dma_wait3A_1120 : memref<32xi32, #tpu.memory_space<vmem_shared>>) dst(%dma_wait3A_1118 : memref<32xi32, #tpu.memory_space<vmem>>)
    %dma_wait3A_1121 = arith.constant 13 : i32
    %dma_wait3A_1122 = arith.constant 416 : i32
    %dma_wait3A_1123 = tpu.memref_slice %arg7[%dma_wait3A_1122] : memref<8192xi32, #tpu.memory_space<vmem>> -> memref<32xi32, #tpu.memory_space<vmem>>
    %dma_wait3A_1124 = tpu.memref_slice %arg13[%dma_wait3A_1121, %mul3A_855] : memref<16x8192xi32, #tpu.memory_space<vmem_shared>> -> memref<1x32xi32, #tpu.memory_space<vmem_shared>>
    %dma_wait3A_1125 = tpu.memref_squeeze %dma_wait3A_1124 : memref<1x32xi32, #tpu.memory_space<vmem_shared>> -> memref<32xi32, #tpu.memory_space<vmem_shared>>
    %dma_wait3A_1126 = arith.constant 416 : i32
    %dma_wait3A_1127 = tpu.memref_slice %arg7[%dma_wait3A_1126] : memref<8192xi32, #tpu.memory_space<vmem>> -> memref<32xi32, #tpu.memory_space<vmem>>
    %dma_wait3A_1128 = tpu.memref_slice %arg13[%dma_wait3A_1121, %mul3A_855] : memref<16x8192xi32, #tpu.memory_space<vmem_shared>> -> memref<1x32xi32, #tpu.memory_space<vmem_shared>>
    %dma_wait3A_1129 = tpu.memref_squeeze %dma_wait3A_1128 : memref<1x32xi32, #tpu.memory_space<vmem_shared>> -> memref<32xi32, #tpu.memory_space<vmem_shared>>
    tpu.wait_dma2 semaphore(%arg12 : memref<!tpu.dma_semaphore, #tpu.memory_space<semaphore_mem>>) src(%dma_wait3A_1129 : memref<32xi32, #tpu.memory_space<vmem_shared>>) dst(%dma_wait3A_1127 : memref<32xi32, #tpu.memory_space<vmem>>)
    %dma_wait3A_1130 = arith.constant 14 : i32
    %dma_wait3A_1131 = arith.constant 448 : i32
    %dma_wait3A_1132 = tpu.memref_slice %arg7[%dma_wait3A_1131] : memref<8192xi32, #tpu.memory_space<vmem>> -> memref<32xi32, #tpu.memory_space<vmem>>
    %dma_wait3A_1133 = tpu.memref_slice %arg13[%dma_wait3A_1130, %mul3A_857] : memref<16x8192xi32, #tpu.memory_space<vmem_shared>> -> memref<1x32xi32, #tpu.memory_space<vmem_shared>>
    %dma_wait3A_1134 = tpu.memref_squeeze %dma_wait3A_1133 : memref<1x32xi32, #tpu.memory_space<vmem_shared>> -> memref<32xi32, #tpu.memory_space<vmem_shared>>
    %dma_wait3A_1135 = arith.constant 448 : i32
    %dma_wait3A_1136 = tpu.memref_slice %arg7[%dma_wait3A_1135] : memref<8192xi32, #tpu.memory_space<vmem>> -> memref<32xi32, #tpu.memory_space<vmem>>
    %dma_wait3A_1137 = tpu.memref_slice %arg13[%dma_wait3A_1130, %mul3A_857] : memref<16x8192xi32, #tpu.memory_space<vmem_shared>> -> memref<1x32xi32, #tpu.memory_space<vmem_shared>>
    %dma_wait3A_1138 = tpu.memref_squeeze %dma_wait3A_1137 : memref<1x32xi32, #tpu.memory_space<vmem_shared>> -> memref<32xi32, #tpu.memory_space<vmem_shared>>
    tpu.wait_dma2 semaphore(%arg12 : memref<!tpu.dma_semaphore, #tpu.memory_space<semaphore_mem>>) src(%dma_wait3A_1138 : memref<32xi32, #tpu.memory_space<vmem_shared>>) dst(%dma_wait3A_1136 : memref<32xi32, #tpu.memory_space<vmem>>)
    %dma_wait3A_1139 = arith.constant 15 : i32
    %dma_wait3A_1140 = arith.constant 480 : i32
    %dma_wait3A_1141 = tpu.memref_slice %arg7[%dma_wait3A_1140] : memref<8192xi32, #tpu.memory_space<vmem>> -> memref<32xi32, #tpu.memory_space<vmem>>
    %dma_wait3A_1142 = tpu.memref_slice %arg13[%dma_wait3A_1139, %mul3A_859] : memref<16x8192xi32, #tpu.memory_space<vmem_shared>> -> memref<1x32xi32, #tpu.memory_space<vmem_shared>>
    %dma_wait3A_1143 = tpu.memref_squeeze %dma_wait3A_1142 : memref<1x32xi32, #tpu.memory_space<vmem_shared>> -> memref<32xi32, #tpu.memory_space<vmem_shared>>
    %dma_wait3A_1144 = arith.constant 480 : i32
    %dma_wait3A_1145 = tpu.memref_slice %arg7[%dma_wait3A_1144] : memref<8192xi32, #tpu.memory_space<vmem>> -> memref<32xi32, #tpu.memory_space<vmem>>
    %dma_wait3A_1146 = tpu.memref_slice %arg13[%dma_wait3A_1139, %mul3A_859] : memref<16x8192xi32, #tpu.memory_space<vmem_shared>> -> memref<1x32xi32, #tpu.memory_space<vmem_shared>>
    %dma_wait3A_1147 = tpu.memref_squeeze %dma_wait3A_1146 : memref<1x32xi32, #tpu.memory_space<vmem_shared>> -> memref<32xi32, #tpu.memory_space<vmem_shared>>
    tpu.wait_dma2 semaphore(%arg12 : memref<!tpu.dma_semaphore, #tpu.memory_space<semaphore_mem>>) src(%dma_wait3A_1147 : memref<32xi32, #tpu.memory_space<vmem_shared>>) dst(%dma_wait3A_1145 : memref<32xi32, #tpu.memory_space<vmem>>)
    %parallel_loop3A_1148 = arith.constant 0 : i32
    %parallel_loop3A_1149 = arith.constant 2 : i32
    %parallel_loop3A_1150 = arith.constant 1 : i32
    scf.for %parallel_loop3A_1159 = %parallel_loop3A_1148 to %parallel_loop3A_1149 step %parallel_loop3A_1150  : i32 {
      %parallel_loop3A_1160 = arith.constant 16 : i32
      %parallel_loop3A_1161 = arith.muli %parallel_loop3A_1159, %parallel_loop3A_1160 : i32
      %parallel_loop3A_1162 = arith.constant 0 : i32
      %parallel_loop3A_1163 = arith.addi %parallel_loop3A_1162, %parallel_loop3A_1161 : i32
      %parallel_loop3A_1164 = arith.index_cast %parallel_loop3A_1163 : i32 to index
      %parallel_loop3A_1165 = tpu.vector_load %arg7[%parallel_loop3A_1164] {strides = array<i32>} : memref<8192xi32, #tpu.memory_space<vmem>>, vector<16xi32>,
      %parallel_loop3A_1166 = arith.addi %broadcast_in_dim3A_0, %parallel_loop3A_1165 : vector<16xi32>
      %parallel_loop3A_1167 = arith.constant 16 : i32
      %parallel_loop3A_1168 = arith.muli %parallel_loop3A_1159, %parallel_loop3A_1167 : i32
      %parallel_loop3A_1169 = arith.constant 32 : i32
      %parallel_loop3A_1170 = arith.addi %parallel_loop3A_1169, %parallel_loop3A_1168 : i32
      %parallel_loop3A_1171 = arith.index_cast %parallel_loop3A_1170 : i32 to index
      %parallel_loop3A_1172 = tpu.vector_load %arg7[%parallel_loop3A_1171] {strides = array<i32>} : memref<8192xi32, #tpu.memory_space<vmem>>, vector<16xi32>,
      %parallel_loop3A_1173 = arith.addi %parallel_loop3A_1166, %parallel_loop3A_1172 : vector<16xi32>
      %parallel_loop3A_1174 = arith.constant 16 : i32
      %parallel_loop3A_1175 = arith.muli %parallel_loop3A_1159, %parallel_loop3A_1174 : i32
      %parallel_loop3A_1176 = arith.constant 64 : i32
      %parallel_loop3A_1177 = arith.addi %parallel_loop3A_1176, %parallel_loop3A_1175 : i32
      %parallel_loop3A_1178 = arith.index_cast %parallel_loop3A_1177 : i32 to index
      %parallel_loop3A_1179 = tpu.vector_load %arg7[%parallel_loop3A_1178] {strides = array<i32>} : memref<8192xi32, #tpu.memory_space<vmem>>, vector<16xi32>,
      %parallel_loop3A_1180 = arith.addi %parallel_loop3A_1173, %parallel_loop3A_1179 : vector<16xi32>
      %parallel_loop3A_1181 = arith.constant 16 : i32
      %parallel_loop3A_1182 = arith.muli %parallel_loop3A_1159, %parallel_loop3A_1181 : i32
      %parallel_loop3A_1183 = arith.constant 96 : i32
      %parallel_loop3A_1184 = arith.addi %parallel_loop3A_1183, %parallel_loop3A_1182 : i32
      %parallel_loop3A_1185 = arith.index_cast %parallel_loop3A_1184 : i32 to index
      %parallel_loop3A_1186 = tpu.vector_load %arg7[%parallel_loop3A_1185] {strides = array<i32>} : memref<8192xi32, #tpu.memory_space<vmem>>, vector<16xi32>,
      %parallel_loop3A_1187 = arith.addi %parallel_loop3A_1180, %parallel_loop3A_1186 : vector<16xi32>
      %parallel_loop3A_1188 = arith.constant 16 : i32
      %parallel_loop3A_1189 = arith.muli %parallel_loop3A_1159, %parallel_loop3A_1188 : i32
      %parallel_loop3A_1190 = arith.constant 128 : i32
      %parallel_loop3A_1191 = arith.addi %parallel_loop3A_1190, %parallel_loop3A_1189 : i32
      %parallel_loop3A_1192 = arith.index_cast %parallel_loop3A_1191 : i32 to index
      %parallel_loop3A_1193 = tpu.vector_load %arg7[%parallel_loop3A_1192] {strides = array<i32>} : memref<8192xi32, #tpu.memory_space<vmem>>, vector<16xi32>,
      %parallel_loop3A_1194 = arith.addi %parallel_loop3A_1187, %parallel_loop3A_1193 : vector<16xi32>
      %parallel_loop3A_1195 = arith.constant 16 : i32
      %parallel_loop3A_1196 = arith.muli %parallel_loop3A_1159, %parallel_loop3A_1195 : i32
      %parallel_loop3A_1197 = arith.constant 160 : i32
      %parallel_loop3A_1198 = arith.addi %parallel_loop3A_1197, %parallel_loop3A_1196 : i32
      %parallel_loop3A_1199 = arith.index_cast %parallel_loop3A_1198 : i32 to index
      %parallel_loop3A_1200 = tpu.vector_load %arg7[%parallel_loop3A_1199] {strides = array<i32>} : memref<8192xi32, #tpu.memory_space<vmem>>, vector<16xi32>,
      %parallel_loop3A_1201 = arith.addi %parallel_loop3A_1194, %parallel_loop3A_1200 : vector<16xi32>
      %parallel_loop3A_1202 = arith.constant 16 : i32
      %parallel_loop3A_1203 = arith.muli %parallel_loop3A_1159, %parallel_loop3A_1202 : i32
      %parallel_loop3A_1204 = arith.constant 192 : i32
      %parallel_loop3A_1205 = arith.addi %parallel_loop3A_1204, %parallel_loop3A_1203 : i32
      %parallel_loop3A_1206 = arith.index_cast %parallel_loop3A_1205 : i32 to index
      %parallel_loop3A_1207 = tpu.vector_load %arg7[%parallel_loop3A_1206] {strides = array<i32>} : memref<8192xi32, #tpu.memory_space<vmem>>, vector<16xi32>,
      %parallel_loop3A_1208 = arith.addi %parallel_loop3A_1201, %parallel_loop3A_1207 : vector<16xi32>
      %parallel_loop3A_1209 = arith.constant 16 : i32
      %parallel_loop3A_1210 = arith.muli %parallel_loop3A_1159, %parallel_loop3A_1209 : i32
      %parallel_loop3A_1211 = arith.constant 224 : i32
      %parallel_loop3A_1212 = arith.addi %parallel_loop3A_1211, %parallel_loop3A_1210 : i32
      %parallel_loop3A_1213 = arith.index_cast %parallel_loop3A_1212 : i32 to index
      %parallel_loop3A_1214 = tpu.vector_load %arg7[%parallel_loop3A_1213] {strides = array<i32>} : memref<8192xi32, #tpu.memory_space<vmem>>, vector<16xi32>,
      %parallel_loop3A_1215 = arith.addi %parallel_loop3A_1208, %parallel_loop3A_1214 : vector<16xi32>
      %parallel_loop3A_1216 = arith.constant 16 : i32
      %parallel_loop3A_1217 = arith.muli %parallel_loop3A_1159, %parallel_loop3A_1216 : i32
      %parallel_loop3A_1218 = arith.constant 256 : i32
      %parallel_loop3A_1219 = arith.addi %parallel_loop3A_1218, %parallel_loop3A_1217 : i32
      %parallel_loop3A_1220 = arith.index_cast %parallel_loop3A_1219 : i32 to index
      %parallel_loop3A_1221 = tpu.vector_load %arg7[%parallel_loop3A_1220] {strides = array<i32>} : memref<8192xi32, #tpu.memory_space<vmem>>, vector<16xi32>,
      %parallel_loop3A_1222 = arith.addi %parallel_loop3A_1215, %parallel_loop3A_1221 : vector<16xi32>
      %parallel_loop3A_1223 = arith.constant 16 : i32
      %parallel_loop3A_1224 = arith.muli %parallel_loop3A_1159, %parallel_loop3A_1223 : i32
      %parallel_loop3A_1225 = arith.constant 288 : i32
      %parallel_loop3A_1226 = arith.addi %parallel_loop3A_1225, %parallel_loop3A_1224 : i32
      %parallel_loop3A_1227 = arith.index_cast %parallel_loop3A_1226 : i32 to index
      %parallel_loop3A_1228 = tpu.vector_load %arg7[%parallel_loop3A_1227] {strides = array<i32>} : memref<8192xi32, #tpu.memory_space<vmem>>, vector<16xi32>,
      %parallel_loop3A_1229 = arith.addi %parallel_loop3A_1222, %parallel_loop3A_1228 : vector<16xi32>
      %parallel_loop3A_1230 = arith.constant 16 : i32
      %parallel_loop3A_1231 = arith.muli %parallel_loop3A_1159, %parallel_loop3A_1230 : i32
      %parallel_loop3A_1232 = arith.constant 320 : i32
      %parallel_loop3A_1233 = arith.addi %parallel_loop3A_1232, %parallel_loop3A_1231 : i32
      %parallel_loop3A_1234 = arith.index_cast %parallel_loop3A_1233 : i32 to index
      %parallel_loop3A_1235 = tpu.vector_load %arg7[%parallel_loop3A_1234] {strides = array<i32>} : memref<8192xi32, #tpu.memory_space<vmem>>, vector<16xi32>,
      %parallel_loop3A_1236 = arith.addi %parallel_loop3A_1229, %parallel_loop3A_1235 : vector<16xi32>
      %parallel_loop3A_1237 = arith.constant 16 : i32
      %parallel_loop3A_1238 = arith.muli %parallel_loop3A_1159, %parallel_loop3A_1237 : i32
      %parallel_loop3A_1239 = arith.constant 352 : i32
      %parallel_loop3A_1240 = arith.addi %parallel_loop3A_1239, %parallel_loop3A_1238 : i32
      %parallel_loop3A_1241 = arith.index_cast %parallel_loop3A_1240 : i32 to index
      %parallel_loop3A_1242 = tpu.vector_load %arg7[%parallel_loop3A_1241] {strides = array<i32>} : memref<8192xi32, #tpu.memory_space<vmem>>, vector<16xi32>,
      %parallel_loop3A_1243 = arith.addi %parallel_loop3A_1236, %parallel_loop3A_1242 : vector<16xi32>
      %parallel_loop3A_1244 = arith.constant 16 : i32
      %parallel_loop3A_1245 = arith.muli %parallel_loop3A_1159, %parallel_loop3A_1244 : i32
      %parallel_loop3A_1246 = arith.constant 384 : i32
      %parallel_loop3A_1247 = arith.addi %parallel_loop3A_1246, %parallel_loop3A_1245 : i32
      %parallel_loop3A_1248 = arith.index_cast %parallel_loop3A_1247 : i32 to index
      %parallel_loop3A_1249 = tpu.vector_load %arg7[%parallel_loop3A_1248] {strides = array<i32>} : memref<8192xi32, #tpu.memory_space<vmem>>, vector<16xi32>,
      %parallel_loop3A_1250 = arith.addi %parallel_loop3A_1243, %parallel_loop3A_1249 : vector<16xi32>
      %parallel_loop3A_1251 = arith.constant 16 : i32
      %parallel_loop3A_1252 = arith.muli %parallel_loop3A_1159, %parallel_loop3A_1251 : i32
      %parallel_loop3A_1253 = arith.constant 416 : i32
      %parallel_loop3A_1254 = arith.addi %parallel_loop3A_1253, %parallel_loop3A_1252 : i32
      %parallel_loop3A_1255 = arith.index_cast %parallel_loop3A_1254 : i32 to index
      %parallel_loop3A_1256 = tpu.vector_load %arg7[%parallel_loop3A_1255] {strides = array<i32>} : memref<8192xi32, #tpu.memory_space<vmem>>, vector<16xi32>,
      %parallel_loop3A_1257 = arith.addi %parallel_loop3A_1250, %parallel_loop3A_1256 : vector<16xi32>
      %parallel_loop3A_1258 = arith.constant 16 : i32
      %parallel_loop3A_1259 = arith.muli %parallel_loop3A_1159, %parallel_loop3A_1258 : i32
      %parallel_loop3A_1260 = arith.constant 448 : i32
      %parallel_loop3A_1261 = arith.addi %parallel_loop3A_1260, %parallel_loop3A_1259 : i32
      %parallel_loop3A_1262 = arith.index_cast %parallel_loop3A_1261 : i32 to index
      %parallel_loop3A_1263 = tpu.vector_load %arg7[%parallel_loop3A_1262] {strides = array<i32>} : memref<8192xi32, #tpu.memory_space<vmem>>, vector<16xi32>,
      %parallel_loop3A_1264 = arith.addi %parallel_loop3A_1257, %parallel_loop3A_1263 : vector<16xi32>
      %parallel_loop3A_1265 = arith.constant 16 : i32
      %parallel_loop3A_1266 = arith.muli %parallel_loop3A_1159, %parallel_loop3A_1265 : i32
      %parallel_loop3A_1267 = arith.constant 480 : i32
      %parallel_loop3A_1268 = arith.addi %parallel_loop3A_1267, %parallel_loop3A_1266 : i32
      %parallel_loop3A_1269 = arith.index_cast %parallel_loop3A_1268 : i32 to index
      %parallel_loop3A_1270 = tpu.vector_load %arg7[%parallel_loop3A_1269] {strides = array<i32>} : memref<8192xi32, #tpu.memory_space<vmem>>, vector<16xi32>,
      %parallel_loop3A_1271 = arith.addi %parallel_loop3A_1264, %parallel_loop3A_1270 : vector<16xi32>
      %parallel_loop3A_1272 = arith.constant 16 : i32
      %parallel_loop3A_1273 = arith.muli %parallel_loop3A_1159, %parallel_loop3A_1272 : i32
      %parallel_loop3A_1274 = arith.index_cast %parallel_loop3A_1273 : i32 to index
      %parallel_loop3A_1275 = tpu.vector_load %arg8[%parallel_loop3A_1274] {strides = array<i32>} : memref<512xi32, #tpu.memory_space<vmem>>, vector<16xi32>,
      tpu.vector_store %arg8[%parallel_loop3A_1274], %parallel_loop3A_1271 {strides = array<i32>} : memref<512xi32, #tpu.memory_space<vmem>>, vector<16xi32>,
    } {sc.loop_unroll_factor = 2 : i64, sc.parallel_access}
    %mul3A_1151 = arith.constant 32 : i32
    %mul3A_1152 = arith.muli %arg1, %mul3A_1151 : i32
    "tpu.region"() ({
      %run_scoped3A = tpu.sem_alloc : memref<!tpu.dma_semaphore, #tpu.memory_space<semaphore_mem>>
      %dma_start3A_1159 = arith.constant 0 : i32
      %dma_start3A_1160 = tpu.memref_slice %arg8[%dma_start3A_1159] : memref<512xi32, #tpu.memory_space<vmem>> -> memref<32xi32, #tpu.memory_space<vmem>>
      %dma_start3A_1161 = tpu.memref_slice %arg14[%mul3A_1152] : memref<8192xi32, #tpu.memory_space<vmem_shared>> -> memref<32xi32, #tpu.memory_space<vmem_shared>>
      %dma_start3A_1162 = tpu.memref_slice %arg14[%mul3A_1152] : memref<8192xi32, #tpu.memory_space<vmem_shared>> -> memref<32xi32, #tpu.memory_space<vmem_shared>>
      %dma_start3A_1163 = arith.constant 0 : i32
      %dma_start3A_1164 = tpu.memref_slice %arg8[%dma_start3A_1163] : memref<512xi32, #tpu.memory_space<vmem>> -> memref<32xi32, #tpu.memory_space<vmem>>
      tpu.enqueue_dma source(%dma_start3A_1164 : memref<32xi32, #tpu.memory_space<vmem>>) target(%dma_start3A_1162 : memref<32xi32, #tpu.memory_space<vmem_shared>>) target_semaphore(%run_scoped3A : memref<!tpu.dma_semaphore, #tpu.memory_space<semaphore_mem>>)
      %dma_wait3A_1165 = arith.constant 0 : i32
      %dma_wait3A_1166 = tpu.memref_slice %arg8[%dma_wait3A_1165] : memref<512xi32, #tpu.memory_space<vmem>> -> memref<32xi32, #tpu.memory_space<vmem>>
      %dma_wait3A_1167 = tpu.memref_slice %arg14[%mul3A_1152] : memref<8192xi32, #tpu.memory_space<vmem_shared>> -> memref<32xi32, #tpu.memory_space<vmem_shared>>
      %dma_wait3A_1168 = tpu.memref_slice %arg14[%mul3A_1152] : memref<8192xi32, #tpu.memory_space<vmem_shared>> -> memref<32xi32, #tpu.memory_space<vmem_shared>>
      %dma_wait3A_1169 = arith.constant 0 : i32
      %dma_wait3A_1170 = tpu.memref_slice %arg8[%dma_wait3A_1169] : memref<512xi32, #tpu.memory_space<vmem>> -> memref<32xi32, #tpu.memory_space<vmem>>
      tpu.wait_dma2 semaphore(%run_scoped3A : memref<!tpu.dma_semaphore, #tpu.memory_space<semaphore_mem>>) src(%dma_wait3A_1170 : memref<32xi32, #tpu.memory_space<vmem>>) dst(%dma_wait3A_1168 : memref<32xi32, #tpu.memory_space<vmem_shared>>)
      tpu.yield
    }) : () -> ()
    %barrier3A_1153 = arith.constant 0 : index
    tpu.barrier barrier_id(%barrier3A_1153)
    %eq3A_1154 = arith.constant 0 : i32
    %eq3A_1155 = arith.cmpi eq, %arg1, %eq3A_1154 : i32
    %convert_element_type3A_1156 = arith.extui %eq3A_1155 : i1 to i32
    %cond3A_1157 = arith.constant 0 : i32
    %cond3A_1158 = arith.cmpi ne, %convert_element_type3A_1156, %cond3A_1157 : i32
    scf.if %cond3A_1158 {
      "tpu.region"() ({
        %run_scoped3A = tpu.sem_alloc : memref<!tpu.dma_semaphore, #tpu.memory_space<semaphore_mem>>
        %dma_start3A_1200 = arith.constant 0 : i32
        %dma_start3A_1201 = tpu.memref_slice %arg7[%dma_start3A_1200] : memref<8192xi32, #tpu.memory_space<vmem>> -> memref<512xi32, #tpu.memory_space<vmem>>
        %dma_start3A_1202 = arith.constant 0 : i32
        %dma_start3A_1203 = tpu.memref_slice %arg14[%dma_start3A_1202] : memref<8192xi32, #tpu.memory_space<vmem_shared>> -> memref<512xi32, #tpu.memory_space<vmem_shared>>
        %dma_start3A_1204 = arith.constant 0 : i32
        %dma_start3A_1205 = tpu.memref_slice %arg7[%dma_start3A_1204] : memref<8192xi32, #tpu.memory_space<vmem>> -> memref<512xi32, #tpu.memory_space<vmem>>
        %dma_start3A_1206 = arith.constant 0 : i32
        %dma_start3A_1207 = tpu.memref_slice %arg14[%dma_start3A_1206] : memref<8192xi32, #tpu.memory_space<vmem_shared>> -> memref<512xi32, #tpu.memory_space<vmem_shared>>
        tpu.enqueue_dma source(%dma_start3A_1207 : memref<512xi32, #tpu.memory_space<vmem_shared>>) target(%dma_start3A_1205 : memref<512xi32, #tpu.memory_space<vmem>>) target_semaphore(%run_scoped3A : memref<!tpu.dma_semaphore, #tpu.memory_space<semaphore_mem>>)
        %dma_wait3A_1208 = arith.constant 0 : i32
        %dma_wait3A_1209 = tpu.memref_slice %arg7[%dma_wait3A_1208] : memref<8192xi32, #tpu.memory_space<vmem>> -> memref<512xi32, #tpu.memory_space<vmem>>
        %dma_wait3A_1210 = arith.constant 0 : i32
        %dma_wait3A_1211 = tpu.memref_slice %arg14[%dma_wait3A_1210] : memref<8192xi32, #tpu.memory_space<vmem_shared>> -> memref<512xi32, #tpu.memory_space<vmem_shared>>
        %dma_wait3A_1212 = arith.constant 0 : i32
        %dma_wait3A_1213 = tpu.memref_slice %arg7[%dma_wait3A_1212] : memref<8192xi32, #tpu.memory_space<vmem>> -> memref<512xi32, #tpu.memory_space<vmem>>
        %dma_wait3A_1214 = arith.constant 0 : i32
        %dma_wait3A_1215 = tpu.memref_slice %arg14[%dma_wait3A_1214] : memref<8192xi32, #tpu.memory_space<vmem_shared>> -> memref<512xi32, #tpu.memory_space<vmem_shared>>
        tpu.wait_dma2 semaphore(%run_scoped3A : memref<!tpu.dma_semaphore, #tpu.memory_space<semaphore_mem>>) src(%dma_wait3A_1215 : memref<512xi32, #tpu.memory_space<vmem_shared>>) dst(%dma_wait3A_1213 : memref<512xi32, #tpu.memory_space<vmem>>)
        tpu.yield
      }) : () -> ()
      %parallel_loop3A_1159 = arith.constant 0 : i32
      %parallel_loop3A_1160 = arith.constant 16 : i32
      %parallel_loop3A_1161 = arith.constant 1 : i32
      %parallel_loop3A_1162 = arith.constant 0 : i32
      %parallel_loop3A_1163 = arith.constant 0 : i32
      %parallel_loop3A_1164 = arith.constant 0 : i32
      %parallel_loop3A_1165 = arith.constant 0 : i32
      %parallel_loop3A_1166 = arith.constant 0 : i32
      %parallel_loop3A_1167:5 = scf.for %parallel_loop3A_1200 = %parallel_loop3A_1159 to %parallel_loop3A_1160 step %parallel_loop3A_1161 iter_args(%parallel_loop3A_1201 = %parallel_loop3A_1162, %parallel_loop3A_1202 = %parallel_loop3A_1163, %parallel_loop3A_1203 = %parallel_loop3A_1164, %parallel_loop3A_1204 = %parallel_loop3A_1165, %parallel_loop3A_1205 = %parallel_loop3A_1166) -> (i32, i32, i32, i32, i32)  : i32 {
        %parallel_loop3A_1206 = arith.constant 16 : i32
        %parallel_loop3A_1207 = arith.muli %parallel_loop3A_1200, %parallel_loop3A_1206 : i32
        %parallel_loop3A_1208 = arith.constant 0 : i32
        %parallel_loop3A_1209 = arith.addi %parallel_loop3A_1208, %parallel_loop3A_1207 : i32
        %parallel_loop3A_1210 = arith.index_cast %parallel_loop3A_1209 : i32 to index
        %parallel_loop3A_1211 = tpu.vector_load %arg7[%parallel_loop3A_1210] {strides = array<i32>} : memref<8192xi32, #tpu.memory_space<vmem>>, vector<16xi32>,
        %parallel_loop3A_1212 = arith.constant true
        %parallel_loop3A_1213 = vector.broadcast %parallel_loop3A_1212 : i1 to vector<16xi1>
        %parallel_loop3A_1214 = tpu.scan <sum>, %parallel_loop3A_1211 masked %parallel_loop3A_1213 : vector<16xi32>, vector<16xi1> -> vector<16xi32>
        %parallel_loop3A_1215 = vector.broadcast %parallel_loop3A_1201 : i32 to vector<16xi32>
        %parallel_loop3A_1216 = arith.addi %parallel_loop3A_1214, %parallel_loop3A_1215 : vector<16xi32>
        %parallel_loop3A_1217 = vector.broadcast %reduce_sum3A_782 : i32 to vector<16xi32>
        %parallel_loop3A_1218 = arith.cmpi slt, %parallel_loop3A_1216, %parallel_loop3A_1217 : vector<16xi32>
        %parallel_loop3A_1219 = vector.broadcast %reduce_sum3A_792 : i32 to vector<16xi32>
        %parallel_loop3A_1220 = arith.cmpi slt, %parallel_loop3A_1216, %parallel_loop3A_1219 : vector<16xi32>
        %parallel_loop3A_1221 = arith.constant 1 : i32
        %parallel_loop3A_1222 = arith.constant 0 : i32
        %parallel_loop3A_1223 = vector.broadcast %parallel_loop3A_1221 : i32 to vector<16xi32>
        %parallel_loop3A_1224 = vector.broadcast %parallel_loop3A_1222 : i32 to vector<16xi32>
        %parallel_loop3A_1225 = arith.select %parallel_loop3A_1218, %parallel_loop3A_1223, %parallel_loop3A_1224 : vector<16xi1>, vector<16xi32>
        %parallel_loop3A_1226 = arith.constant true
        %parallel_loop3A_1227 = vector.broadcast %parallel_loop3A_1226 : i1 to vector<16xi1>
        %parallel_loop3A_1228 = tpu.scan <sum>, %parallel_loop3A_1225 masked %parallel_loop3A_1227 : vector<16xi32>, vector<16xi1> -> vector<16xi32>
        %parallel_loop3A_1229 = vector.extract %parallel_loop3A_1228[15] : i32 from vector<16xi32>
        %parallel_loop3A_1230 = arith.addi %parallel_loop3A_1202, %parallel_loop3A_1229 : i32
        %parallel_loop3A_1231 = arith.constant 0 : i32
        %parallel_loop3A_1232 = vector.broadcast %parallel_loop3A_1231 : i32 to vector<16xi32>
        %parallel_loop3A_1233 = arith.select %parallel_loop3A_1218, %parallel_loop3A_1211, %parallel_loop3A_1232 : vector<16xi1>, vector<16xi32>
        %parallel_loop3A_1234 = arith.constant true
        %parallel_loop3A_1235 = vector.broadcast %parallel_loop3A_1234 : i1 to vector<16xi1>
        %parallel_loop3A_1236 = tpu.scan <sum>, %parallel_loop3A_1233 masked %parallel_loop3A_1235 : vector<16xi32>, vector<16xi1> -> vector<16xi32>
        %parallel_loop3A_1237 = vector.extract %parallel_loop3A_1236[15] : i32 from vector<16xi32>
        %parallel_loop3A_1238 = arith.addi %parallel_loop3A_1203, %parallel_loop3A_1237 : i32
        %parallel_loop3A_1239 = arith.constant 1 : i32
        %parallel_loop3A_1240 = arith.constant 0 : i32
        %parallel_loop3A_1241 = vector.broadcast %parallel_loop3A_1239 : i32 to vector<16xi32>
        %parallel_loop3A_1242 = vector.broadcast %parallel_loop3A_1240 : i32 to vector<16xi32>
        %parallel_loop3A_1243 = arith.select %parallel_loop3A_1220, %parallel_loop3A_1241, %parallel_loop3A_1242 : vector<16xi1>, vector<16xi32>
        %parallel_loop3A_1244 = arith.constant true
        %parallel_loop3A_1245 = vector.broadcast %parallel_loop3A_1244 : i1 to vector<16xi1>
        %parallel_loop3A_1246 = tpu.scan <sum>, %parallel_loop3A_1243 masked %parallel_loop3A_1245 : vector<16xi32>, vector<16xi1> -> vector<16xi32>
        %parallel_loop3A_1247 = vector.extract %parallel_loop3A_1246[15] : i32 from vector<16xi32>
        %parallel_loop3A_1248 = arith.addi %parallel_loop3A_1204, %parallel_loop3A_1247 : i32
        %parallel_loop3A_1249 = arith.constant 0 : i32
        %parallel_loop3A_1250 = vector.broadcast %parallel_loop3A_1249 : i32 to vector<16xi32>
        %parallel_loop3A_1251 = arith.select %parallel_loop3A_1220, %parallel_loop3A_1211, %parallel_loop3A_1250 : vector<16xi1>, vector<16xi32>
        %parallel_loop3A_1252 = arith.constant true
        %parallel_loop3A_1253 = vector.broadcast %parallel_loop3A_1252 : i1 to vector<16xi1>
        %parallel_loop3A_1254 = tpu.scan <sum>, %parallel_loop3A_1251 masked %parallel_loop3A_1253 : vector<16xi32>, vector<16xi1> -> vector<16xi32>
        %parallel_loop3A_1255 = vector.extract %parallel_loop3A_1254[15] : i32 from vector<16xi32>
        %parallel_loop3A_1256 = arith.addi %parallel_loop3A_1205, %parallel_loop3A_1255 : i32
        %parallel_loop3A_1257 = arith.constant true
        %parallel_loop3A_1258 = vector.broadcast %parallel_loop3A_1257 : i1 to vector<16xi1>
        %parallel_loop3A_1259 = tpu.scan <sum>, %parallel_loop3A_1211 masked %parallel_loop3A_1258 : vector<16xi32>, vector<16xi1> -> vector<16xi32>
        %parallel_loop3A_1260 = vector.extract %parallel_loop3A_1259[15] : i32 from vector<16xi32>
        %parallel_loop3A_1261 = arith.addi %parallel_loop3A_1201, %parallel_loop3A_1260 : i32
        scf.yield %parallel_loop3A_1261, %parallel_loop3A_1230, %parallel_loop3A_1238, %parallel_loop3A_1248, %parallel_loop3A_1256 : i32, i32, i32, i32, i32
      } {sc.loop_unroll_factor = 4 : i64, sc.parallel_access}
      %parallel_loop3A_1168 = arith.constant 0 : i32
      %parallel_loop3A_1169 = arith.constant 16 : i32
      %parallel_loop3A_1170 = arith.constant 1 : i32
      %parallel_loop3A_1171 = arith.constant 0 : i32
      %parallel_loop3A_1172 = arith.constant 0 : i32
      %parallel_loop3A_1173 = arith.constant 0 : i32
      %parallel_loop3A_1174:3 = scf.for %parallel_loop3A_1200 = %parallel_loop3A_1168 to %parallel_loop3A_1169 step %parallel_loop3A_1170 iter_args(%parallel_loop3A_1201 = %parallel_loop3A_1171, %parallel_loop3A_1202 = %parallel_loop3A_1172, %parallel_loop3A_1203 = %parallel_loop3A_1173) -> (i32, i32, i32)  : i32 {
        %parallel_loop3A_1204 = arith.constant 16 : i32
        %parallel_loop3A_1205 = arith.muli %parallel_loop3A_1200, %parallel_loop3A_1204 : i32
        %parallel_loop3A_1206 = arith.constant 256 : i32
        %parallel_loop3A_1207 = arith.addi %parallel_loop3A_1206, %parallel_loop3A_1205 : i32
        %parallel_loop3A_1208 = arith.index_cast %parallel_loop3A_1207 : i32 to index
        %parallel_loop3A_1209 = tpu.vector_load %arg7[%parallel_loop3A_1208] {strides = array<i32>} : memref<8192xi32, #tpu.memory_space<vmem>>, vector<16xi32>,
        %parallel_loop3A_1210 = arith.constant true
        %parallel_loop3A_1211 = vector.broadcast %parallel_loop3A_1210 : i1 to vector<16xi1>
        %parallel_loop3A_1212 = tpu.scan <sum>, %parallel_loop3A_1209 masked %parallel_loop3A_1211 : vector<16xi32>, vector<16xi1> -> vector<16xi32>
        %parallel_loop3A_1213 = vector.broadcast %parallel_loop3A_1201 : i32 to vector<16xi32>
        %parallel_loop3A_1214 = arith.addi %parallel_loop3A_1212, %parallel_loop3A_1213 : vector<16xi32>
        %parallel_loop3A_1215 = vector.broadcast %reduce_sum3A_792 : i32 to vector<16xi32>
        %parallel_loop3A_1216 = arith.cmpi slt, %parallel_loop3A_1214, %parallel_loop3A_1215 : vector<16xi32>
        %parallel_loop3A_1217 = arith.constant 1 : i32
        %parallel_loop3A_1218 = arith.constant 0 : i32
        %parallel_loop3A_1219 = vector.broadcast %parallel_loop3A_1217 : i32 to vector<16xi32>
        %parallel_loop3A_1220 = vector.broadcast %parallel_loop3A_1218 : i32 to vector<16xi32>
        %parallel_loop3A_1221 = arith.select %parallel_loop3A_1216, %parallel_loop3A_1219, %parallel_loop3A_1220 : vector<16xi1>, vector<16xi32>
        %parallel_loop3A_1222 = arith.constant true
        %parallel_loop3A_1223 = vector.broadcast %parallel_loop3A_1222 : i1 to vector<16xi1>
        %parallel_loop3A_1224 = tpu.scan <sum>, %parallel_loop3A_1221 masked %parallel_loop3A_1223 : vector<16xi32>, vector<16xi1> -> vector<16xi32>
        %parallel_loop3A_1225 = vector.extract %parallel_loop3A_1224[15] : i32 from vector<16xi32>
        %parallel_loop3A_1226 = arith.addi %parallel_loop3A_1202, %parallel_loop3A_1225 : i32
        %parallel_loop3A_1227 = arith.constant 0 : i32
        %parallel_loop3A_1228 = vector.broadcast %parallel_loop3A_1227 : i32 to vector<16xi32>
        %parallel_loop3A_1229 = arith.select %parallel_loop3A_1216, %parallel_loop3A_1209, %parallel_loop3A_1228 : vector<16xi1>, vector<16xi32>
        %parallel_loop3A_1230 = arith.constant true
        %parallel_loop3A_1231 = vector.broadcast %parallel_loop3A_1230 : i1 to vector<16xi1>
        %parallel_loop3A_1232 = tpu.scan <sum>, %parallel_loop3A_1229 masked %parallel_loop3A_1231 : vector<16xi32>, vector<16xi1> -> vector<16xi32>
        %parallel_loop3A_1233 = vector.extract %parallel_loop3A_1232[15] : i32 from vector<16xi32>
        %parallel_loop3A_1234 = arith.addi %parallel_loop3A_1203, %parallel_loop3A_1233 : i32
        %parallel_loop3A_1235 = arith.constant true
        %parallel_loop3A_1236 = vector.broadcast %parallel_loop3A_1235 : i1 to vector<16xi1>
        %parallel_loop3A_1237 = tpu.scan <sum>, %parallel_loop3A_1209 masked %parallel_loop3A_1236 : vector<16xi32>, vector<16xi1> -> vector<16xi32>
        %parallel_loop3A_1238 = vector.extract %parallel_loop3A_1237[15] : i32 from vector<16xi32>
        %parallel_loop3A_1239 = arith.addi %parallel_loop3A_1201, %parallel_loop3A_1238 : i32
        scf.yield %parallel_loop3A_1239, %parallel_loop3A_1226, %parallel_loop3A_1234 : i32, i32, i32
      } {sc.loop_unroll_factor = 4 : i64, sc.parallel_access}
      %eq3A_1175 = arith.constant 1 : i32
      %eq3A_1176 = arith.cmpi eq, %reduce_sum3A_802, %eq3A_1175 : i32
      %select_n3A_1177 = arith.select %eq3A_1176, %parallel_loop3A_1174#1, %parallel_loop3A_1167#3 : i32
      %shift_left3A = arith.constant 8 : i32
      %shift_left3A_1178 = arith.shli %reduce_sum3A_762, %shift_left3A : i32
      %or3A = arith.ori %shift_left3A_1178, %parallel_loop3A_1167#1 : i32
      %shift_left3A_1179 = arith.constant 8 : i32
      %shift_left3A_1180 = arith.shli %reduce_sum3A_772, %shift_left3A_1179 : i32
      %or3A_1181 = arith.ori %shift_left3A_1180, %select_n3A_1177 : i32
      %shift_right_arithmetic3A = arith.constant 31 : i32
      %shift_right_arithmetic3A_1182 = arith.shrsi %or3A, %shift_right_arithmetic3A : i32
      %and3A = arith.constant 2147483647 : i32
      %and3A_1183 = arith.andi %shift_right_arithmetic3A_1182, %and3A : i32
      %xor3A = arith.xori %or3A, %and3A_1183 : i32
      %shift_right_arithmetic3A_1184 = arith.constant 31 : i32
      %shift_right_arithmetic3A_1185 = arith.shrsi %or3A_1181, %shift_right_arithmetic3A_1184 : i32
      %and3A_1186 = arith.constant 2147483647 : i32
      %and3A_1187 = arith.andi %shift_right_arithmetic3A_1185, %and3A_1186 : i32
      %xor3A_1188 = arith.xori %or3A_1181, %and3A_1187 : i32
      %eq3A_1189 = arith.constant 0 : i32
      %eq3A_1190 = vector.broadcast %eq3A_1189 : i32 to vector<16xi32>
      %eq3A_1191 = arith.cmpi eq, %iota3A, %eq3A_1190 : vector<16xi32>
      %broadcast_in_dim3A_1192 = vector.broadcast %xor3A : i32 to vector<16xi32>
      %select_n3A_1193 = arith.select %eq3A_1191, %broadcast_in_dim3A_1192, %broadcast_in_dim3A_0 : vector<16xi1>, vector<16xi32>
      %eq3A_1194 = arith.constant 1 : i32
      %eq3A_1195 = vector.broadcast %eq3A_1194 : i32 to vector<16xi32>
      %eq3A_1196 = arith.cmpi eq, %iota3A, %eq3A_1195 : vector<16xi32>
      %broadcast_in_dim3A_1197 = vector.broadcast %xor3A_1188 : i32 to vector<16xi32>
      %select_n3A_1198 = arith.select %eq3A_1196, %broadcast_in_dim3A_1197, %select_n3A_1193 : vector<16xi1>, vector<16xi32>
      %swap3A = arith.constant 0 : index
      %swap3A_1199 = tpu.vector_load %arg9[%swap3A] {strides = array<i32>} : memref<16xi32, #tpu.memory_space<vmem>>, vector<16xi32>,
      tpu.vector_store %arg9[%swap3A], %select_n3A_1198 {strides = array<i32>} : memref<16xi32, #tpu.memory_space<vmem>>, vector<16xi32>,
      "tpu.region"() ({
        %run_scoped3A = tpu.sem_alloc : memref<!tpu.dma_semaphore, #tpu.memory_space<semaphore_mem>>
        tpu.enqueue_dma source(%arg9 : memref<16xi32, #tpu.memory_space<vmem>>) target(%arg3 : memref<16xi32, #tpu.memory_space<hbm>>) target_semaphore(%run_scoped3A : memref<!tpu.dma_semaphore, #tpu.memory_space<semaphore_mem>>)
        tpu.wait_dma2 semaphore(%run_scoped3A : memref<!tpu.dma_semaphore, #tpu.memory_space<semaphore_mem>>) src(%arg9 : memref<16xi32, #tpu.memory_space<vmem>>) dst(%arg3 : memref<16xi32, #tpu.memory_space<hbm>>)
        tpu.yield
      }) : () -> ()
    } else {
    }
    return
  }
}

module attributes {stable_mosaic.version = 14 : i64} {
  func.func @_mask_kernel(%arg0: i32, %arg1: memref<16xi32, #tpu.memory_space<smem>>, %arg2: memref<128x2048xf32, #tpu.memory_space<vmem>>, %arg3: memref<128x2048xf32, #tpu.memory_space<vmem>>) attributes {dimension_semantics = [#tpu.dimension_semantics<arbitrary>], iteration_bounds = array<i64: 16>, scalar_prefetch = 0 : i64, scratch_operands = 0 : i64, tpu.core_type = #tpu.core_type<tc>, window_params = [{transform_indices = @transform_0, window_bounds = array<i64: 16>}, {transform_indices = @transform_1, window_bounds = array<i64: 128, 2048>}, {transform_indices = @transform_2, window_bounds = array<i64: 128, 2048>}]} {
    %get3A = arith.constant 0 : index
    %get3A_0 = memref.load %arg1[%get3A] : memref<16xi32, #tpu.memory_space<smem>>
    %bitcast_convert_type3A = arith.bitcast %get3A_0 : i32 to f32
    %get3A_1 = arith.constant 1 : index
    %get3A_2 = memref.load %arg1[%get3A_1] : memref<16xi32, #tpu.memory_space<smem>>
    %bitcast_convert_type3A_3 = arith.bitcast %get3A_2 : i32 to f32
    %sub3A = arith.subf %bitcast_convert_type3A_3, %bitcast_convert_type3A : f32
    %mul3A = arith.constant 0.879999995 : f32
    %mul3A_4 = arith.mulf %mul3A, %sub3A : f32
    %add3A = arith.addf %bitcast_convert_type3A, %mul3A_4 : f32
    %get3A_5 = arith.constant 0 : index
    %get3A_6 = arith.constant 0 : index
    %get3A_7 = vector.load %arg2[%get3A_5, %get3A_6] : memref<128x2048xf32, #tpu.memory_space<vmem>>, vector<128x2048xf32>
    %gt3A = vector.broadcast %add3A : f32 to vector<128x2048xf32>
    %gt3A_8 = arith.cmpf ogt, %get3A_7, %gt3A : vector<128x2048xf32>
    %broadcast_in_dim3A = vector.broadcast %bitcast_convert_type3A : f32 to vector<128x2048xf32>
    %select_n3A = arith.select %gt3A_8, %broadcast_in_dim3A, %get3A_7 : vector<128x2048xi1>, vector<128x2048xf32>
    %swap3A = arith.constant 0 : index
    %swap3A_9 = arith.constant 0 : index
    %swap3A_10 = vector.load %arg3[%swap3A, %swap3A_9] : memref<128x2048xf32, #tpu.memory_space<vmem>>, vector<128x2048xf32>
    tpu.vector_store %arg3[%swap3A, %swap3A_9], %select_n3A {strides = array<i32>} : memref<128x2048xf32, #tpu.memory_space<vmem>>, vector<128x2048xf32>,
    return
  }
  func.func @transform_0(%arg0: i32) -> i32 {
    %c0_i32 = arith.constant 0 : i32
    %c0_i32_0 = arith.constant 0 : i32
    return %c0_i32 : i32
  }
  func.func @transform_1(%arg0: i32) -> (i32, i32) {
    %c0_i32 = arith.constant 0 : i32
    %c0_i32_0 = arith.constant 0 : i32
    return %c0_i32, %arg0 : i32, i32
  }
  func.func @transform_2(%arg0: i32) -> (i32, i32) {
    %c0_i32 = arith.constant 0 : i32
    %c0_i32_0 = arith.constant 0 : i32
    return %c0_i32, %arg0 : i32, i32
  }
}

</mosaic_0001>

<sc_bundles>
// kernel: kernel.4.cloned.1.call-start
scs
__scs_entry_jumppad:
0x0: {  	(pc) =	sbr.rel $0x88, $3  }
0x1: {  	(tag) =	ssettag $0x0;
	lr =	simm.s32 $0x1  }
0x2: {  	[smem:$0x3FA0] =	sst lr;
	_ =	strace $0xD0000000  }
0x3: {  	_ = 	snop  }
0x4: {  	_ = 	snop  }
0x5: {  	_ = 	snop  }
0x6: {  	_ = 	snop  }
0x7: {  	_ = 	snop  }
__scs_overlays_trampoline_lowered:
0x8: {  	[smem:$0x3FAF] =	sst s0  }
0x9: {  	[smem:$0x3FB0] =	sst s1  }
0xa: {  	[smem:$0x3FB1] =	sst s2  }
0xb: {  	[smem:$0x3FB2] =	sst s3  }
0xc: {  	[smem:$0x3FB3] =	sst s4  }
0xd: {  	[smem:$0x3FB4] =	sst s5  }
0xe: {  	[smem:$0x3FB5] =	sst s6  }
0xf: {  	[smem:$0x3FB6] =	sst s7  }
0x10: {  	[smem:$0x3FB7] =	sst s8  }
0x11: {  	[smem:$0x3FB8] =	sst s9;
	s0 =	simm.s32 @!p0 $0x0  }
0x12: {  	s1 =	sld [smem:$0x3F9E];
	s0 =	simm.s32 @p0 $0x1  }
0x13: {  	[smem:$0x3FB9] =	sst s0;
	s0 =	simm.s32 @!p1 $0x0  }
0x14: {  	s2 =	sld [smem:$0x3F9D];
	s0 =	simm.s32 @p1 $0x1  }
0x15: {  	[smem:$0x3FBA] =	sst s0;
	s0 =	simm.s32 @!p2 $0x0  }
0x16: {  	s3 =	sld [smem:$0x3FDB];
	s0 =	simm.s32 @p2 $0x1  }
0x17: {  	s4 =	simm.s32 $0x1BF5;
	[smem:$0x3FBC] =	sst s0  }
0x18: {  	s0 =	sld [smem:$0x3F9F];
	_ =	swait.ge [sflag:s4], $0x0  }
0x19: {  	s7 =	sld [smem:$0x3FA0]  }
0x1a: {  	s8 =	sadd.s32 $0xFFFFE003, lr  }
0x1b: {  	s9 =	sadd.s32 $0xFFFFFEF7, lr;
	s5 =	simm.s32 $0xFFFFFFFF;
	p2 =	slt.u32 s8, $0xFFFFF086  }
0x1c: {  	p1 =	slt.u32 s9, $0xF7A;
	s5 =	simm.s32 @!p2 $0x0  }
0x1d: {  	s5 =	simm.s32 @p1 $0x1;
	p0 =	seq.s32 s7, s2  }
0x1e: {  	s7 =	smul.u32 @!p0 $0xF7A, s2;
	p2 =	seq.s32 @!p0 s5, $0x0  }
0x1f: {  	s9 =	smul.u32 $0xF7A, s1;
	s8 =	simm.s32 @!p0 $0x1BF5;
	p2 =	por !p2, p0  }
0x20: {  	[sflag:s8] =	ssyncset.s32 @!p0 $0xFFFFF086;
	s6 =	sadd.s32 @!p0 s3, s7;
	s7 =	simm.s32 @!p0 $0x108  }
0x21: {  	s3 =	sadd.s32 s3, s9;
	s6 =	sadd.s32 @!p0 $0x88, s6;
	s7 =	simm.s32 @p2 $0x1082  }
0x22: {  	[simem:s7], [sflag:s8] =	dma.local @!p0 [hbm:s6], $0xF7A  }
0x23: {  	s9 =	sor.u32 $0xD0000000, s2;
	s6 =	simm.s32 $0x108;
	_ =	swait.ge @!p0 [sflag:s8], $0x0  }
0x24: {  	s3 =	sadd.s32 $0x88, s3;
	s6 =	simm.s32 @!p1 $0x1082;
	[sflag:s4] =	ssyncset.s32 $0xFFFFF086  }
0x25: {  	[simem:s6], [sflag:s4] =	dma.local [hbm:s3], $0xF7A  }
0x26: {  	[smem:$0x3FA0] =	sst s1;
	(tag) =	ssettag s2;
	_ =	strace s9  }
0x27: {  	s1 =	sld [smem:$0x3FB0]  }
0x28: {  	s2 =	sld [smem:$0x3FB1]  }
0x29: {  	s4 =	sld [smem:$0x3FB3]  }
0x2a: {  	p0 =	seq.s32 s5, $0x0;
	s5 =	sld [smem:$0x3FB4]  }
0x2b: {  	s6 =	sld [smem:$0x3FB5]  }
0x2c: {  	s7 =	sld [smem:$0x3FB6]  }
0x2d: {  	s3 =	simm.s32 $0x108;
	s8 =	sld [smem:$0x3FB7]  }
0x2e: {  	s3 =	simm.s32 @!p0 $0x1082;
	s9 =	sld [smem:$0x3FB8]  }
0x2f: {  	lr =	sadd.s32 s0, s3;
	s0 =	sld [smem:$0x3FAF]  }
0x30: {  	s3 =	sld [smem:$0x3FB2]  }
0x31: {  	[smem:$0x3FBB] =	sst s10  }
0x32: {  	s10 =	sld [smem:$0x3FB9];
	_ =	sdelay $0x3  }
0x33: {  	p0 =	seq.s32 s10, $0x1;
	s10 =	sld [smem:$0x3FBB];
	_ =	sdelay $0x3  }
0x34: {  	[smem:$0x3FBB] =	sst s10  }
0x35: {  	s10 =	sld [smem:$0x3FBA];
	_ =	sdelay $0x3  }
0x36: {  	p1 =	seq.s32 s10, $0x1;
	s10 =	sld [smem:$0x3FBB];
	_ =	sdelay $0x3  }
0x37: {  	[smem:$0x3FBB] =	sst s10  }
0x38: {  	s10 =	sld [smem:$0x3FBC]  }
0x39: {  	_ = 	snop;
	(pc) =	sbr.ind lr, $3  }
0x3a: {  	_ = 	snop  }
0x3b: {  	_ = 	snop  }
0x3c: {  	p2 =	seq.s32 s10, $0x1;
	s10 =	sld [smem:$0x3FBB]  }
0x3d: {  	_ =	shalt  }
0x3e: {  	_ =	shalt  }
0x3f: {  	_ =	shalt  }
0x40: {  	_ =	shalt  }
0x41: {  	_ =	shalt  }
0x42: {  	_ =	shalt  }
0x43: {  	_ =	shalt  }
0x44: {  	_ =	shalt  }
0x45: {  	_ =	shalt  }
0x46: {  	_ =	shalt  }
0x47: {  	_ =	shalt  }
0x48: {  	_ =	shalt  }
0x49: {  	_ =	shalt  }
0x4a: {  	_ =	shalt  }
0x4b: {  	_ =	shalt  }
0x4c: {  	_ =	shalt  }
0x4d: {  	_ =	shalt  }
0x4e: {  	_ =	shalt  }
0x4f: {  	_ =	shalt  }
0x50: {  	_ =	shalt  }
0x51: {  	_ =	shalt  }
0x52: {  	_ =	shalt  }
0x53: {  	_ =	shalt  }
0x54: {  	_ =	shalt  }
0x55: {  	_ =	shalt  }
0x56: {  	_ =	shalt  }
0x57: {  	_ =	shalt  }
0x58: {  	_ =	shalt  }
0x59: {  	_ =	shalt  }
0x5a: {  	_ =	shalt  }
0x5b: {  	_ =	shalt  }
0x5c: {  	_ =	shalt  }
0x5d: {  	_ =	shalt  }
0x5e: {  	_ =	shalt  }
0x5f: {  	_ =	shalt  }
0x60: {  	_ =	shalt  }
0x61: {  	_ =	shalt  }
0x62: {  	_ =	shalt  }
0x63: {  	_ =	shalt  }
0x64: {  	_ =	shalt  }
0x65: {  	_ =	shalt  }
0x66: {  	_ =	shalt  }
0x67: {  	_ =	shalt  }
0x68: {  	_ =	shalt  }
0x69: {  	_ =	shalt  }
0x6a: {  	_ =	shalt  }
0x6b: {  	_ =	shalt  }
0x6c: {  	_ =	shalt  }
0x6d: {  	_ =	shalt  }
0x6e: {  	_ =	shalt  }
0x6f: {  	_ =	shalt  }
0x70: {  	_ =	shalt  }
0x71: {  	_ =	shalt  }
0x72: {  	_ =	shalt  }
0x73: {  	_ =	shalt  }
0x74: {  	_ =	shalt  }
0x75: {  	_ =	shalt  }
0x76: {  	_ =	shalt  }
0x77: {  	_ =	shalt  }
0x78: {  	_ =	shalt  }
0x79: {  	_ =	shalt  }
0x7a: {  	_ =	shalt  }
0x7b: {  	_ =	shalt  }
0x7c: {  	_ =	shalt  }
0x7d: {  	_ =	shalt  }
0x7e: {  	_ =	shalt  }
0x7f: {  	_ =	shalt  }
0x80: {  	_ =	shalt  }
0x81: {  	_ =	shalt  }
0x82: {  	_ =	shalt  }
0x83: {  	_ =	shalt  }
0x84: {  	_ =	shalt  }
0x85: {  	_ =	shalt  }
0x86: {  	_ =	shalt  }
0x87: {  	_ =	shalt  }
.Lfunc_end0:
.L_simem_size_0:
called_computation_lowered:
.L_overlay_start_0:
0x88: {  	s0 =	sld [smem:$0x3FD9]  }
0x89: {  	s1 =	sld [smem:$0x3FFE];
	_ =	sdelay $0x3  }
0x8a: {  	s0 =	sadd.s32 s1, s0  }
0x8b: {  	[smem:$0x3FC7] =	sst s0  }
0x8c: {  	_ = 	snop  }
0x8d: {  	s0 =	sld [smem:$0x3FD0];
	(tm) =	ssettm $0x1  }
0x8e: {  	s16 =	sld [smem:$0x3FFB];
	_ =	sdelay $0x3  }
0x8f: {  	_ =	strace s16  }
0x90: {  	s1 =	sld [smem:$0x3FFC];
	_ =	sdelay $0x3  }
0x91: {  	_ =	strace s1  }
0x92: {  	s1 =	sld [smem:$0x3FFD];
	_ =	sdelay $0x3  }
0x93: {  	_ =	strace s1  }
0x94: {  	_ =	strace $0x8FFFFFFF  }
0x95: {  	s17 =	sld [smem:$0x3FDB];
	_ =	sdelay $0x1  }
0x96: {  	s2 =	simm.s32 $_scs_section_size  }
0x97: {  	s3 =	simm.s32 $_size__tile_overlayer_lowered;
	s4 =	simm.s32 $_tile_overlayer_lowered  }
0x98: {  	s20 =	simm.s32 $0x1BFF;
	s19 =	sshll.u32 s4, $0x1;
	s1 =	sadd.s32 s2, s17  }
0x99: {  	s5 =	simm.s32 $0x0;
	s18 =	sshll.u32 s3, $0x1;
	s3 =	sadd.s32 s19, s1  }
0x9a: {  	[timem:s5], [sflag:s20] =	dma.local [hbm:s3], s18  }
0x9b: {  	_ =	swait.ge [sflag:s20], s18  }
0x9c: {  	s2 =	ssub.s32 $0x0, s18;
	[sflag:s20] =	ssyncset.done $0x0  }
0x9d: {  	[sflag:s20] =	ssyncadd.s32 s2;
	_ =	sdelay $0x1  }
0x9e: {  	s21 =	simm.s32 $0x1B8B  }
0x9f: {  	_ =	swait.ge [sflag:s21], $0x1  }
0xa0: {  	[sflag:s21] =	ssyncset.done $0x0  }
0xa1: {  	s23 =	simm.s32 $0x1B8E;
	s22 =	sld [smem:$0x3FFE];
	[sflag:s21] =	ssyncadd.s32 $0xFFFFFFFF  }
0xa2: {  	s24 =	simm.s32 $execute0_lowered;
	[smem:$0x3FD2] =	sst s23  }
0xa3: {  	s3 =	sshll.u32 s24, $0x1;
	_ =	strace $0x80000046;
	[dreg:$0x1] =	wrdreg $0xFFFFFFFF  }
0xa4: {  	s25 =	simm.s32 $_size_execute0_lowered;
	s1 =	sadd.s32 s1, s3;
	[dreg:$0x0] =	wrdreg $0x0  }
0xa5: {  	s3 =	sshll.u32 s25, $0x1;
	[dreg:$0x2] =	wrdreg s1  }
0xa6: {  	[dreg:$0x3] =	wrdreg s3  }
0xa7: {  	[dreg:$0x4] =	wrdreg $0xC0  }
0xa8: {  	_ =	task [dreg:s5], $0x5FFFF  }
0xa9: {  	[dreg:$0x1] =	wrdreg $0xFFFFFFFF  }
0xaa: {  	[dreg:$0x0] =	wrdreg $0x60  }
0xab: {  	[dreg:$0x2] =	wrdreg s0  }
0xac: {  	[dreg:$0x3] =	wrdreg s22  }
0xad: {  	[dreg:$0x4] =	wrdreg $0x142800  }
0xae: {  	[dreg:$0x5] =	wrdreg $0x162800  }
0xaf: {  	[dreg:$0x6] =	wrdreg $0x164800  }
0xb0: {  	[dreg:$0x7] =	wrdreg $0x9  }
0xb1: {  	_ =	task.clear_ibuf [dreg:s5], $0x8FFFF;
	_ =	strace $0x90000046  }
0xb2: {  	s26 =	simm.s32 $0x9;
	_ =	strace $0x80000048  }
0xb3: {  	_ =	swait.ge [sflag:s26], $0x1  }
0xb4: {  	[sflag:s26] =	ssyncadd.s32 $0xFFFFFFFF  }
0xb5: {  	_ =	strace $0x90000048  }
0xb6: {  	_ =	sfence  }
0xb7: {  	s28 =	sld [smem:$0x0];
	_ =	sdelay $0x1  }
0xb8: {  	s29 =	srdreg.scid  }
0xb9: {  	s30 =	sshll.u32 s29, $0xD;
	s31 =	sshrl.u32 s29, $0x2  }
0xba: {  	s2 =	sand.u32 $0x4000, s30;
	s1 =	sand.u32 $0x1, s29;
	s0 =	sadd.s32 s31, s28  }
0xbb: {  	s1 =	sor.u32 s2, s1;
	s0 =	sshll.u32 s0, $0x11  }
0xbc: {  	s0 =	sor.u32 s0, s1  }
0xbd: {  	s0 =	sadd.s32 $0x8F2B, s0  }
0xbe: {  	[sflag:s0] =	ssyncadd.remote.s32 $0x1  }
0xbf: {  	_ =	sfence.sel $0xFFFF  }
0xc0: {  	[dreg:$0x0] =	wrdreg $0xFFFFFFFF;
	(pc) =	sbr.abs _section_cstart, $3  }
0xc1: {  	[dreg:$0x1] =	wrdreg $0xFFFFFFFF  }
0xc2: {  	_ =	task.clear_ibuf [dreg:s5], $0x2FFFF;
	_ =	strace $0x9FFFFFFF  }
0xc3: {  	(tm) =	ssettm $0x7FFFFFFF  }
tec
execute0_lowered:
.L_overlay_start_1:
0x0: {  	(tag) =	ssettag $0x1  }
0x1: {  	s3 =	rddreg [dreg:$0x0]  }
0x2: {  	s4 =	rddreg [dreg:$0x1]  }
0x3: {  	s20 =	rddreg [dreg:$0x2]  }
0x4: {  	s19 =	rddreg [dreg:$0x3];
	s0 =	simm.s32 $0x0  }
0x5: {  	s1 =	simm.s32 $0x10040;
	v0 =	vimm.s32 $0x0;
	[smem:$0x7FF] =	sst s0  }
0x6: {  	s15 =	rddreg [dreg:$0x4];
	_ =	strace $0x80000047;
	[tilespmem:s1+$0xFFFFFFC0] =	vst v0  }
0x7: {  	[tilespmem:s1+$0x30] =	vst v0  }
0x8: {  	[tilespmem:s1+$0x20] =	vst v0  }
0x9: {  	[tilespmem:s1+$0x10] =	vst v0  }
0xa: {  	[tilespmem:s1+$0x0] =	vst v0  }
0xb: {  	s0 =	stileid.u32;
	s4 =	sadd.s32 $0x1600, s4;
	[tilespmem:s1+$0xFFFFFFF0] =	vst v0  }
0xc: {  	s2 =	sshll.u32 s0, $0xF;
	[dreg:$0x6] =	wrdreg s4  }
0xd: {  	s21 =	sadd.s32 s3, s2;
	s4 =	simm.s32 $0x0;
	[tilespmem:s1+$0xFFFFFFE0] =	vst v0  }
.LBB2_1:
0xe: {  	s4 =	sadd.s32 $0x8, s4;
	[tilespmem:s1+$0xFFFFFFD0] =	vst v0;
	s1 =	sadd.s32 $0x80, s1  }
0xf: {  	[tilespmem:s1+$0xFFFFFFC0] =	vst v0;
	p0 =	slt.u32 s4, $0xF8  }
0x10: {  	[tilespmem:s1+$0x30] =	vst v0  }
.Ltmp0:
0x11: {  	[tilespmem:s1+$0x20] =	vst v0;
	(pc) =	sbr.rel @p0 .LBB2_1-.Ltmp0, $4  }
0x12: {  	[tilespmem:s1+$0x10] =	vst v0  }
0x13: {  	[tilespmem:s1+$0x0] =	vst v0  }
0x14: {  	[tilespmem:s1+$0xFFFFFFF0] =	vst v0  }
0x15: {  	[tilespmem:s1+$0xFFFFFFE0] =	vst v0  }
0x16: {  	s5 =	sadd.s32 s2, s3  }
0x17: {  	[tilespmem:s1+$0xFFFFFFD0] =	vst v0;
	s1 =	simm.s32 $0x80;
	s2 =	simm.s32 $0x400;
	s6 =	simm.s32 $0x0  }
0x18: {  	s4 =	sshll.u32 s0, $0x3;
	s8 =	simm.s32 $0x8000;
	s9 =	simm.s32 $0x1  }
0x19: {  	[tilespmem:s6], [sflag:$0x1] =	stream.strided.gather [hbm4b:s21+s1], $0x8000, s2, s1, $0x38;
	[tilespmem:$0x16488] =	vst v63  }
0x1a: {  	v0 =	vimm.s32 $0x1;
	s11 =	simm.s32 $0x10000;
	s12 =	simm.s32 $0x2;
	s5 =	sadd.s32 $0x10, s5  }
.LBB2_3:
0x1b: {  	s7 =	sshll.u32 s6, $0x5  }
0x1c: {  	s7 =	sadd.s32 s7, s5  }
0x1d: {  	[tilespmem:s8], [sflag:$0x2] =	stream.strided.gather [hbm4b:s7+s1], $0x8000, s2, s1, $0x38;
	[tilespmem:$0x16488] =	vst v63  }
0x1e: {  	_ =	swait.ge [sflag:s9], $0x8000  }
0x1f: {  	[sflag:s9] =	ssyncset.done $0x0  }
0x20: {  	s31 =	simm.s32 $0x40;
	[sflag:s9] =	ssyncadd.s32 $0xFFFF8000  }
0x21: {  	v1 =	vld [tilespmem:s31+$0x30]  }
0x22: {  	v2 =	vld [tilespmem:s31+$0xFFFFFFD0]  }
0x23: {  	v3 =	vld [tilespmem:s31+$0xFFFFFFE0]  }
0x24: {  	v4 =	vld [tilespmem:s31+$0xFFFFFFF0]  }
0x25: {  	v5 =	vld [tilespmem:s31+$0x0];
	_ =	sdelay $0x1  }
0x26: {  	v6 =	vld [tilespmem:s31+$0x10]  }
0x27: {  	v9 =	vld [tilespmem:s31+$0x20]  }
0x28: {  	v10 =	vld [tilespmem:s31+$0xFFFFFFC0];
	v7 =	vshra.s32 v1, $0x1F;
	v8 =	vshra.s32 v2, $0x1F;
	v11 =	vshra.s32 v3, $0x1F  }
0x29: {  	v62 =	vshra.s32 v4, $0x1F;
	v12 =	vshra.s32 v5, $0x1F;
	v7 =	vand.u32 $0x7FF00000, v7  }
0x2a: {  	v8 =	vand.u32 $0x7FF00000, v8;
	v1 =	vxor.u32 v1, v7;
	v7 =	vand.u32 $0x7FF00000, v11  }
0x2b: {  	v11 =	vand.u32 $0x7FF00000, v62;
	v8 =	vxor.u32 v2, v8;
	v1 =	vshra.s32 v1, $0x14  }
0x2c: {  	v2 =	vshra.s32 v6, $0x1F;
	v63 =	vxor.u32 v3, v7;
	v13 =	vadd.s32 $0x800, v1  }
0x2d: {  	v3 =	vand.u32 $0x7FF00000, v2;
	v2 =	vshra.s32 v9, $0x1F;
	v7 =	vshra.s32 v10, $0x1F  }
0x2e: {  	v11 =	vxor.u32 v4, v11;
	v1 =	vand.u32 $0x7FF00000, v12;
	v14 =	vand.u32 $0x7FF00000, v2  }
0x2f: {  	v4 =	vand.u32 $0x7FF00000, v7;
	v2 =	vxor.u32 v5, v1;
	v1 =	vxor.u32 v6, v3  }
0x30: {  	v5 =	vxor.u32 v10, v4;
	v4 =	vshra.s32 v8, $0x14;
	v3 =	vxor.u32 v9, v14  }
0x31: {  	s10 =	simm.s32 $0xC0;
	s7 =	simm.s32 $0x0;
	v6 =	vshra.s32 v63, $0x14;
	v7 =	vshra.s32 v5, $0x14;
	v5 =	vshra.s32 v11, $0x14;
	[tilespmem:v13+s11+$0x0] =	vst.idx.add.s32.msk $0xffff, v0  }
.LBB2_4:
0x32: {  	v8 =	vld [tilespmem:s10+$0x30];
	s7 =	sadd.s32 $0x8, s7;
	v2 =	vshra.s32 v2, $0x14;
	v1 =	vshra.s32 v1, $0x14;
	v3 =	vshra.s32 v3, $0x14  }
0x33: {  	v7 =	vadd.s32 $0x800, v7;
	v4 =	vadd.s32 $0x800, v4;
	v6 =	vadd.s32 $0x800, v6;
	v9 =	vld [tilespmem:s10+$0xFFFFFFD0];
	p0 =	slt.u32 s7, $0x7F8  }
0x34: {  	v5 =	vadd.s32 $0x800, v5;
	v2 =	vadd.s32 $0x800, v2;
	v11 =	vadd.s32 $0x800, v1;
	v10 =	vld [tilespmem:s10+$0xFFFFFFE0]  }
0x35: {  	v12 =	vadd.s32 $0x800, v3;
	v1 =	vld [tilespmem:s10+$0xFFFFFFF0]  }
0x36: {  	v3 =	vld [tilespmem:s10+$0x0]  }
0x37: {  	v13 =	vld [tilespmem:s10+$0x10];
	v14 =	vshra.s32 v8, $0x1F  }
0x38: {  	v15 =	vshra.s32 v9, $0x1F;
	v16 =	vld [tilespmem:s10+$0x20];
	v14 =	vand.u32 $0x7FF00000, v14  }
0x39: {  	v17 =	vld [tilespmem:s10+$0xFFFFFFC0];
	v15 =	vand.u32 $0x7FF00000, v15;
	v18 =	vshra.s32 v10, $0x1F;
	v8 =	vxor.u32 v8, v14  }
0x3a: {  	v14 =	vand.u32 $0x7FF00000, v18;
	v18 =	vshra.s32 v1, $0x1F;
	v8 =	vshra.s32 v8, $0x14;
	[tilespmem:v7+s11+$0x0] =	vst.idx.add.s32.msk $0xffff, v0  }
0x3b: {  	v7 =	vand.u32 $0x7FF00000, v18;
	v18 =	vshra.s32 v3, $0x1F;
	v8 =	vadd.s32 $0x800, v8;
	[tilespmem:v4+s11+$0x0] =	vst.idx.add.s32.msk $0xffff, v0  }
0x3c: {  	v4 =	vxor.u32 v9, v15;
	v9 =	vand.u32 $0x7FF00000, v18;
	v15 =	vshra.s32 v13, $0x1F;
	[tilespmem:v6+s11+$0x0] =	vst.idx.add.s32.msk $0xffff, v0  }
.Ltmp1:
0x3d: {  	v6 =	vxor.u32 v10, v14;
	v10 =	vand.u32 $0x7FF00000, v15;
	v14 =	vshra.s32 v16, $0x1F;
	[tilespmem:v5+s11+$0x0] =	vst.idx.add.s32.msk $0xffff, v0;
	(pc) =	sbr.rel @p0 .LBB2_4-.Ltmp1, $4  }
0x3e: {  	v15 =	vxor.u32 v1, v7;
	v5 =	vshra.s32 v17, $0x1F;
	v7 =	vand.u32 $0x7FF00000, v14;
	[tilespmem:v2+s11+$0x0] =	vst.idx.add.s32.msk $0xffff, v0  }
0x3f: {  	v2 =	vxor.u32 v3, v9;
	v1 =	vxor.u32 v13, v10;
	v5 =	vand.u32 $0x7FF00000, v5;
	[tilespmem:v11+s11+$0x0] =	vst.idx.add.s32.msk $0xffff, v0  }
0x40: {  	v4 =	vshra.s32 v4, $0x14;
	v3 =	vxor.u32 v16, v7;
	v5 =	vxor.u32 v17, v5;
	[tilespmem:v8+s11+$0x0] =	vst.idx.add.s32.msk $0xffff, v0  }
0x41: {  	s10 =	sadd.s32 $0x80, s10;
	v6 =	vshra.s32 v6, $0x14;
	v7 =	vshra.s32 v5, $0x14;
	v5 =	vshra.s32 v15, $0x14;
	[tilespmem:v12+s11+$0x0] =	vst.idx.add.s32.msk $0xffff, v0  }
0x42: {  	v7 =	vadd.s32 $0x800, v7  }
0x43: {  	v4 =	vadd.s32 $0x800, v4  }
0x44: {  	v6 =	vadd.s32 $0x800, v6  }
0x45: {  	v2 =	vshra.s32 v2, $0x14;
	v5 =	vadd.s32 $0x800, v5  }
0x46: {  	v1 =	vshra.s32 v1, $0x14;
	v2 =	vadd.s32 $0x800, v2  }
0x47: {  	p0 =	seq.s32 s6, $0x3;
	v3 =	vshra.s32 v3, $0x14;
	v1 =	vadd.s32 $0x800, v1;
	[tilespmem:v7+s11+$0x0] =	vst.idx.add.s32.msk $0xffff, v0  }
0x48: {  	s7 =	sshll.u32 @!p0 s6, $0x1;
	v3 =	vadd.s32 $0x800, v3;
	[tilespmem:v4+s11+$0x0] =	vst.idx.add.s32.msk $0xffff, v0  }
0x49: {  	s7 =	sadd.s32 @!p0 $0x2, s7;
	[tilespmem:v6+s11+$0x0] =	vst.idx.add.s32.msk $0xffff, v0  }
0x4a: {  	s10 =	sadd.s32 @!p0 s4, s7;
	s7 =	sshll.u32 @!p0 s7, $0x4;
	[tilespmem:v5+s11+$0x0] =	vst.idx.add.s32.msk $0xffff, v0  }
0x4b: {  	s10 =	sshll.u32 @!p0 s10, $0xC;
	s7 =	sand.u32 @!p0 $0x60, s7;
	[tilespmem:v2+s11+$0x0] =	vst.idx.add.s32.msk $0xffff, v0  }
0x4c: {  	s13 =	simm.s32 @!p0 $0x400;
	s10 =	sand.u32 @!p0 $0xF8000, s10;
	s7 =	sadd.s32 @!p0 s3, s7;
	[tilespmem:v1+s11+$0x0] =	vst.idx.add.s32.msk $0xffff, v0  }
0x4d: {  	s14 =	simm.s32 @!p0 $0x0;
	s7 =	sadd.s32 @!p0 s10, s7;
	[tilespmem:v3+s11+$0x0] =	vst.idx.add.s32.msk $0xffff, v0;
	s10 =	simm.s32 @!p0 $0x80  }
0x4e: {  	[tilespmem:s14], [sflag:$0x1] =	stream.strided.gather @!p0 [hbm4b:s7+s10], $0x8000, s13, s10, $0x38;
	[tilespmem:$0x16488] =	vst v63  }
0x4f: {  	_ =	swait.ge [sflag:s12], $0x8000  }
0x50: {  	[sflag:s12] =	ssyncset.done $0x0  }
0x51: {  	s31 =	simm.s32 $0x8040;
	[sflag:s12] =	ssyncadd.s32 $0xFFFF8000  }
0x52: {  	v1 =	vld [tilespmem:s31+$0x30]  }
0x53: {  	v2 =	vld [tilespmem:s31+$0xFFFFFFD0]  }
0x54: {  	v3 =	vld [tilespmem:s31+$0xFFFFFFE0]  }
0x55: {  	v4 =	vld [tilespmem:s31+$0xFFFFFFF0]  }
0x56: {  	v5 =	vld [tilespmem:s31+$0x0];
	_ =	sdelay $0x1  }
0x57: {  	v6 =	vld [tilespmem:s31+$0x10]  }
0x58: {  	v9 =	vld [tilespmem:s31+$0x20]  }
0x59: {  	v10 =	vld [tilespmem:s31+$0xFFFFFFC0];
	v7 =	vshra.s32 v1, $0x1F;
	v8 =	vshra.s32 v2, $0x1F;
	v11 =	vshra.s32 v3, $0x1F  }
0x5a: {  	v62 =	vshra.s32 v4, $0x1F;
	v12 =	vshra.s32 v5, $0x1F;
	v7 =	vand.u32 $0x7FF00000, v7  }
0x5b: {  	v8 =	vand.u32 $0x7FF00000, v8;
	v1 =	vxor.u32 v1, v7;
	v7 =	vand.u32 $0x7FF00000, v11  }
0x5c: {  	v11 =	vand.u32 $0x7FF00000, v62;
	v8 =	vxor.u32 v2, v8;
	v1 =	vshra.s32 v1, $0x14  }
0x5d: {  	v2 =	vshra.s32 v6, $0x1F;
	v63 =	vxor.u32 v3, v7;
	v13 =	vadd.s32 $0x800, v1  }
0x5e: {  	v3 =	vand.u32 $0x7FF00000, v2;
	v2 =	vshra.s32 v9, $0x1F;
	v7 =	vshra.s32 v10, $0x1F  }
0x5f: {  	v11 =	vxor.u32 v4, v11;
	v1 =	vand.u32 $0x7FF00000, v12;
	v4 =	vand.u32 $0x7FF00000, v2  }
0x60: {  	v7 =	vand.u32 $0x7FF00000, v7;
	v2 =	vxor.u32 v5, v1;
	v1 =	vxor.u32 v6, v3  }
0x61: {  	v5 =	vxor.u32 v10, v7;
	v3 =	vshra.s32 v8, $0x14;
	v4 =	vxor.u32 v9, v4  }
0x62: {  	s7 =	simm.s32 $0x0;
	s10 =	simm.s32 $0x80C0;
	v6 =	vshra.s32 v63, $0x14;
	v7 =	vshra.s32 v5, $0x14;
	v5 =	vshra.s32 v11, $0x14;
	[tilespmem:v13+s11+$0x0] =	vst.idx.add.s32.msk $0xffff, v0  }
.LBB2_6:
0x63: {  	v8 =	vld [tilespmem:s10+$0x30];
	s7 =	sadd.s32 $0x8, s7;
	v2 =	vshra.s32 v2, $0x14;
	v1 =	vshra.s32 v1, $0x14;
	v4 =	vshra.s32 v4, $0x14  }
0x64: {  	v7 =	vadd.s32 $0x800, v7;
	v3 =	vadd.s32 $0x800, v3;
	v6 =	vadd.s32 $0x800, v6;
	v9 =	vld [tilespmem:s10+$0xFFFFFFD0];
	p0 =	slt.u32 s7, $0x7F8  }
0x65: {  	v5 =	vadd.s32 $0x800, v5;
	v2 =	vadd.s32 $0x800, v2;
	v11 =	vadd.s32 $0x800, v1;
	v10 =	vld [tilespmem:s10+$0xFFFFFFE0]  }
0x66: {  	v12 =	vadd.s32 $0x800, v4;
	v1 =	vld [tilespmem:s10+$0xFFFFFFF0]  }
0x67: {  	v4 =	vld [tilespmem:s10+$0x0]  }
0x68: {  	v13 =	vld [tilespmem:s10+$0x10];
	v14 =	vshra.s32 v8, $0x1F  }
0x69: {  	v15 =	vshra.s32 v9, $0x1F;
	v16 =	vld [tilespmem:s10+$0x20];
	v14 =	vand.u32 $0x7FF00000, v14  }
0x6a: {  	v17 =	vld [tilespmem:s10+$0xFFFFFFC0];
	v15 =	vand.u32 $0x7FF00000, v15;
	v18 =	vshra.s32 v10, $0x1F;
	v8 =	vxor.u32 v8, v14  }
0x6b: {  	v14 =	vand.u32 $0x7FF00000, v18;
	v18 =	vshra.s32 v1, $0x1F;
	v8 =	vshra.s32 v8, $0x14;
	[tilespmem:v7+s11+$0x0] =	vst.idx.add.s32.msk $0xffff, v0  }
0x6c: {  	v7 =	vand.u32 $0x7FF00000, v18;
	v18 =	vshra.s32 v4, $0x1F;
	v8 =	vadd.s32 $0x800, v8;
	[tilespmem:v3+s11+$0x0] =	vst.idx.add.s32.msk $0xffff, v0  }
0x6d: {  	v3 =	vxor.u32 v9, v15;
	v9 =	vand.u32 $0x7FF00000, v18;
	v15 =	vshra.s32 v13, $0x1F;
	[tilespmem:v6+s11+$0x0] =	vst.idx.add.s32.msk $0xffff, v0  }
.Ltmp2:
0x6e: {  	v6 =	vxor.u32 v10, v14;
	v10 =	vand.u32 $0x7FF00000, v15;
	v14 =	vshra.s32 v16, $0x1F;
	[tilespmem:v5+s11+$0x0] =	vst.idx.add.s32.msk $0xffff, v0;
	(pc) =	sbr.rel @p0 .LBB2_6-.Ltmp2, $4  }
0x6f: {  	v15 =	vxor.u32 v1, v7;
	v5 =	vshra.s32 v17, $0x1F;
	v7 =	vand.u32 $0x7FF00000, v14;
	[tilespmem:v2+s11+$0x0] =	vst.idx.add.s32.msk $0xffff, v0  }
0x70: {  	v2 =	vxor.u32 v4, v9;
	v1 =	vxor.u32 v13, v10;
	v5 =	vand.u32 $0x7FF00000, v5;
	[tilespmem:v11+s11+$0x0] =	vst.idx.add.s32.msk $0xffff, v0  }
0x71: {  	v3 =	vshra.s32 v3, $0x14;
	v4 =	vxor.u32 v16, v7;
	v5 =	vxor.u32 v17, v5;
	[tilespmem:v8+s11+$0x0] =	vst.idx.add.s32.msk $0xffff, v0  }
0x72: {  	s10 =	sadd.s32 $0x80, s10;
	v6 =	vshra.s32 v6, $0x14;
	v7 =	vshra.s32 v5, $0x14;
	v5 =	vshra.s32 v15, $0x14;
	[tilespmem:v12+s11+$0x0] =	vst.idx.add.s32.msk $0xffff, v0  }
0x73: {  	v7 =	vadd.s32 $0x800, v7  }
0x74: {  	v3 =	vadd.s32 $0x800, v3  }
0x75: {  	v6 =	vadd.s32 $0x800, v6  }
0x76: {  	v2 =	vshra.s32 v2, $0x14;
	v5 =	vadd.s32 $0x800, v5  }
0x77: {  	v1 =	vshra.s32 v1, $0x14;
	v2 =	vadd.s32 $0x800, v2  }
0x78: {  	v4 =	vshra.s32 v4, $0x14;
	s6 =	sadd.s32 $0x1, s6;
	v1 =	vadd.s32 $0x800, v1;
	[tilespmem:v7+s11+$0x0] =	vst.idx.add.s32.msk $0xffff, v0  }
0x79: {  	v4 =	vadd.s32 $0x800, v4;
	p0 =	sne.s32 s6, $0x4;
	[tilespmem:v3+s11+$0x0] =	vst.idx.add.s32.msk $0xffff, v0  }
.Ltmp3:
0x7a: {  	[tilespmem:v6+s11+$0x0] =	vst.idx.add.s32.msk $0xffff, v0;
	(pc) =	sbr.rel @p0 .LBB2_3-.Ltmp3, $4  }
0x7b: {  	[tilespmem:v5+s11+$0x0] =	vst.idx.add.s32.msk $0xffff, v0  }
0x7c: {  	[tilespmem:v2+s11+$0x0] =	vst.idx.add.s32.msk $0xffff, v0  }
0x7d: {  	[tilespmem:v1+s11+$0x0] =	vst.idx.add.s32.msk $0xffff, v0  }
0x7e: {  	[tilespmem:v4+s11+$0x0] =	vst.idx.add.s32.msk $0xffff, v0  }
0x7f: {  	s1 =	sshll.u32 s0, $0xD  }
0x80: {  	s2 =	sshll.u32 s0, $0x7;
	s1 =	sand.u32 $0x10000, s1  }
0x81: {  	s2 =	sand.u32 $0x380, s2;
	s1 =	sadd.s32 s1, s20  }
0x82: {  	s6 =	simm.s32 $0x400;
	s12 =	simm.s32 $0x10000;
	s7 =	sadd.s32 s2, s1  }
0x83: {  	s13 =	simm.s32 $0x4;
	s2 =	simm.s32 $0x80;
	[dreg:$0x7] =	wrdreg s7  }
0x84: {  	[spmem:s7] =	stream.strided.scatter [tilespmem:s12], [sflag:$0x4], $0x1000, s6, s2, $0x38;
	[tilespmem:$0x16488] =	vst v63  }
0x85: {  	_ =	swait.ge [sflag:s13], $0x1000  }
0x86: {  	[sflag:s13] =	ssyncset.done $0x0  }
0x87: {  	s1 =	sshll.u32 s0, $0xB;
	[sflag:s13] =	ssyncadd.s32 $0xFFFFF000  }
0x88: {  	s8 =	simm.s32 $0x12000;
	s7 =	sadd.s32 s1, s20;
	[bflag:$0x0] =	sbarrier.arrive $0xFFFF  }
0x89: {  	[tilespmem:s8], [sflag:$0x3] =	stream.strided.gather [spmem:s7], $0x100, s6, s2, $0x38;
	[tilespmem:$0x16488] =	vst v63  }
0x8a: {  	s9 =	simm.s32 $0x12100;
	s14 =	sadd.s32 $0x80, s7  }
0x8b: {  	[tilespmem:s9], [sflag:$0x3] =	stream.strided.gather [spmem:s14], $0x100, s6, s2, $0x38;
	[tilespmem:$0x16488] =	vst v63  }
0x8c: {  	s17 =	simm.s32 $0x12200;
	s16 =	sadd.s32 $0x100, s7  }
0x8d: {  	[tilespmem:s17], [sflag:$0x3] =	stream.strided.gather [spmem:s16], $0x100, s6, s2, $0x38;
	[tilespmem:$0x16488] =	vst v63  }
0x8e: {  	s22 =	simm.s32 $0x12300;
	s18 =	sadd.s32 $0x180, s7  }
0x8f: {  	[tilespmem:s22], [sflag:$0x3] =	stream.strided.gather [spmem:s18], $0x100, s6, s2, $0x38;
	[tilespmem:$0x16488] =	vst v63  }
0x90: {  	s24 =	simm.s32 $0x12400;
	s23 =	sadd.s32 $0x200, s7  }
0x91: {  	[tilespmem:s24], [sflag:$0x3] =	stream.strided.gather [spmem:s23], $0x100, s6, s2, $0x38;
	[tilespmem:$0x16488] =	vst v63  }
0x92: {  	s26 =	simm.s32 $0x12500;
	s25 =	sadd.s32 $0x280, s7  }
0x93: {  	[tilespmem:s26], [sflag:$0x3] =	stream.strided.gather [spmem:s25], $0x100, s6, s2, $0x38;
	[tilespmem:$0x16488] =	vst v63  }
0x94: {  	s29 =	simm.s32 $0x12600;
	s28 =	sadd.s32 $0x300, s7  }
0x95: {  	[tilespmem:s29], [sflag:$0x3] =	stream.strided.gather [spmem:s28], $0x100, s6, s2, $0x38;
	[tilespmem:$0x16488] =	vst v63  }
0x96: {  	s31 =	simm.s32 $0x12700;
	s30 =	sadd.s32 $0x380, s7  }
0x97: {  	[tilespmem:s31], [sflag:$0x3] =	stream.strided.gather [spmem:s30], $0x100, s6, s2, $0x38;
	[tilespmem:$0x16488] =	vst v63  }
0x98: {  	s10 =	simm.s32 $0x12800;
	s9 =	sadd.s32 $0x10000, s7  }
0x99: {  	[tilespmem:s10], [sflag:$0x3] =	stream.strided.gather [spmem:s9], $0x100, s6, s2, $0x38;
	[tilespmem:$0x16488] =	vst v63  }
0x9a: {  	s12 =	simm.s32 $0x12900;
	s11 =	sadd.s32 $0x10080, s7  }
0x9b: {  	[tilespmem:s12], [sflag:$0x3] =	stream.strided.gather [spmem:s11], $0x100, s6, s2, $0x38;
	[tilespmem:$0x16488] =	vst v63  }
0x9c: {  	s13 =	sadd.s32 $0x10100, s7;
	s14 =	simm.s32 $0x12A00  }
0x9d: {  	[tilespmem:s14], [sflag:$0x3] =	stream.strided.gather [spmem:s13], $0x100, s6, s2, $0x38;
	[tilespmem:$0x16488] =	vst v63  }
0x9e: {  	s16 =	sadd.s32 $0x10180, s7;
	s17 =	simm.s32 $0x12B00  }
0x9f: {  	[tilespmem:s17], [sflag:$0x3] =	stream.strided.gather [spmem:s16], $0x100, s6, s2, $0x38;
	[tilespmem:$0x16488] =	vst v63  }
0xa0: {  	s18 =	sadd.s32 $0x10200, s7;
	s22 =	simm.s32 $0x12C00  }
0xa1: {  	[tilespmem:s22], [sflag:$0x3] =	stream.strided.gather [spmem:s18], $0x100, s6, s2, $0x38;
	[tilespmem:$0x16488] =	vst v63  }
0xa2: {  	s23 =	sadd.s32 $0x10280, s7;
	s24 =	simm.s32 $0x12D00  }
0xa3: {  	[tilespmem:s24], [sflag:$0x3] =	stream.strided.gather [spmem:s23], $0x100, s6, s2, $0x38;
	[tilespmem:$0x16488] =	vst v63  }
0xa4: {  	s25 =	sadd.s32 $0x10300, s7;
	s26 =	simm.s32 $0x12E00  }
0xa5: {  	[tilespmem:s26], [sflag:$0x3] =	stream.strided.gather [spmem:s25], $0x100, s6, s2, $0x38;
	[tilespmem:$0x16488] =	vst v63  }
0xa6: {  	s7 =	sadd.s32 $0x10380, s7;
	s28 =	simm.s32 $0x12F00;
	s29 =	simm.s32 $0x3  }
0xa7: {  	[tilespmem:s28], [sflag:$0x3] =	stream.strided.gather [spmem:s7], $0x100, s6, s2, $0x38;
	[tilespmem:$0x16488] =	vst v63  }
0xa8: {  	_ =	swait.ge [sflag:s29], $0x100  }
0xa9: {  	[sflag:s29] =	ssyncset.done $0x0  }
0xaa: {  	[sflag:s29] =	ssyncadd.s32 $0xFFFFFF00  }
0xab: {  	_ =	swait.ge [sflag:s29], $0x100  }
0xac: {  	[sflag:s29] =	ssyncset.done $0x0  }
0xad: {  	[sflag:s29] =	ssyncadd.s32 $0xFFFFFF00  }
0xae: {  	_ =	swait.ge [sflag:s29], $0x100  }
0xaf: {  	[sflag:s29] =	ssyncset.done $0x0  }
0xb0: {  	[sflag:s29] =	ssyncadd.s32 $0xFFFFFF00  }
0xb1: {  	_ =	swait.ge [sflag:s29], $0x100  }
0xb2: {  	[sflag:s29] =	ssyncset.done $0x0  }
0xb3: {  	[sflag:s29] =	ssyncadd.s32 $0xFFFFFF00  }
0xb4: {  	_ =	swait.ge [sflag:s29], $0x100  }
0xb5: {  	[sflag:s29] =	ssyncset.done $0x0  }
0xb6: {  	[sflag:s29] =	ssyncadd.s32 $0xFFFFFF00  }
0xb7: {  	_ =	swait.ge [sflag:s29], $0x100  }
0xb8: {  	[sflag:s29] =	ssyncset.done $0x0  }
0xb9: {  	[sflag:s29] =	ssyncadd.s32 $0xFFFFFF00  }
0xba: {  	_ =	swait.ge [sflag:s29], $0x100  }
0xbb: {  	[sflag:s29] =	ssyncset.done $0x0  }
0xbc: {  	[sflag:s29] =	ssyncadd.s32 $0xFFFFFF00  }
0xbd: {  	_ =	swait.ge [sflag:s29], $0x100  }
0xbe: {  	[sflag:s29] =	ssyncset.done $0x0  }
0xbf: {  	[sflag:s29] =	ssyncadd.s32 $0xFFFFFF00  }
0xc0: {  	_ =	swait.ge [sflag:s29], $0x100  }
0xc1: {  	[sflag:s29] =	ssyncset.done $0x0  }
0xc2: {  	[sflag:s29] =	ssyncadd.s32 $0xFFFFFF00  }
0xc3: {  	_ =	swait.ge [sflag:s29], $0x100  }
0xc4: {  	[sflag:s29] =	ssyncset.done $0x0  }
0xc5: {  	[sflag:s29] =	ssyncadd.s32 $0xFFFFFF00  }
0xc6: {  	_ =	swait.ge [sflag:s29], $0x100  }
0xc7: {  	[sflag:s29] =	ssyncset.done $0x0  }
0xc8: {  	[sflag:s29] =	ssyncadd.s32 $0xFFFFFF00  }
0xc9: {  	_ =	swait.ge [sflag:s29], $0x100  }
0xca: {  	[sflag:s29] =	ssyncset.done $0x0  }
0xcb: {  	[sflag:s29] =	ssyncadd.s32 $0xFFFFFF00  }
0xcc: {  	_ =	swait.ge [sflag:s29], $0x100  }
0xcd: {  	[sflag:s29] =	ssyncset.done $0x0  }
0xce: {  	[sflag:s29] =	ssyncadd.s32 $0xFFFFFF00  }
0xcf: {  	_ =	swait.ge [sflag:s29], $0x100  }
0xd0: {  	[sflag:s29] =	ssyncset.done $0x0  }
0xd1: {  	[sflag:s29] =	ssyncadd.s32 $0xFFFFFF00  }
0xd2: {  	_ =	swait.ge [sflag:s29], $0x100  }
0xd3: {  	[sflag:s29] =	ssyncset.done $0x0  }
0xd4: {  	[sflag:s29] =	ssyncadd.s32 $0xFFFFFF00  }
0xd5: {  	_ =	swait.ge [sflag:s29], $0x100  }
0xd6: {  	[sflag:s29] =	ssyncset.done $0x0  }
0xd7: {  	s30 =	simm.s32 $0x12810;
	s31 =	simm.s32 $0x0;
	[sflag:s29] =	ssyncadd.s32 $0xFFFFFF00  }
0xd8: {  	s2 =	sand.u32 $0xE0, s31;
	v0 =	vld [tilespmem:s30+$0xFFFFF7F0]  }
0xd9: {  	v1 =	vld [tilespmem:s2+$0x12100]  }
0xda: {  	v2 =	vld [tilespmem:s2+$0x12200]  }
0xdb: {  	v3 =	vld [tilespmem:s2+$0x12300]  }
0xdc: {  	v4 =	vld [tilespmem:s2+$0x12400]  }
0xdd: {  	v5 =	vld [tilespmem:s2+$0x12500]  }
0xde: {  	v6 =	vld [tilespmem:s2+$0x12600]  }
0xdf: {  	v7 =	vld [tilespmem:s2+$0x12700]  }
0xe0: {  	v8 =	vld [tilespmem:s2+$0x12800]  }
0xe1: {  	v9 =	vld [tilespmem:s2+$0x12900]  }
0xe2: {  	v10 =	vld [tilespmem:s2+$0x12A00]  }
0xe3: {  	v11 =	vld [tilespmem:s2+$0x12B00]  }
0xe4: {  	v12 =	vld [tilespmem:s2+$0x12C00]  }
0xe5: {  	v13 =	vld [tilespmem:s2+$0x12D00]  }
0xe6: {  	v14 =	vld [tilespmem:s2+$0x12E00]  }
0xe7: {  	v15 =	vld [tilespmem:s2+$0x12F00]  }
0xe8: {  	v0 =	vadd.s32 v0, v1;
	v1 =	vld [tilespmem:s30+$0xFFFFF800]  }
0xe9: {  	v0 =	vadd.s32 v2, v0;
	v2 =	vld [tilespmem:s30+$0xFFFFF900]  }
0xea: {  	v0 =	vadd.s32 v3, v0;
	v3 =	vld [tilespmem:s30+$0xFFFFFA00]  }
0xeb: {  	v0 =	vadd.s32 v4, v0;
	v4 =	vld [tilespmem:s30+$0xFFFFFB00]  }
0xec: {  	v0 =	vadd.s32 v5, v0;
	v5 =	vld [tilespmem:s30+$0xFFFFFC00]  }
0xed: {  	v0 =	vadd.s32 v6, v0;
	v6 =	vld [tilespmem:s30+$0xFFFFFD00]  }
0xee: {  	v0 =	vadd.s32 v7, v0;
	v1 =	vadd.s32 v1, v2;
	v2 =	vld [tilespmem:s30+$0xFFFFFE00]  }
0xef: {  	v0 =	vadd.s32 v8, v0;
	v1 =	vadd.s32 v3, v1;
	v3 =	vld [tilespmem:s30+$0xFFFFFF00]  }
0xf0: {  	v0 =	vadd.s32 v9, v0;
	v1 =	vadd.s32 v4, v1;
	v4 =	vld [tilespmem:s30+$0x0]  }
0xf1: {  	v0 =	vadd.s32 v10, v0;
	v1 =	vadd.s32 v5, v1;
	v5 =	vld [tilespmem:s30+$0x100]  }
0xf2: {  	v0 =	vadd.s32 v11, v0;
	v1 =	vadd.s32 v6, v1;
	v6 =	vld [tilespmem:s30+$0x200]  }
0xf3: {  	v7 =	vadd.s32 v12, v0;
	v1 =	vadd.s32 v2, v1;
	v0 =	vld [tilespmem:s30+$0x300]  }
0xf4: {  	v2 =	vadd.s32 v13, v7;
	v3 =	vadd.s32 v3, v1;
	v1 =	vld [tilespmem:s30+$0x400]  }
0xf5: {  	v7 =	vadd.s32 v14, v2;
	v3 =	vadd.s32 v4, v3;
	v2 =	vld [tilespmem:s30+$0x500]  }
0xf6: {  	s2 =	simm.s32 $0x14010;
	v4 =	vadd.s32 v15, v7;
	v5 =	vadd.s32 v5, v3;
	v3 =	vld [tilespmem:s30+$0x600]  }
0xf7: {  	s8 =	simm.s32 $0x20;
	s6 =	simm.s32 $0x0;
	s7 =	simm.s32 $0x12830;
	[tilespmem:s2+$0xFFFFFFF0] =	vst v4;
	v5 =	vadd.s32 v6, v5;
	v4 =	vld [tilespmem:s30+$0x700]  }
.LBB2_9:
0xf8: {  	v6 =	vld [tilespmem:s7+$0xFFFFF7F0];
	s9 =	sand.u32 $0xE0, s8;
	s6 =	sadd.s32 $0x2, s6;
	v0 =	vadd.s32 v0, v5  }
0xf9: {  	v5 =	vld [tilespmem:s9+$0x12100];
	p0 =	slt.u32 s6, $0xE;
	v0 =	vadd.s32 v1, v0  }
0xfa: {  	v1 =	vld [tilespmem:s9+$0x12200];
	v0 =	vadd.s32 v2, v0  }
0xfb: {  	v2 =	vld [tilespmem:s9+$0x12300];
	v0 =	vadd.s32 v3, v0  }
0xfc: {  	v3 =	vld [tilespmem:s9+$0x12400];
	v0 =	vadd.s32 v4, v0  }
0xfd: {  	v4 =	vld [tilespmem:s9+$0x12500];
	[tilespmem:s2+$0x0] =	vst v0  }
0xfe: {  	v0 =	vadd.s32 v6, v5;
	v5 =	vld [tilespmem:s9+$0x12600]  }
0xff: {  	v0 =	vadd.s32 v1, v0;
	v1 =	vld [tilespmem:s9+$0x12700]  }
0x100: {  	v0 =	vadd.s32 v2, v0;
	v2 =	vld [tilespmem:s9+$0x12800]  }
0x101: {  	v0 =	vadd.s32 v3, v0;
	v3 =	vld [tilespmem:s9+$0x12900]  }
0x102: {  	v0 =	vadd.s32 v4, v0;
	v4 =	vld [tilespmem:s9+$0x12A00]  }
0x103: {  	v0 =	vadd.s32 v5, v0;
	v5 =	vld [tilespmem:s9+$0x12B00]  }
0x104: {  	v0 =	vadd.s32 v1, v0;
	v1 =	vld [tilespmem:s9+$0x12C00]  }
0x105: {  	v0 =	vadd.s32 v2, v0;
	v2 =	vld [tilespmem:s9+$0x12D00]  }
0x106: {  	v0 =	vadd.s32 v3, v0;
	v3 =	vld [tilespmem:s9+$0x12E00]  }
0x107: {  	v0 =	vadd.s32 v4, v0;
	v4 =	vld [tilespmem:s9+$0x12F00]  }
0x108: {  	v0 =	vadd.s32 v5, v0;
	v5 =	vld [tilespmem:s7+$0xFFFFF800]  }
0x109: {  	v0 =	vadd.s32 v1, v0;
	v1 =	vld [tilespmem:s7+$0xFFFFF900]  }
0x10a: {  	v0 =	vadd.s32 v2, v0;
	v2 =	vld [tilespmem:s7+$0xFFFFFA00]  }
0x10b: {  	v0 =	vadd.s32 v3, v0;
	v3 =	vld [tilespmem:s7+$0xFFFFFB00]  }
0x10c: {  	s2 =	sadd.s32 $0x20, s2;
	v0 =	vadd.s32 v4, v0;
	v4 =	vld [tilespmem:s7+$0xFFFFFC00]  }
0x10d: {  	[tilespmem:s2+$0xFFFFFFF0] =	vst v0;
	v0 =	vld [tilespmem:s7+$0xFFFFFD00]  }
0x10e: {  	v1 =	vadd.s32 v5, v1;
	v5 =	vld [tilespmem:s7+$0xFFFFFE00]  }
0x10f: {  	v1 =	vadd.s32 v2, v1;
	v2 =	vld [tilespmem:s7+$0xFFFFFF00]  }
0x110: {  	v1 =	vadd.s32 v3, v1;
	v3 =	vld [tilespmem:s7+$0x0]  }
0x111: {  	v1 =	vadd.s32 v4, v1;
	v4 =	vld [tilespmem:s7+$0x100]  }
0x112: {  	v0 =	vadd.s32 v0, v1;
	v6 =	vld [tilespmem:s7+$0x200]  }
.Ltmp4:
0x113: {  	v1 =	vadd.s32 v5, v0;
	v0 =	vld [tilespmem:s7+$0x300];
	(pc) =	sbr.rel @p0 .LBB2_9-.Ltmp4, $4  }
0x114: {  	v2 =	vadd.s32 v2, v1;
	v1 =	vld [tilespmem:s7+$0x400]  }
0x115: {  	v3 =	vadd.s32 v3, v2;
	v2 =	vld [tilespmem:s7+$0x500]  }
0x116: {  	v4 =	vadd.s32 v4, v3;
	v3 =	vld [tilespmem:s7+$0x600]  }
0x117: {  	s8 =	sadd.s32 $0x20, s8;
	v5 =	vadd.s32 v6, v4;
	v4 =	vld [tilespmem:s7+$0x700];
	s7 =	sadd.s32 $0x20, s7  }
0x118: {  	v0 =	vadd.s32 v0, v5  }
0x119: {  	v0 =	vadd.s32 v1, v0  }
0x11a: {  	v0 =	vadd.s32 v2, v0  }
0x11b: {  	v0 =	vadd.s32 v3, v0  }
0x11c: {  	s6 =	sshll.u32 s0, $0x8;
	p0 =	sne.s32 s0, $0x0;
	v0 =	vadd.s32 v4, v0  }
0x11d: {  	s8 =	simm.s32 $0x14000;
	s29 =	simm.s32 $0x4;
	s7 =	sadd.s32 s6, s19;
	[tilespmem:s2+$0x0] =	vst v0  }
0x11e: {  	[spmem:s7] =	stream.linear.scatter [tilespmem:s8], [sflag:$0x4], $0x100, $0x38;
	[tilespmem:$0x16488] =	vst v63  }
0x11f: {  	s26 =	sshll.u32 s0, $0xC;
	s10 =	sshrl.u32 s1, $0x2;
	_ =	swait.ge [sflag:s29], $0x100  }
.Ltmp5:
0x120: {  	s22 =	sshll.u32 s0, $0x5;
	[sflag:s29] =	ssyncset.done $0x0;
	(pc) =	sbr.rel @p0 .LBB2_14-.Ltmp5, $4  }
0x121: {  	s26 =	sadd.s32 s26, s20;
	s28 =	sand.u32 $0xC00, s6;
	[sflag:s29] =	ssyncadd.s32 $0xFFFFFF00  }
0x122: {  	s30 =	sand.u32 $0x60, s22;
	s0 =	sadd.s32 s28, s20;
	[bflag:$0x0] =	sbarrier.arrive $0xFFFF  }
0x123: {  	s31 =	sor.u32 s6, s30;
	s7 =	sadd.s32 s30, s0;
	[dreg:$0x8] =	wrdreg s21  }
0x124: {  	s23 =	sor.u32 $0x300, s31;
	s24 =	sor.u32 $0x380, s31;
	[dreg:$0x9] =	wrdreg s7  }
0x125: {  	[smem:$0x7FB] =	sst s24  }
0x126: {  	[smem:$0x7FC] =	sst s23  }
0x127: {  	[smem:$0x7FD] =	sst s10  }
0x128: {  	[dreg:$0x1f] =	wrdreg s22;
	s0 =	simm.s32 $0x12000  }
0x129: {  	[tilespmem:s0], [sflag:$0x4] =	stream.linear.gather [spmem:s19], $0x1000, $0x38;
	[tilespmem:$0x16488] =	vst v63  }
0x12a: {  	_ =	swait.ge [sflag:s29], $0x1000  }
0x12b: {  	[sflag:s29] =	ssyncset.done $0x0  }
0x12c: {  	s19 =	simm.s32 $0x12020;
	[sflag:s29] =	ssyncadd.s32 $0xFFFFF000  }
0x12d: {  	v1 =	vld [tilespmem:s19+$0xFFFFFFE0];
	_ =	sdelay $0x4  }
0x12e: {  	v2 =	vld [tilespmem:s19+$0xFFFFFFF0];
	(xrf0) =	vadd.scan.msk.s32 $0xffff, v1;
	_ =	sdelay $0x4  }
0x12f: {  	(xrf0) =	vadd.scan.msk.s32 $0xffff, v2  }
0x130: {  	v3, _, _ =	vpop (xrf0)  }
0x131: {  	(v2sf) =	vpush v3, $0xF  }
0x132: {  	v5 =	vld [tilespmem:s19+$0x0];
	_ =	sdelay $0x2  }
0x133: {  	v0, _, _ =	vpop (xrf0)  }
0x134: {  	(v2sf) =	vpush v0, $0xF  }
0x135: {  	(xrf0) =	vadd.scan.msk.s32 $0xffff, v5;
	_ =	sdelay $0x2  }
0x136: {  	s2 =	simm.s32 $0x12060;
	v6 =	vld [tilespmem:s19+$0x10]  }
0x137: {  	v4 =	vld [tilespmem:s2+$0xFFFFFFE0];
	_ =	sdelay $0x1  }
0x138: {  	v7, _, _ =	vpop (xrf0)  }
0x139: {  	v10 =	vld [tilespmem:s2+$0xFFFFFFF0];
	(v2sf) =	vpush v7, $0xF  }
0x13a: {  	v9 =	vld [tilespmem:s2+$0x0];
	(xrf0) =	vadd.scan.msk.s32 $0xffff, v6  }
0x13b: {  	(xrf0) =	vadd.scan.msk.s32 $0xffff, v4;
	s20 =	spop (v2sf)  }
0x13c: {  	s6 =	sadd.s32 $0x0, s20  }
0x13d: {  	s0 =	simm.s32 $0x0;
	v8 =	vadd.s32 s6, v0  }
0x13e: {  	(xrf0) =	vadd.scan.msk.s32 $0xffff, v10;
	v3 =	vadd.s32 s0, v3;
	v0 =	vimm.s32 $0x0;
	vm0 =	vlt.s32 v8, $0x3D70A4  }
0x13f: {  	(xrf0) =	vadd.scan.msk.s32 $0xffff, v9;
	vm1 =	vlt.s32 v3, $0x3D70A3;
	v11 =	vsel vm0, $0x1, v0  }
0x140: {  	v12, _, _ =	vpop (xrf0);
	v13 =	vnsel vm1, $0x0, v1;
	s7 =	spop (v2sf);
	vm2 =	vlt.s32 v8, $0x3D70A3;
	(xrf0) =	vadd.scan.msk.s32 $0xffff, v11  }
0x141: {  	(v2sf) =	vpush v12, $0xF;
	s6 =	sadd.s32 s7, s6;
	v8, _, _ =	vpop (xrf0);
	v11 =	vnsel vm2, $0x0, v2;
	(xrf0) =	vadd.scan.msk.s32 $0xffff, v13  }
0x142: {  	v7 =	vadd.s32 s6, v7;
	(v2sf) =	vpush v8, $0xF;
	v13 =	vsel vm2, $0x1, v0;
	(xrf0) =	vadd.scan.msk.s32 $0xffff, v11  }
0x143: {  	v2 =	vnsel vm0, $0x0, v2;
	vm0 =	vlt.s32 v7, $0x3D70A3;
	(xrf0) =	vadd.scan.msk.s32 $0xffff, v13  }
0x144: {  	v11, _, _ =	vpop (xrf0);
	v13 =	vsel vm0, $0x1, v0;
	(xrf0) =	vadd.scan.msk.s32 $0xffff, v2  }
0x145: {  	v2 =	vnsel vm0, $0x0, v5;
	(xrf0) =	vadd.scan.msk.s32 $0xffff, v13  }
0x146: {  	vm2 =	vlt.s32 v7, $0x3D70A4;
	(v2sf) =	vpush v11, $0xF;
	v14, _, _ =	vpop (xrf0);
	(xrf0) =	vadd.scan.msk.s32 $0xffff, v2;
	v2 =	vsel vm1, $0x1, v0  }
0x147: {  	v7 =	vsel vm2, $0x1, v0;
	(v2sf) =	vpush v14, $0xF;
	v13, _, _ =	vpop (xrf0)  }
0x148: {  	s21 =	spop (v2sf);
	vm0 =	vlt.s32 v3, $0x3D70A4;
	v15, _, _ =	vpop (xrf0);
	(v2sf) =	vpush v13, $0xF;
	(xrf0) =	vadd.scan.msk.s32 $0xffff, v7  }
0x149: {  	s6 =	sadd.s32 s21, s6;
	v1 =	vnsel vm0, $0x0, v1;
	(xrf0) =	vadd.scan.msk.s32 $0xffff, v2;
	(v2sf) =	vpush v15, $0xF;
	v2, _, _ =	vpop (xrf0)  }
0x14a: {  	(v2sf) =	vpush v2, $0xF;
	v2 =	vadd.s32 s6, v12;
	v12 =	vsel vm0, $0x1, v0  }
0x14b: {  	v5 =	vnsel vm2, $0x0, v5;
	(xrf0) =	vadd.scan.msk.s32 $0xffff, v1;
	v3, _, _ =	vpop (xrf0);
	vm0 =	vlt.s32 v2, $0x3D70A4  }
0x14c: {  	s22 =	simm.s32 $0x120A0;
	v7 =	vld [tilespmem:s2+$0x10];
	(v2sf) =	vpush v3, $0xF;
	v3, _, _ =	vpop (xrf0);
	vm1 =	vlt.s32 v2, $0x3D70A3;
	v2 =	vnsel vm0, $0x0, v6  }
0x14d: {  	v1 =	vld [tilespmem:s22+$0xFFFFFFE0];
	(xrf0) =	vadd.scan.msk.s32 $0xffff, v12;
	(v2sf) =	vpush v3, $0xF;
	v12, _, _ =	vpop (xrf0)  }
0x14e: {  	v3 =	vld [tilespmem:s22+$0xFFFFFFF0];
	(xrf0) =	vadd.scan.msk.s32 $0xffff, v5;
	(v2sf) =	vpush v12, $0xF;
	v5, _, _ =	vpop (xrf0)  }
0x14f: {  	(xrf0) =	vadd.scan.msk.s32 $0xffff, v2;
	v12 =	vsel vm1, $0x1, v0;
	(v2sf) =	vpush v5, $0xF;
	v2, _, _ =	vpop (xrf0)  }
0x150: {  	s24 =	spop (v2sf);
	(xrf0) =	vadd.scan.msk.s32 $0xffff, v12;
	v5, _, _ =	vpop (xrf0);
	(v2sf) =	vpush v2, $0xF  }
0x151: {  	s2 =	sadd.s32 s24, s6;
	v2 =	vld [tilespmem:s22+$0x0];
	(xrf0) =	vadd.scan.msk.s32 $0xffff, v7;
	s8 =	spop (v2sf);
	(v2sf) =	vpush v5, $0xF;
	v5, _, _ =	vpop (xrf0)  }
0x152: {  	(xrf0) =	vadd.scan.msk.s32 $0xffff, v1;
	s6 =	sadd.s32 s2, s8;
	(v2sf) =	vpush v5, $0xF;
	v5 =	vnsel vm1, $0x0, v6  }
0x153: {  	v12 =	vsel vm0, $0x1, v0;
	(xrf0) =	vadd.scan.msk.s32 $0xffff, v3;
	v13, _, _ =	vpop (xrf0);
	v11 =	vadd.s32 s6, v11  }
0x154: {  	(v2sf) =	vpush v13, $0xF;
	v6, _, _ =	vpop (xrf0);
	(xrf0) =	vadd.scan.msk.s32 $0xffff, v12;
	v12 =	vadd.s32 s2, v8;
	vm1 =	vlt.s32 v11, $0x3D70A4  }
0x155: {  	vm2 =	vlt.s32 v11, $0x3D70A3;
	(v2sf) =	vpush v6, $0xF;
	(xrf0) =	vadd.scan.msk.s32 $0xffff, v5;
	vm0 =	vlt.s32 v12, $0x3D70A3;
	v5, _, _ =	vpop (xrf0)  }
0x156: {  	(xrf0) =	vadd.scan.msk.s32 $0xffff, v2;
	v8 =	vnsel vm0, $0x0, v4;
	v6, _, _ =	vpop (xrf0);
	(v2sf) =	vpush v5, $0xF;
	v5 =	vsel vm1, $0x1, v0  }
0x157: {  	s25 =	spop (v2sf);
	v11, _, _ =	vpop (xrf0);
	(v2sf) =	vpush v6, $0xF;
	(xrf0) =	vadd.scan.msk.s32 $0xffff, v5;
	v5 =	vnsel vm2, $0x0, v10  }
0x158: {  	s28 =	spop (v2sf);
	v6, _, _ =	vpop (xrf0);
	(v2sf) =	vpush v11, $0xF  }
0x159: {  	s6 =	sadd.s32 s25, s6;
	v13 =	vsel vm2, $0x1, v0;
	s2 =	spop (v2sf);
	(xrf0) =	vadd.scan.msk.s32 $0xffff, v8;
	(v2sf) =	vpush v6, $0xF;
	v8, _, _ =	vpop (xrf0)  }
0x15a: {  	s18 =	sadd.s32 s28, s6;
	v14 =	vadd.s32 s6, v14;
	v10 =	vnsel vm1, $0x0, v10;
	s30 =	spop (v2sf);
	(xrf0) =	vadd.scan.msk.s32 $0xffff, v5;
	(v2sf) =	vpush v8, $0xF;
	v5, _, _ =	vpop (xrf0)  }
0x15b: {  	vm1 =	vlt.s32 v14, $0x3D70A3;
	v15 =	vadd.s32 s18, v11;
	s31 =	spop (v2sf);
	(xrf0) =	vadd.scan.msk.s32 $0xffff, v13;
	v11, _, _ =	vpop (xrf0);
	(v2sf) =	vpush v5, $0xF  }
0x15c: {  	vm2 =	vlt.s32 v14, $0x3D70A4;
	v13 =	vsel vm1, $0x1, v0;
	s16 =	spop (v2sf);
	(xrf0) =	vadd.scan.msk.s32 $0xffff, v10;
	(v2sf) =	vpush v11, $0xF  }
0x15d: {  	v14 =	vsel vm2, $0x1, v0;
	v10 =	vnsel vm1, $0x0, v9;
	s15 =	spop (v2sf);
	v5, _, _ =	vpop (xrf0);
	(xrf0) =	vadd.scan.msk.s32 $0xffff, v13  }
0x15e: {  	vm1 =	vlt.s32 v15, $0x3D70A4;
	v11 =	vnsel vm2, $0x0, v9;
	(v2sf) =	vpush v5, $0xF;
	v9, _, _ =	vpop (xrf0);
	(xrf0) =	vadd.scan.msk.s32 $0xffff, v10;
	s17 =	spop (v2sf)  }
0x15f: {  	s23 =	simm.s32 $0x8;
	s11 =	simm.s32 $0x0;
	vm2 =	vlt.s32 v12, $0x3D70A4;
	v10 =	vsel vm0, $0x1, v0;
	v12, _, _ =	vpop (xrf0);
	(v2sf) =	vpush v9, $0xF;
	(xrf0) =	vadd.scan.msk.s32 $0xffff, v14;
	s12 =	spop (v2sf)  }
0x160: {  	s14 =	simm.s32 $0x0;
	s6 =	sadd.s32 $0x0, s30;
	vm0 =	vlt.s32 v15, $0x3D70A3;
	v9 =	vnsel vm2, $0x0, v4;
	(xrf0) =	vadd.scan.msk.s32 $0xffff, v10;
	(v2sf) =	vpush v12, $0xF;
	v14, _, _ =	vpop (xrf0);
	s13 =	spop (v2sf)  }
0x161: {  	s8 =	sadd.s32 s31, s6;
	s6 =	simm.s32 $0x120E0;
	v4 =	vld [tilespmem:s22+$0x10];
	v12 =	vsel vm2, $0x1, v0;
	v10 =	vsel vm1, $0x1, v0;
	(xrf0) =	vadd.scan.msk.s32 $0xffff, v9;
	v13, _, _ =	vpop (xrf0);
	(v2sf) =	vpush v14, $0xF;
	s7 =	spop (v2sf)  }
.LBB2_12:
0x162: {  	v9 =	vld [tilespmem:s6+$0xFFFFFFE0];
	s23 =	sadd.s32 $0x4, s23;
	(xrf0) =	vadd.scan.msk.s32 $0xffff, v12;
	(v2sf) =	vpush v13, $0xF;
	v12, _, _ =	vpop (xrf0);
	s0 =	sadd.s32 s0, s7;
	s7 =	spop (v2sf)  }
0x163: {  	v14 =	vnsel vm1, $0x0, v7;
	v13 =	vld [tilespmem:s6+$0xFFFFFFF0];
	(v2sf) =	vpush v12, $0xF;
	v12, _, _ =	vpop (xrf0);
	(xrf0) =	vadd.scan.msk.s32 $0xffff, v11;
	s7 =	sadd.s32 s11, s7;
	s0 =	sadd.s32 s16, s0;
	s9 =	spop (v2sf)  }
0x164: {  	v15 =	vsel vm0, $0x1, v0;
	(v2sf) =	vpush v12, $0xF;
	v12, _, _ =	vpop (xrf0);
	(xrf0) =	vadd.scan.msk.s32 $0xffff, v14;
	s9 =	sadd.s32 s14, s9;
	s0 =	sadd.s32 s17, s0;
	s10 =	spop (v2sf)  }
0x165: {  	p1 =	slt.u32 s23, $0xFC;
	s7 =	sadd.s32 s15, s7;
	(v2sf) =	vpush v12, $0xF;
	v12, _, _ =	vpop (xrf0);
	(xrf0) =	vadd.scan.msk.s32 $0xffff, v15;
	s11 =	spop (v2sf)  }
0x166: {  	s7 =	sadd.s32 s10, s7;
	v14 =	vld [tilespmem:s6+$0x0];
	(xrf0) =	vadd.scan.msk.s32 $0xffff, v4;
	v11, _, _ =	vpop (xrf0);
	(v2sf) =	vpush v12, $0xF;
	s10 =	spop (v2sf)  }
0x167: {  	s11 =	sadd.s32 s11, s7;
	(xrf0) =	vadd.scan.msk.s32 $0xffff, v9;
	(v2sf) =	vpush v11, $0xF;
	v11, _, _ =	vpop (xrf0);
	s14 =	spop (v2sf);
	s0 =	sadd.s32 s10, s0  }
0x168: {  	(xrf0) =	vadd.scan.msk.s32 $0xffff, v13;
	s7 =	spop (v2sf);
	s10 =	sadd.s32 s14, s18;
	v12, _, _ =	vpop (xrf0);
	(v2sf) =	vpush v11, $0xF  }
0x169: {  	s2 =	sadd.s32 s2, s9;
	v11 =	vnsel vm0, $0x0, v7;
	v15 =	vadd.s32 s10, v6;
	s7 =	sadd.s32 s10, s7;
	s10 =	spop (v2sf);
	(v2sf) =	vpush v12, $0xF;
	v7, _, _ =	vpop (xrf0);
	(xrf0) =	vadd.scan.msk.s32 $0xffff, v10  }
0x16a: {  	s2 =	sadd.s32 s13, s2;
	vm2 =	vlt.s32 v15, $0x3D70A3;
	v8 =	vadd.s32 s7, v8;
	s7 =	sadd.s32 s10, s7;
	(v2sf) =	vpush v7, $0xF;
	(xrf0) =	vadd.scan.msk.s32 $0xffff, v11;
	v6, _, _ =	vpop (xrf0);
	s9 =	spop (v2sf)  }
0x16b: {  	s8 =	sadd.s32 s12, s8;
	(xrf0) =	vadd.scan.msk.s32 $0xffff, v14;
	vm0 =	vlt.s32 v8, $0x3D70A3;
	vm1 =	vlt.s32 v8, $0x3D70A4;
	v7, _, _ =	vpop (xrf0);
	(v2sf) =	vpush v6, $0xF;
	s14 =	sadd.s32 s9, s2;
	s2 =	spop (v2sf)  }
0x16c: {  	v10 =	vnsel vm0, $0x0, v3;
	v16 =	vsel vm1, $0x1, v0;
	v11, _, _ =	vpop (xrf0);
	(v2sf) =	vpush v7, $0xF;
	s8 =	sadd.s32 s2, s8  }
0x16d: {  	v7 =	vnsel vm2, $0x0, v1;
	v12 =	vsel vm0, $0x1, v0;
	v6, _, _ =	vpop (xrf0);
	(xrf0) =	vadd.scan.msk.s32 $0xffff, v16;
	s2 =	spop (v2sf);
	(v2sf) =	vpush v11, $0xF  }
0x16e: {  	v16 =	vnsel vm1, $0x0, v3;
	v3 =	vmov v13;
	(v2sf) =	vpush v6, $0xF;
	v8, _, _ =	vpop (xrf0);
	s18 =	sadd.s32 s2, s7;
	(xrf0) =	vadd.scan.msk.s32 $0xffff, v7;
	s2 =	spop (v2sf)  }
0x16f: {  	v13 =	vadd.s32 s7, v5;
	(v2sf) =	vpush v8, $0xF;
	v7 =	vadd.s32 s18, v11;
	(xrf0) =	vadd.scan.msk.s32 $0xffff, v10;
	s7 =	spop (v2sf);
	v10, _, _ =	vpop (xrf0)  }
0x170: {  	vm0 =	vlt.s32 v13, $0x3D70A3;
	vm1 =	vlt.s32 v13, $0x3D70A4;
	(xrf0) =	vadd.scan.msk.s32 $0xffff, v12;
	s7 =	sadd.s32 s8, s7;
	s8 =	spop (v2sf);
	v11, _, _ =	vpop (xrf0);
	(v2sf) =	vpush v10, $0xF  }
0x171: {  	v10 =	vsel vm0, $0x1, v0;
	v12 =	vnsel vm0, $0x0, v2;
	v5, _, _ =	vpop (xrf0);
	(xrf0) =	vadd.scan.msk.s32 $0xffff, v16;
	s8 =	sadd.s32 s8, s7;
	s16 =	spop (v2sf);
	(v2sf) =	vpush v11, $0xF  }
.Ltmp6:
0x172: {  	v13 =	vsel vm1, $0x1, v0;
	v11 =	vnsel vm1, $0x0, v2;
	vm1 =	vlt.s32 v7, $0x3D70A4;
	v2 =	vmovc v14;
	(xrf0) =	vadd.scan.msk.s32 $0xffff, v10;
	s15 =	spop (v2sf);
	(pc) =	sbr.rel @p1 .LBB2_12-.Ltmp6, $4  }
0x173: {  	vm3 =	vlt.s32 v15, $0x3D70A4;
	vm0 =	vlt.s32 v7, $0x3D70A3;
	(v2sf) =	vpush v5, $0xF;
	v7, _, _ =	vpop (xrf0);
	(xrf0) =	vadd.scan.msk.s32 $0xffff, v12;
	s17 =	spop (v2sf)  }
0x174: {  	v14 =	vsel vm2, $0x1, v0;
	v12 =	vsel vm3, $0x1, v0;
	v15, _, _ =	vpop (xrf0);
	(v2sf) =	vpush v7, $0xF;
	(xrf0) =	vadd.scan.msk.s32 $0xffff, v13;
	s12 =	spop (v2sf)  }
0x175: {  	v16 =	vnsel vm3, $0x0, v1;
	v10 =	vsel vm1, $0x1, v0;
	(xrf0) =	vadd.scan.msk.s32 $0xffff, v14;
	(v2sf) =	vpush v15, $0xF;
	v7, _, _ =	vpop (xrf0);
	s13 =	spop (v2sf)  }
0x176: {  	v1 =	vmov v9;
	(xrf0) =	vadd.scan.msk.s32 $0xffff, v16;
	v13, _, _ =	vpop (xrf0);
	(v2sf) =	vpush v7, $0xF;
	s7 =	spop (v2sf);
	v7 =	vmov v4;
	v4 =	vld [tilespmem:s6+$0x10];
	s6 =	sadd.s32 $0x40, s6  }
0x177: {  	s23 =	spop (v2sf)  }
0x178: {  	s1 =	spop (v2sf)  }
0x179: {  	s10 =	spop (v2sf)  }
0x17a: {  	(v2sf) =	vpush v13, $0xF;
	v9, _, _ =	vpop (xrf0);
	(xrf0) =	vadd.scan.msk.s32 $0xffff, v12;
	s19 =	spop (v2sf)  }
0x17b: {  	v16 =	vnsel vm1, $0x0, v7;
	(v2sf) =	vpush v9, $0xF;
	v63, _, _ =	vpop (xrf0);
	(xrf0) =	vadd.scan.msk.s32 $0xffff, v11;
	s20 =	spop (v2sf)  }
0x17c: {  	v18 =	vsel vm0, $0x1, v0;
	(v2sf) =	vpush v63, $0xF;
	v17, _, _ =	vpop (xrf0);
	(xrf0) =	vadd.scan.msk.s32 $0xffff, v16;
	[smem:$0x7F8] =	sst s10;
	s10 =	spop (v2sf)  }
0x17d: {  	(v2sf) =	vpush v17, $0xF;
	v19, _, _ =	vpop (xrf0);
	(xrf0) =	vadd.scan.msk.s32 $0xffff, v18;
	[smem:$0x7FA] =	sst s19;
	s19 =	spop (v2sf);
	s10 =	sadd.s32 s10, s18  }
0x17e: {  	v20, _, _ =	vpop (xrf0);
	(v2sf) =	vpush v19, $0xF;
	(xrf0) =	vadd.scan.msk.s32 $0xffff, v4;
	s18 =	sadd.s32 s10, s19  }
0x17f: {  	v22 =	vnsel vm0, $0x0, v7;
	(v2sf) =	vpush v20, $0xF;
	v21, _, _ =	vpop (xrf0);
	v8 =	vadd.s32 s18, v8  }
0x180: {  	(xrf0) =	vadd.scan.msk.s32 $0xffff, v10;
	v23, _, _ =	vpop (xrf0);
	(v2sf) =	vpush v21, $0xF;
	v6 =	vadd.s32 s10, v6;
	vm4 =	vlt.s32 v8, $0x3D70A4  }
0x181: {  	(xrf0) =	vadd.scan.msk.s32 $0xffff, v22;
	s21 =	spop (v2sf);
	(v2sf) =	vpush v23, $0xF;
	v25, _, _ =	vpop (xrf0);
	vm5 =	vlt.s32 v6, $0x3D70A3;
	v24 =	vsel vm4, $0x1, v0  }
0x182: {  	(v2sf) =	vpush v25, $0xF;
	v27, _, _ =	vpop (xrf0);
	vm2 =	vlt.s32 v8, $0x3D70A3;
	v26 =	vnsel vm5, $0x0, v1;
	(xrf0) =	vadd.scan.msk.s32 $0xffff, v24  }
0x183: {  	s10 =	sadd.s32 s21, s18;
	s9 =	spop (v2sf);
	v29, _, _ =	vpop (xrf0);
	(v2sf) =	vpush v27, $0xF;
	v28 =	vnsel vm2, $0x0, v3;
	(xrf0) =	vadd.scan.msk.s32 $0xffff, v26  }
0x184: {  	v5 =	vadd.s32 s10, v5;
	s6 =	spop (v2sf);
	v30 =	vsel vm2, $0x1, v0;
	v31, _, _ =	vpop (xrf0);
	(v2sf) =	vpush v29, $0xF;
	(xrf0) =	vadd.scan.msk.s32 $0xffff, v28  }
0x185: {  	v32 =	vnsel vm4, $0x0, v3;
	vm6 =	vlt.s32 v5, $0x3D70A3;
	s22 =	spop (v2sf);
	(v2sf) =	vpush v31, $0xF;
	(xrf0) =	vadd.scan.msk.s32 $0xffff, v30  }
0x186: {  	v33, _, _ =	vpop (xrf0);
	v34 =	vsel vm6, $0x1, v0;
	s18 =	spop (v2sf);
	(xrf0) =	vadd.scan.msk.s32 $0xffff, v32  }
0x187: {  	vm7 =	vlt.s32 v5, $0x3D70A4;
	v36 =	vnsel vm6, $0x0, v2;
	v35, _, _ =	vpop (xrf0);
	(v2sf) =	vpush v33, $0xF;
	s30 =	spop (v2sf);
	(xrf0) =	vadd.scan.msk.s32 $0xffff, v34  }
0x188: {  	v37 =	vsel vm7, $0x1, v0;
	(v2sf) =	vpush v35, $0xF;
	s31 =	spop (v2sf);
	v38, _, _ =	vpop (xrf0);
	(xrf0) =	vadd.scan.msk.s32 $0xffff, v36  }
0x189: {  	vm8 =	vlt.s32 v6, $0x3D70A4;
	v39 =	vsel vm5, $0x1, v0;
	s19 =	sadd.s32 s22, s10;
	s10 =	spop (v2sf);
	v40, _, _ =	vpop (xrf0);
	(v2sf) =	vpush v38, $0xF;
	(xrf0) =	vadd.scan.msk.s32 $0xffff, v37  }
0x18a: {  	v41 =	vnsel vm8, $0x0, v1;
	v43 =	vadd.s32 s19, v31;
	s19 =	spop (v2sf);
	(xrf0) =	vadd.scan.msk.s32 $0xffff, v39;
	(v2sf) =	vpush v40, $0xF;
	v42, _, _ =	vpop (xrf0)  }
0x18b: {  	v44 =	vsel vm8, $0x1, v0;
	s22 =	spop (v2sf);
	(xrf0) =	vadd.scan.msk.s32 $0xffff, v41;
	v45, _, _ =	vpop (xrf0);
	(v2sf) =	vpush v42, $0xF  }
0x18c: {  	[smem:$0x7F9] =	sst s20;
	v46 =	vnsel vm7, $0x0, v2;
	vm9 =	vlt.s32 v43, $0x3D70A4;
	s20 =	spop (v2sf);
	(xrf0) =	vadd.scan.msk.s32 $0xffff, v44;
	(v2sf) =	vpush v45, $0xF;
	v47, _, _ =	vpop (xrf0)  }
0x18d: {  	vm10 =	vlt.s32 v43, $0x3D70A3;
	v48 =	vnsel vm9, $0x0, v4;
	s21 =	spop (v2sf);
	(v2sf) =	vpush v47, $0xF;
	v49, _, _ =	vpop (xrf0);
	(xrf0) =	vadd.scan.msk.s32 $0xffff, v46  }
0x18e: {  	[smem:$0x7F7] =	sst s1;
	v50 =	vsel vm10, $0x1, v0;
	s1 =	spop (v2sf);
	(v2sf) =	vpush v49, $0xF;
	v51, _, _ =	vpop (xrf0);
	(xrf0) =	vadd.scan.msk.s32 $0xffff, v48  }
0x18f: {  	s24 =	spop (v2sf);
	(v2sf) =	vpush v51, $0xF;
	v52, _, _ =	vpop (xrf0);
	(xrf0) =	vadd.scan.msk.s32 $0xffff, v50  }
0x190: {  	s0 =	sadd.s32 s0, s7;
	v53 =	vsel vm9, $0x1, v0;
	s25 =	spop (v2sf);
	v54, _, _ =	vpop (xrf0);
	(v2sf) =	vpush v52, $0xF  }
0x191: {  	s11 =	sadd.s32 s11, s23;
	s23 =	sld [smem:$0x7F7];
	v56 =	vnsel vm10, $0x0, v4;
	s28 =	spop (v2sf);
	(xrf0) =	vadd.scan.msk.s32 $0xffff, v53;
	(v2sf) =	vpush v54, $0xF;
	v55, _, _ =	vpop (xrf0)  }
0x192: {  	s0 =	sadd.s32 s16, s0;
	s7 =	spop (v2sf);
	v57, _, _ =	vpop (xrf0);
	(v2sf) =	vpush v55, $0xF;
	(xrf0) =	vadd.scan.msk.s32 $0xffff, v56  }
0x193: {  	s11 =	sadd.s32 s15, s11;
	s15 =	sld [smem:$0x7F8];
	s16 =	spop (v2sf);
	(v2sf) =	vpush v57, $0xF;
	v58, _, _ =	vpop (xrf0)  }
0x194: {  	s14 =	sadd.s32 s14, s23;
	s23 =	spop (v2sf);
	(v2sf) =	vpush v58, $0xF;
	v59, _, _ =	vpop (xrf0)  }
0x195: {  	s8 =	sadd.s32 s12, s8;
	s23 =	sld [smem:$0x7F9];
	v60, _, _ =	vpop (xrf0);
	(v2sf) =	vpush v59, $0xF  }
0x196: {  	s0 =	sadd.s32 s17, s0;
	s11 =	sadd.s32 s15, s11;
	s15 =	spop (v2sf);
	(v2sf) =	vpush v60, $0xF  }
0x197: {  	s2 =	sadd.s32 s2, s14;
	s6 =	sadd.s32 s6, s8;
	s17 =	spop (v2sf);
	v61, _, _ =	vpop (xrf0)  }
0x198: {  	s0 =	sadd.s32 s23, s0;
	s23 =	sld [smem:$0x7FA];
	(v2sf) =	vpush v61, $0xF;
	s12 =	spop (v2sf);
	v62, _, _ =	vpop (xrf0)  }
0x199: {  	s2 =	sadd.s32 s13, s2;
	s6 =	sadd.s32 s6, s30;
	s13 =	spop (v2sf);
	(v2sf) =	vpush v62, $0xF  }
0x19a: {  	s2 =	sadd.s32 s9, s2;
	s6 =	sadd.s32 s31, s6;
	s14 =	spop (v2sf)  }
0x19b: {  	s6 =	sadd.s32 s20, s6;
	s11 =	sadd.s32 s23, s11;
	s23 =	spop (v2sf)  }
0x19c: {  	s2 =	sadd.s32 s2, s25;
	s11 =	sadd.s32 s11, s24;
	s24 =	spop (v2sf)  }
0x19d: {  	s2 =	sadd.s32 s18, s2;
	s11 =	sadd.s32 s19, s11;
	s25 =	spop (v2sf)  }
0x19e: {  	s2 =	sadd.s32 s21, s2;
	s11 =	sadd.s32 s28, s11;
	s28 =	spop (v2sf)  }
0x19f: {  	s2 =	sadd.s32 s15, s2;
	s0 =	sadd.s32 s0, s1;
	s30 =	spop (v2sf)  }
0x1a0: {  	s6 =	sadd.s32 s17, s6;
	s0 =	sadd.s32 s10, s0;
	s31 =	spop (v2sf)  }
0x1a1: {  	s0 =	sadd.s32 s22, s0;
	s6 =	sadd.s32 s6, s13;
	s18 =	spop (v2sf)  }
0x1a2: {  	s0 =	sadd.s32 s16, s0;
	s6 =	sadd.s32 s14, s6;
	s19 =	spop (v2sf)  }
0x1a3: {  	s7 =	sadd.s32 s7, s11;
	s0 =	sadd.s32 s0, s31;
	s20 =	spop (v2sf)  }
0x1a4: {  	s7 =	sadd.s32 s7, s18;
	s0 =	sadd.s32 s23, s0;
	s21 =	spop (v2sf)  }
0x1a5: {  	s2 =	sadd.s32 s2, s19;
	s0 =	sadd.s32 s25, s0;
	s22 =	spop (v2sf)  }
0x1a6: {  	s7 =	sadd.s32 s24, s7;
	s2 =	sadd.s32 s12, s2;
	s0 =	sadd.s32 s22, s0  }
0x1a7: {  	s2 =	sadd.s32 s30, s2;
	s23 =	spop (v2sf);
	s24 =	sadd.s32 $0xFFFFF800, s0  }
0x1a8: {  	vm11 =	vcmask $0x300;
	s6 =	sadd.s32 s28, s6;
	s2 =	sadd.s32 s23, s2;
	s25 =	spop (v2sf);
	v63 =	vmov s24  }
0x1a9: {  	vm12 =	vcmask $0x704;
	s7 =	sadd.s32 s20, s7;
	s28 =	sadd.s32 $0xFFFFF800, s2;
	s6 =	sadd.s32 s25, s6;
	v0 =	vnsel vm11, $0x0, v63  }
0x1aa: {  	vm13 =	vcmask $0xB08;
	s1 =	sadd.s32 s21, s7;
	s6 =	ssub.s32 $0x3D70A3, s6;
	v0 =	vsel vm12, s28, v0  }
0x1ab: {  	vm14 =	vcmask $0xF0C;
	s1 =	ssub.s32 $0x3D70A4, s1;
	p1 =	sne.s32 s2, s0;
	s0 =	simm.s32 $0x1;
	v0 =	vsel vm13, s6, v0  }
0x1ac: {  	vm15 =	vcmask $0x1310;
	s0 =	simm.s32 @!p1 $0x0;
	v0 =	vsel vm14, s1, v0  }
0x1ad: {  	v0 =	vsel vm15, s0, v0  }
0x1ae: {  	s15 =	rddreg [dreg:$0x4];
	s31 =	simm.s32 $0x4;
	s30 =	simm.s32 $0x14200;
	[tilespmem:$0x14200] =	vst v0  }
0x1af: {  	[spmem:s15] =	stream.linear.scatter [tilespmem:s30], [sflag:$0x4], $0x80, $0x38;
	[tilespmem:$0x16488] =	vst v63  }
0x1b0: {  	_ =	swait.ge [sflag:s31], $0x80  }
0x1b1: {  	s21 =	rddreg [dreg:$0x8]  }
0x1b2: {  	s7 =	rddreg [dreg:$0x9]  }
0x1b3: {  	s22 =	rddreg [dreg:$0x1f]  }
0x1b4: {  	s10 =	sld [smem:$0x7FD]  }
0x1b5: {  	[sflag:s31] =	ssyncset.done $0x0;
	s23 =	sld [smem:$0x7FC]  }
0x1b6: {  	s24 =	sld [smem:$0x7FB];
	[sflag:s31] =	ssyncadd.s32 $0xFFFFFF80  }
0x1b7: {  	s19 =	rddreg [dreg:$0x3]  }
0x1b8: {  	s20 =	rddreg [dreg:$0x2]  }
.LBB2_14:
0x1b9: {  	[bflag:$0x0] =	sbarrier.arrive $0xFFFF;
	s0 =	simm.s32 $0x14200  }
0x1ba: {  	[tilespmem:s0], [sflag:$0x4] =	stream.linear.gather [spmem:s15], $0x80, $0x38;
	[tilespmem:$0x16488] =	vst v63  }
0x1bb: {  	_ =	swait.ge [sflag:s29], $0x80  }
0x1bc: {  	[sflag:s29] =	ssyncset.done $0x0  }
0x1bd: {  	s6 =	simm.s32 $0x10040;
	v5 =	vimm.s32 $0x0;
	[sflag:s29] =	ssyncadd.s32 $0xFFFFFF80  }
0x1be: {  	s31 =	sadd.s32 $0x80, s7;
	v0 =	vld [tilespmem:$0x14200];
	[tilespmem:s6+$0xFFFFFFC0] =	vst v5  }
0x1bf: {  	s29 =	sadd.s32 $0x100, s7;
	[dreg:$0x19] =	wrdreg s31  }
0x1c0: {  	[dreg:$0x17] =	wrdreg s29  }
0x1c1: {  	s31 =	sadd.s32 $0x180, s7;
	[tilespmem:s6+$0x30] =	vst v5  }
0x1c2: {  	s29 =	sadd.s32 $0x200, s7;
	[dreg:$0x18] =	wrdreg s31  }
0x1c3: {  	[dreg:$0x16] =	wrdreg s29;
	s31 =	sadd.s32 $0x280, s7  }
0x1c4: {  	[dreg:$0x13] =	wrdreg s31  }
0x1c5: {  	s23 =	sadd.s32 s23, s20;
	[tilespmem:s6+$0x20] =	vst v5  }
0x1c6: {  	s24 =	sadd.s32 s24, s20;
	[dreg:$0x14] =	wrdreg s23  }
0x1c7: {  	s29 =	sadd.s32 $0x10000, s7;
	[dreg:$0x10] =	wrdreg s24  }
0x1c8: {  	[dreg:$0xe] =	wrdreg s29  }
0x1c9: {  	s31 =	sadd.s32 s22, s19;
	[tilespmem:s6+$0x10] =	vst v5  }
0x1ca: {  	s18 =	sadd.s32 $0x80, s26;
	[dreg:$0xa] =	wrdreg s31  }
0x1cb: {  	s16 =	sadd.s32 $0x100, s26;
	s0 =	sadd.s32 s10, s19;
	s19 =	sadd.s32 $0x10080, s7;
	[tilespmem:s6+$0x0] =	vst v5  }
0x1cc: {  	s13 =	sadd.s32 $0x180, s26;
	s20 =	sadd.s32 $0x10100, s7;
	[dreg:$0x15] =	wrdreg s19  }
0x1cd: {  	s8 =	sadd.s32 $0x200, s26;
	s17 =	sadd.s32 $0x280, s26;
	[dreg:$0x11] =	wrdreg s20  }
0x1ce: {  	s14 =	sadd.s32 $0x300, s26;
	s2 =	sadd.s32 $0x10000, s26;
	s22 =	sadd.s32 $0x10180, s7;
	[tilespmem:s6+$0xFFFFFFF0] =	vst v5  }
0x1cf: {  	s11 =	sadd.s32 $0x10080, s26;
	s23 =	sadd.s32 $0x10200, s7;
	[dreg:$0x12] =	wrdreg s22  }
0x1d0: {  	s28 =	sadd.s32 $0x10100, s26;
	s24 =	sadd.s32 $0x10280, s7;
	[dreg:$0xf] =	wrdreg s23  }
0x1d1: {  	s9 =	sadd.s32 $0x10180, s26;
	s30 =	sadd.s32 $0x10200, s26;
	[dreg:$0xc] =	wrdreg s24  }
0x1d2: {  	s12 =	sadd.s32 $0x10280, s26;
	s1 =	sadd.s32 $0x10300, s26;
	s29 =	sadd.s32 $0x10300, s7;
	[tilespmem:s6+$0xFFFFFFE0] =	vst v5  }
0x1d3: {  	s25 =	sadd.s32 $0x10380, s26;
	s31 =	sadd.s32 $0x10380, s7;
	[dreg:$0xd] =	wrdreg s29  }
0x1d4: {  	s15 =	sadd.s32 $0x380, s26;
	s7 =	simm.s32 $0x0;
	[dreg:$0xb] =	wrdreg s31  }
.LBB2_15:
0x1d5: {  	s7 =	sadd.s32 $0x8, s7;
	[tilespmem:s6+$0xFFFFFFD0] =	vst v5;
	s6 =	sadd.s32 $0x80, s6  }
0x1d6: {  	[tilespmem:s6+$0xFFFFFFC0] =	vst v5;
	p1 =	slt.u32 s7, $0x1F8  }
0x1d7: {  	[tilespmem:s6+$0x30] =	vst v5  }
.Ltmp7:
0x1d8: {  	[tilespmem:s6+$0x20] =	vst v5;
	(pc) =	sbr.rel @p1 .LBB2_15-.Ltmp7, $4  }
0x1d9: {  	[tilespmem:s6+$0x10] =	vst v5  }
0x1da: {  	[tilespmem:s6+$0x0] =	vst v5  }
0x1db: {  	[tilespmem:s6+$0xFFFFFFF0] =	vst v5  }
0x1dc: {  	[tilespmem:s6+$0xFFFFFFE0] =	vst v5  }
0x1dd: {  	vm0 =	vmmov $0x1;
	v1 =	vimm.s32 $0x0  }
0x1de: {  	v1 =	vsel vm0, $0xFFFFFFFF, v1  }
0x1df: {  	[tilespmem:$0x1FFF0] =	vst v1;
	v1 =	vnsel vm0, $0x0, v0;
	vm0 =	vcmask $0x308  }
0x1e0: {  	(xrf0) =	vadd.scan.msk.s32 $0xffff, v1;
	v1 =	vsel vm0, $0x0, v0;
	vm0 =	vcmask $0xF14  }
0x1e1: {  	(xrf0) =	vadd.scan.msk.s32 $0xffff, v1;
	v1 =	vsel vm0, $0x0, v0  }
0x1e2: {  	(xrf0) =	vadd.scan.msk.s32 $0xffff, v1;
	_ =	sdelay $0x3  }
0x1e3: {  	v3, _, _ =	vpop (xrf0)  }
0x1e4: {  	v2, _, _ =	vpop (xrf0)  }
0x1e5: {  	v1, _, _ =	vpop (xrf0)  }
0x1e6: {  	v4 =	vimm.s32 $0x0;
	vm0 =	veq.s32 v1, $0x1  }
0x1e7: {  	v6 =	vsel vm0, $0x1, v4  }
0x1e8: {  	s22 =	simm.s32 $0x80;
	v6 =	vbroadcast v6, $0xF  }
0x1e9: {  	s10 =	simm.s32 $0x400;
	s20 =	simm.s32 $0x0;
	s19 =	simm.s32 $0x1;
	[tilespmem:s6+$0xFFFFFFD0] =	vst v5  }
0x1ea: {  	[tilespmem:s20], [sflag:$0x1] =	stream.strided.gather [hbm4b:s21+s22], $0x8000, s10, s22, $0x38;
	v5 =	vbroadcast v3, $0xF;
	v7 =	vand.u32 $0x1, v6;
	[tilespmem:$0x16488] =	vst v63  }
0x1eb: {  	s23 =	simm.s32 $0x10000;
	s24 =	simm.s32 $0x2;
	s21 =	simm.s32 $0x8000;
	v6 =	vbroadcast v2, $0xF;
	vm3 =	veq.s32 v7, $0x1;
	v7 =	vimm.s32 $0x1  }
.LBB2_17:
0x1ec: {  	s6 =	sshll.u32 s20, $0x5  }
0x1ed: {  	s6 =	sadd.s32 s6, s5  }
0x1ee: {  	[tilespmem:s21], [sflag:$0x2] =	stream.strided.gather [hbm4b:s6+s22], $0x8000, s10, s22, $0x38;
	[tilespmem:$0x16488] =	vst v63  }
0x1ef: {  	_ =	swait.ge [sflag:s19], $0x8000  }
0x1f0: {  	[sflag:s19] =	ssyncset.done $0x0  }
0x1f1: {  	s31 =	simm.s32 $0x40;
	[sflag:s19] =	ssyncadd.s32 $0xFFFF8000  }
0x1f2: {  	v8 =	vld [tilespmem:s31+$0x30]  }
0x1f3: {  	v9 =	vld [tilespmem:s31+$0xFFFFFFD0]  }
0x1f4: {  	v10 =	vld [tilespmem:s31+$0xFFFFFFE0]  }
0x1f5: {  	v11 =	vld [tilespmem:s31+$0xFFFFFFF0]  }
0x1f6: {  	v12 =	vld [tilespmem:s31+$0x0]  }
0x1f7: {  	v16 =	vld [tilespmem:s31+$0xFFFFFFC0]  }
0x1f8: {  	v14 =	vld [tilespmem:s31+$0x10];
	_ =	sdelay $0x2  }
0x1f9: {  	v13 =	vshra.s32 v8, $0x1F;
	v15 =	vshra.s32 v9, $0x1F;
	v17 =	vshra.s32 v10, $0x1F  }
0x1fa: {  	v18 =	vshra.s32 v11, $0x1F;
	v20 =	vshra.s32 v12, $0x1F;
	v21 =	vshra.s32 v16, $0x1F  }
0x1fb: {  	v22 =	vshra.s32 v14, $0x1F;
	v13 =	vand.u32 $0x7FFFFFFF, v13;
	v15 =	vand.u32 $0x7FFFFFFF, v15  }
0x1fc: {  	v17 =	vand.u32 $0x7FFFFFFF, v17;
	v18 =	vand.u32 $0x7FFFFFFF, v18;
	v20 =	vand.u32 $0x7FFFFFFF, v20  }
0x1fd: {  	v8 =	vxor.u32 v8, v13;
	v9 =	vxor.u32 v9, v15;
	v10 =	vxor.u32 v10, v17  }
0x1fe: {  	v11 =	vxor.u32 v11, v18;
	v12 =	vxor.u32 v12, v20;
	v19 =	vshra.s32 v8, $0x14  }
0x1ff: {  	v8 =	vshrl.u32 v8, $0x8;
	v23 =	vshra.s32 v10, $0x14;
	v24 =	vshra.s32 v11, $0x14  }
0x200: {  	v25 =	vshra.s32 v12, $0x14;
	v29 =	vshrl.u32 v9, $0x8;
	v30 =	vshrl.u32 v10, $0x8  }
0x201: {  	v17 =	vshrl.u32 v11, $0x8;
	v15 =	vshrl.u32 v12, $0x8;
	vm0 =	veq.s32 v19, v6  }
0x202: {  	v13 =	vld [tilespmem:s31+$0x20];
	vm1 =	veq.s32 v19, v5;
	v8 =	vand.u32 $0xFFF, v8;
	vm2 =	veq.s32 v23, v6  }
0x203: {  	vm4 =	veq.s32 v24, v6;
	vm5 =	veq.s32 v25, v6;
	vm15 =	veq.s32 v24, v5  }
0x204: {  	vm14 =	veq.s32 v25, v5;
	vm0 =	vmand vm3, vm0;
	vm8 =	vmand vm3, vm2  }
0x205: {  	vm7 =	vmand vm3, vm4;
	vm6 =	vmand vm3, vm5;
	v19 =	vsel vm0, $0x1000, v4  }
0x206: {  	vm12 =	vmor vm1, vm0;
	v12 =	vsel vm7, $0x1000, v4;
	v10 =	vsel vm6, $0x1000, v4  }
0x207: {  	v19 =	vor.u32 v8, v19;
	v8 =	vand.u32 $0x7FFFFFFF, v21;
	v21 =	vshra.s32 v13, $0x1F  }
0x208: {  	v8 =	vxor.u32 v16, v8;
	v16 =	vand.u32 $0x7FFFFFFF, v22;
	v21 =	vand.u32 $0x7FFFFFFF, v21  }
0x209: {  	v22 =	vshra.s32 v9, $0x14;
	v14 =	vxor.u32 v14, v16;
	v20 =	vxor.u32 v13, v21  }
0x20a: {  	v21 =	vshra.s32 v8, $0x14;
	vm1 =	veq.s32 v22, v6;
	v28 =	vshrl.u32 v8, $0x8  }
0x20b: {  	vm2 =	veq.s32 v22, v5;
	v26 =	vshra.s32 v14, $0x14;
	vm0 =	veq.s32 v21, v6  }
0x20c: {  	v27 =	vshra.s32 v20, $0x14;
	vm10 =	vmand vm3, vm1;
	v13 =	vshrl.u32 v14, $0x8  }
0x20d: {  	v11 =	vshrl.u32 v20, $0x8;
	v14 =	vsel vm8, $0x1000, v4;
	vm1 =	veq.s32 v23, v5  }
0x20e: {  	v20 =	vand.u32 $0xFFF, v29;
	vm9 =	vmand vm3, vm0;
	vm0 =	veq.s32 v26, v6  }
0x20f: {  	vm11 =	veq.s32 v27, v6;
	v16 =	vsel vm10, $0x1000, v4;
	vm13 =	veq.s32 v26, v5  }
0x210: {  	vm5 =	vmand vm3, vm0;
	vm4 =	vmand vm3, vm11;
	v18 =	vsel vm9, $0x1000, v4  }
0x211: {  	vm0 =	veq.s32 v21, v5;
	vm11 =	veq.s32 v27, v5;
	v21 =	vand.u32 $0xFFF, v28  }
0x212: {  	s7 =	simm.s32 $0xC0;
	s6 =	simm.s32 $0x0;
	[tilespmem:v19+s23+$0x0] =	vst.idx.add.s32.msk vm12, v7;
	v19 =	vand.u32 $0xFFF, v30;
	v9 =	vsel vm5, $0x1000, v4;
	v8 =	vsel vm4, $0x1000, v4  }
.LBB2_18:
0x213: {  	v22 =	vld [tilespmem:s7+$0x30];
	s6 =	sadd.s32 $0x8, s6;
	v17 =	vand.u32 $0xFFF, v17;
	v15 =	vand.u32 $0xFFF, v15;
	v13 =	vand.u32 $0xFFF, v13  }
0x214: {  	vm9 =	vmor vm0, vm9;
	v18 =	vor.u32 v21, v18;
	v11 =	vand.u32 $0xFFF, v11;
	v23 =	vld [tilespmem:s7+$0xFFFFFFD0];
	p1 =	slt.u32 s6, $0x7F8  }
0x215: {  	vm10 =	vmor vm2, vm10;
	v16 =	vor.u32 v20, v16;
	vm8 =	vmor vm1, vm8;
	v21 =	vld [tilespmem:s7+$0xFFFFFFE0]  }
0x216: {  	v14 =	vor.u32 v19, v14;
	vm2 =	vmor vm15, vm7;
	v12 =	vor.u32 v17, v12;
	v20 =	vld [tilespmem:s7+$0xFFFFFFF0]  }
0x217: {  	vm0 =	vmor vm14, vm6;
	vm1 =	vmor vm13, vm5;
	v10 =	vor.u32 v15, v10;
	v17 =	vld [tilespmem:s7+$0x0]  }
0x218: {  	vm4 =	vmor vm11, vm4;
	v9 =	vor.u32 v13, v9;
	v15 =	vld [tilespmem:s7+$0x10];
	v19 =	vshra.s32 v22, $0x1F  }
0x219: {  	v8 =	vor.u32 v11, v8;
	v13 =	vshra.s32 v23, $0x1F;
	v24 =	vld [tilespmem:s7+$0x20];
	v19 =	vand.u32 $0x7FFFFFFF, v19  }
0x21a: {  	v11 =	vld [tilespmem:s7+$0xFFFFFFC0];
	v13 =	vand.u32 $0x7FFFFFFF, v13;
	v25 =	vshra.s32 v21, $0x1F;
	v19 =	vxor.u32 v22, v19  }
0x21b: {  	v22 =	vand.u32 $0x7FFFFFFF, v25;
	v25 =	vshra.s32 v20, $0x1F;
	v26 =	vshra.s32 v19, $0x14;
	[tilespmem:v18+s23+$0x0] =	vst.idx.add.s32.msk vm9, v7  }
0x21c: {  	v18 =	vand.u32 $0x7FFFFFFF, v25;
	v25 =	vshra.s32 v17, $0x1F;
	vm5 =	veq.s32 v26, v6;
	[tilespmem:v16+s23+$0x0] =	vst.idx.add.s32.msk vm10, v7  }
0x21d: {  	vm6 =	veq.s32 v26, v5;
	v16 =	vshrl.u32 v19, $0x8;
	vm5 =	vmand vm3, vm5;
	[tilespmem:v14+s23+$0x0] =	vst.idx.add.s32.msk vm8, v7  }
0x21e: {  	v16 =	vand.u32 $0xFFF, v16;
	v14 =	vsel vm5, $0x1000, v4;
	vm5 =	vmor vm6, vm5;
	[tilespmem:v12+s23+$0x0] =	vst.idx.add.s32.msk vm2, v7  }
0x21f: {  	v19 =	vshra.s32 v15, $0x1F;
	v12 =	vshra.s32 v11, $0x1F;
	v14 =	vor.u32 v16, v14;
	[tilespmem:v10+s23+$0x0] =	vst.idx.add.s32.msk vm0, v7  }
0x220: {  	v16 =	vshra.s32 v24, $0x1F;
	v10 =	vand.u32 $0x7FFFFFFF, v12;
	v12 =	vand.u32 $0x7FFFFFFF, v25;
	[tilespmem:v9+s23+$0x0] =	vst.idx.add.s32.msk vm1, v7  }
0x221: {  	v9 =	vxor.u32 v11, v10;
	v10 =	vand.u32 $0x7FFFFFFF, v19;
	v11 =	vand.u32 $0x7FFFFFFF, v16;
	[tilespmem:v8+s23+$0x0] =	vst.idx.add.s32.msk vm4, v7  }
0x222: {  	v8 =	vxor.u32 v23, v13;
	v13 =	vxor.u32 v21, v22;
	v16 =	vxor.u32 v20, v18  }
0x223: {  	v12 =	vxor.u32 v17, v12;
	v10 =	vxor.u32 v15, v10;
	v11 =	vxor.u32 v24, v11  }
0x224: {  	v19 =	vshra.s32 v9, $0x14;
	v20 =	vshra.s32 v8, $0x14;
	v21 =	vshra.s32 v13, $0x14;
	[tilespmem:v14+s23+$0x0] =	vst.idx.add.s32.msk vm5, v7  }
0x225: {  	v22 =	vshra.s32 v16, $0x14;
	v23 =	vshra.s32 v12, $0x14;
	v24 =	vshra.s32 v10, $0x14  }
0x226: {  	vm0 =	veq.s32 v19, v6;
	vm1 =	veq.s32 v20, v6;
	v25 =	vshra.s32 v11, $0x14  }
0x227: {  	vm2 =	veq.s32 v21, v6;
	vm4 =	veq.s32 v22, v6;
	vm5 =	veq.s32 v23, v6  }
0x228: {  	vm9 =	vmand vm3, vm0;
	vm0 =	veq.s32 v24, v6;
	vm11 =	veq.s32 v25, v6  }
0x229: {  	vm10 =	vmand vm3, vm1;
	vm8 =	vmand vm3, vm2;
	vm7 =	vmand vm3, vm4  }
0x22a: {  	vm6 =	vmand vm3, vm5;
	vm5 =	vmand vm3, vm0;
	vm4 =	vmand vm3, vm11  }
0x22b: {  	v26 =	vshrl.u32 v9, $0x8;
	v27 =	vshrl.u32 v8, $0x8;
	v28 =	vshrl.u32 v13, $0x8  }
0x22c: {  	v17 =	vshrl.u32 v16, $0x8;
	v15 =	vshrl.u32 v12, $0x8;
	v13 =	vshrl.u32 v10, $0x8  }
0x22d: {  	v11 =	vshrl.u32 v11, $0x8;
	v18 =	vsel vm9, $0x1000, v4;
	v16 =	vsel vm10, $0x1000, v4  }
.Ltmp8:
0x22e: {  	v14 =	vsel vm8, $0x1000, v4;
	v12 =	vsel vm7, $0x1000, v4;
	v10 =	vsel vm6, $0x1000, v4;
	(pc) =	sbr.rel @p1 .LBB2_18-.Ltmp8, $4  }
0x22f: {  	vm0 =	veq.s32 v19, v5;
	v9 =	vsel vm5, $0x1000, v4;
	v8 =	vsel vm4, $0x1000, v4  }
0x230: {  	vm15 =	veq.s32 v22, v5;
	vm2 =	veq.s32 v20, v5;
	vm1 =	veq.s32 v21, v5  }
0x231: {  	vm14 =	veq.s32 v23, v5;
	vm13 =	veq.s32 v24, v5;
	vm11 =	veq.s32 v25, v5  }
0x232: {  	s7 =	sadd.s32 $0x80, s7;
	v21 =	vand.u32 $0xFFF, v26;
	v20 =	vand.u32 $0xFFF, v27;
	v19 =	vand.u32 $0xFFF, v28  }
0x233: {  	vm0 =	vmor vm0, vm9  }
0x234: {  	v18 =	vor.u32 v21, v18;
	vm2 =	vmor vm2, vm10  }
0x235: {  	v16 =	vor.u32 v20, v16;
	vm1 =	vmor vm1, vm8  }
0x236: {  	v17 =	vand.u32 $0xFFF, v17;
	v14 =	vor.u32 v19, v14;
	vm7 =	vmor vm15, vm7  }
0x237: {  	v15 =	vand.u32 $0xFFF, v15;
	vm6 =	vmor vm14, vm6;
	v12 =	vor.u32 v17, v12  }
0x238: {  	v13 =	vand.u32 $0xFFF, v13;
	vm5 =	vmor vm13, vm5;
	v10 =	vor.u32 v15, v10  }
0x239: {  	p1 =	seq.s32 s20, $0x3;
	v11 =	vand.u32 $0xFFF, v11;
	vm4 =	vmor vm11, vm4;
	v9 =	vor.u32 v13, v9;
	[tilespmem:v18+s23+$0x0] =	vst.idx.add.s32.msk vm0, v7  }
0x23a: {  	s6 =	sshll.u32 @!p1 s20, $0x1;
	v8 =	vor.u32 v11, v8;
	[tilespmem:v16+s23+$0x0] =	vst.idx.add.s32.msk vm2, v7  }
0x23b: {  	s6 =	sadd.s32 @!p1 $0x2, s6;
	[tilespmem:v14+s23+$0x0] =	vst.idx.add.s32.msk vm1, v7  }
0x23c: {  	s7 =	sadd.s32 @!p1 s4, s6;
	s6 =	sshll.u32 @!p1 s6, $0x4;
	[tilespmem:v12+s23+$0x0] =	vst.idx.add.s32.msk vm7, v7  }
0x23d: {  	s7 =	sshll.u32 @!p1 s7, $0xC;
	s6 =	sand.u32 @!p1 $0x60, s6;
	[tilespmem:v10+s23+$0x0] =	vst.idx.add.s32.msk vm6, v7  }
0x23e: {  	s29 =	simm.s32 @!p1 $0x400;
	s7 =	sand.u32 @!p1 $0xF8000, s7;
	s6 =	sadd.s32 @!p1 s3, s6;
	[tilespmem:v9+s23+$0x0] =	vst.idx.add.s32.msk vm5, v7  }
0x23f: {  	s31 =	simm.s32 @!p1 $0x0;
	s6 =	sadd.s32 @!p1 s7, s6;
	[tilespmem:v8+s23+$0x0] =	vst.idx.add.s32.msk vm4, v7;
	s7 =	simm.s32 @!p1 $0x80  }
0x240: {  	[tilespmem:s31], [sflag:$0x1] =	stream.strided.gather @!p1 [hbm4b:s6+s7], $0x8000, s29, s7, $0x38;
	[tilespmem:$0x16488] =	vst v63  }
0x241: {  	_ =	swait.ge [sflag:s24], $0x8000  }
0x242: {  	[sflag:s24] =	ssyncset.done $0x0  }
0x243: {  	s31 =	simm.s32 $0x8040;
	[sflag:s24] =	ssyncadd.s32 $0xFFFF8000  }
0x244: {  	v8 =	vld [tilespmem:s31+$0x30]  }
0x245: {  	v9 =	vld [tilespmem:s31+$0xFFFFFFD0]  }
0x246: {  	v10 =	vld [tilespmem:s31+$0xFFFFFFE0]  }
0x247: {  	v11 =	vld [tilespmem:s31+$0xFFFFFFF0]  }
0x248: {  	v12 =	vld [tilespmem:s31+$0x0]  }
0x249: {  	v16 =	vld [tilespmem:s31+$0xFFFFFFC0]  }
0x24a: {  	v14 =	vld [tilespmem:s31+$0x10];
	_ =	sdelay $0x2  }
0x24b: {  	v13 =	vshra.s32 v8, $0x1F;
	v15 =	vshra.s32 v9, $0x1F;
	v17 =	vshra.s32 v10, $0x1F  }
0x24c: {  	v18 =	vshra.s32 v11, $0x1F;
	v20 =	vshra.s32 v12, $0x1F;
	v21 =	vshra.s32 v16, $0x1F  }
0x24d: {  	v22 =	vshra.s32 v14, $0x1F;
	v13 =	vand.u32 $0x7FFFFFFF, v13;
	v15 =	vand.u32 $0x7FFFFFFF, v15  }
0x24e: {  	v17 =	vand.u32 $0x7FFFFFFF, v17;
	v18 =	vand.u32 $0x7FFFFFFF, v18;
	v20 =	vand.u32 $0x7FFFFFFF, v20  }
0x24f: {  	v8 =	vxor.u32 v8, v13;
	v9 =	vxor.u32 v9, v15;
	v10 =	vxor.u32 v10, v17  }
0x250: {  	v11 =	vxor.u32 v11, v18;
	v12 =	vxor.u32 v12, v20;
	v19 =	vshra.s32 v8, $0x14  }
0x251: {  	v8 =	vshrl.u32 v8, $0x8;
	v23 =	vshra.s32 v10, $0x14;
	v24 =	vshra.s32 v11, $0x14  }
0x252: {  	v25 =	vshra.s32 v12, $0x14;
	v29 =	vshrl.u32 v9, $0x8;
	v30 =	vshrl.u32 v10, $0x8  }
0x253: {  	v17 =	vshrl.u32 v11, $0x8;
	v15 =	vshrl.u32 v12, $0x8;
	vm0 =	veq.s32 v19, v6  }
0x254: {  	v13 =	vld [tilespmem:s31+$0x20];
	vm1 =	veq.s32 v19, v5;
	v8 =	vand.u32 $0xFFF, v8;
	vm2 =	veq.s32 v23, v6  }
0x255: {  	vm4 =	veq.s32 v24, v6;
	vm5 =	veq.s32 v25, v6;
	vm15 =	veq.s32 v24, v5  }
0x256: {  	vm14 =	veq.s32 v25, v5;
	vm0 =	vmand vm3, vm0;
	vm8 =	vmand vm3, vm2  }
0x257: {  	vm7 =	vmand vm3, vm4;
	vm6 =	vmand vm3, vm5;
	v19 =	vsel vm0, $0x1000, v4  }
0x258: {  	vm12 =	vmor vm1, vm0;
	v12 =	vsel vm7, $0x1000, v4;
	v10 =	vsel vm6, $0x1000, v4  }
0x259: {  	v19 =	vor.u32 v8, v19;
	v8 =	vand.u32 $0x7FFFFFFF, v21;
	v21 =	vshra.s32 v13, $0x1F  }
0x25a: {  	v8 =	vxor.u32 v16, v8;
	v16 =	vand.u32 $0x7FFFFFFF, v22;
	v21 =	vand.u32 $0x7FFFFFFF, v21  }
0x25b: {  	v22 =	vshra.s32 v9, $0x14;
	v14 =	vxor.u32 v14, v16;
	v20 =	vxor.u32 v13, v21  }
0x25c: {  	v21 =	vshra.s32 v8, $0x14;
	vm1 =	veq.s32 v22, v6;
	v28 =	vshrl.u32 v8, $0x8  }
0x25d: {  	vm2 =	veq.s32 v22, v5;
	v26 =	vshra.s32 v14, $0x14;
	vm0 =	veq.s32 v21, v6  }
0x25e: {  	v27 =	vshra.s32 v20, $0x14;
	vm10 =	vmand vm3, vm1;
	v13 =	vshrl.u32 v14, $0x8  }
0x25f: {  	v11 =	vshrl.u32 v20, $0x8;
	v14 =	vsel vm8, $0x1000, v4;
	vm1 =	veq.s32 v23, v5  }
0x260: {  	v20 =	vand.u32 $0xFFF, v29;
	vm9 =	vmand vm3, vm0;
	vm0 =	veq.s32 v26, v6  }
0x261: {  	vm11 =	veq.s32 v27, v6;
	v16 =	vsel vm10, $0x1000, v4;
	vm13 =	veq.s32 v26, v5  }
0x262: {  	vm5 =	vmand vm3, vm0;
	vm4 =	vmand vm3, vm11;
	v18 =	vsel vm9, $0x1000, v4  }
0x263: {  	vm0 =	veq.s32 v21, v5;
	vm11 =	veq.s32 v27, v5;
	v21 =	vand.u32 $0xFFF, v28  }
0x264: {  	s6 =	simm.s32 $0x0;
	s7 =	simm.s32 $0x80C0;
	[tilespmem:v19+s23+$0x0] =	vst.idx.add.s32.msk vm12, v7;
	v19 =	vand.u32 $0xFFF, v30;
	v9 =	vsel vm5, $0x1000, v4;
	v8 =	vsel vm4, $0x1000, v4  }
.LBB2_20:
0x265: {  	v22 =	vld [tilespmem:s7+$0x30];
	s6 =	sadd.s32 $0x8, s6;
	v17 =	vand.u32 $0xFFF, v17;
	v15 =	vand.u32 $0xFFF, v15;
	v13 =	vand.u32 $0xFFF, v13  }
0x266: {  	vm9 =	vmor vm0, vm9;
	v18 =	vor.u32 v21, v18;
	v11 =	vand.u32 $0xFFF, v11;
	v23 =	vld [tilespmem:s7+$0xFFFFFFD0];
	p1 =	slt.u32 s6, $0x7F8  }
0x267: {  	vm10 =	vmor vm2, vm10;
	v16 =	vor.u32 v20, v16;
	vm8 =	vmor vm1, vm8;
	v21 =	vld [tilespmem:s7+$0xFFFFFFE0]  }
0x268: {  	v14 =	vor.u32 v19, v14;
	vm2 =	vmor vm15, vm7;
	v12 =	vor.u32 v17, v12;
	v20 =	vld [tilespmem:s7+$0xFFFFFFF0]  }
0x269: {  	vm0 =	vmor vm14, vm6;
	vm1 =	vmor vm13, vm5;
	v10 =	vor.u32 v15, v10;
	v17 =	vld [tilespmem:s7+$0x0]  }
0x26a: {  	vm4 =	vmor vm11, vm4;
	v9 =	vor.u32 v13, v9;
	v15 =	vld [tilespmem:s7+$0x10];
	v19 =	vshra.s32 v22, $0x1F  }
0x26b: {  	v8 =	vor.u32 v11, v8;
	v13 =	vshra.s32 v23, $0x1F;
	v24 =	vld [tilespmem:s7+$0x20];
	v19 =	vand.u32 $0x7FFFFFFF, v19  }
0x26c: {  	v11 =	vld [tilespmem:s7+$0xFFFFFFC0];
	v13 =	vand.u32 $0x7FFFFFFF, v13;
	v25 =	vshra.s32 v21, $0x1F;
	v19 =	vxor.u32 v22, v19  }
0x26d: {  	v22 =	vand.u32 $0x7FFFFFFF, v25;
	v25 =	vshra.s32 v20, $0x1F;
	v26 =	vshra.s32 v19, $0x14;
	[tilespmem:v18+s23+$0x0] =	vst.idx.add.s32.msk vm9, v7  }
0x26e: {  	v18 =	vand.u32 $0x7FFFFFFF, v25;
	v25 =	vshra.s32 v17, $0x1F;
	vm5 =	veq.s32 v26, v6;
	[tilespmem:v16+s23+$0x0] =	vst.idx.add.s32.msk vm10, v7  }
0x26f: {  	vm6 =	veq.s32 v26, v5;
	v16 =	vshrl.u32 v19, $0x8;
	vm5 =	vmand vm3, vm5;
	[tilespmem:v14+s23+$0x0] =	vst.idx.add.s32.msk vm8, v7  }
0x270: {  	v16 =	vand.u32 $0xFFF, v16;
	v14 =	vsel vm5, $0x1000, v4;
	vm5 =	vmor vm6, vm5;
	[tilespmem:v12+s23+$0x0] =	vst.idx.add.s32.msk vm2, v7  }
0x271: {  	v19 =	vshra.s32 v15, $0x1F;
	v12 =	vshra.s32 v11, $0x1F;
	v14 =	vor.u32 v16, v14;
	[tilespmem:v10+s23+$0x0] =	vst.idx.add.s32.msk vm0, v7  }
0x272: {  	v16 =	vshra.s32 v24, $0x1F;
	v10 =	vand.u32 $0x7FFFFFFF, v12;
	v12 =	vand.u32 $0x7FFFFFFF, v25;
	[tilespmem:v9+s23+$0x0] =	vst.idx.add.s32.msk vm1, v7  }
0x273: {  	v9 =	vxor.u32 v11, v10;
	v10 =	vand.u32 $0x7FFFFFFF, v19;
	v11 =	vand.u32 $0x7FFFFFFF, v16;
	[tilespmem:v8+s23+$0x0] =	vst.idx.add.s32.msk vm4, v7  }
0x274: {  	v8 =	vxor.u32 v23, v13;
	v13 =	vxor.u32 v21, v22;
	v16 =	vxor.u32 v20, v18  }
0x275: {  	v12 =	vxor.u32 v17, v12;
	v10 =	vxor.u32 v15, v10;
	v11 =	vxor.u32 v24, v11  }
0x276: {  	v19 =	vshra.s32 v9, $0x14;
	v20 =	vshra.s32 v8, $0x14;
	v21 =	vshra.s32 v13, $0x14;
	[tilespmem:v14+s23+$0x0] =	vst.idx.add.s32.msk vm5, v7  }
0x277: {  	v22 =	vshra.s32 v16, $0x14;
	v23 =	vshra.s32 v12, $0x14;
	v24 =	vshra.s32 v10, $0x14  }
0x278: {  	vm0 =	veq.s32 v19, v6;
	vm1 =	veq.s32 v20, v6;
	v25 =	vshra.s32 v11, $0x14  }
0x279: {  	vm2 =	veq.s32 v21, v6;
	vm4 =	veq.s32 v22, v6;
	vm5 =	veq.s32 v23, v6  }
0x27a: {  	vm9 =	vmand vm3, vm0;
	vm0 =	veq.s32 v24, v6;
	vm11 =	veq.s32 v25, v6  }
0x27b: {  	vm10 =	vmand vm3, vm1;
	vm8 =	vmand vm3, vm2;
	vm7 =	vmand vm3, vm4  }
0x27c: {  	vm6 =	vmand vm3, vm5;
	vm5 =	vmand vm3, vm0;
	vm4 =	vmand vm3, vm11  }
0x27d: {  	v26 =	vshrl.u32 v9, $0x8;
	v27 =	vshrl.u32 v8, $0x8;
	v28 =	vshrl.u32 v13, $0x8  }
0x27e: {  	v17 =	vshrl.u32 v16, $0x8;
	v15 =	vshrl.u32 v12, $0x8;
	v13 =	vshrl.u32 v10, $0x8  }
0x27f: {  	v11 =	vshrl.u32 v11, $0x8;
	v18 =	vsel vm9, $0x1000, v4;
	v16 =	vsel vm10, $0x1000, v4  }
.Ltmp9:
0x280: {  	v14 =	vsel vm8, $0x1000, v4;
	v12 =	vsel vm7, $0x1000, v4;
	v10 =	vsel vm6, $0x1000, v4;
	(pc) =	sbr.rel @p1 .LBB2_20-.Ltmp9, $4  }
0x281: {  	vm0 =	veq.s32 v19, v5;
	v9 =	vsel vm5, $0x1000, v4;
	v8 =	vsel vm4, $0x1000, v4  }
0x282: {  	vm15 =	veq.s32 v22, v5;
	vm2 =	veq.s32 v20, v5;
	vm1 =	veq.s32 v21, v5  }
0x283: {  	vm14 =	veq.s32 v23, v5;
	vm13 =	veq.s32 v24, v5;
	vm11 =	veq.s32 v25, v5  }
0x284: {  	s7 =	sadd.s32 $0x80, s7;
	v21 =	vand.u32 $0xFFF, v26;
	v20 =	vand.u32 $0xFFF, v27;
	v19 =	vand.u32 $0xFFF, v28  }
0x285: {  	vm0 =	vmor vm0, vm9  }
0x286: {  	v18 =	vor.u32 v21, v18;
	vm2 =	vmor vm2, vm10  }
0x287: {  	v16 =	vor.u32 v20, v16;
	vm1 =	vmor vm1, vm8  }
0x288: {  	v17 =	vand.u32 $0xFFF, v17;
	v14 =	vor.u32 v19, v14;
	vm7 =	vmor vm15, vm7  }
0x289: {  	v15 =	vand.u32 $0xFFF, v15;
	vm6 =	vmor vm14, vm6;
	v12 =	vor.u32 v17, v12  }
0x28a: {  	v13 =	vand.u32 $0xFFF, v13;
	vm5 =	vmor vm13, vm5;
	v10 =	vor.u32 v15, v10  }
0x28b: {  	v11 =	vand.u32 $0xFFF, v11;
	vm4 =	vmor vm11, vm4;
	s20 =	sadd.s32 $0x1, s20;
	v9 =	vor.u32 v13, v9;
	[tilespmem:v18+s23+$0x0] =	vst.idx.add.s32.msk vm0, v7  }
0x28c: {  	v8 =	vor.u32 v11, v8;
	p1 =	sne.s32 s20, $0x4;
	[tilespmem:v16+s23+$0x0] =	vst.idx.add.s32.msk vm2, v7  }
.Ltmp10:
0x28d: {  	[tilespmem:v14+s23+$0x0] =	vst.idx.add.s32.msk vm1, v7;
	(pc) =	sbr.rel @p1 .LBB2_17-.Ltmp10, $4  }
0x28e: {  	[tilespmem:v12+s23+$0x0] =	vst.idx.add.s32.msk vm7, v7  }
0x28f: {  	[tilespmem:v10+s23+$0x0] =	vst.idx.add.s32.msk vm6, v7  }
0x290: {  	[tilespmem:v9+s23+$0x0] =	vst.idx.add.s32.msk vm5, v7  }
0x291: {  	[tilespmem:v8+s23+$0x0] =	vst.idx.add.s32.msk vm4, v7  }
0x292: {  	s6 =	simm.s32 $0x80;
	s7 =	simm.s32 $0x400  }
0x293: {  	s10 =	simm.s32 $0x10000;
	s19 =	rddreg [dreg:$0x7];
	s22 =	simm.s32 $0x4  }
0x294: {  	[spmem:s19] =	stream.strided.scatter [tilespmem:s10], [sflag:$0x4], $0x2000, s7, s6, $0x38;
	[tilespmem:$0x16488] =	vst v63  }
0x295: {  	_ =	swait.ge [sflag:s22], $0x2000  }
0x296: {  	[sflag:s22] =	ssyncset.done $0x0  }
0x297: {  	[sflag:s22] =	ssyncadd.s32 $0xFFFFE000  }
0x298: {  	s23 =	simm.s32 $0x12000;
	[bflag:$0x0] =	sbarrier.arrive $0xFFFF  }
0x299: {  	[tilespmem:s23], [sflag:$0x3] =	stream.strided.gather [spmem:s26], $0x200, s7, s6, $0x38;
	[tilespmem:$0x16488] =	vst v63  }
0x29a: {  	s24 =	simm.s32 $0x12200  }
0x29b: {  	[tilespmem:s24], [sflag:$0x3] =	stream.strided.gather [spmem:s18], $0x200, s7, s6, $0x38;
	[tilespmem:$0x16488] =	vst v63  }
0x29c: {  	s26 =	simm.s32 $0x12400  }
0x29d: {  	[tilespmem:s26], [sflag:$0x3] =	stream.strided.gather [spmem:s16], $0x200, s7, s6, $0x38;
	[tilespmem:$0x16488] =	vst v63  }
0x29e: {  	s29 =	simm.s32 $0x12600  }
0x29f: {  	[tilespmem:s29], [sflag:$0x3] =	stream.strided.gather [spmem:s13], $0x200, s7, s6, $0x38;
	[tilespmem:$0x16488] =	vst v63  }
0x2a0: {  	s31 =	simm.s32 $0x12800  }
0x2a1: {  	[tilespmem:s31], [sflag:$0x3] =	stream.strided.gather [spmem:s8], $0x200, s7, s6, $0x38;
	[tilespmem:$0x16488] =	vst v63  }
0x2a2: {  	s13 =	simm.s32 $0x12A00  }
0x2a3: {  	[tilespmem:s13], [sflag:$0x3] =	stream.strided.gather [spmem:s17], $0x200, s7, s6, $0x38;
	[tilespmem:$0x16488] =	vst v63  }
0x2a4: {  	s16 =	simm.s32 $0x12C00  }
0x2a5: {  	[tilespmem:s16], [sflag:$0x3] =	stream.strided.gather [spmem:s14], $0x200, s7, s6, $0x38;
	[tilespmem:$0x16488] =	vst v63  }
0x2a6: {  	s17 =	simm.s32 $0x12E00  }
0x2a7: {  	[tilespmem:s17], [sflag:$0x3] =	stream.strided.gather [spmem:s15], $0x200, s7, s6, $0x38;
	[tilespmem:$0x16488] =	vst v63  }
0x2a8: {  	s18 =	simm.s32 $0x13000  }
0x2a9: {  	[tilespmem:s18], [sflag:$0x3] =	stream.strided.gather [spmem:s2], $0x200, s7, s6, $0x38;
	[tilespmem:$0x16488] =	vst v63  }
0x2aa: {  	s20 =	simm.s32 $0x13200  }
0x2ab: {  	[tilespmem:s20], [sflag:$0x3] =	stream.strided.gather [spmem:s11], $0x200, s7, s6, $0x38;
	[tilespmem:$0x16488] =	vst v63  }
0x2ac: {  	s21 =	simm.s32 $0x13400  }
0x2ad: {  	[tilespmem:s21], [sflag:$0x3] =	stream.strided.gather [spmem:s28], $0x200, s7, s6, $0x38;
	[tilespmem:$0x16488] =	vst v63  }
0x2ae: {  	s22 =	simm.s32 $0x13600  }
0x2af: {  	[tilespmem:s22], [sflag:$0x3] =	stream.strided.gather [spmem:s9], $0x200, s7, s6, $0x38;
	[tilespmem:$0x16488] =	vst v63  }
0x2b0: {  	s23 =	simm.s32 $0x13800  }
0x2b1: {  	[tilespmem:s23], [sflag:$0x3] =	stream.strided.gather [spmem:s30], $0x200, s7, s6, $0x38;
	[tilespmem:$0x16488] =	vst v63  }
0x2b2: {  	s24 =	simm.s32 $0x13A00  }
0x2b3: {  	[tilespmem:s24], [sflag:$0x3] =	stream.strided.gather [spmem:s12], $0x200, s7, s6, $0x38;
	[tilespmem:$0x16488] =	vst v63  }
0x2b4: {  	s26 =	simm.s32 $0x13C00  }
0x2b5: {  	[tilespmem:s26], [sflag:$0x3] =	stream.strided.gather [spmem:s1], $0x200, s7, s6, $0x38;
	[tilespmem:$0x16488] =	vst v63  }
0x2b6: {  	s29 =	simm.s32 $0x3;
	s28 =	simm.s32 $0x13E00  }
0x2b7: {  	[tilespmem:s28], [sflag:$0x3] =	stream.strided.gather [spmem:s25], $0x200, s7, s6, $0x38;
	[tilespmem:$0x16488] =	vst v63  }
0x2b8: {  	_ =	swait.ge [sflag:s29], $0x200  }
0x2b9: {  	[sflag:s29] =	ssyncset.done $0x0  }
0x2ba: {  	[sflag:s29] =	ssyncadd.s32 $0xFFFFFE00  }
0x2bb: {  	_ =	swait.ge [sflag:s29], $0x200  }
0x2bc: {  	[sflag:s29] =	ssyncset.done $0x0  }
0x2bd: {  	[sflag:s29] =	ssyncadd.s32 $0xFFFFFE00  }
0x2be: {  	_ =	swait.ge [sflag:s29], $0x200  }
0x2bf: {  	[sflag:s29] =	ssyncset.done $0x0  }
0x2c0: {  	[sflag:s29] =	ssyncadd.s32 $0xFFFFFE00  }
0x2c1: {  	_ =	swait.ge [sflag:s29], $0x200  }
0x2c2: {  	[sflag:s29] =	ssyncset.done $0x0  }
0x2c3: {  	[sflag:s29] =	ssyncadd.s32 $0xFFFFFE00  }
0x2c4: {  	_ =	swait.ge [sflag:s29], $0x200  }
0x2c5: {  	[sflag:s29] =	ssyncset.done $0x0  }
0x2c6: {  	[sflag:s29] =	ssyncadd.s32 $0xFFFFFE00  }
0x2c7: {  	_ =	swait.ge [sflag:s29], $0x200  }
0x2c8: {  	[sflag:s29] =	ssyncset.done $0x0  }
0x2c9: {  	[sflag:s29] =	ssyncadd.s32 $0xFFFFFE00  }
0x2ca: {  	_ =	swait.ge [sflag:s29], $0x200  }
0x2cb: {  	[sflag:s29] =	ssyncset.done $0x0  }
0x2cc: {  	[sflag:s29] =	ssyncadd.s32 $0xFFFFFE00  }
0x2cd: {  	_ =	swait.ge [sflag:s29], $0x200  }
0x2ce: {  	[sflag:s29] =	ssyncset.done $0x0  }
0x2cf: {  	[sflag:s29] =	ssyncadd.s32 $0xFFFFFE00  }
0x2d0: {  	_ =	swait.ge [sflag:s29], $0x200  }
0x2d1: {  	[sflag:s29] =	ssyncset.done $0x0  }
0x2d2: {  	[sflag:s29] =	ssyncadd.s32 $0xFFFFFE00  }
0x2d3: {  	_ =	swait.ge [sflag:s29], $0x200  }
0x2d4: {  	[sflag:s29] =	ssyncset.done $0x0  }
0x2d5: {  	[sflag:s29] =	ssyncadd.s32 $0xFFFFFE00  }
0x2d6: {  	_ =	swait.ge [sflag:s29], $0x200  }
0x2d7: {  	[sflag:s29] =	ssyncset.done $0x0  }
0x2d8: {  	[sflag:s29] =	ssyncadd.s32 $0xFFFFFE00  }
0x2d9: {  	_ =	swait.ge [sflag:s29], $0x200  }
0x2da: {  	[sflag:s29] =	ssyncset.done $0x0  }
0x2db: {  	[sflag:s29] =	ssyncadd.s32 $0xFFFFFE00  }
0x2dc: {  	_ =	swait.ge [sflag:s29], $0x200  }
0x2dd: {  	[sflag:s29] =	ssyncset.done $0x0  }
0x2de: {  	[sflag:s29] =	ssyncadd.s32 $0xFFFFFE00  }
0x2df: {  	_ =	swait.ge [sflag:s29], $0x200  }
0x2e0: {  	[sflag:s29] =	ssyncset.done $0x0  }
0x2e1: {  	[sflag:s29] =	ssyncadd.s32 $0xFFFFFE00  }
0x2e2: {  	_ =	swait.ge [sflag:s29], $0x200  }
0x2e3: {  	[sflag:s29] =	ssyncset.done $0x0  }
0x2e4: {  	[sflag:s29] =	ssyncadd.s32 $0xFFFFFE00  }
0x2e5: {  	_ =	swait.ge [sflag:s29], $0x200  }
0x2e6: {  	[sflag:s29] =	ssyncset.done $0x0  }
0x2e7: {  	s31 =	simm.s32 $0x0;
	s30 =	simm.s32 $0x13010;
	[sflag:s29] =	ssyncadd.s32 $0xFFFFFE00  }
0x2e8: {  	s1 =	sand.u32 $0x1E0, s31;
	v4 =	vld [tilespmem:s30+$0xFFFFEFF0]  }
0x2e9: {  	v5 =	vld [tilespmem:s1+$0x12200]  }
0x2ea: {  	v6 =	vld [tilespmem:s1+$0x12400]  }
0x2eb: {  	v7 =	vld [tilespmem:s1+$0x12600]  }
0x2ec: {  	v8 =	vld [tilespmem:s1+$0x12800]  }
0x2ed: {  	v9 =	vld [tilespmem:s1+$0x12A00]  }
0x2ee: {  	v10 =	vld [tilespmem:s1+$0x12C00]  }
0x2ef: {  	v11 =	vld [tilespmem:s1+$0x12E00]  }
0x2f0: {  	v12 =	vld [tilespmem:s1+$0x13000]  }
0x2f1: {  	v13 =	vld [tilespmem:s1+$0x13200]  }
0x2f2: {  	v14 =	vld [tilespmem:s1+$0x13400]  }
0x2f3: {  	v15 =	vld [tilespmem:s1+$0x13600]  }
0x2f4: {  	v16 =	vld [tilespmem:s1+$0x13800]  }
0x2f5: {  	v17 =	vld [tilespmem:s1+$0x13A00]  }
0x2f6: {  	v18 =	vld [tilespmem:s1+$0x13C00]  }
0x2f7: {  	v19 =	vld [tilespmem:s1+$0x13E00]  }
0x2f8: {  	v4 =	vadd.s32 v4, v5;
	v5 =	vld [tilespmem:s30+$0xFFFFF000]  }
0x2f9: {  	v4 =	vadd.s32 v6, v4;
	v6 =	vld [tilespmem:s30+$0xFFFFF200]  }
0x2fa: {  	v4 =	vadd.s32 v7, v4;
	v7 =	vld [tilespmem:s30+$0xFFFFF400]  }
0x2fb: {  	v4 =	vadd.s32 v8, v4;
	v8 =	vld [tilespmem:s30+$0xFFFFF600]  }
0x2fc: {  	v4 =	vadd.s32 v9, v4;
	v9 =	vld [tilespmem:s30+$0xFFFFF800]  }
0x2fd: {  	v4 =	vadd.s32 v10, v4;
	v10 =	vld [tilespmem:s30+$0xFFFFFA00]  }
0x2fe: {  	v4 =	vadd.s32 v11, v4;
	v5 =	vadd.s32 v5, v6;
	v6 =	vld [tilespmem:s30+$0xFFFFFC00]  }
0x2ff: {  	v4 =	vadd.s32 v12, v4;
	v5 =	vadd.s32 v7, v5;
	v7 =	vld [tilespmem:s30+$0xFFFFFE00]  }
0x300: {  	v4 =	vadd.s32 v13, v4;
	v5 =	vadd.s32 v8, v5;
	v8 =	vld [tilespmem:s30+$0x0]  }
0x301: {  	v4 =	vadd.s32 v14, v4;
	v5 =	vadd.s32 v9, v5;
	v9 =	vld [tilespmem:s30+$0x200]  }
0x302: {  	v4 =	vadd.s32 v15, v4;
	v5 =	vadd.s32 v10, v5;
	v10 =	vld [tilespmem:s30+$0x400]  }
0x303: {  	v11 =	vadd.s32 v16, v4;
	v5 =	vadd.s32 v6, v5;
	v4 =	vld [tilespmem:s30+$0x600]  }
0x304: {  	v6 =	vadd.s32 v17, v11;
	v7 =	vadd.s32 v7, v5;
	v5 =	vld [tilespmem:s30+$0x800]  }
0x305: {  	v11 =	vadd.s32 v18, v6;
	v7 =	vadd.s32 v8, v7;
	v6 =	vld [tilespmem:s30+$0xA00]  }
0x306: {  	s1 =	simm.s32 $0x14010;
	v8 =	vadd.s32 v19, v11;
	v9 =	vadd.s32 v9, v7;
	v7 =	vld [tilespmem:s30+$0xC00]  }
0x307: {  	s2 =	simm.s32 $0x0;
	s6 =	simm.s32 $0x13030;
	s7 =	simm.s32 $0x20;
	[tilespmem:s1+$0xFFFFFFF0] =	vst v8;
	v9 =	vadd.s32 v10, v9;
	v8 =	vld [tilespmem:s30+$0xE00]  }
.LBB2_23:
0x308: {  	v10 =	vld [tilespmem:s6+$0xFFFFEFF0];
	s8 =	sand.u32 $0x1E0, s7;
	s2 =	sadd.s32 $0x2, s2;
	v4 =	vadd.s32 v4, v9  }
0x309: {  	v9 =	vld [tilespmem:s8+$0x12200];
	p1 =	slt.u32 s2, $0x1E;
	v4 =	vadd.s32 v5, v4  }
0x30a: {  	v5 =	vld [tilespmem:s8+$0x12400];
	v4 =	vadd.s32 v6, v4  }
0x30b: {  	v6 =	vld [tilespmem:s8+$0x12600];
	v4 =	vadd.s32 v7, v4  }
0x30c: {  	v7 =	vld [tilespmem:s8+$0x12800];
	v4 =	vadd.s32 v8, v4  }
0x30d: {  	v8 =	vld [tilespmem:s8+$0x12A00];
	[tilespmem:s1+$0x0] =	vst v4  }
0x30e: {  	v4 =	vadd.s32 v10, v9;
	v9 =	vld [tilespmem:s8+$0x12C00]  }
0x30f: {  	v4 =	vadd.s32 v5, v4;
	v5 =	vld [tilespmem:s8+$0x12E00]  }
0x310: {  	v4 =	vadd.s32 v6, v4;
	v6 =	vld [tilespmem:s8+$0x13000]  }
0x311: {  	v4 =	vadd.s32 v7, v4;
	v7 =	vld [tilespmem:s8+$0x13200]  }
0x312: {  	v4 =	vadd.s32 v8, v4;
	v8 =	vld [tilespmem:s8+$0x13400]  }
0x313: {  	v4 =	vadd.s32 v9, v4;
	v9 =	vld [tilespmem:s8+$0x13600]  }
0x314: {  	v4 =	vadd.s32 v5, v4;
	v5 =	vld [tilespmem:s8+$0x13800]  }
0x315: {  	v4 =	vadd.s32 v6, v4;
	v6 =	vld [tilespmem:s8+$0x13A00]  }
0x316: {  	v4 =	vadd.s32 v7, v4;
	v7 =	vld [tilespmem:s8+$0x13C00]  }
0x317: {  	v4 =	vadd.s32 v8, v4;
	v8 =	vld [tilespmem:s8+$0x13E00]  }
0x318: {  	v4 =	vadd.s32 v9, v4;
	v9 =	vld [tilespmem:s6+$0xFFFFF000]  }
0x319: {  	v4 =	vadd.s32 v5, v4;
	v5 =	vld [tilespmem:s6+$0xFFFFF200]  }
0x31a: {  	v4 =	vadd.s32 v6, v4;
	v6 =	vld [tilespmem:s6+$0xFFFFF400]  }
0x31b: {  	v4 =	vadd.s32 v7, v4;
	v7 =	vld [tilespmem:s6+$0xFFFFF600]  }
0x31c: {  	s1 =	sadd.s32 $0x20, s1;
	v4 =	vadd.s32 v8, v4;
	v8 =	vld [tilespmem:s6+$0xFFFFF800]  }
0x31d: {  	[tilespmem:s1+$0xFFFFFFF0] =	vst v4;
	v4 =	vld [tilespmem:s6+$0xFFFFFA00]  }
0x31e: {  	v5 =	vadd.s32 v9, v5;
	v9 =	vld [tilespmem:s6+$0xFFFFFC00]  }
0x31f: {  	v5 =	vadd.s32 v6, v5;
	v6 =	vld [tilespmem:s6+$0xFFFFFE00]  }
0x320: {  	v5 =	vadd.s32 v7, v5;
	v7 =	vld [tilespmem:s6+$0x0]  }
0x321: {  	v5 =	vadd.s32 v8, v5;
	v8 =	vld [tilespmem:s6+$0x200]  }
0x322: {  	v4 =	vadd.s32 v4, v5;
	v10 =	vld [tilespmem:s6+$0x400]  }
.Ltmp11:
0x323: {  	v5 =	vadd.s32 v9, v4;
	v4 =	vld [tilespmem:s6+$0x600];
	(pc) =	sbr.rel @p1 .LBB2_23-.Ltmp11, $4  }
0x324: {  	v6 =	vadd.s32 v6, v5;
	v5 =	vld [tilespmem:s6+$0x800]  }
0x325: {  	v7 =	vadd.s32 v7, v6;
	v6 =	vld [tilespmem:s6+$0xA00]  }
0x326: {  	v8 =	vadd.s32 v8, v7;
	v7 =	vld [tilespmem:s6+$0xC00]  }
0x327: {  	s7 =	sadd.s32 $0x20, s7;
	v9 =	vadd.s32 v10, v8;
	v8 =	vld [tilespmem:s6+$0xE00];
	s6 =	sadd.s32 $0x20, s6  }
0x328: {  	vm0 =	vcmask $0x70C  }
0x329: {  	vm15 =	vcmask $0xB10;
	v10 =	vsel vm0, $0x0, v0  }
0x32a: {  	v0 =	vsel vm15, $0x0, v0;
	(xrf0) =	vadd.scan.msk.s32 $0xffff, v10  }
0x32b: {  	(xrf0) =	vadd.scan.msk.s32 $0xffff, v0;
	_ =	sdelay $0x2  }
0x32c: {  	(v2sf) =	vpush v3, $0xF  }
0x32d: {  	(v2sf) =	vpush v2, $0xF  }
0x32e: {  	v3, _, _ =	vpop (xrf0)  }
0x32f: {  	(v2sf) =	vpush v3, $0xF;
	v0, _, _ =	vpop (xrf0)  }
0x330: {  	(v2sf) =	vpush v0, $0xF  }
0x331: {  	(v2sf) =	vpush v1, $0xF;
	_ =	sdelay $0x5  }
0x332: {  	v1 =	vadd.s32 v4, v9  }
0x333: {  	v1 =	vadd.s32 v5, v1  }
0x334: {  	v1 =	vadd.s32 v6, v1  }
0x335: {  	v1 =	vadd.s32 v7, v1  }
0x336: {  	s10 =	spop (v2sf);
	v1 =	vadd.s32 v8, v1  }
0x337: {  	s31 =	simm.s32 $0x14000;
	s9 =	spop (v2sf);
	[tilespmem:s1+$0x0] =	vst v1  }
0x338: {  	[spmem:s0] =	stream.linear.scatter [tilespmem:s31], [sflag:$0x4], $0x200, $0x38;
	[tilespmem:$0x16488] =	vst v63  }
0x339: {  	s8 =	spop (v2sf)  }
0x33a: {  	s7 =	spop (v2sf)  }
0x33b: {  	s2 =	simm.s32 $0x4;
	s0 =	spop (v2sf)  }
0x33c: {  	_ =	swait.ge [sflag:s2], $0x200  }
0x33d: {  	[sflag:s2] =	ssyncset.done $0x0  }
.Ltmp12:
0x33e: {  	[sflag:s2] =	ssyncadd.s32 $0xFFFFFE00;
	(pc) =	sbr.rel @p0 .LBB2_30-.Ltmp12, $4  }
0x33f: {  	[bflag:$0x0] =	sbarrier.arrive $0xFFFF  }
0x340: {  	s14 =	rddreg [dreg:$0x3]  }
0x341: {  	s6 =	rddreg [dreg:$0x8]  }
0x342: {  	s1 =	rddreg [dreg:$0x4]  }
0x343: {  	[dreg:$0x1e] =	wrdreg s0  }
0x344: {  	[dreg:$0x1d] =	wrdreg s10  }
0x345: {  	[dreg:$0x1c] =	wrdreg s9  }
0x346: {  	[dreg:$0x1b] =	wrdreg s8  }
0x347: {  	[dreg:$0x1a] =	wrdreg s7;
	s20 =	simm.s32 $0x12000  }
0x348: {  	[tilespmem:s20], [sflag:$0x4] =	stream.linear.gather [spmem:s14], $0x2000, $0x38;
	[tilespmem:$0x16488] =	vst v63  }
0x349: {  	_ =	swait.ge [sflag:s2], $0x2000  }
0x34a: {  	[sflag:s2] =	ssyncset.done $0x0  }
0x34b: {  	s21 =	simm.s32 $0x12020;
	[sflag:s2] =	ssyncadd.s32 $0xFFFFE000  }
0x34c: {  	v4 =	vld [tilespmem:s21+$0xFFFFFFE0];
	_ =	sdelay $0x4  }
0x34d: {  	v5 =	vld [tilespmem:s21+$0xFFFFFFF0];
	(xrf0) =	vadd.scan.msk.s32 $0xffff, v4;
	_ =	sdelay $0x4  }
0x34e: {  	(xrf0) =	vadd.scan.msk.s32 $0xffff, v5  }
0x34f: {  	v8, _, _ =	vpop (xrf0)  }
0x350: {  	v10 =	vld [tilespmem:s21+$0x0];
	(v2sf) =	vpush v8, $0xF;
	_ =	sdelay $0x3  }
0x351: {  	v1, _, _ =	vpop (xrf0)  }
0x352: {  	(xrf0) =	vadd.scan.msk.s32 $0xffff, v10;
	(v2sf) =	vpush v1, $0xF;
	_ =	sdelay $0x3  }
0x353: {  	s22 =	simm.s32 $0x12060;
	v12 =	vld [tilespmem:s21+$0x10]  }
0x354: {  	v6 =	vld [tilespmem:s22+$0xFFFFFFE0]  }
0x355: {  	v9, _, _ =	vpop (xrf0)  }
0x356: {  	(v2sf) =	vpush v9, $0xF  }
0x357: {  	v7 =	vld [tilespmem:s22+$0xFFFFFFF0]  }
0x358: {  	v11 =	vld [tilespmem:s22+$0x0];
	(xrf0) =	vadd.scan.msk.s32 $0xffff, v12  }
0x359: {  	(xrf0) =	vadd.scan.msk.s32 $0xffff, v6;
	s1 =	spop (v2sf)  }
0x35a: {  	v0 =	vbroadcast v0, $0xF;
	s1 =	sadd.s32 $0x0, s1  }
0x35b: {  	v2 =	vbroadcast v3, $0xF;
	s2 =	simm.s32 $0x0;
	v3 =	vadd.s32 s1, v1  }
0x35c: {  	(xrf0) =	vadd.scan.msk.s32 $0xffff, v7;
	v8 =	vadd.s32 s2, v8;
	v1 =	vimm.s32 $0x0;
	vm0 =	vlt.s32 v3, v0  }
0x35d: {  	(xrf0) =	vadd.scan.msk.s32 $0xffff, v11;
	vm1 =	vlt.s32 v8, v2;
	v13 =	vsel vm0, $0x1, v1  }
0x35e: {  	v14, _, _ =	vpop (xrf0);
	s6 =	spop (v2sf);
	vm2 =	vlt.s32 v3, v2;
	v3 =	vnsel vm1, $0x0, v4;
	(xrf0) =	vadd.scan.msk.s32 $0xffff, v13  }
0x35f: {  	v15, _, _ =	vpop (xrf0);
	(v2sf) =	vpush v14, $0xF;
	s1 =	sadd.s32 s6, s1;
	v13 =	vnsel vm2, $0x0, v5;
	(xrf0) =	vadd.scan.msk.s32 $0xffff, v3  }
0x360: {  	(v2sf) =	vpush v15, $0xF;
	v9 =	vadd.s32 s1, v9;
	v3 =	vsel vm2, $0x1, v1;
	(xrf0) =	vadd.scan.msk.s32 $0xffff, v13  }
0x361: {  	vm13 =	vlt.s32 v9, v2;
	v5 =	vnsel vm0, $0x0, v5;
	(xrf0) =	vadd.scan.msk.s32 $0xffff, v3  }
0x362: {  	vm14 =	vlt.s32 v9, v0;
	v13, _, _ =	vpop (xrf0);
	v3 =	vsel vm13, $0x1, v1;
	(xrf0) =	vadd.scan.msk.s32 $0xffff, v5  }
0x363: {  	(v2sf) =	vpush v13, $0xF;
	v16, _, _ =	vpop (xrf0);
	(xrf0) =	vadd.scan.msk.s32 $0xffff, v3;
	v3 =	vsel vm14, $0x1, v1  }
0x364: {  	v5 =	vnsel vm13, $0x0, v10;
	(v2sf) =	vpush v16, $0xF;
	v9, _, _ =	vpop (xrf0)  }
0x365: {  	vm15 =	vlt.s32 v8, v0;
	s23 =	spop (v2sf);
	(xrf0) =	vadd.scan.msk.s32 $0xffff, v5;
	v5 =	vsel vm1, $0x1, v1;
	v17, _, _ =	vpop (xrf0);
	(v2sf) =	vpush v9, $0xF  }
0x366: {  	s1 =	sadd.s32 s23, s1;
	v4 =	vnsel vm15, $0x0, v4;
	(xrf0) =	vadd.scan.msk.s32 $0xffff, v3;
	(v2sf) =	vpush v17, $0xF;
	v3, _, _ =	vpop (xrf0)  }
0x367: {  	v8 =	vsel vm15, $0x1, v1;
	(xrf0) =	vadd.scan.msk.s32 $0xffff, v5;
	(v2sf) =	vpush v3, $0xF;
	v3 =	vadd.s32 s1, v14  }
0x368: {  	v5, _, _ =	vpop (xrf0);
	(xrf0) =	vadd.scan.msk.s32 $0xffff, v4;
	vm9 =	vlt.s32 v3, v0  }
0x369: {  	s24 =	simm.s32 $0x120A0;
	v9 =	vld [tilespmem:s22+$0x10];
	(v2sf) =	vpush v5, $0xF;
	v5, _, _ =	vpop (xrf0);
	vm10 =	vlt.s32 v3, v2;
	v3 =	vnsel vm9, $0x0, v12  }
0x36a: {  	v10 =	vnsel vm14, $0x0, v10;
	v4 =	vld [tilespmem:s24+$0xFFFFFFE0];
	(xrf0) =	vadd.scan.msk.s32 $0xffff, v8;
	(v2sf) =	vpush v5, $0xF;
	v8, _, _ =	vpop (xrf0)  }
0x36b: {  	v5 =	vld [tilespmem:s24+$0xFFFFFFF0];
	(xrf0) =	vadd.scan.msk.s32 $0xffff, v10;
	(v2sf) =	vpush v8, $0xF;
	v8, _, _ =	vpop (xrf0)  }
0x36c: {  	v10 =	vsel vm10, $0x1, v1;
	(xrf0) =	vadd.scan.msk.s32 $0xffff, v3;
	(v2sf) =	vpush v8, $0xF;
	v3, _, _ =	vpop (xrf0)  }
0x36d: {  	(xrf0) =	vadd.scan.msk.s32 $0xffff, v10;
	v8, _, _ =	vpop (xrf0);
	(v2sf) =	vpush v3, $0xF  }
0x36e: {  	s25 =	spop (v2sf);
	(xrf0) =	vadd.scan.msk.s32 $0xffff, v9;
	(v2sf) =	vpush v8, $0xF;
	v8, _, _ =	vpop (xrf0)  }
0x36f: {  	s26 =	spop (v2sf);
	s0 =	sadd.s32 s25, s1;
	(xrf0) =	vadd.scan.msk.s32 $0xffff, v4;
	(v2sf) =	vpush v8, $0xF;
	v8 =	vnsel vm10, $0x0, v12  }
0x370: {  	s1 =	sadd.s32 s0, s26;
	v10 =	vsel vm9, $0x1, v1;
	v3 =	vld [tilespmem:s24+$0x0];
	(xrf0) =	vadd.scan.msk.s32 $0xffff, v5;
	v14, _, _ =	vpop (xrf0)  }
0x371: {  	(v2sf) =	vpush v14, $0xF;
	v12, _, _ =	vpop (xrf0);
	(xrf0) =	vadd.scan.msk.s32 $0xffff, v10;
	v10 =	vadd.s32 s1, v13  }
0x372: {  	v14 =	vadd.s32 s0, v15;
	(v2sf) =	vpush v12, $0xF;
	(xrf0) =	vadd.scan.msk.s32 $0xffff, v8;
	vm11 =	vlt.s32 v10, v0;
	v8, _, _ =	vpop (xrf0)  }
0x373: {  	vm5 =	vlt.s32 v14, v2;
	(v2sf) =	vpush v8, $0xF;
	v8 =	vsel vm11, $0x1, v1  }
0x374: {  	vm12 =	vlt.s32 v10, v2;
	v10 =	vnsel vm5, $0x0, v6;
	v12, _, _ =	vpop (xrf0)  }
0x375: {  	s28 =	spop (v2sf);
	(xrf0) =	vadd.scan.msk.s32 $0xffff, v3;
	v13, _, _ =	vpop (xrf0);
	(v2sf) =	vpush v12, $0xF  }
0x376: {  	s29 =	spop (v2sf);
	s0 =	sadd.s32 s28, s1;
	v15 =	vsel vm12, $0x1, v1;
	(xrf0) =	vadd.scan.msk.s32 $0xffff, v8;
	(v2sf) =	vpush v13, $0xF;
	v8, _, _ =	vpop (xrf0)  }
0x377: {  	s1 =	sadd.s32 s29, s0;
	v16 =	vadd.s32 s0, v16;
	v12 =	vnsel vm12, $0x0, v7;
	s8 =	spop (v2sf);
	(xrf0) =	vadd.scan.msk.s32 $0xffff, v10;
	(v2sf) =	vpush v8, $0xF;
	v10, _, _ =	vpop (xrf0)  }
0x378: {  	v7 =	vnsel vm11, $0x0, v7;
	s30 =	spop (v2sf);
	(xrf0) =	vadd.scan.msk.s32 $0xffff, v12;
	v12 =	vadd.s32 s1, v13;
	(v2sf) =	vpush v10, $0xF;
	v13, _, _ =	vpop (xrf0)  }
0x379: {  	vm13 =	vlt.s32 v16, v2;
	vm14 =	vlt.s32 v16, v0;
	s31 =	spop (v2sf);
	(xrf0) =	vadd.scan.msk.s32 $0xffff, v15;
	v15, _, _ =	vpop (xrf0);
	(v2sf) =	vpush v13, $0xF  }
0x37a: {  	v16 =	vnsel vm13, $0x0, v11;
	s16 =	spop (v2sf);
	v13 =	vsel vm13, $0x1, v1;
	(xrf0) =	vadd.scan.msk.s32 $0xffff, v7;
	(v2sf) =	vpush v15, $0xF  }
0x37b: {  	vm15 =	vlt.s32 v14, v0;
	s15 =	spop (v2sf);
	v7, _, _ =	vpop (xrf0);
	(xrf0) =	vadd.scan.msk.s32 $0xffff, v13  }
0x37c: {  	s17 =	spop (v2sf);
	v15 =	vsel vm14, $0x1, v1;
	v13 =	vnsel vm14, $0x0, v11;
	(v2sf) =	vpush v7, $0xF;
	v11, _, _ =	vpop (xrf0);
	(xrf0) =	vadd.scan.msk.s32 $0xffff, v16  }
0x37d: {  	s19 =	simm.s32 $0x8;
	s11 =	simm.s32 $0x0;
	v14 =	vsel vm5, $0x1, v1;
	vm6 =	vlt.s32 v12, v0;
	s12 =	spop (v2sf);
	v16, _, _ =	vpop (xrf0);
	(v2sf) =	vpush v11, $0xF;
	(xrf0) =	vadd.scan.msk.s32 $0xffff, v15  }
0x37e: {  	s14 =	simm.s32 $0x0;
	s0 =	sadd.s32 $0x0, s30;
	vm5 =	vlt.s32 v12, v2;
	v11 =	vnsel vm15, $0x0, v6;
	s13 =	spop (v2sf);
	(xrf0) =	vadd.scan.msk.s32 $0xffff, v14;
	(v2sf) =	vpush v16, $0xF;
	v16, _, _ =	vpop (xrf0)  }
0x37f: {  	s10 =	sadd.s32 s31, s0;
	s0 =	simm.s32 $0x120E0;
	v12 =	vsel vm6, $0x1, v1;
	v6 =	vld [tilespmem:s24+$0x10];
	v14 =	vsel vm15, $0x1, v1;
	s18 =	spop (v2sf);
	(xrf0) =	vadd.scan.msk.s32 $0xffff, v11;
	v15, _, _ =	vpop (xrf0);
	(v2sf) =	vpush v16, $0xF  }
.LBB2_26:
0x380: {  	v11 =	vld [tilespmem:s0+$0xFFFFFFE0];
	s19 =	sadd.s32 $0x4, s19;
	(xrf0) =	vadd.scan.msk.s32 $0xffff, v14;
	(v2sf) =	vpush v15, $0xF;
	v14, _, _ =	vpop (xrf0);
	s2 =	sadd.s32 s2, s18;
	s6 =	spop (v2sf)  }
0x381: {  	v16 =	vnsel vm6, $0x0, v9;
	v15 =	vld [tilespmem:s0+$0xFFFFFFF0];
	(v2sf) =	vpush v14, $0xF;
	v14, _, _ =	vpop (xrf0);
	(xrf0) =	vadd.scan.msk.s32 $0xffff, v13;
	s6 =	sadd.s32 s11, s6;
	s2 =	sadd.s32 s16, s2;
	s7 =	spop (v2sf)  }
0x382: {  	v17 =	vsel vm5, $0x1, v1;
	(v2sf) =	vpush v14, $0xF;
	v14, _, _ =	vpop (xrf0);
	(xrf0) =	vadd.scan.msk.s32 $0xffff, v16;
	s7 =	sadd.s32 s14, s7;
	s2 =	sadd.s32 s17, s2;
	s9 =	spop (v2sf)  }
0x383: {  	p1 =	slt.u32 s19, $0xFC;
	s6 =	sadd.s32 s15, s6;
	(v2sf) =	vpush v14, $0xF;
	v14, _, _ =	vpop (xrf0);
	(xrf0) =	vadd.scan.msk.s32 $0xffff, v17;
	s11 =	spop (v2sf)  }
0x384: {  	s6 =	sadd.s32 s9, s6;
	v16 =	vld [tilespmem:s0+$0x0];
	(xrf0) =	vadd.scan.msk.s32 $0xffff, v6;
	v13, _, _ =	vpop (xrf0);
	(v2sf) =	vpush v14, $0xF;
	s9 =	spop (v2sf)  }
0x385: {  	s11 =	sadd.s32 s11, s6;
	(xrf0) =	vadd.scan.msk.s32 $0xffff, v11;
	(v2sf) =	vpush v13, $0xF;
	v13, _, _ =	vpop (xrf0);
	s14 =	spop (v2sf);
	s2 =	sadd.s32 s9, s2  }
0x386: {  	(xrf0) =	vadd.scan.msk.s32 $0xffff, v15;
	s6 =	spop (v2sf);
	s1 =	sadd.s32 s14, s1;
	v14, _, _ =	vpop (xrf0);
	(v2sf) =	vpush v13, $0xF  }
0x387: {  	s7 =	sadd.s32 s8, s7;
	v13 =	vnsel vm5, $0x0, v9;
	v17 =	vadd.s32 s1, v8;
	s1 =	sadd.s32 s1, s6;
	s6 =	spop (v2sf);
	(v2sf) =	vpush v14, $0xF;
	v9, _, _ =	vpop (xrf0);
	(xrf0) =	vadd.scan.msk.s32 $0xffff, v12  }
0x388: {  	vm7 =	vlt.s32 v17, v2;
	v10 =	vadd.s32 s1, v10;
	s6 =	sadd.s32 s6, s1;
	(v2sf) =	vpush v9, $0xF;
	(xrf0) =	vadd.scan.msk.s32 $0xffff, v13;
	v8, _, _ =	vpop (xrf0);
	s1 =	sadd.s32 s13, s7;
	s7 =	spop (v2sf)  }
0x389: {  	s8 =	sadd.s32 s12, s10;
	(xrf0) =	vadd.scan.msk.s32 $0xffff, v16;
	vm0 =	vlt.s32 v10, v2;
	vm1 =	vlt.s32 v10, v0;
	v9, _, _ =	vpop (xrf0);
	(v2sf) =	vpush v8, $0xF;
	s14 =	sadd.s32 s7, s1;
	s1 =	spop (v2sf)  }
0x38a: {  	v12 =	vnsel vm0, $0x0, v5;
	v18 =	vsel vm1, $0x1, v1;
	v13, _, _ =	vpop (xrf0);
	(v2sf) =	vpush v9, $0xF;
	s7 =	sadd.s32 s1, s8  }
0x38b: {  	v9 =	vnsel vm7, $0x0, v4;
	v14 =	vsel vm0, $0x1, v1;
	v8, _, _ =	vpop (xrf0);
	(xrf0) =	vadd.scan.msk.s32 $0xffff, v18;
	s1 =	spop (v2sf);
	(v2sf) =	vpush v13, $0xF  }
0x38c: {  	v18 =	vnsel vm1, $0x0, v5;
	v5 =	vmov v15;
	(v2sf) =	vpush v8, $0xF;
	v10, _, _ =	vpop (xrf0);
	s1 =	sadd.s32 s1, s6;
	(xrf0) =	vadd.scan.msk.s32 $0xffff, v9;
	s8 =	spop (v2sf)  }
0x38d: {  	v15 =	vadd.s32 s6, v7;
	(v2sf) =	vpush v10, $0xF;
	v9 =	vadd.s32 s1, v13;
	(xrf0) =	vadd.scan.msk.s32 $0xffff, v12;
	s6 =	spop (v2sf);
	v12, _, _ =	vpop (xrf0)  }
0x38e: {  	vm0 =	vlt.s32 v15, v2;
	vm1 =	vlt.s32 v15, v0;
	(xrf0) =	vadd.scan.msk.s32 $0xffff, v14;
	s6 =	sadd.s32 s7, s6;
	s7 =	spop (v2sf);
	v13, _, _ =	vpop (xrf0);
	(v2sf) =	vpush v12, $0xF  }
0x38f: {  	v12 =	vsel vm0, $0x1, v1;
	v14 =	vnsel vm0, $0x0, v3;
	v7, _, _ =	vpop (xrf0);
	(xrf0) =	vadd.scan.msk.s32 $0xffff, v18;
	s10 =	sadd.s32 s7, s6;
	s16 =	spop (v2sf);
	(v2sf) =	vpush v13, $0xF  }
.Ltmp13:
0x390: {  	v15 =	vsel vm1, $0x1, v1;
	vm6 =	vlt.s32 v9, v0;
	v13 =	vnsel vm1, $0x0, v3;
	v3 =	vmovc v16;
	(xrf0) =	vadd.scan.msk.s32 $0xffff, v12;
	s15 =	spop (v2sf);
	(pc) =	sbr.rel @p1 .LBB2_26-.Ltmp13, $4  }
0x391: {  	vm0 =	vlt.s32 v17, v0;
	vm5 =	vlt.s32 v9, v2;
	(v2sf) =	vpush v7, $0xF;
	v9, _, _ =	vpop (xrf0);
	(xrf0) =	vadd.scan.msk.s32 $0xffff, v14;
	s17 =	spop (v2sf)  }
0x392: {  	v16 =	vsel vm7, $0x1, v1;
	v14 =	vsel vm0, $0x1, v1;
	v17, _, _ =	vpop (xrf0);
	(v2sf) =	vpush v9, $0xF;
	(xrf0) =	vadd.scan.msk.s32 $0xffff, v15;
	s12 =	spop (v2sf)  }
0x393: {  	v18 =	vnsel vm0, $0x0, v4;
	v12 =	vsel vm6, $0x1, v1;
	(xrf0) =	vadd.scan.msk.s32 $0xffff, v16;
	(v2sf) =	vpush v17, $0xF;
	v9, _, _ =	vpop (xrf0);
	s13 =	spop (v2sf)  }
0x394: {  	v4 =	vmov v11;
	(xrf0) =	vadd.scan.msk.s32 $0xffff, v18;
	v15, _, _ =	vpop (xrf0);
	(v2sf) =	vpush v9, $0xF;
	s18 =	spop (v2sf);
	v9 =	vmov v6;
	v6 =	vld [tilespmem:s0+$0x10];
	s0 =	sadd.s32 $0x40, s0  }
0x395: {  	s0 =	spop (v2sf)  }
0x396: {  	s19 =	spop (v2sf)  }
0x397: {  	s20 =	spop (v2sf)  }
0x398: {  	s21 =	spop (v2sf)  }
0x399: {  	(v2sf) =	vpush v15, $0xF;
	v11, _, _ =	vpop (xrf0);
	(xrf0) =	vadd.scan.msk.s32 $0xffff, v14;
	s22 =	spop (v2sf)  }
0x39a: {  	v14 =	vnsel vm6, $0x0, v9;
	(v2sf) =	vpush v11, $0xF;
	v11, _, _ =	vpop (xrf0);
	(xrf0) =	vadd.scan.msk.s32 $0xffff, v13;
	v13 =	vsel vm5, $0x1, v1;
	s23 =	spop (v2sf)  }
0x39b: {  	[smem:$0x7DE] =	sst s0;
	(v2sf) =	vpush v11, $0xF;
	v11, _, _ =	vpop (xrf0);
	(xrf0) =	vadd.scan.msk.s32 $0xffff, v14;
	s6 =	spop (v2sf);
	s0 =	sadd.s32 s23, s1  }
0x39c: {  	(v2sf) =	vpush v11, $0xF;
	v11, _, _ =	vpop (xrf0);
	(xrf0) =	vadd.scan.msk.s32 $0xffff, v13;
	s1 =	sadd.s32 s0, s6  }
0x39d: {  	v13, _, _ =	vpop (xrf0);
	(xrf0) =	vadd.scan.msk.s32 $0xffff, v6;
	v10 =	vadd.s32 s1, v10  }
0x39e: {  	v9 =	vnsel vm5, $0x0, v9;
	(v2sf) =	vpush v11, $0xF;
	v11, _, _ =	vpop (xrf0);
	(xrf0) =	vadd.scan.msk.s32 $0xffff, v12;
	vm0 =	vlt.s32 v10, v0  }
0x39f: {  	(v2sf) =	vpush v13, $0xF;
	v12, _, _ =	vpop (xrf0);
	(xrf0) =	vadd.scan.msk.s32 $0xffff, v9;
	v8 =	vadd.s32 s0, v8;
	v9 =	vsel vm0, $0x1, v1  }
0x3a0: {  	(v2sf) =	vpush v11, $0xF;
	vm1 =	vlt.s32 v8, v2  }
0x3a1: {  	s24 =	spop (v2sf);
	(v2sf) =	vpush v12, $0xF;
	v11, _, _ =	vpop (xrf0);
	vm2 =	vlt.s32 v10, v2;
	v10 =	vnsel vm1, $0x0, v4  }
0x3a2: {  	[smem:$0x7DF] =	sst s19;
	(v2sf) =	vpush v11, $0xF;
	v11 =	vnsel vm2, $0x0, v5;
	(xrf0) =	vadd.scan.msk.s32 $0xffff, v9;
	v9, _, _ =	vpop (xrf0)  }
0x3a3: {  	[smem:$0x7E0] =	sst s20;
	s25 =	spop (v2sf);
	(v2sf) =	vpush v9, $0xF;
	v9 =	vsel vm2, $0x1, v1  }
0x3a4: {  	[smem:$0x7E2] =	sst s21;
	s0 =	sadd.s32 s24, s1;
	v5 =	vnsel vm0, $0x0, v5;
	(xrf0) =	vadd.scan.msk.s32 $0xffff, v10;
	v10, _, _ =	vpop (xrf0)  }
0x3a5: {  	[smem:$0x7E1] =	sst s22;
	v7 =	vadd.s32 s0, v7;
	s26 =	spop (v2sf);
	(xrf0) =	vadd.scan.msk.s32 $0xffff, v11;
	v11, _, _ =	vpop (xrf0);
	(v2sf) =	vpush v10, $0xF  }
0x3a6: {  	vm4 =	vlt.s32 v8, v0;
	[smem:$0x7E5] =	sst s25;
	vm14 =	vlt.s32 v7, v2;
	s28 =	spop (v2sf);
	(xrf0) =	vadd.scan.msk.s32 $0xffff, v9;
	(v2sf) =	vpush v11, $0xF;
	v9, _, _ =	vpop (xrf0)  }
0x3a7: {  	[smem:$0x7E3] =	sst s26;
	vm15 =	vlt.s32 v7, v0;
	s29 =	spop (v2sf);
	v10 =	vsel vm14, $0x1, v1;
	(xrf0) =	vadd.scan.msk.s32 $0xffff, v5;
	v5, _, _ =	vpop (xrf0);
	(v2sf) =	vpush v9, $0xF  }
0x3a8: {  	v7 =	vnsel vm14, $0x0, v3;
	[smem:$0x7EA] =	sst s29;
	s30 =	spop (v2sf);
	(xrf0) =	vadd.scan.msk.s32 $0xffff, v10;
	(v2sf) =	vpush v5, $0xF;
	v5 =	vsel vm15, $0x1, v1  }
0x3a9: {  	v4 =	vnsel vm4, $0x0, v4;
	[smem:$0x7E4] =	sst s30;
	s31 =	spop (v2sf);
	(xrf0) =	vadd.scan.msk.s32 $0xffff, v7;
	v9, _, _ =	vpop (xrf0)  }
0x3aa: {  	[smem:$0x7E6] =	sst s31;
	s6 =	spop (v2sf);
	v7 =	vsel vm1, $0x1, v1;
	v8, _, _ =	vpop (xrf0);
	(v2sf) =	vpush v9, $0xF;
	(xrf0) =	vadd.scan.msk.s32 $0xffff, v5  }
0x3ab: {  	v3 =	vnsel vm15, $0x0, v3;
	s0 =	sadd.s32 s28, s0;
	[smem:$0x7E7] =	sst s6;
	s7 =	spop (v2sf);
	(xrf0) =	vadd.scan.msk.s32 $0xffff, v7;
	(v2sf) =	vpush v8, $0xF;
	v5, _, _ =	vpop (xrf0)  }
0x3ac: {  	s1 =	simm.s32 $0x0;
	[smem:$0x7E9] =	sst s7;
	s9 =	spop (v2sf);
	v7 =	vadd.s32 s0, v11;
	v8 =	vsel vm4, $0x1, v1;
	(xrf0) =	vadd.scan.msk.s32 $0xffff, v4;
	v4, _, _ =	vpop (xrf0);
	(v2sf) =	vpush v5, $0xF  }
0x3ad: {  	s19 =	sand.u32 $0xFC0, s1;
	[smem:$0x7E8] =	sst s9;
	s20 =	spop (v2sf);
	vm5 =	vlt.s32 v7, v0;
	vm6 =	vlt.s32 v7, v2;
	(xrf0) =	vadd.scan.msk.s32 $0xffff, v8;
	(v2sf) =	vpush v4, $0xF;
	v4, _, _ =	vpop (xrf0)  }
0x3ae: {  	s21 =	spop (v2sf);
	v2 =	vld [tilespmem:s19+$0x13000];
	v5 =	vnsel vm5, $0x0, v6;
	(xrf0) =	vadd.scan.msk.s32 $0xffff, v3;
	v3 =	vsel vm6, $0x1, v1;
	(v2sf) =	vpush v4, $0xF;
	v4, _, _ =	vpop (xrf0)  }
0x3af: {  	s6 =	spop (v2sf);
	v1 =	vsel vm5, $0x1, v1;
	(xrf0) =	vadd.scan.msk.s32 $0xffff, v5;
	(v2sf) =	vpush v4, $0xF;
	v4, _, _ =	vpop (xrf0)  }
0x3b0: {  	s7 =	spop (v2sf);
	[smem:$0x7EB] =	sst s20;
	(xrf0) =	vadd.scan.msk.s32 $0xffff, v3;
	(v2sf) =	vpush v4, $0xF;
	v4, _, _ =	vpop (xrf0)  }
0x3b1: {  	s9 =	simm.s32 $0x13030;
	[smem:$0x7EC] =	sst s21;
	s29 =	spop (v2sf);
	(xrf0) =	vadd.scan.msk.s32 $0xffff, v1;
	v3, _, _ =	vpop (xrf0);
	(v2sf) =	vpush v4, $0xF;
	v4 =	vnsel vm6, $0x0, v6  }
0x3b2: {  	s20 =	spop (v2sf);
	(v2sf) =	vpush v3, $0xF;
	v1, _, _ =	vpop (xrf0);
	(xrf0) =	vadd.scan.msk.s32 $0xffff, v4;
	v4 =	vld [tilespmem:s9+$0xFFFFFFE0]  }
0x3b3: {  	s22 =	spop (v2sf);
	v3, _, _ =	vpop (xrf0);
	(v2sf) =	vpush v1, $0xF;
	(xrf0) =	vadd.scan.msk.s32 $0xffff, v2  }
0x3b4: {  	[smem:$0x7ED] =	sst s22;
	(v2sf) =	vpush v3, $0xF;
	v1, _, _ =	vpop (xrf0)  }
0x3b5: {  	s24 =	spop (v2sf);
	v5 =	vld [tilespmem:s9+$0xFFFFFFF0];
	(v2sf) =	vpush v1, $0xF;
	v1, _, _ =	vpop (xrf0)  }
0x3b6: {  	s19 =	spop (v2sf);
	v3, _, _ =	vpop (xrf0);
	(v2sf) =	vpush v1, $0xF  }
0x3b7: {  	s23 =	spop (v2sf);
	(v2sf) =	vpush v3, $0xF;
	v1, _, _ =	vpop (xrf0);
	(xrf0) =	vadd.scan.msk.s32 $0xffff, v4  }
0x3b8: {  	[smem:$0x7EE] =	sst s23;
	s31 =	spop (v2sf);
	v3, _, _ =	vpop (xrf0);
	(v2sf) =	vpush v1, $0xF  }
0x3b9: {  	v6 =	vld [tilespmem:s9+$0x0];
	s25 =	spop (v2sf);
	(v2sf) =	vpush v3, $0xF;
	v1, _, _ =	vpop (xrf0)  }
0x3ba: {  	s26 =	simm.s32 $0x40;
	s19 =	spop (v2sf);
	(xrf0) =	vadd.scan.msk.s32 $0xffff, v5;
	(v2sf) =	vpush v1, $0xF  }
0x3bb: {  	s9 =	sand.u32 $0xFC0, s26;
	[smem:$0x7F2] =	sst s25;
	s21 =	spop (v2sf)  }
0x3bc: {  	v10 =	vld [tilespmem:s9+$0x13000];
	s28 =	spop (v2sf)  }
0x3bd: {  	[smem:$0x7EF] =	sst s28;
	s30 =	spop (v2sf);
	v3, _, _ =	vpop (xrf0)  }
0x3be: {  	(xrf0) =	vadd.scan.msk.s32 $0xffff, v6;
	[smem:$0x7F0] =	sst s30;
	s9 =	spop (v2sf);
	(v2sf) =	vpush v3, $0xF  }
0x3bf: {  	[smem:$0x7F1] =	sst s9;
	s22 =	spop (v2sf)  }
0x3c0: {  	v7, _, _ =	vpop (xrf0);
	[smem:$0x7F4] =	sst s22;
	s22 =	simm.s32 $0x13070;
	s23 =	spop (v2sf)  }
0x3c1: {  	(xrf0) =	vadd.scan.msk.s32 $0xffff, v10;
	(v2sf) =	vpush v7, $0xF;
	v13 =	vld [tilespmem:s22+$0xFFFFFFE0];
	s28 =	spop (v2sf)  }
0x3c2: {  	s30 =	spop (v2sf)  }
0x3c3: {  	s9 =	spop (v2sf)  }
0x3c4: {  	[smem:$0x7F3] =	sst s23;
	v11, _, _ =	vpop (xrf0);
	s23 =	spop (v2sf)  }
0x3c5: {  	s2 =	sadd.s32 s2, s18;
	v14 =	vld [tilespmem:s22+$0xFFFFFFF0];
	(v2sf) =	vpush v11, $0xF;
	s26 =	spop (v2sf)  }
0x3c6: {  	s2 =	sadd.s32 s16, s2;
	s25 =	simm.s32 $0x80;
	v9 =	vld [tilespmem:s22+$0x0];
	(xrf0) =	vadd.scan.msk.s32 $0xffff, v13;
	s22 =	spop (v2sf)  }
0x3c7: {  	s16 =	sld [smem:$0x7E1];
	s0 =	sand.u32 $0xFC0, s25;
	v12, _, _ =	vpop (xrf0);
	s25 =	spop (v2sf)  }
0x3c8: {  	(v2sf) =	vpush v12, $0xF;
	[smem:$0x7F5] =	sst s25;
	s25 =	spop (v2sf)  }
0x3c9: {  	v1 =	vadd.s32 s1, v1;
	v15 =	vld [tilespmem:s0+$0x13000];
	[smem:$0x7F6] =	sst s25;
	s25 =	spop (v2sf)  }
0x3ca: {  	s2 =	sadd.s32 s17, s2;
	vm7 =	vlt.s32 v1, v0;
	(xrf0) =	vadd.scan.msk.s32 $0xffff, v14;
	s0 =	sadd.s32 $0x0, s25;
	s25 =	sld [smem:$0x7DE]  }
0x3cb: {  	s2 =	sadd.s32 s16, s2;
	s16 =	sld [smem:$0x7E4];
	v1 =	vimm.s32 $0x0;
	v2 =	vnsel vm7, $0x0, v2;
	(xrf0) =	vadd.scan.msk.s32 $0xffff, v9  }
0x3cc: {  	s18 =	simm.s32 $0x130B0;
	s10 =	sadd.s32 s12, s10;
	s12 =	sld [smem:$0x7EB];
	v8 =	vsel vm7, $0x1, v1;
	v3 =	vadd.s32 s0, v3;
	v16, _, _ =	vpop (xrf0);
	(xrf0) =	vadd.scan.msk.s32 $0xffff, v2  }
0x3cd: {  	vm8 =	vlt.s32 v3, v0;
	v2 =	vld [tilespmem:s18+$0xFFFFFFF0];
	(xrf0) =	vadd.scan.msk.s32 $0xffff, v8;
	s11 =	sadd.s32 s11, s25;
	s25 =	sld [smem:$0x7DF];
	s17 =	spop (v2sf)  }
0x3ce: {  	v8 =	vld [tilespmem:s18+$0xFFFFFFE0];
	v3 =	vsel vm8, $0x1, v1;
	(xrf0) =	vadd.scan.msk.s32 $0xffff, v15;
	s0 =	sadd.s32 s17, s0;
	s17 =	sld [smem:$0x7E5]  }
0x3cf: {  	s11 =	sadd.s32 s15, s11;
	(xrf0) =	vadd.scan.msk.s32 $0xffff, v3;
	v3 =	vld [tilespmem:s18+$0x0];
	s18 =	sld [smem:$0x7E6]  }
0x3d0: {  	(v2sf) =	vpush v16, $0xF;
	v17, _, _ =	vpop (xrf0);
	v4 =	vnsel vm8, $0x0, v4;
	s15 =	spop (v2sf);
	s14 =	sadd.s32 s14, s25;
	s25 =	sld [smem:$0x7E0]  }
0x3d1: {  	(v2sf) =	vpush v17, $0xF;
	v7 =	vadd.s32 s0, v7;
	s0 =	sadd.s32 s15, s0;
	s15 =	sld [smem:$0x7E7];
	s8 =	sadd.s32 s8, s14  }
0x3d2: {  	s2 =	sadd.s32 s2, s6;
	v18, _, _ =	vpop (xrf0);
	s14 =	sld [smem:$0x7E3];
	s8 =	sadd.s32 s13, s8  }
0x3d3: {  	(v2sf) =	vpush v18, $0xF;
	(xrf0) =	vadd.scan.msk.s32 $0xffff, v4;
	v4, _, _ =	vpop (xrf0);
	s11 =	sadd.s32 s25, s11;
	s25 =	sld [smem:$0x7E2];
	s8 =	sadd.s32 s17, s8  }
0x3d4: {  	(v2sf) =	vpush v4, $0xF;
	v4 =	vadd.s32 s0, v11;
	s13 =	spop (v2sf);
	s2 =	sadd.s32 s15, s2;
	s17 =	sld [smem:$0x7E8]  }
0x3d5: {  	vm9 =	vlt.s32 v7, v0;
	(xrf0) =	vadd.scan.msk.s32 $0xffff, v8;
	v7, _, _ =	vpop (xrf0);
	s15 =	sld [smem:$0x7ED];
	s10 =	sadd.s32 s14, s10;
	s14 =	simm.s32 $0xC0  }
0x3d6: {  	(xrf0) =	vadd.scan.msk.s32 $0xffff, v2;
	v11 =	vsel vm9, $0x1, v1;
	v19, _, _ =	vpop (xrf0);
	(v2sf) =	vpush v7, $0xF;
	s0 =	sadd.s32 s13, s0;
	s8 =	sadd.s32 s8, s29;
	s10 =	sadd.s32 s10, s16  }
0x3d7: {  	vm10 =	vlt.s32 v4, v0;
	(xrf0) =	vadd.scan.msk.s32 $0xffff, v11;
	(v2sf) =	vpush v19, $0xF;
	s16 =	sand.u32 $0xFC0, s14;
	s29 =	spop (v2sf);
	s14 =	sld [smem:$0x7EC];
	v4, _, _ =	vpop (xrf0)  }
0x3d8: {  	v11 =	vsel vm10, $0x1, v1;
	(xrf0) =	vadd.scan.msk.s32 $0xffff, v3;
	s11 =	sadd.s32 s25, s11;
	s10 =	sadd.s32 s18, s10;
	s18 =	sld [smem:$0x7E9];
	(v2sf) =	vpush v4, $0xF;
	v4 =	vadd.s32 s0, v12  }
0x3d9: {  	v5 =	vnsel vm9, $0x0, v5;
	s2 =	sadd.s32 s17, s2;
	v7 =	vld [tilespmem:s16+$0x13000];
	(xrf0) =	vadd.scan.msk.s32 $0xffff, v11;
	s16 =	sld [smem:$0x7EE];
	s25 =	sadd.s32 s11, s7;
	vm11 =	vlt.s32 v4, v0  }
0x3da: {  	(xrf0) =	vadd.scan.msk.s32 $0xffff, v5;
	s10 =	sadd.s32 s12, s10;
	s2 =	sadd.s32 s24, s2;
	s24 =	sld [smem:$0x7F4];
	v4 =	vnsel vm10, $0x0, v6;
	v6, _, _ =	vpop (xrf0);
	v5 =	vnsel vm11, $0x0, v10  }
0x3db: {  	s0 =	sadd.s32 s0, s29;
	s2 =	sadd.s32 s2, s28;
	s28 =	sld [smem:$0x7F5];
	v11, _, _ =	vpop (xrf0);
	(v2sf) =	vpush v6, $0xF;
	v12 =	vsel vm11, $0x1, v1  }
0x3dc: {  	s10 =	sadd.s32 s31, s10;
	s6 =	sadd.s32 s18, s25;
	s25 =	sld [smem:$0x7EA];
	(xrf0) =	vadd.scan.msk.s32 $0xffff, v4;
	(v2sf) =	vpush v11, $0xF;
	v10, _, _ =	vpop (xrf0)  }
0x3dd: {  	s13 =	simm.s32 $0x130F0;
	v16 =	vadd.s32 s0, v16;
	s10 =	sadd.s32 s10, s19;
	s18 =	sld [smem:$0x7EF];
	(xrf0) =	vadd.scan.msk.s32 $0xffff, v5;
	(v2sf) =	vpush v10, $0xF;
	v5, _, _ =	vpop (xrf0)  }
0x3de: {  	vm12 =	vlt.s32 v16, v0;
	s19 =	sld [smem:$0x7F0];
	s6 =	sadd.s32 s20, s6;
	s10 =	sadd.s32 s21, s10;
	(xrf0) =	vadd.scan.msk.s32 $0xffff, v12;
	v12, _, _ =	vpop (xrf0);
	(v2sf) =	vpush v5, $0xF  }
0x3df: {  	v6 =	vld [tilespmem:s13+$0xFFFFFFE0];
	v13 =	vnsel vm12, $0x0, v13;
	s21 =	sld [smem:$0x7F1];
	s6 =	sadd.s32 s15, s6;
	s17 =	spop (v2sf);
	(v2sf) =	vpush v12, $0xF;
	v20, _, _ =	vpop (xrf0)  }
0x3e0: {  	v4 =	vld [tilespmem:s13+$0xFFFFFFF0];
	v16 =	vsel vm12, $0x1, v1;
	s15 =	simm.s32 $0x13130;
	(xrf0) =	vadd.scan.msk.s32 $0xffff, v7;
	s0 =	sadd.s32 s17, s0;
	s20 =	spop (v2sf);
	(v2sf) =	vpush v20, $0xF  }
0x3e1: {  	s7 =	sadd.s32 s25, s8;
	s6 =	sadd.s32 s6, s30;
	(xrf0) =	vadd.scan.msk.s32 $0xffff, v16;
	v16 =	vadd.s32 s0, v17;
	s0 =	sadd.s32 s20, s0;
	v17, _, _ =	vpop (xrf0)  }
0x3e2: {  	s2 =	sadd.s32 s18, s2;
	s25 =	sadd.s32 s24, s10;
	s30 =	sld [smem:$0x7F6];
	v5 =	vld [tilespmem:s13+$0x0];
	(xrf0) =	vadd.scan.msk.s32 $0xffff, v13;
	vm13 =	vlt.s32 v16, v0;
	v16 =	vadd.s32 s0, v18;
	(v2sf) =	vpush v17, $0xF;
	v13, _, _ =	vpop (xrf0)  }
0x3e3: {  	s7 =	sadd.s32 s14, s7;
	s6 =	sadd.s32 s19, s6;
	s2 =	sadd.s32 s21, s2;
	(v2sf) =	vpush v13, $0xF;
	v13 =	vsel vm13, $0x1, v1  }
0x3e4: {  	s7 =	sadd.s32 s16, s7;
	s8 =	sadd.s32 s22, s2;
	s22 =	sld [smem:$0x7F2];
	(xrf0) =	vadd.scan.msk.s32 $0xffff, v6;
	v17, _, _ =	vpop (xrf0)  }
0x3e5: {  	s6 =	sadd.s32 s23, s6;
	s23 =	sld [smem:$0x7F3];
	s7 =	sadd.s32 s7, s9;
	vm14 =	vlt.s32 v16, v0;
	(xrf0) =	vadd.scan.msk.s32 $0xffff, v4;
	v16, _, _ =	vpop (xrf0);
	(v2sf) =	vpush v17, $0xF  }
0x3e6: {  	s2 =	sadd.s32 s26, s6;
	s26 =	spop (v2sf);
	s11 =	sadd.s32 s30, s25;
	(xrf0) =	vadd.scan.msk.s32 $0xffff, v13;
	(v2sf) =	vpush v16, $0xF;
	v13, _, _ =	vpop (xrf0)  }
0x3e7: {  	s6 =	sadd.s32 s22, s7;
	s7 =	sadd.s32 s26, s0;
	v17 =	vsel vm14, $0x1, v1;
	s29 =	spop (v2sf);
	(xrf0) =	vadd.scan.msk.s32 $0xffff, v5;
	(v2sf) =	vpush v13, $0xF;
	v18, _, _ =	vpop (xrf0)  }
0x3e8: {  	v14 =	vnsel vm13, $0x0, v14;
	s0 =	simm.s32 $0x100;
	s6 =	sadd.s32 s23, s6;
	v16 =	vadd.s32 s7, v19;
	s12 =	spop (v2sf);
	(xrf0) =	vadd.scan.msk.s32 $0xffff, v17;
	(v2sf) =	vpush v18, $0xF;
	v18, _, _ =	vpop (xrf0)  }
0x3e9: {  	s31 =	sand.u32 $0xFC0, s0;
	s10 =	sadd.s32 s28, s6;
	v19 =	vnsel vm14, $0x0, v9;
	vm15 =	vlt.s32 v16, v0;
	s9 =	spop (v2sf);
	(xrf0) =	vadd.scan.msk.s32 $0xffff, v14;
	(v2sf) =	vpush v18, $0xF  }
0x3ea: {  	s6 =	simm.s32 $0x10;
	s13 =	sadd.s32 $0x0, s29;
	v9 =	vld [tilespmem:s31+$0x13000];
	v16 =	vsel vm15, $0x1, v1;
	v17 =	vnsel vm15, $0x0, v15;
	(xrf0) =	vadd.scan.msk.s32 $0xffff, v19;
	s14 =	spop (v2sf);
	v15, _, _ =	vpop (xrf0)  }
.LBB2_28:
0x3eb: {  	s6 =	sadd.s32 $0x4, s6;
	(v2sf) =	vpush v15, $0xF;
	v14, _, _ =	vpop (xrf0);
	s16 =	spop (v2sf)  }
0x3ec: {  	s7 =	sadd.s32 s7, s9;
	(v2sf) =	vpush v14, $0xF;
	s9 =	spop (v2sf);
	v18, _, _ =	vpop (xrf0);
	s13 =	sadd.s32 s16, s13  }
0x3ed: {  	p1 =	slt.u32 s6, $0xFC;
	v21 =	vadd.s32 s7, v11;
	v11 =	vmov v15;
	v19 =	vld [tilespmem:s15+$0xFFFFFFE0];
	v20, _, _ =	vpop (xrf0);
	s7 =	sadd.s32 s9, s7;
	(xrf0) =	vadd.scan.msk.s32 $0xffff, v17;
	s9 =	spop (v2sf);
	(v2sf) =	vpush v18, $0xF  }
0x3ee: {  	s1 =	sadd.s32 s1, s12;
	vm0 =	vlt.s32 v21, v0;
	v10 =	vadd.s32 s7, v10;
	s7 =	sadd.s32 s9, s7;
	v15 =	vld [tilespmem:s15+$0xFFFFFFF0];
	(v2sf) =	vpush v20, $0xF;
	(xrf0) =	vadd.scan.msk.s32 $0xffff, v16;
	v16, _, _ =	vpop (xrf0);
	s9 =	spop (v2sf)  }
0x3ef: {  	s1 =	sadd.s32 s14, s1;
	v17 =	vsel vm0, $0x1, v1;
	v8 =	vnsel vm0, $0x0, v8;
	(xrf0) =	vadd.scan.msk.s32 $0xffff, v9;
	s12 =	spop (v2sf);
	v18, _, _ =	vpop (xrf0);
	(v2sf) =	vpush v16, $0xF  }
0x3f0: {  	vm0 =	vlt.s32 v10, v0;
	v16 =	vadd.s32 s7, v12;
	s1 =	sadd.s32 s9, s1;
	v21 =	vld [tilespmem:s15+$0x0];
	s7 =	sadd.s32 s12, s7;
	(xrf0) =	vadd.scan.msk.s32 $0xffff, v17;
	(v2sf) =	vpush v18, $0xF;
	v12, _, _ =	vpop (xrf0);
	s9 =	spop (v2sf)  }
0x3f1: {  	vm1 =	vlt.s32 v16, v0;
	v10 =	vmovc v14;
	v13 =	vadd.s32 s7, v13;
	(xrf0) =	vadd.scan.msk.s32 $0xffff, v8;
	(v2sf) =	vpush v12, $0xF;
	s1 =	sadd.s32 s9, s1;
	s9 =	spop (v2sf)  }
0x3f2: {  	v14 =	vsel vm1, $0x1, v1;
	v18 =	vnsel vm1, $0x0, v3;
	v8 =	vmovc v6;
	(xrf0) =	vadd.scan.msk.s32 $0xffff, v19;
	vm2 =	vlt.s32 v13, v0;
	s9 =	sadd.s32 s9, s13;
	s12 =	spop (v2sf)  }
0x3f3: {  	v3 =	vsel vm0, $0x1, v1;
	(xrf0) =	vadd.scan.msk.s32 $0xffff, v15;
	v16 =	vsel vm2, $0x1, v1;
	v17 =	vnsel vm2, $0x0, v7;
	v6, _, _ =	vpop (xrf0);
	s9 =	sadd.s32 s12, s9  }
.Ltmp14:
0x3f4: {  	v7 =	vnsel vm0, $0x0, v2;
	v2, _, _ =	vpop (xrf0);
	(v2sf) =	vpush v6, $0xF;
	(xrf0) =	vadd.scan.msk.s32 $0xffff, v3;
	v6 =	vmov v19;
	(pc) =	sbr.rel @p1 .LBB2_28-.Ltmp14, $4  }
0x3f5: {  	v12 =	vmov v20;
	v13, _, _ =	vpop (xrf0);
	(xrf0) =	vadd.scan.msk.s32 $0xffff, v21;
	(v2sf) =	vpush v2, $0xF;
	s12 =	spop (v2sf);
	v2 =	vmov v4  }
0x3f6: {  	s0 =	sadd.s32 $0x40, s0;
	v3 =	vmov v5;
	v4 =	vmov v15;
	(v2sf) =	vpush v13, $0xF;
	v19, _, _ =	vpop (xrf0);
	(xrf0) =	vadd.scan.msk.s32 $0xffff, v14;
	s13 =	sadd.s32 s9, s12;
	s12 =	spop (v2sf)  }
0x3f7: {  	s14 =	sand.u32 $0xFC0, s0;
	v5 =	vmov v21;
	s9 =	spop (v2sf);
	(v2sf) =	vpush v19, $0xF;
	v14, _, _ =	vpop (xrf0);
	(xrf0) =	vadd.scan.msk.s32 $0xffff, v7;
	v7 =	vmov v9  }
0x3f8: {  	s15 =	sadd.s32 $0x40, s15;
	v9 =	vld [tilespmem:s14+$0x13000];
	v15, _, _ =	vpop (xrf0);
	(v2sf) =	vpush v14, $0xF;
	(xrf0) =	vadd.scan.msk.s32 $0xffff, v18;
	s14 =	spop (v2sf)  }
0x3f9: {  	_ = 	snop  }
0x3fa: {  	s9 =	sadd.s32 s7, s9  }
0x3fb: {  	(v2sf) =	vpush v15, $0xF;
	v18, _, _ =	vpop (xrf0);
	v14 =	vld [tilespmem:s15+$0xFFFFFFE0];
	(xrf0) =	vadd.scan.msk.s32 $0xffff, v17;
	v11 =	vadd.s32 s9, v11  }
0x3fc: {  	s0 =	spop (v2sf);
	(v2sf) =	vpush v18, $0xF;
	v51, _, _ =	vpop (xrf0);
	(xrf0) =	vadd.scan.msk.s32 $0xffff, v16;
	vm0 =	vlt.s32 v11, v0;
	v11 =	vld [tilespmem:s15+$0xFFFFFFF0]  }
0x3fd: {  	s20 =	spop (v2sf);
	v52, _, _ =	vpop (xrf0);
	(v2sf) =	vpush v51, $0xF;
	v53 =	vsel vm0, $0x1, v1;
	(xrf0) =	vadd.scan.msk.s32 $0xffff, v9  }
0x3fe: {  	s21 =	spop (v2sf);
	(v2sf) =	vpush v52, $0xF;
	v19, _, _ =	vpop (xrf0);
	v8 =	vnsel vm0, $0x0, v8;
	(xrf0) =	vadd.scan.msk.s32 $0xffff, v53  }
0x3ff: {  	s6 =	spop (v2sf);
	v54, _, _ =	vpop (xrf0);
	(v2sf) =	vpush v19, $0xF;
	(xrf0) =	vadd.scan.msk.s32 $0xffff, v8  }
0x400: {  	s22 =	spop (v2sf);
	(v2sf) =	vpush v54, $0xF;
	v55, _, _ =	vpop (xrf0);
	(xrf0) =	vadd.scan.msk.s32 $0xffff, v14  }
0x401: {  	s7 =	spop (v2sf);
	(v2sf) =	vpush v55, $0xF;
	v56, _, _ =	vpop (xrf0);
	(xrf0) =	vadd.scan.msk.s32 $0xffff, v11  }
0x402: {  	s18 =	spop (v2sf);
	v57, _, _ =	vpop (xrf0);
	(v2sf) =	vpush v56, $0xF  }
0x403: {  	s17 =	spop (v2sf);
	(v2sf) =	vpush v57, $0xF;
	v58, _, _ =	vpop (xrf0)  }
0x404: {  	s16 =	spop (v2sf);
	(v2sf) =	vpush v58, $0xF;
	v59, _, _ =	vpop (xrf0)  }
0x405: {  	v62 =	vld [tilespmem:s15+$0x0];
	s20 =	sadd.s32 s20, s9;
	s19 =	spop (v2sf);
	(v2sf) =	vpush v59, $0xF;
	v60, _, _ =	vpop (xrf0)  }
0x406: {  	v10 =	vadd.s32 s20, v10;
	s23 =	spop (v2sf);
	v61, _, _ =	vpop (xrf0);
	(v2sf) =	vpush v60, $0xF  }
0x407: {  	s21 =	sadd.s32 s21, s20;
	vm14 =	vlt.s32 v10, v0;
	s15 =	spop (v2sf);
	(v2sf) =	vpush v61, $0xF;
	v20, _, _ =	vpop (xrf0)  }
0x408: {  	v12 =	vadd.s32 s21, v12;
	v10 =	vsel vm14, $0x1, v1;
	s9 =	spop (v2sf);
	(v2sf) =	vpush v20, $0xF  }
0x409: {  	vm1 =	vlt.s32 v12, v0;
	(xrf0) =	vadd.scan.msk.s32 $0xffff, v10  }
0x40a: {  	s22 =	sadd.s32 s22, s21;
	v63 =	vsel vm1, $0x1, v1;
	(xrf0) =	vadd.scan.msk.s32 $0xffff, v62;
	s24 =	spop (v2sf)  }
0x40b: {  	v2 =	vnsel vm14, $0x0, v2;
	v21 =	vadd.s32 s22, v13;
	(xrf0) =	vadd.scan.msk.s32 $0xffff, v63;
	s25 =	spop (v2sf)  }
0x40c: {  	v3 =	vnsel vm1, $0x0, v3;
	vm15 =	vlt.s32 v21, v0;
	s28 =	sadd.s32 s22, s23;
	(xrf0) =	vadd.scan.msk.s32 $0xffff, v2;
	s20 =	spop (v2sf)  }
0x40d: {  	v22 =	vnsel vm15, $0x0, v7;
	(xrf0) =	vadd.scan.msk.s32 $0xffff, v3;
	v23 =	vadd.s32 s28, v15;
	s26 =	spop (v2sf)  }
0x40e: {  	v24 =	vsel vm15, $0x1, v1;
	(xrf0) =	vadd.scan.msk.s32 $0xffff, v22;
	vm4 =	vlt.s32 v23, v0;
	s21 =	spop (v2sf)  }
0x40f: {  	v25, _, _ =	vpop (xrf0);
	s28 =	sadd.s32 s24, s28;
	(xrf0) =	vadd.scan.msk.s32 $0xffff, v24;
	v3 =	vsel vm4, $0x1, v1;
	s22 =	spop (v2sf)  }
0x410: {  	v6 =	vnsel vm4, $0x0, v6;
	v26 =	vadd.s32 s28, v18;
	s28 =	sadd.s32 s25, s28;
	(v2sf) =	vpush v25, $0xF;
	v27, _, _ =	vpop (xrf0);
	(xrf0) =	vadd.scan.msk.s32 $0xffff, v3;
	s23 =	spop (v2sf)  }
0x411: {  	vm5 =	vlt.s32 v26, v0;
	v28 =	vadd.s32 s28, v52;
	(v2sf) =	vpush v27, $0xF;
	v29, _, _ =	vpop (xrf0);
	(xrf0) =	vadd.scan.msk.s32 $0xffff, v6;
	s24 =	spop (v2sf)  }
0x412: {  	vm6 =	vlt.s32 v28, v0;
	v30 =	vsel vm5, $0x1, v1;
	v32, _, _ =	vpop (xrf0);
	(v2sf) =	vpush v29, $0xF;
	s25 =	spop (v2sf)  }
0x413: {  	s28 =	sadd.s32 s26, s28;
	v33 =	vsel vm6, $0x1, v1;
	(xrf0) =	vadd.scan.msk.s32 $0xffff, v30;
	(v2sf) =	vpush v32, $0xF;
	v34, _, _ =	vpop (xrf0);
	s29 =	spop (v2sf)  }
0x414: {  	v4 =	vnsel vm5, $0x0, v4;
	v31 =	vadd.s32 s28, v58;
	(xrf0) =	vadd.scan.msk.s32 $0xffff, v33;
	(v2sf) =	vpush v34, $0xF;
	v37, _, _ =	vpop (xrf0);
	s26 =	spop (v2sf)  }
0x415: {  	v36 =	vnsel vm6, $0x0, v5;
	vm7 =	vlt.s32 v31, v0;
	(xrf0) =	vadd.scan.msk.s32 $0xffff, v4;
	v39, _, _ =	vpop (xrf0);
	(v2sf) =	vpush v37, $0xF;
	s29 =	sadd.s32 s28, s29;
	s28 =	spop (v2sf)  }
0x416: {  	v38 =	vnsel vm7, $0x0, v9;
	(xrf0) =	vadd.scan.msk.s32 $0xffff, v36;
	(v2sf) =	vpush v39, $0xF;
	v42, _, _ =	vpop (xrf0);
	v35 =	vadd.s32 s29, v61;
	s30 =	spop (v2sf)  }
0x417: {  	v41 =	vsel vm7, $0x1, v1;
	(xrf0) =	vadd.scan.msk.s32 $0xffff, v38;
	v44, _, _ =	vpop (xrf0);
	(v2sf) =	vpush v42, $0xF;
	vm8 =	vlt.s32 v35, v0;
	s29 =	sadd.s32 s30, s29;
	s31 =	spop (v2sf)  }
0x418: {  	(xrf0) =	vadd.scan.msk.s32 $0xffff, v41;
	(v2sf) =	vpush v44, $0xF;
	v45 =	vsel vm8, $0x1, v1;
	v40 =	vadd.s32 s29, v20;
	s29 =	sadd.s32 s31, s29  }
0x419: {  	v46, _, _ =	vpop (xrf0);
	v47 =	vnsel vm8, $0x0, v14;
	(xrf0) =	vadd.scan.msk.s32 $0xffff, v45;
	v43 =	vadd.s32 s29, v27;
	vm9 =	vlt.s32 v40, v0  }
0x41a: {  	v48, _, _ =	vpop (xrf0);
	(v2sf) =	vpush v46, $0xF;
	(xrf0) =	vadd.scan.msk.s32 $0xffff, v47;
	vm10 =	vlt.s32 v43, v0;
	v49 =	vsel vm9, $0x1, v1  }
0x41b: {  	v50, _, _ =	vpop (xrf0);
	(v2sf) =	vpush v48, $0xF;
	v51 =	vsel vm10, $0x1, v1;
	(xrf0) =	vadd.scan.msk.s32 $0xffff, v49  }
0x41c: {  	v52, _, _ =	vpop (xrf0);
	(v2sf) =	vpush v50, $0xF;
	v53 =	vnsel vm9, $0x0, v11;
	(xrf0) =	vadd.scan.msk.s32 $0xffff, v51  }
0x41d: {  	v54, _, _ =	vpop (xrf0);
	(v2sf) =	vpush v52, $0xF;
	(xrf0) =	vadd.scan.msk.s32 $0xffff, v53  }
0x41e: {  	v56, _, _ =	vpop (xrf0);
	(v2sf) =	vpush v54, $0xF;
	v55 =	vnsel vm10, $0x0, v62  }
0x41f: {  	s1 =	sadd.s32 s1, s12;
	(v2sf) =	vpush v56, $0xF;
	v57, _, _ =	vpop (xrf0);
	(xrf0) =	vadd.scan.msk.s32 $0xffff, v55  }
0x420: {  	s1 =	sadd.s32 s14, s1;
	s0 =	sadd.s32 s0, s13;
	s12 =	spop (v2sf);
	(v2sf) =	vpush v57, $0xF;
	v58, _, _ =	vpop (xrf0)  }
0x421: {  	s1 =	sadd.s32 s6, s1;
	s0 =	sadd.s32 s18, s0;
	s31 =	spop (v2sf);
	(v2sf) =	vpush v58, $0xF;
	v59, _, _ =	vpop (xrf0)  }
0x422: {  	s1 =	sadd.s32 s7, s1;
	s0 =	sadd.s32 s17, s0;
	s13 =	spop (v2sf);
	(v2sf) =	vpush v59, $0xF;
	v60, _, _ =	vpop (xrf0)  }
0x423: {  	s0 =	sadd.s32 s0, s16;
	s1 =	sadd.s32 s1, s19;
	s18 =	spop (v2sf);
	v61, _, _ =	vpop (xrf0);
	(v2sf) =	vpush v60, $0xF  }
0x424: {  	s1 =	sadd.s32 s15, s1;
	s0 =	sadd.s32 s9, s0;
	s19 =	spop (v2sf);
	(v2sf) =	vpush v61, $0xF  }
0x425: {  	s1 =	sadd.s32 s20, s1;
	s0 =	sadd.s32 s22, s0;
	s14 =	spop (v2sf);
	v62, _, _ =	vpop (xrf0)  }
0x426: {  	s1 =	sadd.s32 s21, s1;
	s0 =	sadd.s32 s23, s0;
	s20 =	spop (v2sf);
	(v2sf) =	vpush v62, $0xF  }
0x427: {  	s23 =	rddreg [dreg:$0x1e];
	s0 =	sadd.s32 s0, s24;
	s22 =	spop (v2sf)  }
0x428: {  	p1 =	seq.s32 s23, $0x1;
	s1 =	sadd.s32 s1, s25;
	s29 =	spop (v2sf)  }
0x429: {  	s1 =	sadd.s32 s26, s1;
	s26 =	rddreg [dreg:$0x1c];
	s30 =	spop (v2sf)  }
0x42a: {  	s0 =	sadd.s32 s28, s0;
	s1 =	sadd.s32 s12, s1;
	s31 =	spop (v2sf)  }
0x42b: {  	s1 =	sadd.s32 s13, s1;
	s0 =	sadd.s32 s18, s0;
	s7 =	spop (v2sf)  }
0x42c: {  	s0 =	sadd.s32 s19, s0;
	s1 =	sadd.s32 s1, s20;
	s13 =	spop (v2sf)  }
0x42d: {  	s0 =	sadd.s32 s0, s14;
	s1 =	sadd.s32 s22, s1;
	s15 =	spop (v2sf)  }
0x42e: {  	s22 =	rddreg [dreg:$0x1d];
	s1 =	sadd.s32 s30, s1;
	s16 =	spop (v2sf)  }
0x42f: {  	s0 =	sadd.s32 s29, s0;
	s1 =	sadd.s32 s31, s1;
	s17 =	spop (v2sf)  }
0x430: {  	s0 =	sadd.s32 s7, s0;
	s7 =	sshll.u32 s22, $0xC;
	s18 =	spop (v2sf)  }
0x431: {  	s0 =	sadd.s32 s13, s0;
	s1 =	sadd.s32 s1, s16;
	s19 =	spop (v2sf)  }
0x432: {  	s0 =	sadd.s32 s0, s15;
	s1 =	sadd.s32 s17, s1;
	s20 =	spop (v2sf)  }
0x433: {  	s0 =	sadd.s32 s18, s0;
	s1 =	sadd.s32 s19, s1;
	s21 =	spop (v2sf)  }
0x434: {  	s24 =	sor.u32 s7, s8;
	s1 =	sadd.s32 s20, s1;
	s0 =	sadd.s32 s21, s0  }
0x435: {  	vm11 =	vcmask $0x300;
	v63 =	vmov s24;
	s25 =	spop (v2sf);
	s10 =	smov.u32 @p1 s1;
	s1 =	sshll.u32 s26, $0xC  }
0x436: {  	vm12 =	vcmask $0x704;
	s28 =	rddreg [dreg:$0x1b];
	v0 =	vnsel vm11, $0x0, v63;
	s0 =	sadd.s32 s25, s0;
	s1 =	sor.u32 s1, s10  }
0x437: {  	vm13 =	vcmask $0xB08;
	s29 =	rddreg [dreg:$0x1a];
	s2 =	smov.u32 @p1 s0;
	s0 =	ssub.s32 s28, s11;
	v0 =	vsel vm12, s1, v0  }
0x438: {  	vm14 =	vcmask $0xF0C;
	p1 =	sne.s32 s1, s24;
	s1 =	simm.s32 $0x1;
	s2 =	ssub.s32 s29, s2;
	v0 =	vsel vm13, s0, v0  }
0x439: {  	vm15 =	vcmask $0x1310;
	s1 =	simm.s32 @!p1 $0x0;
	v0 =	vsel vm14, s2, v0  }
0x43a: {  	v0 =	vsel vm15, s1, v0  }
0x43b: {  	s30 =	simm.s32 $0x14200;
	s31 =	simm.s32 $0x4;
	s1 =	rddreg [dreg:$0x4];
	[tilespmem:$0x14200] =	vst v0  }
0x43c: {  	[spmem:s1] =	stream.linear.scatter [tilespmem:s30], [sflag:$0x4], $0x80, $0x38;
	[tilespmem:$0x16488] =	vst v63  }
0x43d: {  	_ =	swait.ge [sflag:s31], $0x80  }
0x43e: {  	[sflag:s31] =	ssyncset.done $0x0;
	s19 =	rddreg [dreg:$0x7]  }
0x43f: {  	s6 =	rddreg [dreg:$0x8];
	[sflag:s31] =	ssyncadd.s32 $0xFFFFFF80  }
0x440: {  	s2 =	simm.s32 $0x4;
	s14 =	rddreg [dreg:$0x3]  }
.LBB2_30:
0x441: {  	[bflag:$0x0] =	sbarrier.arrive $0xFFFF;
	s0 =	simm.s32 $0x14200  }
0x442: {  	[tilespmem:s0], [sflag:$0x4] =	stream.linear.gather [spmem:s1], $0x80, $0x38;
	[tilespmem:$0x16488] =	vst v63  }
0x443: {  	_ =	swait.ge [sflag:s2], $0x80  }
0x444: {  	[sflag:s2] =	ssyncset.done $0x0  }
0x445: {  	v5 =	vimm.s32 $0x0;
	s0 =	simm.s32 $0x10040;
	[sflag:s2] =	ssyncadd.s32 $0xFFFFFF80  }
0x446: {  	v0 =	vld [tilespmem:$0x14200];
	[tilespmem:s0+$0xFFFFFFC0] =	vst v5  }
0x447: {  	[tilespmem:s0+$0x30] =	vst v5  }
0x448: {  	[tilespmem:s0+$0x20] =	vst v5  }
0x449: {  	[tilespmem:s0+$0x10] =	vst v5  }
0x44a: {  	[tilespmem:s0+$0x0] =	vst v5  }
0x44b: {  	[tilespmem:s0+$0xFFFFFFF0] =	vst v5  }
0x44c: {  	s1 =	simm.s32 $0x0;
	[tilespmem:s0+$0xFFFFFFE0] =	vst v5  }
.LBB2_31:
0x44d: {  	s1 =	sadd.s32 $0x8, s1;
	[tilespmem:s0+$0xFFFFFFD0] =	vst v5;
	s0 =	sadd.s32 $0x80, s0  }
0x44e: {  	[tilespmem:s0+$0xFFFFFFC0] =	vst v5;
	p1 =	slt.u32 s1, $0x18  }
0x44f: {  	[tilespmem:s0+$0x30] =	vst v5  }
.Ltmp15:
0x450: {  	[tilespmem:s0+$0x20] =	vst v5;
	(pc) =	sbr.rel @p1 .LBB2_31-.Ltmp15, $4  }
0x451: {  	[tilespmem:s0+$0x10] =	vst v5  }
0x452: {  	[tilespmem:s0+$0x0] =	vst v5  }
0x453: {  	[tilespmem:s0+$0xFFFFFFF0] =	vst v5  }
0x454: {  	[tilespmem:s0+$0xFFFFFFE0] =	vst v5  }
0x455: {  	v1 =	vld [tilespmem:$0x1FFF0];
	_ =	sdelay $0x4  }
0x456: {  	vm0 =	vnez.u8 v1  }
0x457: {  	v1 =	vnsel vm0, $0x0, v0;
	vm0 =	vcmask $0x308  }
0x458: {  	(xrf0) =	vadd.scan.msk.s32 $0xffff, v1;
	v1 =	vsel vm0, $0x0, v0;
	vm0 =	vcmask $0xF14  }
0x459: {  	(xrf0) =	vadd.scan.msk.s32 $0xffff, v1;
	v1 =	vsel vm0, $0x0, v0  }
0x45a: {  	(xrf0) =	vadd.scan.msk.s32 $0xffff, v1;
	_ =	sdelay $0x3  }
0x45b: {  	v1, _, _ =	vpop (xrf0)  }
0x45c: {  	v2, _, _ =	vpop (xrf0)  }
0x45d: {  	v3, _, _ =	vpop (xrf0)  }
0x45e: {  	v4 =	vimm.s32 $0x0;
	vm0 =	veq.s32 v3, $0x1  }
0x45f: {  	v6 =	vsel vm0, $0x1, v4  }
0x460: {  	[tilespmem:s0+$0xFFFFFFD0] =	vst v5;
	s0 =	simm.s32 $0x80;
	v6 =	vbroadcast v6, $0xF  }
0x461: {  	s1 =	simm.s32 $0x400;
	s2 =	simm.s32 $0x0;
	s7 =	simm.s32 $0x8000  }
0x462: {  	s8 =	simm.s32 $0x1;
	s10 =	simm.s32 $0x10000;
	s11 =	simm.s32 $0x2;
	v5 =	vbroadcast v1, $0xF;
	v7 =	vand.u32 $0x1, v6  }
0x463: {  	[tilespmem:s2], [sflag:$0x1] =	stream.strided.gather [hbm4b:s6+s0], $0x8000, s1, s0, $0x38;
	v6 =	vbroadcast v2, $0xF;
	vm0 =	veq.s32 v7, $0x1;
	v7 =	vimm.s32 $0x1;
	[tilespmem:$0x16488] =	vst v63  }
.LBB2_33:
0x464: {  	s6 =	sshll.u32 s2, $0x5  }
0x465: {  	s6 =	sadd.s32 s6, s5  }
0x466: {  	[tilespmem:s7], [sflag:$0x2] =	stream.strided.gather [hbm4b:s6+s0], $0x8000, s1, s0, $0x38;
	[tilespmem:$0x16488] =	vst v63  }
0x467: {  	_ =	swait.ge [sflag:s8], $0x8000  }
0x468: {  	[sflag:s8] =	ssyncset.done $0x0  }
0x469: {  	s31 =	simm.s32 $0x40;
	[sflag:s8] =	ssyncadd.s32 $0xFFFF8000  }
0x46a: {  	v8 =	vld [tilespmem:s31+$0x30]  }
0x46b: {  	v9 =	vld [tilespmem:s31+$0xFFFFFFD0]  }
0x46c: {  	v10 =	vld [tilespmem:s31+$0xFFFFFFE0]  }
0x46d: {  	v12 =	vld [tilespmem:s31+$0x0]  }
0x46e: {  	v13 =	vld [tilespmem:s31+$0x10]  }
0x46f: {  	v16 =	vld [tilespmem:s31+$0x20]  }
0x470: {  	v17 =	vld [tilespmem:s31+$0xFFFFFFC0]  }
0x471: {  	v11 =	vld [tilespmem:s31+$0xFFFFFFF0];
	_ =	sdelay $0x1  }
0x472: {  	v14 =	vshra.s32 v8, $0x1F;
	v15 =	vshra.s32 v9, $0x1F;
	v18 =	vshra.s32 v10, $0x1F  }
0x473: {  	v20 =	vshra.s32 v12, $0x1F;
	v21 =	vshra.s32 v13, $0x1F;
	v14 =	vand.u32 $0x7FFFFFFF, v14  }
0x474: {  	v22 =	vshra.s32 v17, $0x1F;
	v23 =	vshra.s32 v16, $0x1F;
	v8 =	vxor.u32 v8, v14  }
0x475: {  	v14 =	vand.u32 $0x7FFFFFFF, v18;
	v18 =	vshra.s32 v11, $0x1F;
	v19 =	vshra.s32 v8, $0x8  }
0x476: {  	v15 =	vand.u32 $0x7FFFFFFF, v15;
	v18 =	vand.u32 $0x7FFFFFFF, v18;
	vm1 =	veq.s32 v19, v6  }
0x477: {  	v8 =	vand.u32 $0xFF, v8;
	vm2 =	veq.s32 v19, v5;
	vm1 =	vmand vm0, vm1  }
0x478: {  	v18 =	vxor.u32 v11, v18;
	v19 =	vsel vm1, $0x100, v4;
	vm13 =	vmor vm2, vm1  }
0x479: {  	v24 =	vor.u32 v8, v19;
	v8 =	vand.u32 $0x7FFFFFFF, v22;
	v19 =	vand.u32 $0x7FFFFFFF, v20  }
0x47a: {  	v20 =	vand.u32 $0x7FFFFFFF, v21;
	v22 =	vxor.u32 v9, v15;
	v21 =	vshra.s32 v18, $0x8  }
0x47b: {  	v18 =	vand.u32 $0xFF, v18;
	v17 =	vxor.u32 v17, v8;
	v8 =	vand.u32 $0x7FFFFFFF, v23  }
0x47c: {  	v23 =	vxor.u32 v10, v14;
	v25 =	vxor.u32 v12, v19;
	v9 =	vxor.u32 v13, v20  }
0x47d: {  	v19 =	vshra.s32 v22, $0x8;
	vm4 =	veq.s32 v21, v6;
	vm14 =	veq.s32 v21, v5  }
0x47e: {  	v10 =	vshra.s32 v17, $0x8;
	v8 =	vxor.u32 v16, v8;
	v20 =	vshra.s32 v23, $0x8  }
0x47f: {  	v26 =	vshra.s32 v25, $0x8;
	v27 =	vshra.s32 v9, $0x8;
	vm2 =	veq.s32 v19, v6  }
0x480: {  	vm6 =	vmand vm0, vm4;
	v21 =	vand.u32 $0xFF, v17;
	v17 =	vand.u32 $0xFF, v25  }
0x481: {  	v28 =	vshra.s32 v8, $0x8;
	vm1 =	veq.s32 v10, v6;
	vm3 =	veq.s32 v20, v6  }
0x482: {  	vm5 =	veq.s32 v26, v6;
	vm10 =	veq.s32 v27, v6;
	vm8 =	vmand vm0, vm2  }
0x483: {  	v13 =	vsel vm6, $0x100, v4;
	vm4 =	veq.s32 v10, v5;
	vm15 =	veq.s32 v20, v5  }
0x484: {  	vm12 =	veq.s32 v26, v5;
	v20 =	vand.u32 $0xFF, v23;
	vm9 =	vmand vm0, vm1  }
0x485: {  	vm1 =	veq.s32 v28, v6;
	vm7 =	vmand vm0, vm3;
	vm5 =	vmand vm0, vm5  }
0x486: {  	vm2 =	vmand vm0, vm10;
	v16 =	vsel vm8, $0x100, v4;
	vm3 =	veq.s32 v19, v5  }
0x487: {  	vm10 =	veq.s32 v27, v5;
	v19 =	vand.u32 $0xFF, v22;
	vm11 =	veq.s32 v28, v5  }
0x488: {  	v15 =	vsel vm9, $0x100, v4;
	vm1 =	vmand vm0, vm1;
	v14 =	vsel vm7, $0x100, v4  }
0x489: {  	s9 =	simm.s32 $0xC0;
	s6 =	simm.s32 $0x0;
	v12 =	vsel vm5, $0x100, v4;
	v11 =	vsel vm2, $0x100, v4;
	[tilespmem:v24+s10+$0x0] =	vst.idx.add.s32.msk vm13, v7;
	v10 =	vsel vm1, $0x100, v4  }
.LBB2_34:
0x48a: {  	v22 =	vld [tilespmem:s9+$0x30];
	s6 =	sadd.s32 $0x8, s6;
	vm9 =	vmor vm4, vm9;
	v9 =	vand.u32 $0xFF, v9;
	v8 =	vand.u32 $0xFF, v8  }
0x48b: {  	v15 =	vor.u32 v21, v15;
	vm8 =	vmor vm3, vm8;
	v16 =	vor.u32 v19, v16;
	v23 =	vld [tilespmem:s9+$0xFFFFFFD0];
	p1 =	slt.u32 s6, $0x7F8  }
0x48c: {  	vm7 =	vmor vm15, vm7;
	v14 =	vor.u32 v20, v14;
	vm6 =	vmor vm14, vm6;
	v19 =	vld [tilespmem:s9+$0xFFFFFFE0]  }
0x48d: {  	v13 =	vor.u32 v18, v13;
	vm3 =	vmor vm12, vm5;
	v12 =	vor.u32 v17, v12;
	v20 =	vld [tilespmem:s9+$0xFFFFFFF0]  }
0x48e: {  	vm2 =	vmor vm10, vm2;
	vm1 =	vmor vm11, vm1;
	v9 =	vor.u32 v9, v11;
	v17 =	vld [tilespmem:s9+$0x0]  }
0x48f: {  	v8 =	vor.u32 v8, v10;
	v11 =	vld [tilespmem:s9+$0x10];
	v18 =	vshra.s32 v22, $0x1F  }
0x490: {  	v10 =	vshra.s32 v23, $0x1F;
	v21 =	vld [tilespmem:s9+$0x20];
	v18 =	vand.u32 $0x7FFFFFFF, v18  }
0x491: {  	v24 =	vld [tilespmem:s9+$0xFFFFFFC0];
	v10 =	vand.u32 $0x7FFFFFFF, v10;
	v25 =	vshra.s32 v19, $0x1F;
	v18 =	vxor.u32 v22, v18  }
0x492: {  	v22 =	vand.u32 $0x7FFFFFFF, v25;
	v25 =	vshra.s32 v20, $0x1F;
	v26 =	vshra.s32 v18, $0x8;
	[tilespmem:v15+s10+$0x0] =	vst.idx.add.s32.msk vm9, v7  }
0x493: {  	v15 =	vand.u32 $0x7FFFFFFF, v25;
	v25 =	vshra.s32 v17, $0x1F;
	vm4 =	veq.s32 v26, v6;
	[tilespmem:v16+s10+$0x0] =	vst.idx.add.s32.msk vm8, v7  }
0x494: {  	vm5 =	veq.s32 v26, v5;
	v16 =	vshra.s32 v11, $0x1F;
	vm4 =	vmand vm0, vm4;
	[tilespmem:v14+s10+$0x0] =	vst.idx.add.s32.msk vm7, v7  }
0x495: {  	v18 =	vand.u32 $0xFF, v18;
	v14 =	vsel vm4, $0x100, v4;
	vm4 =	vmor vm5, vm4;
	[tilespmem:v13+s10+$0x0] =	vst.idx.add.s32.msk vm6, v7  }
0x496: {  	v26 =	vshra.s32 v21, $0x1F;
	v13 =	vshra.s32 v24, $0x1F;
	v14 =	vor.u32 v18, v14;
	[tilespmem:v12+s10+$0x0] =	vst.idx.add.s32.msk vm3, v7  }
0x497: {  	v16 =	vand.u32 $0x7FFFFFFF, v16;
	v12 =	vand.u32 $0x7FFFFFFF, v13;
	v13 =	vand.u32 $0x7FFFFFFF, v25;
	[tilespmem:v9+s10+$0x0] =	vst.idx.add.s32.msk vm2, v7  }
0x498: {  	v23 =	vxor.u32 v23, v10;
	v10 =	vand.u32 $0x7FFFFFFF, v26;
	v18 =	vxor.u32 v24, v12;
	[tilespmem:v8+s10+$0x0] =	vst.idx.add.s32.msk vm1, v7  }
0x499: {  	v22 =	vxor.u32 v19, v22;
	v24 =	vxor.u32 v20, v15;
	v17 =	vxor.u32 v17, v13  }
0x49a: {  	v9 =	vxor.u32 v11, v16;
	v8 =	vxor.u32 v21, v10;
	v19 =	vshra.s32 v18, $0x8  }
0x49b: {  	v20 =	vshra.s32 v23, $0x8;
	v21 =	vshra.s32 v22, $0x8;
	v25 =	vshra.s32 v24, $0x8;
	[tilespmem:v14+s10+$0x0] =	vst.idx.add.s32.msk vm4, v7  }
0x49c: {  	v27 =	vshra.s32 v9, $0x8;
	v26 =	vshra.s32 v17, $0x8;
	v28 =	vshra.s32 v8, $0x8  }
0x49d: {  	vm2 =	veq.s32 v20, v6;
	vm3 =	veq.s32 v21, v6;
	vm1 =	veq.s32 v19, v6  }
0x49e: {  	vm10 =	veq.s32 v27, v6;
	vm5 =	veq.s32 v26, v6;
	vm4 =	veq.s32 v25, v6  }
0x49f: {  	vm8 =	vmand vm0, vm2;
	vm9 =	vmand vm0, vm1;
	vm1 =	veq.s32 v28, v6  }
0x4a0: {  	vm7 =	vmand vm0, vm3;
	vm5 =	vmand vm0, vm5;
	vm6 =	vmand vm0, vm4  }
0x4a1: {  	vm2 =	vmand vm0, vm10;
	v15 =	vsel vm9, $0x100, v4;
	vm1 =	vmand vm0, vm1  }
0x4a2: {  	v16 =	vsel vm8, $0x100, v4;
	v14 =	vsel vm7, $0x100, v4;
	v13 =	vsel vm6, $0x100, v4  }
.Ltmp16:
0x4a3: {  	v11 =	vsel vm2, $0x100, v4;
	v12 =	vsel vm5, $0x100, v4;
	v10 =	vsel vm1, $0x100, v4;
	(pc) =	sbr.rel @p1 .LBB2_34-.Ltmp16, $4  }
0x4a4: {  	vm15 =	veq.s32 v21, v5;
	vm3 =	veq.s32 v20, v5;
	vm4 =	veq.s32 v19, v5  }
0x4a5: {  	vm14 =	veq.s32 v25, v5;
	vm12 =	veq.s32 v26, v5;
	vm10 =	veq.s32 v27, v5  }
0x4a6: {  	v21 =	vand.u32 $0xFF, v18;
	vm11 =	veq.s32 v28, v5;
	v19 =	vand.u32 $0xFF, v23  }
0x4a7: {  	s9 =	sadd.s32 $0x80, s9;
	v18 =	vand.u32 $0xFF, v24;
	v17 =	vand.u32 $0xFF, v17;
	v20 =	vand.u32 $0xFF, v22  }
0x4a8: {  	vm4 =	vmor vm4, vm9  }
0x4a9: {  	v15 =	vor.u32 v21, v15;
	vm3 =	vmor vm3, vm8  }
0x4aa: {  	v16 =	vor.u32 v19, v16;
	vm7 =	vmor vm15, vm7  }
0x4ab: {  	v14 =	vor.u32 v20, v14;
	vm6 =	vmor vm14, vm6  }
0x4ac: {  	v13 =	vor.u32 v18, v13;
	vm5 =	vmor vm12, vm5  }
0x4ad: {  	v9 =	vand.u32 $0xFF, v9;
	v12 =	vor.u32 v17, v12;
	vm2 =	vmor vm10, vm2  }
0x4ae: {  	p1 =	seq.s32 s2, $0x3;
	v8 =	vand.u32 $0xFF, v8;
	vm1 =	vmor vm11, vm1;
	v9 =	vor.u32 v9, v11;
	[tilespmem:v15+s10+$0x0] =	vst.idx.add.s32.msk vm4, v7  }
0x4af: {  	s6 =	sshll.u32 @!p1 s2, $0x1;
	v8 =	vor.u32 v8, v10;
	[tilespmem:v16+s10+$0x0] =	vst.idx.add.s32.msk vm3, v7  }
0x4b0: {  	s6 =	sadd.s32 @!p1 $0x2, s6;
	[tilespmem:v14+s10+$0x0] =	vst.idx.add.s32.msk vm7, v7  }
0x4b1: {  	s9 =	sadd.s32 @!p1 s4, s6;
	s6 =	sshll.u32 @!p1 s6, $0x4;
	[tilespmem:v13+s10+$0x0] =	vst.idx.add.s32.msk vm6, v7  }
0x4b2: {  	s9 =	sshll.u32 @!p1 s9, $0xC;
	s6 =	sand.u32 @!p1 $0x60, s6;
	[tilespmem:v12+s10+$0x0] =	vst.idx.add.s32.msk vm5, v7  }
0x4b3: {  	s12 =	simm.s32 @!p1 $0x400;
	s9 =	sand.u32 @!p1 $0xF8000, s9;
	s6 =	sadd.s32 @!p1 s3, s6;
	[tilespmem:v9+s10+$0x0] =	vst.idx.add.s32.msk vm2, v7  }
0x4b4: {  	s13 =	simm.s32 @!p1 $0x0;
	s6 =	sadd.s32 @!p1 s9, s6;
	[tilespmem:v8+s10+$0x0] =	vst.idx.add.s32.msk vm1, v7;
	s9 =	simm.s32 @!p1 $0x80  }
0x4b5: {  	[tilespmem:s13], [sflag:$0x1] =	stream.strided.gather @!p1 [hbm4b:s6+s9], $0x8000, s12, s9, $0x38;
	[tilespmem:$0x16488] =	vst v63  }
0x4b6: {  	_ =	swait.ge [sflag:s11], $0x8000  }
0x4b7: {  	[sflag:s11] =	ssyncset.done $0x0  }
0x4b8: {  	s31 =	simm.s32 $0x8040;
	[sflag:s11] =	ssyncadd.s32 $0xFFFF8000  }
0x4b9: {  	v8 =	vld [tilespmem:s31+$0x30]  }
0x4ba: {  	v9 =	vld [tilespmem:s31+$0xFFFFFFD0]  }
0x4bb: {  	v10 =	vld [tilespmem:s31+$0xFFFFFFE0]  }
0x4bc: {  	v12 =	vld [tilespmem:s31+$0x0]  }
0x4bd: {  	v13 =	vld [tilespmem:s31+$0x10]  }
0x4be: {  	v16 =	vld [tilespmem:s31+$0x20]  }
0x4bf: {  	v17 =	vld [tilespmem:s31+$0xFFFFFFC0]  }
0x4c0: {  	v11 =	vld [tilespmem:s31+$0xFFFFFFF0];
	_ =	sdelay $0x1  }
0x4c1: {  	v14 =	vshra.s32 v8, $0x1F;
	v15 =	vshra.s32 v9, $0x1F;
	v18 =	vshra.s32 v10, $0x1F  }
0x4c2: {  	v20 =	vshra.s32 v12, $0x1F;
	v21 =	vshra.s32 v13, $0x1F;
	v14 =	vand.u32 $0x7FFFFFFF, v14  }
0x4c3: {  	v22 =	vshra.s32 v17, $0x1F;
	v23 =	vshra.s32 v16, $0x1F;
	v8 =	vxor.u32 v8, v14  }
0x4c4: {  	v14 =	vand.u32 $0x7FFFFFFF, v18;
	v18 =	vshra.s32 v11, $0x1F;
	v19 =	vshra.s32 v8, $0x8  }
0x4c5: {  	v15 =	vand.u32 $0x7FFFFFFF, v15;
	v18 =	vand.u32 $0x7FFFFFFF, v18;
	vm1 =	veq.s32 v19, v6  }
0x4c6: {  	v8 =	vand.u32 $0xFF, v8;
	vm2 =	veq.s32 v19, v5;
	vm1 =	vmand vm0, vm1  }
0x4c7: {  	v18 =	vxor.u32 v11, v18;
	v19 =	vsel vm1, $0x100, v4;
	vm13 =	vmor vm2, vm1  }
0x4c8: {  	v24 =	vor.u32 v8, v19;
	v8 =	vand.u32 $0x7FFFFFFF, v22;
	v19 =	vand.u32 $0x7FFFFFFF, v20  }
0x4c9: {  	v20 =	vand.u32 $0x7FFFFFFF, v21;
	v22 =	vxor.u32 v9, v15;
	v21 =	vshra.s32 v18, $0x8  }
0x4ca: {  	v18 =	vand.u32 $0xFF, v18;
	v17 =	vxor.u32 v17, v8;
	v8 =	vand.u32 $0x7FFFFFFF, v23  }
0x4cb: {  	v23 =	vxor.u32 v10, v14;
	v25 =	vxor.u32 v12, v19;
	v9 =	vxor.u32 v13, v20  }
0x4cc: {  	v19 =	vshra.s32 v22, $0x8;
	vm4 =	veq.s32 v21, v6;
	vm14 =	veq.s32 v21, v5  }
0x4cd: {  	v10 =	vshra.s32 v17, $0x8;
	v8 =	vxor.u32 v16, v8;
	v20 =	vshra.s32 v23, $0x8  }
0x4ce: {  	v26 =	vshra.s32 v25, $0x8;
	v27 =	vshra.s32 v9, $0x8;
	vm2 =	veq.s32 v19, v6  }
0x4cf: {  	vm6 =	vmand vm0, vm4;
	v21 =	vand.u32 $0xFF, v17;
	v17 =	vand.u32 $0xFF, v25  }
0x4d0: {  	v28 =	vshra.s32 v8, $0x8;
	vm1 =	veq.s32 v10, v6;
	vm3 =	veq.s32 v20, v6  }
0x4d1: {  	vm5 =	veq.s32 v26, v6;
	vm10 =	veq.s32 v27, v6;
	vm8 =	vmand vm0, vm2  }
0x4d2: {  	v13 =	vsel vm6, $0x100, v4;
	vm4 =	veq.s32 v10, v5;
	vm15 =	veq.s32 v20, v5  }
0x4d3: {  	vm12 =	veq.s32 v26, v5;
	v20 =	vand.u32 $0xFF, v23;
	vm9 =	vmand vm0, vm1  }
0x4d4: {  	vm1 =	veq.s32 v28, v6;
	vm7 =	vmand vm0, vm3;
	vm5 =	vmand vm0, vm5  }
0x4d5: {  	vm2 =	vmand vm0, vm10;
	v16 =	vsel vm8, $0x100, v4;
	vm3 =	veq.s32 v19, v5  }
0x4d6: {  	vm10 =	veq.s32 v27, v5;
	v19 =	vand.u32 $0xFF, v22;
	vm11 =	veq.s32 v28, v5  }
0x4d7: {  	v15 =	vsel vm9, $0x100, v4;
	vm1 =	vmand vm0, vm1;
	v14 =	vsel vm7, $0x100, v4  }
0x4d8: {  	s6 =	simm.s32 $0x0;
	s9 =	simm.s32 $0x80C0;
	v12 =	vsel vm5, $0x100, v4;
	v11 =	vsel vm2, $0x100, v4;
	[tilespmem:v24+s10+$0x0] =	vst.idx.add.s32.msk vm13, v7;
	v10 =	vsel vm1, $0x100, v4  }
.LBB2_36:
0x4d9: {  	v22 =	vld [tilespmem:s9+$0x30];
	s6 =	sadd.s32 $0x8, s6;
	vm9 =	vmor vm4, vm9;
	v9 =	vand.u32 $0xFF, v9;
	v8 =	vand.u32 $0xFF, v8  }
0x4da: {  	v15 =	vor.u32 v21, v15;
	vm8 =	vmor vm3, vm8;
	v16 =	vor.u32 v19, v16;
	v23 =	vld [tilespmem:s9+$0xFFFFFFD0];
	p1 =	slt.u32 s6, $0x7F8  }
0x4db: {  	vm7 =	vmor vm15, vm7;
	v14 =	vor.u32 v20, v14;
	vm6 =	vmor vm14, vm6;
	v19 =	vld [tilespmem:s9+$0xFFFFFFE0]  }
0x4dc: {  	v13 =	vor.u32 v18, v13;
	vm3 =	vmor vm12, vm5;
	v12 =	vor.u32 v17, v12;
	v20 =	vld [tilespmem:s9+$0xFFFFFFF0]  }
0x4dd: {  	vm2 =	vmor vm10, vm2;
	vm1 =	vmor vm11, vm1;
	v9 =	vor.u32 v9, v11;
	v17 =	vld [tilespmem:s9+$0x0]  }
0x4de: {  	v8 =	vor.u32 v8, v10;
	v11 =	vld [tilespmem:s9+$0x10];
	v18 =	vshra.s32 v22, $0x1F  }
0x4df: {  	v10 =	vshra.s32 v23, $0x1F;
	v21 =	vld [tilespmem:s9+$0x20];
	v18 =	vand.u32 $0x7FFFFFFF, v18  }
0x4e0: {  	v24 =	vld [tilespmem:s9+$0xFFFFFFC0];
	v10 =	vand.u32 $0x7FFFFFFF, v10;
	v25 =	vshra.s32 v19, $0x1F;
	v18 =	vxor.u32 v22, v18  }
0x4e1: {  	v22 =	vand.u32 $0x7FFFFFFF, v25;
	v25 =	vshra.s32 v20, $0x1F;
	v26 =	vshra.s32 v18, $0x8;
	[tilespmem:v15+s10+$0x0] =	vst.idx.add.s32.msk vm9, v7  }
0x4e2: {  	v15 =	vand.u32 $0x7FFFFFFF, v25;
	v25 =	vshra.s32 v17, $0x1F;
	vm4 =	veq.s32 v26, v6;
	[tilespmem:v16+s10+$0x0] =	vst.idx.add.s32.msk vm8, v7  }
0x4e3: {  	vm5 =	veq.s32 v26, v5;
	v16 =	vshra.s32 v11, $0x1F;
	vm4 =	vmand vm0, vm4;
	[tilespmem:v14+s10+$0x0] =	vst.idx.add.s32.msk vm7, v7  }
0x4e4: {  	v18 =	vand.u32 $0xFF, v18;
	v14 =	vsel vm4, $0x100, v4;
	vm4 =	vmor vm5, vm4;
	[tilespmem:v13+s10+$0x0] =	vst.idx.add.s32.msk vm6, v7  }
0x4e5: {  	v26 =	vshra.s32 v21, $0x1F;
	v13 =	vshra.s32 v24, $0x1F;
	v14 =	vor.u32 v18, v14;
	[tilespmem:v12+s10+$0x0] =	vst.idx.add.s32.msk vm3, v7  }
0x4e6: {  	v16 =	vand.u32 $0x7FFFFFFF, v16;
	v12 =	vand.u32 $0x7FFFFFFF, v13;
	v13 =	vand.u32 $0x7FFFFFFF, v25;
	[tilespmem:v9+s10+$0x0] =	vst.idx.add.s32.msk vm2, v7  }
0x4e7: {  	v23 =	vxor.u32 v23, v10;
	v10 =	vand.u32 $0x7FFFFFFF, v26;
	v18 =	vxor.u32 v24, v12;
	[tilespmem:v8+s10+$0x0] =	vst.idx.add.s32.msk vm1, v7  }
0x4e8: {  	v22 =	vxor.u32 v19, v22;
	v24 =	vxor.u32 v20, v15;
	v17 =	vxor.u32 v17, v13  }
0x4e9: {  	v9 =	vxor.u32 v11, v16;
	v8 =	vxor.u32 v21, v10;
	v19 =	vshra.s32 v18, $0x8  }
0x4ea: {  	v20 =	vshra.s32 v23, $0x8;
	v21 =	vshra.s32 v22, $0x8;
	v25 =	vshra.s32 v24, $0x8;
	[tilespmem:v14+s10+$0x0] =	vst.idx.add.s32.msk vm4, v7  }
0x4eb: {  	v27 =	vshra.s32 v9, $0x8;
	v26 =	vshra.s32 v17, $0x8;
	v28 =	vshra.s32 v8, $0x8  }
0x4ec: {  	vm2 =	veq.s32 v20, v6;
	vm3 =	veq.s32 v21, v6;
	vm1 =	veq.s32 v19, v6  }
0x4ed: {  	vm10 =	veq.s32 v27, v6;
	vm5 =	veq.s32 v26, v6;
	vm4 =	veq.s32 v25, v6  }
0x4ee: {  	vm8 =	vmand vm0, vm2;
	vm9 =	vmand vm0, vm1;
	vm1 =	veq.s32 v28, v6  }
0x4ef: {  	vm7 =	vmand vm0, vm3;
	vm5 =	vmand vm0, vm5;
	vm6 =	vmand vm0, vm4  }
0x4f0: {  	vm2 =	vmand vm0, vm10;
	v15 =	vsel vm9, $0x100, v4;
	vm1 =	vmand vm0, vm1  }
0x4f1: {  	v16 =	vsel vm8, $0x100, v4;
	v14 =	vsel vm7, $0x100, v4;
	v13 =	vsel vm6, $0x100, v4  }
.Ltmp17:
0x4f2: {  	v11 =	vsel vm2, $0x100, v4;
	v12 =	vsel vm5, $0x100, v4;
	v10 =	vsel vm1, $0x100, v4;
	(pc) =	sbr.rel @p1 .LBB2_36-.Ltmp17, $4  }
0x4f3: {  	vm15 =	veq.s32 v21, v5;
	vm3 =	veq.s32 v20, v5;
	vm4 =	veq.s32 v19, v5  }
0x4f4: {  	vm14 =	veq.s32 v25, v5;
	vm12 =	veq.s32 v26, v5;
	vm10 =	veq.s32 v27, v5  }
0x4f5: {  	v21 =	vand.u32 $0xFF, v18;
	vm11 =	veq.s32 v28, v5;
	v19 =	vand.u32 $0xFF, v23  }
0x4f6: {  	s9 =	sadd.s32 $0x80, s9;
	v18 =	vand.u32 $0xFF, v24;
	v17 =	vand.u32 $0xFF, v17;
	v20 =	vand.u32 $0xFF, v22  }
0x4f7: {  	vm4 =	vmor vm4, vm9  }
0x4f8: {  	v15 =	vor.u32 v21, v15;
	vm3 =	vmor vm3, vm8  }
0x4f9: {  	v16 =	vor.u32 v19, v16;
	vm7 =	vmor vm15, vm7  }
0x4fa: {  	v14 =	vor.u32 v20, v14;
	vm6 =	vmor vm14, vm6  }
0x4fb: {  	v13 =	vor.u32 v18, v13;
	vm5 =	vmor vm12, vm5  }
0x4fc: {  	v9 =	vand.u32 $0xFF, v9;
	v12 =	vor.u32 v17, v12;
	vm2 =	vmor vm10, vm2  }
0x4fd: {  	v8 =	vand.u32 $0xFF, v8;
	vm1 =	vmor vm11, vm1;
	s2 =	sadd.s32 $0x1, s2;
	v9 =	vor.u32 v9, v11;
	[tilespmem:v15+s10+$0x0] =	vst.idx.add.s32.msk vm4, v7  }
0x4fe: {  	v8 =	vor.u32 v8, v10;
	p1 =	sne.s32 s2, $0x4;
	[tilespmem:v16+s10+$0x0] =	vst.idx.add.s32.msk vm3, v7  }
.Ltmp18:
0x4ff: {  	[tilespmem:v14+s10+$0x0] =	vst.idx.add.s32.msk vm7, v7;
	(pc) =	sbr.rel @p1 .LBB2_33-.Ltmp18, $4  }
0x500: {  	[tilespmem:v13+s10+$0x0] =	vst.idx.add.s32.msk vm6, v7  }
0x501: {  	[tilespmem:v12+s10+$0x0] =	vst.idx.add.s32.msk vm5, v7  }
0x502: {  	[tilespmem:v9+s10+$0x0] =	vst.idx.add.s32.msk vm2, v7  }
0x503: {  	[tilespmem:v8+s10+$0x0] =	vst.idx.add.s32.msk vm1, v7  }
0x504: {  	(v2sf) =	vpush v1, $0xF  }
0x505: {  	(v2sf) =	vpush v2, $0xF  }
0x506: {  	(v2sf) =	vpush v3, $0xF;
	_ =	sdelay $0xa  }
0x507: {  	s1 =	simm.s32 $0x80;
	s2 =	simm.s32 $0x400;
	s4 =	simm.s32 $0x10000  }
0x508: {  	[spmem:s19] =	stream.strided.scatter [tilespmem:s4], [sflag:$0x4], $0x200, s2, s1, $0x38;
	[tilespmem:$0x16488] =	vst v63  }
0x509: {  	s3 =	spop (v2sf)  }
0x50a: {  	s0 =	spop (v2sf)  }
0x50b: {  	s1 =	simm.s32 $0x4;
	s4 =	spop (v2sf)  }
0x50c: {  	_ =	swait.ge [sflag:s1], $0x200  }
0x50d: {  	[sflag:s1] =	ssyncset.done $0x0  }
0x50e: {  	[sflag:s1] =	ssyncadd.s32 $0xFFFFFE00  }
0x50f: {  	[bflag:$0x0] =	sbarrier.arrive $0xFFFF  }
0x510: {  	s5 =	simm.s32 $0x12000;
	s23 =	rddreg [dreg:$0x9]  }
0x511: {  	[tilespmem:s5], [sflag:$0x3] =	stream.linear.gather [spmem:s23], $0x20, $0x38;
	[tilespmem:$0x16488] =	vst v63  }
0x512: {  	s2 =	simm.s32 $0x12020;
	s6 =	rddreg [dreg:$0x19]  }
0x513: {  	[tilespmem:s2], [sflag:$0x3] =	stream.linear.gather [spmem:s6], $0x20, $0x38;
	[tilespmem:$0x16488] =	vst v63  }
0x514: {  	s24 =	simm.s32 $0x12040;
	s7 =	rddreg [dreg:$0x17]  }
0x515: {  	[tilespmem:s24], [sflag:$0x3] =	stream.linear.gather [spmem:s7], $0x20, $0x38;
	[tilespmem:$0x16488] =	vst v63  }
0x516: {  	s25 =	simm.s32 $0x12060;
	s26 =	rddreg [dreg:$0x18]  }
0x517: {  	[tilespmem:s25], [sflag:$0x3] =	stream.linear.gather [spmem:s26], $0x20, $0x38;
	[tilespmem:$0x16488] =	vst v63  }
0x518: {  	s28 =	simm.s32 $0x12080;
	s29 =	rddreg [dreg:$0x16]  }
0x519: {  	[tilespmem:s28], [sflag:$0x3] =	stream.linear.gather [spmem:s29], $0x20, $0x38;
	[tilespmem:$0x16488] =	vst v63  }
0x51a: {  	s30 =	simm.s32 $0x120A0;
	s31 =	rddreg [dreg:$0x13]  }
0x51b: {  	[tilespmem:s30], [sflag:$0x3] =	stream.linear.gather [spmem:s31], $0x20, $0x38;
	[tilespmem:$0x16488] =	vst v63  }
0x51c: {  	s8 =	rddreg [dreg:$0x14];
	s7 =	simm.s32 $0x120C0  }
0x51d: {  	[tilespmem:s7], [sflag:$0x3] =	stream.linear.gather [spmem:s8], $0x20, $0x38;
	[tilespmem:$0x16488] =	vst v63  }
0x51e: {  	s9 =	simm.s32 $0x120E0;
	s10 =	rddreg [dreg:$0x10]  }
0x51f: {  	[tilespmem:s9], [sflag:$0x3] =	stream.linear.gather [spmem:s10], $0x20, $0x38;
	[tilespmem:$0x16488] =	vst v63  }
0x520: {  	s11 =	simm.s32 $0x12100;
	s12 =	rddreg [dreg:$0xe]  }
0x521: {  	[tilespmem:s11], [sflag:$0x3] =	stream.linear.gather [spmem:s12], $0x20, $0x38;
	[tilespmem:$0x16488] =	vst v63  }
0x522: {  	s13 =	simm.s32 $0x12120;
	s15 =	rddreg [dreg:$0x15]  }
0x523: {  	[tilespmem:s13], [sflag:$0x3] =	stream.linear.gather [spmem:s15], $0x20, $0x38;
	[tilespmem:$0x16488] =	vst v63  }
0x524: {  	s16 =	simm.s32 $0x12140;
	s17 =	rddreg [dreg:$0x11]  }
0x525: {  	[tilespmem:s16], [sflag:$0x3] =	stream.linear.gather [spmem:s17], $0x20, $0x38;
	[tilespmem:$0x16488] =	vst v63  }
0x526: {  	s18 =	simm.s32 $0x12160;
	s19 =	rddreg [dreg:$0x12]  }
0x527: {  	[tilespmem:s18], [sflag:$0x3] =	stream.linear.gather [spmem:s19], $0x20, $0x38;
	[tilespmem:$0x16488] =	vst v63  }
0x528: {  	s20 =	simm.s32 $0x12180;
	s21 =	rddreg [dreg:$0xf]  }
0x529: {  	[tilespmem:s20], [sflag:$0x3] =	stream.linear.gather [spmem:s21], $0x20, $0x38;
	[tilespmem:$0x16488] =	vst v63  }
0x52a: {  	s22 =	simm.s32 $0x121A0;
	s23 =	rddreg [dreg:$0xc]  }
0x52b: {  	[tilespmem:s22], [sflag:$0x3] =	stream.linear.gather [spmem:s23], $0x20, $0x38;
	[tilespmem:$0x16488] =	vst v63  }
0x52c: {  	s24 =	simm.s32 $0x121C0;
	s25 =	rddreg [dreg:$0xd]  }
0x52d: {  	[tilespmem:s24], [sflag:$0x3] =	stream.linear.gather [spmem:s25], $0x20, $0x38;
	[tilespmem:$0x16488] =	vst v63  }
0x52e: {  	s26 =	simm.s32 $0x121E0;
	s28 =	rddreg [dreg:$0xb];
	s29 =	simm.s32 $0x3  }
0x52f: {  	[tilespmem:s26], [sflag:$0x3] =	stream.linear.gather [spmem:s28], $0x20, $0x38;
	[tilespmem:$0x16488] =	vst v63  }
0x530: {  	_ =	swait.ge [sflag:s29], $0x20  }
0x531: {  	[sflag:s29] =	ssyncset.done $0x0  }
0x532: {  	[sflag:s29] =	ssyncadd.s32 $0xFFFFFFE0  }
0x533: {  	_ =	swait.ge [sflag:s29], $0x20  }
0x534: {  	[sflag:s29] =	ssyncset.done $0x0  }
0x535: {  	[sflag:s29] =	ssyncadd.s32 $0xFFFFFFE0  }
0x536: {  	_ =	swait.ge [sflag:s29], $0x20  }
0x537: {  	[sflag:s29] =	ssyncset.done $0x0  }
0x538: {  	[sflag:s29] =	ssyncadd.s32 $0xFFFFFFE0  }
0x539: {  	_ =	swait.ge [sflag:s29], $0x20  }
0x53a: {  	[sflag:s29] =	ssyncset.done $0x0  }
0x53b: {  	[sflag:s29] =	ssyncadd.s32 $0xFFFFFFE0  }
0x53c: {  	_ =	swait.ge [sflag:s29], $0x20  }
0x53d: {  	[sflag:s29] =	ssyncset.done $0x0  }
0x53e: {  	[sflag:s29] =	ssyncadd.s32 $0xFFFFFFE0  }
0x53f: {  	_ =	swait.ge [sflag:s29], $0x20  }
0x540: {  	[sflag:s29] =	ssyncset.done $0x0  }
0x541: {  	[sflag:s29] =	ssyncadd.s32 $0xFFFFFFE0  }
0x542: {  	_ =	swait.ge [sflag:s29], $0x20  }
0x543: {  	[sflag:s29] =	ssyncset.done $0x0  }
0x544: {  	[sflag:s29] =	ssyncadd.s32 $0xFFFFFFE0  }
0x545: {  	_ =	swait.ge [sflag:s29], $0x20  }
0x546: {  	[sflag:s29] =	ssyncset.done $0x0  }
0x547: {  	[sflag:s29] =	ssyncadd.s32 $0xFFFFFFE0  }
0x548: {  	_ =	swait.ge [sflag:s29], $0x20  }
0x549: {  	[sflag:s29] =	ssyncset.done $0x0  }
0x54a: {  	[sflag:s29] =	ssyncadd.s32 $0xFFFFFFE0  }
0x54b: {  	_ =	swait.ge [sflag:s29], $0x20  }
0x54c: {  	[sflag:s29] =	ssyncset.done $0x0  }
0x54d: {  	[sflag:s29] =	ssyncadd.s32 $0xFFFFFFE0  }
0x54e: {  	_ =	swait.ge [sflag:s29], $0x20  }
0x54f: {  	[sflag:s29] =	ssyncset.done $0x0  }
0x550: {  	[sflag:s29] =	ssyncadd.s32 $0xFFFFFFE0  }
0x551: {  	_ =	swait.ge [sflag:s29], $0x20  }
0x552: {  	[sflag:s29] =	ssyncset.done $0x0  }
0x553: {  	[sflag:s29] =	ssyncadd.s32 $0xFFFFFFE0  }
0x554: {  	_ =	swait.ge [sflag:s29], $0x20  }
0x555: {  	[sflag:s29] =	ssyncset.done $0x0  }
0x556: {  	[sflag:s29] =	ssyncadd.s32 $0xFFFFFFE0  }
0x557: {  	_ =	swait.ge [sflag:s29], $0x20  }
0x558: {  	[sflag:s29] =	ssyncset.done $0x0  }
0x559: {  	[sflag:s29] =	ssyncadd.s32 $0xFFFFFFE0  }
0x55a: {  	_ =	swait.ge [sflag:s29], $0x20  }
0x55b: {  	[sflag:s29] =	ssyncset.done $0x0  }
0x55c: {  	[sflag:s29] =	ssyncadd.s32 $0xFFFFFFE0  }
0x55d: {  	_ =	swait.ge [sflag:s29], $0x20  }
0x55e: {  	[sflag:s29] =	ssyncset.done $0x0  }
0x55f: {  	[sflag:s29] =	ssyncadd.s32 $0xFFFFFFE0  }
0x560: {  	v1 =	vld [tilespmem:$0x12000]  }
0x561: {  	v2 =	vld [tilespmem:$0x12020]  }
0x562: {  	v3 =	vld [tilespmem:$0x12040]  }
0x563: {  	v4 =	vld [tilespmem:$0x12060]  }
0x564: {  	v5 =	vld [tilespmem:$0x12080]  }
0x565: {  	v6 =	vld [tilespmem:$0x120A0]  }
0x566: {  	v7 =	vld [tilespmem:$0x120C0]  }
0x567: {  	v8 =	vld [tilespmem:$0x120E0]  }
0x568: {  	v9 =	vld [tilespmem:$0x12100]  }
0x569: {  	v10 =	vld [tilespmem:$0x12120]  }
0x56a: {  	v11 =	vld [tilespmem:$0x12140]  }
0x56b: {  	v12 =	vld [tilespmem:$0x12160]  }
0x56c: {  	v13 =	vld [tilespmem:$0x12180]  }
0x56d: {  	v14 =	vld [tilespmem:$0x121A0]  }
0x56e: {  	v15 =	vld [tilespmem:$0x121C0]  }
0x56f: {  	v16 =	vld [tilespmem:$0x121E0]  }
0x570: {  	v17 =	vld [tilespmem:$0x12010]  }
0x571: {  	v18 =	vld [tilespmem:$0x12030]  }
0x572: {  	v19 =	vld [tilespmem:$0x12050]  }
0x573: {  	v20 =	vld [tilespmem:$0x12070]  }
0x574: {  	v21 =	vld [tilespmem:$0x12090]  }
0x575: {  	v1 =	vadd.s32 v1, v2;
	v2 =	vld [tilespmem:$0x120B0]  }
0x576: {  	v56 =	vld [tilespmem:$0x120D0];
	v1 =	vadd.s32 v3, v1;
	v3 =	vadd.s32 v17, v18  }
0x577: {  	v57 =	vld [tilespmem:$0x120F0];
	v1 =	vadd.s32 v4, v1;
	v3 =	vadd.s32 v19, v3  }
0x578: {  	v58 =	vld [tilespmem:$0x12110];
	v1 =	vadd.s32 v5, v1;
	v3 =	vadd.s32 v20, v3  }
0x579: {  	v59 =	vld [tilespmem:$0x12130];
	v1 =	vadd.s32 v6, v1;
	v3 =	vadd.s32 v21, v3  }
0x57a: {  	v1 =	vadd.s32 v7, v1;
	v2 =	vadd.s32 v2, v3;
	v3 =	vld [tilespmem:$0x12150]  }
0x57b: {  	v60 =	vld [tilespmem:$0x12170];
	v1 =	vadd.s32 v8, v1;
	v2 =	vadd.s32 v56, v2  }
0x57c: {  	v61 =	vld [tilespmem:$0x12190];
	v1 =	vadd.s32 v9, v1;
	v2 =	vadd.s32 v57, v2  }
0x57d: {  	v62 =	vld [tilespmem:$0x121B0];
	v1 =	vadd.s32 v10, v1;
	v2 =	vadd.s32 v58, v2  }
0x57e: {  	v63 =	vld [tilespmem:$0x121D0];
	v1 =	vadd.s32 v11, v1;
	v2 =	vadd.s32 v59, v2  }
0x57f: {  	v1 =	vadd.s32 v12, v1;
	v2 =	vadd.s32 v3, v2;
	v3 =	vld [tilespmem:$0x121F0]  }
0x580: {  	v1 =	vadd.s32 v13, v1;
	v2 =	vadd.s32 v60, v2  }
0x581: {  	v1 =	vadd.s32 v14, v1;
	v2 =	vadd.s32 v61, v2  }
0x582: {  	v1 =	vadd.s32 v15, v1;
	v2 =	vadd.s32 v62, v2  }
0x583: {  	v1 =	vadd.s32 v16, v1;
	v2 =	vadd.s32 v63, v2  }
0x584: {  	[tilespmem:$0x14000] =	vst v1;
	v1 =	vadd.s32 v3, v2  }
0x585: {  	s30 =	simm.s32 $0x14000;
	s31 =	rddreg [dreg:$0xa];
	[tilespmem:$0x14010] =	vst v1  }
0x586: {  	[spmem:s31] =	stream.linear.scatter [tilespmem:s30], [sflag:$0x4], $0x20, $0x38;
	[tilespmem:$0x16488] =	vst v63  }
0x587: {  	_ =	swait.ge [sflag:s1], $0x20  }
0x588: {  	[sflag:s1] =	ssyncset.done $0x0  }
0x589: {  	[sflag:s1] =	ssyncadd.s32 $0xFFFFFFE0  }
0x58a: {  	[bflag:$0x0] =	sbarrier.arrive $0xFFFF  }
0x58b: {  	_ =	sfence.sel @p0 $0x180000  }
0x58c: {  	[bflag:$0x0] =	sbarrier.arrive @p0 $0xFFFF  }
0x58d: {  	_ =	strace @p0 $0x90000047  }
0x58e: {  	[bflag:$0x2] =	sbarrier.arrive @p0 $0xFFFF  }
0x58f: {  	_ =	shalt @p0  }
.LBB2_39:
0x590: {  	vm0 =	vcmask $0xB10  }
0x591: {  	v1 =	vsel vm0, $0x0, v0;
	vm0 =	vcmask $0x70C  }
0x592: {  	(xrf0) =	vadd.scan.msk.s32 $0xffff, v1;
	v0 =	vsel vm0, $0x0, v0  }
0x593: {  	(xrf0) =	vadd.scan.msk.s32 $0xffff, v0;
	_ =	sdelay $0x4  }
0x594: {  	v0, _, _ =	vpop (xrf0)  }
0x595: {  	[tilespmem:s5], [sflag:$0x4] =	stream.linear.gather [spmem:s14], $0x200, $0x38;
	v1, _, _ =	vpop (xrf0);
	[tilespmem:$0x16488] =	vst v63  }
0x596: {  	_ =	swait.ge [sflag:s1], $0x200  }
0x597: {  	[sflag:s1] =	ssyncset.done $0x0  }
0x598: {  	[sflag:s1] =	ssyncadd.s32 $0xFFFFFE00  }
0x599: {  	v2 =	vld [tilespmem:s2+$0xFFFFFFE0]  }
0x59a: {  	v3 =	vld [tilespmem:s2+$0xFFFFFFF0];
	_ =	sdelay $0x3  }
0x59b: {  	(xrf0) =	vadd.scan.msk.s32 $0xffff, v2  }
0x59c: {  	v2 =	vld [tilespmem:s2+$0x0];
	(xrf0) =	vadd.scan.msk.s32 $0xffff, v3  }
0x59d: {  	v3 =	vld [tilespmem:s2+$0x10];
	_ =	sdelay $0x3  }
0x59e: {  	(xrf0) =	vadd.scan.msk.s32 $0xffff, v2;
	v4, _, _ =	vpop (xrf0)  }
0x59f: {  	(xrf0) =	vadd.scan.msk.s32 $0xffff, v3;
	(v2sf) =	vpush v4, $0xF;
	v3, _, _ =	vpop (xrf0)  }
0x5a0: {  	(v2sf) =	vpush v3, $0xF;
	_ =	sdelay $0x3  }
0x5a1: {  	s19 =	simm.s32 $0x0;
	v2 =	vbroadcast v1, $0xF  }
0x5a2: {  	v4 =	vadd.s32 s19, v4;
	v5, _, _ =	vpop (xrf0)  }
0x5a3: {  	s20 =	simm.s32 $0x12060;
	v1 =	vimm.s32 $0x0;
	vm0 =	vlt.s32 v4, v2;
	(v2sf) =	vpush v5, $0xF;
	v6, _, _ =	vpop (xrf0)  }
0x5a4: {  	v7 =	vld [tilespmem:s20+$0xFFFFFFE0];
	v9 =	vsel vm0, $0x1, v1;
	(v2sf) =	vpush v6, $0xF  }
0x5a5: {  	(xrf0) =	vadd.scan.msk.s32 $0xffff, v9  }
0x5a6: {  	v8 =	vld [tilespmem:s20+$0xFFFFFFF0]  }
0x5a7: {  	v10 =	vld [tilespmem:s20+$0x0];
	_ =	sdelay $0x1  }
0x5a8: {  	v0 =	vbroadcast v0, $0xF;
	v9 =	vld [tilespmem:s20+$0x10];
	(xrf0) =	vadd.scan.msk.s32 $0xffff, v7;
	_ =	sdelay $0x1  }
0x5a9: {  	vm0 =	vlt.s32 v4, v0;
	(xrf0) =	vadd.scan.msk.s32 $0xffff, v8;
	v4, _, _ =	vpop (xrf0);
	s21 =	spop (v2sf)  }
0x5aa: {  	(xrf0) =	vadd.scan.msk.s32 $0xffff, v10;
	s1 =	sadd.s32 $0x0, s21;
	s22 =	spop (v2sf);
	(v2sf) =	vpush v4, $0xF;
	v4 =	vsel vm0, $0x1, v1  }
0x5ab: {  	v3 =	vadd.s32 s1, v3  }
0x5ac: {  	(xrf0) =	vadd.scan.msk.s32 $0xffff, v9;
	s1 =	sadd.s32 s22, s1;
	vm0 =	vlt.s32 v3, v2  }
0x5ad: {  	(xrf0) =	vadd.scan.msk.s32 $0xffff, v4;
	vm1 =	vlt.s32 v3, v0;
	v3 =	vadd.s32 s1, v5;
	v4, _, _ =	vpop (xrf0);
	v5 =	vsel vm0, $0x1, v1  }
0x5ae: {  	(v2sf) =	vpush v4, $0xF  }
0x5af: {  	v7 =	vsel vm1, $0x1, v1;
	vm0 =	vlt.s32 v3, v0;
	v8, _, _ =	vpop (xrf0);
	(xrf0) =	vadd.scan.msk.s32 $0xffff, v5  }
0x5b0: {  	v9 =	vsel vm0, $0x1, v1;
	s23 =	spop (v2sf);
	v5, _, _ =	vpop (xrf0);
	(xrf0) =	vadd.scan.msk.s32 $0xffff, v7  }
0x5b1: {  	(v2sf) =	vpush v8, $0xF;
	s1 =	sadd.s32 s23, s1;
	s24 =	spop (v2sf);
	(xrf0) =	vadd.scan.msk.s32 $0xffff, v9  }
0x5b2: {  	vm0 =	vlt.s32 v3, v2;
	s2 =	sadd.s32 s24, s1;
	v6 =	vadd.s32 s1, v6;
	(v2sf) =	vpush v5, $0xF  }
0x5b3: {  	v7, _, _ =	vpop (xrf0);
	v4 =	vadd.s32 s2, v4;
	vm1 =	vlt.s32 v6, v2;
	v9 =	vsel vm0, $0x1, v1  }
0x5b4: {  	(v2sf) =	vpush v7, $0xF;
	v3, _, _ =	vpop (xrf0);
	vm0 =	vlt.s32 v4, v2;
	v10 =	vsel vm1, $0x1, v1;
	(xrf0) =	vadd.scan.msk.s32 $0xffff, v9  }
0x5b5: {  	s7 =	simm.s32 $0x120A0;
	vm1 =	vlt.s32 v6, v0;
	(v2sf) =	vpush v3, $0xF;
	v6 =	vsel vm0, $0x1, v1;
	v3, _, _ =	vpop (xrf0);
	(xrf0) =	vadd.scan.msk.s32 $0xffff, v10  }
0x5b6: {  	v9 =	vld [tilespmem:s7+$0xFFFFFFE0];
	v10 =	vsel vm1, $0x1, v1;
	(v2sf) =	vpush v3, $0xF;
	(xrf0) =	vadd.scan.msk.s32 $0xffff, v6;
	v3, _, _ =	vpop (xrf0)  }
0x5b7: {  	v6 =	vld [tilespmem:s7+$0xFFFFFFF0];
	(v2sf) =	vpush v3, $0xF;
	v3, _, _ =	vpop (xrf0);
	(xrf0) =	vadd.scan.msk.s32 $0xffff, v10  }
0x5b8: {  	(v2sf) =	vpush v3, $0xF;
	v3 =	vld [tilespmem:s7+$0x0];
	_ =	sdelay $0x1  }
0x5b9: {  	v11, _, _ =	vpop (xrf0)  }
0x5ba: {  	v10 =	vld [tilespmem:s7+$0x10];
	(xrf0) =	vadd.scan.msk.s32 $0xffff, v9;
	s25 =	spop (v2sf);
	(v2sf) =	vpush v11, $0xF;
	v9, _, _ =	vpop (xrf0)  }
0x5bb: {  	(xrf0) =	vadd.scan.msk.s32 $0xffff, v6;
	v6, _, _ =	vpop (xrf0);
	(v2sf) =	vpush v9, $0xF  }
0x5bc: {  	(xrf0) =	vadd.scan.msk.s32 $0xffff, v3;
	s26 =	spop (v2sf);
	(v2sf) =	vpush v6, $0xF;
	v3, _, _ =	vpop (xrf0)  }
0x5bd: {  	(v2sf) =	vpush v3, $0xF  }
0x5be: {  	vm0 =	vlt.s32 v4, v0;
	s2 =	sadd.s32 s2, s26  }
0x5bf: {  	(xrf0) =	vadd.scan.msk.s32 $0xffff, v10;
	s28 =	spop (v2sf);
	v3 =	vsel vm0, $0x1, v1;
	v4 =	vadd.s32 s2, v8  }
0x5c0: {  	s2 =	sadd.s32 s28, s2;
	vm0 =	vlt.s32 v4, v2  }
0x5c1: {  	(xrf0) =	vadd.scan.msk.s32 $0xffff, v3;
	s29 =	spop (v2sf);
	vm1 =	vlt.s32 v4, v0;
	v6 =	vadd.s32 s2, v5;
	v4 =	vsel vm0, $0x1, v1  }
0x5c2: {  	s2 =	sadd.s32 s29, s2;
	v3, _, _ =	vpop (xrf0);
	v8 =	vsel vm1, $0x1, v1;
	vm0 =	vlt.s32 v6, v0  }
0x5c3: {  	s30 =	spop (v2sf);
	vm1 =	vlt.s32 v6, v2;
	v7 =	vadd.s32 s2, v7;
	(v2sf) =	vpush v3, $0xF;
	v5, _, _ =	vpop (xrf0);
	(xrf0) =	vadd.scan.msk.s32 $0xffff, v4  }
0x5c4: {  	s12 =	sadd.s32 s30, s2;
	v6 =	vsel vm0, $0x1, v1;
	s31 =	spop (v2sf);
	v10 =	vsel vm1, $0x1, v1;
	(v2sf) =	vpush v5, $0xF;
	(xrf0) =	vadd.scan.msk.s32 $0xffff, v8;
	v4, _, _ =	vpop (xrf0)  }
0x5c5: {  	v9 =	vadd.s32 s12, v3;
	vm0 =	vlt.s32 v7, v0;
	s2 =	spop (v2sf);
	(xrf0) =	vadd.scan.msk.s32 $0xffff, v6;
	(v2sf) =	vpush v4, $0xF;
	v3, _, _ =	vpop (xrf0)  }
0x5c6: {  	s8 =	simm.s32 $0x8;
	vm2 =	vlt.s32 v7, v2;
	s5 =	sadd.s32 $0x0, s31;
	v6 =	vsel vm0, $0x1, v1;
	(v2sf) =	vpush v3, $0xF;
	s6 =	spop (v2sf)  }
0x5c7: {  	s1 =	sadd.s32 $0x0, s25;
	vm1 =	vlt.s32 v9, v2;
	vm0 =	vlt.s32 v9, v0;
	v8 =	vsel vm2, $0x1, v1;
	(xrf0) =	vadd.scan.msk.s32 $0xffff, v10;
	v7, _, _ =	vpop (xrf0);
	s5 =	sadd.s32 s6, s5;
	s6 =	spop (v2sf)  }
.LBB2_40:
0x5c8: {  	s8 =	sadd.s32 $0x4, s8;
	v9 =	vsel vm1, $0x1, v1;
	(xrf0) =	vadd.scan.msk.s32 $0xffff, v8  }
0x5c9: {  	s1 =	sadd.s32 s2, s1;
	p0 =	slt.u32 s8, $0xC;
	(xrf0) =	vadd.scan.msk.s32 $0xffff, v9;
	(v2sf) =	vpush v7, $0xF;
	v7, _, _ =	vpop (xrf0);
	s2 =	spop (v2sf)  }
0x5ca: {  	s7 =	sadd.s32 $0x40, s7;
	(v2sf) =	vpush v7, $0xF;
	v7, _, _ =	vpop (xrf0);
	(xrf0) =	vadd.scan.msk.s32 $0xffff, v6;
	s1 =	sadd.s32 s2, s1;
	s2 =	spop (v2sf)  }
0x5cb: {  	s5 =	sadd.s32 s6, s5;
	v6 =	vld [tilespmem:s7+$0xFFFFFFE0];
	s9 =	spop (v2sf);
	(v2sf) =	vpush v7, $0xF;
	v7, _, _ =	vpop (xrf0);
	s1 =	sadd.s32 s2, s1  }
0x5cc: {  	v8 =	vld [tilespmem:s7+$0xFFFFFFF0];
	s1 =	sadd.s32 s1, s9;
	(v2sf) =	vpush v7, $0xF;
	s2 =	spop (v2sf)  }
0x5cd: {  	v7 =	vld [tilespmem:s7+$0x0];
	v9, _, _ =	vpop (xrf0);
	s5 =	sadd.s32 s2, s5  }
0x5ce: {  	v10 =	vld [tilespmem:s7+$0x10];
	(v2sf) =	vpush v9, $0xF;
	v9, _, _ =	vpop (xrf0)  }
0x5cf: {  	v11, _, _ =	vpop (xrf0);
	(v2sf) =	vpush v9, $0xF  }
0x5d0: {  	(xrf0) =	vadd.scan.msk.s32 $0xffff, v6;
	(v2sf) =	vpush v11, $0xF;
	v6, _, _ =	vpop (xrf0)  }
0x5d1: {  	(xrf0) =	vadd.scan.msk.s32 $0xffff, v8;
	(v2sf) =	vpush v6, $0xF  }
0x5d2: {  	(xrf0) =	vadd.scan.msk.s32 $0xffff, v7;
	s2 =	spop (v2sf)  }
0x5d3: {  	(xrf0) =	vadd.scan.msk.s32 $0xffff, v10;
	s2 =	sadd.s32 s12, s2;
	s6 =	spop (v2sf)  }
0x5d4: {  	v6 =	vsel vm0, $0x1, v1;
	v5 =	vadd.s32 s2, v5;
	s2 =	sadd.s32 s6, s2;
	s6 =	spop (v2sf)  }
0x5d5: {  	vm0 =	vlt.s32 v5, v2;
	vm1 =	vlt.s32 v5, v0;
	v7 =	vadd.s32 s2, v4;
	s2 =	sadd.s32 s6, s2;
	(xrf0) =	vadd.scan.msk.s32 $0xffff, v6;
	s6 =	spop (v2sf)  }
0x5d6: {  	v4, _, _ =	vpop (xrf0);
	v6 =	vsel vm0, $0x1, v1;
	v8 =	vsel vm1, $0x1, v1;
	v9 =	vadd.s32 s2, v3;
	s12 =	sadd.s32 s6, s2  }
.Ltmp19:
0x5d7: {  	vm0 =	vlt.s32 v7, v0;
	v10 =	vadd.s32 s12, v4;
	(v2sf) =	vpush v4, $0xF;
	v5, _, _ =	vpop (xrf0);
	(xrf0) =	vadd.scan.msk.s32 $0xffff, v6;
	(pc) =	sbr.rel @p0 .LBB2_40-.Ltmp19, $4  }
0x5d8: {  	vm1 =	vlt.s32 v7, v2;
	v6 =	vsel vm0, $0x1, v1;
	(v2sf) =	vpush v5, $0xF;
	v4, _, _ =	vpop (xrf0);
	(xrf0) =	vadd.scan.msk.s32 $0xffff, v8;
	s6 =	spop (v2sf)  }
0x5d9: {  	vm2 =	vlt.s32 v9, v2;
	vm0 =	vlt.s32 v9, v0;
	(v2sf) =	vpush v4, $0xF;
	v3, _, _ =	vpop (xrf0);
	(xrf0) =	vadd.scan.msk.s32 $0xffff, v6;
	s2 =	spop (v2sf)  }
0x5da: {  	v9 =	vsel vm1, $0x1, v1;
	v6 =	vsel vm0, $0x1, v1;
	s5 =	sadd.s32 s5, s6;
	(v2sf) =	vpush v3, $0xF;
	s6 =	spop (v2sf)  }
0x5db: {  	vm1 =	vlt.s32 v10, v2;
	v8 =	vsel vm2, $0x1, v1;
	vm0 =	vlt.s32 v10, v0;
	v7, _, _ =	vpop (xrf0);
	(xrf0) =	vadd.scan.msk.s32 $0xffff, v9;
	s5 =	sadd.s32 s6, s5;
	s6 =	spop (v2sf)  }
0x5dc: {  	_ =	sdelay $0x5  }
0x5dd: {  	s11 =	spop (v2sf)  }
0x5de: {  	s9 =	spop (v2sf)  }
0x5df: {  	s8 =	spop (v2sf)  }
0x5e0: {  	s10 =	spop (v2sf)  }
0x5e1: {  	s7 =	spop (v2sf)  }
0x5e2: {  	v9 =	vsel vm1, $0x1, v1;
	(xrf0) =	vadd.scan.msk.s32 $0xffff, v8;
	s7 =	sadd.s32 s12, s7  }
0x5e3: {  	(v2sf) =	vpush v7, $0xF;
	v7, _, _ =	vpop (xrf0);
	(xrf0) =	vadd.scan.msk.s32 $0xffff, v9;
	v5 =	vadd.s32 s7, v5  }
0x5e4: {  	(v2sf) =	vpush v7, $0xF;
	v7, _, _ =	vpop (xrf0);
	(xrf0) =	vadd.scan.msk.s32 $0xffff, v6;
	v6 =	vsel vm0, $0x1, v1;
	s20 =	spop (v2sf);
	vm13 =	vlt.s32 v5, v2  }
0x5e5: {  	(v2sf) =	vpush v7, $0xF;
	v7, _, _ =	vpop (xrf0);
	s12 =	sadd.s32 s20, s7;
	s13 =	spop (v2sf);
	vm14 =	vlt.s32 v5, v0;
	v5 =	vsel vm13, $0x1, v1  }
0x5e6: {  	(xrf0) =	vadd.scan.msk.s32 $0xffff, v6;
	(v2sf) =	vpush v7, $0xF;
	v4 =	vadd.s32 s12, v4;
	s12 =	sadd.s32 s13, s12;
	v6 =	vsel vm14, $0x1, v1  }
0x5e7: {  	vm15 =	vlt.s32 v4, v0;
	v3 =	vadd.s32 s12, v3;
	vm4 =	vlt.s32 v4, v2;
	(xrf0) =	vadd.scan.msk.s32 $0xffff, v5  }
0x5e8: {  	s21 =	simm.s32 $0x0;
	v4 =	vsel vm15, $0x1, v1;
	vm5 =	vlt.s32 v3, v2;
	v2 =	vsel vm4, $0x1, v1;
	v5, _, _ =	vpop (xrf0);
	(xrf0) =	vadd.scan.msk.s32 $0xffff, v6  }
0x5e9: {  	s26 =	sand.u32 $0xC0, s21;
	vm6 =	vlt.s32 v3, v0;
	v3 =	vsel vm5, $0x1, v1;
	(v2sf) =	vpush v5, $0xF;
	v5, _, _ =	vpop (xrf0);
	(xrf0) =	vadd.scan.msk.s32 $0xffff, v4  }
0x5ea: {  	s28 =	simm.s32 $0x12130;
	v1 =	vsel vm6, $0x1, v1;
	v6 =	vld [tilespmem:s26+$0x12100];
	v7, _, _ =	vpop (xrf0);
	(v2sf) =	vpush v5, $0xF;
	(xrf0) =	vadd.scan.msk.s32 $0xffff, v2  }
0x5eb: {  	v4 =	vld [tilespmem:s28+$0xFFFFFFE0];
	(v2sf) =	vpush v7, $0xF;
	v5, _, _ =	vpop (xrf0);
	(xrf0) =	vadd.scan.msk.s32 $0xffff, v3  }
0x5ec: {  	v2 =	vld [tilespmem:s28+$0xFFFFFFF0];
	(v2sf) =	vpush v5, $0xF;
	v3, _, _ =	vpop (xrf0);
	(xrf0) =	vadd.scan.msk.s32 $0xffff, v1  }
0x5ed: {  	(v2sf) =	vpush v3, $0xF;
	v1, _, _ =	vpop (xrf0)  }
0x5ee: {  	(v2sf) =	vpush v1, $0xF;
	v1, _, _ =	vpop (xrf0)  }
0x5ef: {  	(xrf0) =	vadd.scan.msk.s32 $0xffff, v6;
	(v2sf) =	vpush v1, $0xF;
	v1, _, _ =	vpop (xrf0)  }
0x5f0: {  	(xrf0) =	vadd.scan.msk.s32 $0xffff, v4;
	(v2sf) =	vpush v1, $0xF;
	v1, _, _ =	vpop (xrf0)  }
0x5f1: {  	(xrf0) =	vadd.scan.msk.s32 $0xffff, v2;
	(v2sf) =	vpush v1, $0xF;
	v1, _, _ =	vpop (xrf0)  }
0x5f2: {  	(v2sf) =	vpush v1, $0xF;
	v1, _, _ =	vpop (xrf0)  }
0x5f3: {  	s29 =	spop (v2sf);
	(v2sf) =	vpush v1, $0xF;
	v1 =	vld [tilespmem:s28+$0x0];
	_ =	sdelay $0x1  }
0x5f4: {  	v2, _, _ =	vpop (xrf0)  }
0x5f5: {  	s24 =	spop (v2sf);
	(v2sf) =	vpush v2, $0xF;
	v3, _, _ =	vpop (xrf0)  }
0x5f6: {  	s25 =	spop (v2sf);
	(v2sf) =	vpush v3, $0xF;
	v4, _, _ =	vpop (xrf0)  }
0x5f7: {  	s28 =	spop (v2sf);
	(v2sf) =	vpush v4, $0xF;
	(xrf0) =	vadd.scan.msk.s32 $0xffff, v1  }
0x5f8: {  	s23 =	spop (v2sf)  }
0x5f9: {  	s26 =	spop (v2sf)  }
0x5fa: {  	s19 =	spop (v2sf)  }
0x5fb: {  	s14 =	spop (v2sf)  }
0x5fc: {  	s30 =	simm.s32 $0x40;
	s22 =	spop (v2sf)  }
0x5fd: {  	s12 =	sand.u32 $0xC0, s30;
	v2 =	vadd.s32 s21, v2;
	s18 =	spop (v2sf);
	v7, _, _ =	vpop (xrf0)  }
0x5fe: {  	s31 =	simm.s32 $0x12170;
	v5 =	vld [tilespmem:s12+$0x12100];
	vm7 =	vlt.s32 v2, v0;
	v1 =	vimm.s32 $0x0;
	s15 =	spop (v2sf);
	(v2sf) =	vpush v7, $0xF  }
0x5ff: {  	v2 =	vld [tilespmem:s31+$0xFFFFFFE0];
	v6 =	vsel vm7, $0x1, v1;
	s20 =	spop (v2sf)  }
0x600: {  	v62 =	vld [tilespmem:s31+$0xFFFFFFF0];
	(xrf0) =	vadd.scan.msk.s32 $0xffff, v6;
	s17 =	spop (v2sf)  }
0x601: {  	s21 =	spop (v2sf)  }
0x602: {  	s16 =	spop (v2sf)  }
0x603: {  	v6 =	vld [tilespmem:s31+$0x0];
	(xrf0) =	vadd.scan.msk.s32 $0xffff, v5;
	s13 =	spop (v2sf)  }
0x604: {  	(xrf0) =	vadd.scan.msk.s32 $0xffff, v2;
	s12 =	spop (v2sf)  }
0x605: {  	(xrf0) =	vadd.scan.msk.s32 $0xffff, v62;
	s7 =	sadd.s32 $0x0, s12;
	s29 =	spop (v2sf)  }
0x606: {  	v2, _, _ =	vpop (xrf0);
	v3 =	vadd.s32 s7, v3;
	s7 =	sadd.s32 s29, s7;
	s30 =	spop (v2sf)  }
0x607: {  	(v2sf) =	vpush v2, $0xF;
	vm8 =	vlt.s32 v3, v0;
	v2 =	vadd.s32 s7, v4;
	s12 =	sadd.s32 s30, s7  }
0x608: {  	(xrf0) =	vadd.scan.msk.s32 $0xffff, v6;
	v4 =	vsel vm8, $0x1, v1;
	vm9 =	vlt.s32 v2, v0;
	v2 =	vadd.s32 s12, v7  }
0x609: {  	v3, _, _ =	vpop (xrf0);
	v6 =	vsel vm9, $0x1, v1;
	vm10 =	vlt.s32 v2, v0;
	(xrf0) =	vadd.scan.msk.s32 $0xffff, v4  }
0x60a: {  	v5, _, _ =	vpop (xrf0);
	v4 =	vsel vm10, $0x1, v1;
	(xrf0) =	vadd.scan.msk.s32 $0xffff, v6  }
0x60b: {  	v2, _, _ =	vpop (xrf0);
	(xrf0) =	vadd.scan.msk.s32 $0xffff, v4  }
0x60c: {  	(v2sf) =	vpush v3, $0xF  }
0x60d: {  	(v2sf) =	vpush v5, $0xF;
	s29 =	spop (v2sf)  }
0x60e: {  	(v2sf) =	vpush v2, $0xF;
	v4, _, _ =	vpop (xrf0);
	s29 =	sadd.s32 s29, s12  }
0x60f: {  	s7 =	simm.s32 $0x80;
	(v2sf) =	vpush v4, $0xF;
	v6, _, _ =	vpop (xrf0);
	v3 =	vadd.s32 s29, v3  }
0x610: {  	s31 =	sand.u32 $0xC0, s7;
	(v2sf) =	vpush v6, $0xF;
	v6, _, _ =	vpop (xrf0);
	vm11 =	vlt.s32 v3, v0  }
0x611: {  	v7 =	vld [tilespmem:s31+$0x12100];
	s12 =	simm.s32 $0x121B0;
	(v2sf) =	vpush v6, $0xF;
	v6, _, _ =	vpop (xrf0);
	v3 =	vsel vm11, $0x1, v1  }
0x612: {  	(v2sf) =	vpush v6, $0xF;
	v6 =	vld [tilespmem:s12+$0xFFFFFFE0];
	(xrf0) =	vadd.scan.msk.s32 $0xffff, v3  }
0x613: {  	v3 =	vld [tilespmem:s12+$0xFFFFFFF0];
	_ =	sdelay $0x2  }
0x614: {  	(xrf0) =	vadd.scan.msk.s32 $0xffff, v7  }
0x615: {  	(xrf0) =	vadd.scan.msk.s32 $0xffff, v6  }
0x616: {  	s1 =	sadd.s32 s2, s1;
	(xrf0) =	vadd.scan.msk.s32 $0xffff, v3;
	v3, _, _ =	vpop (xrf0)  }
0x617: {  	s1 =	sadd.s32 s11, s1;
	s11 =	spop (v2sf);
	(v2sf) =	vpush v3, $0xF  }
0x618: {  	s6 =	sadd.s32 s6, s5;
	v63 =	vld [tilespmem:s12+$0x0]  }
0x619: {  	s1 =	sadd.s32 s9, s1;
	s2 =	sadd.s32 s10, s6  }
0x61a: {  	s1 =	sadd.s32 s1, s8;
	s2 =	sadd.s32 s2, s24;
	s24 =	spop (v2sf)  }
0x61b: {  	s1 =	sadd.s32 s25, s1;
	s5 =	sadd.s32 s29, s24;
	s25 =	spop (v2sf)  }
0x61c: {  	s2 =	sadd.s32 s28, s2;
	s1 =	sadd.s32 s26, s1;
	s8 =	sadd.s32 s25, s5  }
0x61d: {  	s2 =	sadd.s32 s23, s2;
	s1 =	sadd.s32 s19, s1;
	(xrf0) =	vadd.scan.msk.s32 $0xffff, v63;
	s26 =	spop (v2sf);
	v5 =	vadd.s32 s5, v5;
	v3, _, _ =	vpop (xrf0);
	v2 =	vadd.s32 s8, v2  }
0x61e: {  	s2 =	sadd.s32 s22, s2;
	s28 =	sadd.s32 s26, s8;
	vm12 =	vlt.s32 v5, v0;
	(v2sf) =	vpush v3, $0xF;
	s29 =	spop (v2sf)  }
0x61f: {  	s1 =	sadd.s32 s1, s14;
	s2 =	sadd.s32 s2, s18;
	v4 =	vadd.s32 s28, v4;
	v5 =	vsel vm12, $0x1, v1;
	vm13 =	vlt.s32 v2, v0;
	s5 =	sadd.s32 s29, s28  }
0x620: {  	s1 =	sadd.s32 s15, s1;
	s2 =	sadd.s32 s20, s2;
	v6 =	vsel vm13, $0x1, v1;
	vm14 =	vlt.s32 v4, v0;
	(xrf0) =	vadd.scan.msk.s32 $0xffff, v5;
	v2, _, _ =	vpop (xrf0);
	v4 =	vadd.s32 s5, v3  }
0x621: {  	s2 =	sadd.s32 s17, s2;
	s1 =	sadd.s32 s21, s1;
	v5 =	vsel vm14, $0x1, v1;
	(v2sf) =	vpush v2, $0xF;
	v3, _, _ =	vpop (xrf0);
	(xrf0) =	vadd.scan.msk.s32 $0xffff, v6  }
0x622: {  	s1 =	sadd.s32 s16, s1;
	s6 =	sadd.s32 $0x0, s11;
	s30 =	spop (v2sf);
	vm15 =	vlt.s32 v4, v0;
	(v2sf) =	vpush v3, $0xF;
	(xrf0) =	vadd.scan.msk.s32 $0xffff, v5  }
0x623: {  	s2 =	sadd.s32 s13, s2;
	s8 =	sadd.s32 s30, s6;
	s31 =	spop (v2sf);
	v5 =	vsel vm15, $0x1, v1;
	v4, _, _ =	vpop (xrf0)  }
0x624: {  	s6 =	simm.s32 $0x8;
	s8 =	sadd.s32 s31, s8;
	s9 =	spop (v2sf);
	(xrf0) =	vadd.scan.msk.s32 $0xffff, v5;
	(v2sf) =	vpush v4, $0xF  }
.LBB2_42:
0x625: {  	s6 =	sadd.s32 $0x4, s6;
	s8 =	sadd.s32 s9, s8  }
0x626: {  	s7 =	sadd.s32 $0x40, s7;
	p0 =	slt.u32 s6, $0xC;
	s9 =	spop (v2sf);
	v5, _, _ =	vpop (xrf0)  }
0x627: {  	s10 =	sand.u32 $0xC0, s7;
	(v2sf) =	vpush v5, $0xF;
	v5, _, _ =	vpop (xrf0)  }
0x628: {  	s12 =	sadd.s32 $0x40, s12;
	v6 =	vld [tilespmem:s10+$0x12100];
	(v2sf) =	vpush v5, $0xF;
	v5, _, _ =	vpop (xrf0)  }
0x629: {  	v7 =	vld [tilespmem:s12+$0xFFFFFFE0];
	(v2sf) =	vpush v5, $0xF  }
0x62a: {  	v5 =	vld [tilespmem:s12+$0xFFFFFFF0];
	v8, _, _ =	vpop (xrf0)  }
0x62b: {  	(v2sf) =	vpush v8, $0xF  }
0x62c: {  	v8 =	vld [tilespmem:s12+$0x0]  }
0x62d: {  	(xrf0) =	vadd.scan.msk.s32 $0xffff, v6  }
0x62e: {  	(xrf0) =	vadd.scan.msk.s32 $0xffff, v7  }
0x62f: {  	(xrf0) =	vadd.scan.msk.s32 $0xffff, v5;
	s10 =	spop (v2sf)  }
0x630: {  	s5 =	sadd.s32 s5, s10;
	s10 =	spop (v2sf)  }
0x631: {  	(xrf0) =	vadd.scan.msk.s32 $0xffff, v8;
	v2 =	vadd.s32 s5, v2;
	s5 =	sadd.s32 s10, s5;
	s10 =	spop (v2sf)  }
0x632: {  	vm0 =	vlt.s32 v2, v0;
	v6 =	vadd.s32 s5, v3;
	s5 =	sadd.s32 s10, s5  }
0x633: {  	v3, _, _ =	vpop (xrf0);
	v5 =	vsel vm0, $0x1, v1;
	vm0 =	vlt.s32 v6, v0;
	v4 =	vadd.s32 s5, v4;
	s10 =	spop (v2sf)  }
.Ltmp20:
0x634: {  	(v2sf) =	vpush v3, $0xF;
	v2, _, _ =	vpop (xrf0);
	v6 =	vsel vm0, $0x1, v1;
	vm0 =	vlt.s32 v4, v0;
	s5 =	sadd.s32 s10, s5;
	(xrf0) =	vadd.scan.msk.s32 $0xffff, v5;
	(pc) =	sbr.rel @p0 .LBB2_42-.Ltmp20, $4  }
0x635: {  	v7 =	vadd.s32 s5, v3;
	(v2sf) =	vpush v2, $0xF;
	v3, _, _ =	vpop (xrf0);
	v5 =	vsel vm0, $0x1, v1;
	(xrf0) =	vadd.scan.msk.s32 $0xffff, v6  }
0x636: {  	s8 =	sadd.s32 s8, s9;
	vm0 =	vlt.s32 v7, v0;
	(v2sf) =	vpush v3, $0xF;
	(xrf0) =	vadd.scan.msk.s32 $0xffff, v5;
	s9 =	spop (v2sf)  }
0x637: {  	v5 =	vsel vm0, $0x1, v1;
	v4, _, _ =	vpop (xrf0);
	s8 =	sadd.s32 s9, s8;
	s9 =	spop (v2sf)  }
0x638: {  	(xrf0) =	vadd.scan.msk.s32 $0xffff, v5;
	(v2sf) =	vpush v4, $0xF;
	s8 =	sadd.s32 s9, s8;
	s9 =	spop (v2sf)  }
0x639: {  	_ =	sdelay $0x8  }
0x63a: {  	s6 =	spop (v2sf)  }
0x63b: {  	s7 =	spop (v2sf)  }
0x63c: {  	s5 =	sadd.s32 s5, s7;
	s13 =	spop (v2sf)  }
0x63d: {  	v2 =	vadd.s32 s5, v2;
	s5 =	sadd.s32 s13, s5;
	s14 =	spop (v2sf)  }
0x63e: {  	v3 =	vadd.s32 s5, v3;
	s5 =	sadd.s32 s14, s5;
	vm0 =	vlt.s32 v2, v0  }
0x63f: {  	v2 =	vsel vm0, $0x1, v1;
	vm12 =	vlt.s32 v3, v0;
	v54 =	vadd.s32 s5, v4  }
0x640: {  	v55 =	vsel vm12, $0x1, v1;
	vm13 =	vlt.s32 v54, v0;
	(xrf0) =	vadd.scan.msk.s32 $0xffff, v2  }
0x641: {  	v0 =	vsel vm13, $0x1, v1;
	(xrf0) =	vadd.scan.msk.s32 $0xffff, v55  }
0x642: {  	v56, _, _ =	vpop (xrf0);
	(xrf0) =	vadd.scan.msk.s32 $0xffff, v0  }
0x643: {  	v57, _, _ =	vpop (xrf0);
	(v2sf) =	vpush v56, $0xF  }
0x644: {  	v58, _, _ =	vpop (xrf0);
	(v2sf) =	vpush v57, $0xF  }
0x645: {  	v59, _, _ =	vpop (xrf0);
	(v2sf) =	vpush v58, $0xF  }
0x646: {  	(v2sf) =	vpush v59, $0xF;
	v60, _, _ =	vpop (xrf0)  }
0x647: {  	(v2sf) =	vpush v60, $0xF;
	v61, _, _ =	vpop (xrf0)  }
0x648: {  	(v2sf) =	vpush v61, $0xF;
	v62, _, _ =	vpop (xrf0)  }
0x649: {  	(v2sf) =	vpush v62, $0xF;
	_ =	sdelay $0x7  }
0x64a: {  	s15 =	sadd.s32 s9, s8;
	s16 =	spop (v2sf)  }
0x64b: {  	s5 =	sadd.s32 s15, s6;
	s17 =	spop (v2sf)  }
0x64c: {  	s5 =	sadd.s32 s17, s5;
	s18 =	spop (v2sf)  }
0x64d: {  	s5 =	sadd.s32 s18, s5;
	s19 =	spop (v2sf)  }
0x64e: {  	s5 =	sadd.s32 s19, s5;
	s20 =	spop (v2sf)  }
0x64f: {  	s5 =	sadd.s32 s5, s20;
	s21 =	spop (v2sf)  }
0x650: {  	s5 =	sadd.s32 s21, s5;
	s22 =	spop (v2sf)  }
0x651: {  	s3 =	sshll.u32 s3, $0x8;
	s5 =	sadd.s32 s22, s5;
	s23 =	spop (v2sf)  }
0x652: {  	p0 =	seq.s32 s4, $0x1;
	s1 =	sor.u32 s3, s1;
	s5 =	sadd.s32 s23, s5  }
0x653: {  	s0 =	sshll.u32 s0, $0x8;
	s3 =	sshra.s32 s1, $0x1F;
	s2 =	smov.u32 @p0 s5  }
0x654: {  	s24 =	sand.u32 $0x7FFFFFFF, s3;
	s0 =	sor.u32 s0, s2  }
0x655: {  	s1 =	sxor.u32 s1, s24;
	s25 =	sshra.s32 s0, $0x1F  }
0x656: {  	vm14 =	vcmask $0x300;
	v63 =	vmov s1;
	s2 =	sand.u32 $0x7FFFFFFF, s25  }
0x657: {  	vm15 =	vcmask $0x704;
	v0 =	vnsel vm14, $0x0, v63;
	s0 =	sxor.u32 s0, s2  }
0x658: {  	s26 =	simm.s32 $0x0;
	v0 =	vsel vm15, s0, v0  }
0x659: {  	s28 =	simm.s32 $0x14200;
	s29 =	rddreg [dreg:$0x6];
	s30 =	simm.s32 $0x4;
	[tilespmem:$0x14200] =	vst v0  }
0x65a: {  	[hbm4b:s29+s26] =	stream.linear.scatter [tilespmem:s28], [sflag:$0x4], $0x80, $0x38;
	[tilespmem:$0x16488] =	vst v63  }
0x65b: {  	_ =	swait.ge [sflag:s30], $0x80  }
0x65c: {  	[sflag:s30] =	ssyncset.done $0x0  }
0x65d: {  	[sflag:s30] =	ssyncadd.s32 $0xFFFFFF80  }
0x65e: {  	_ =	sfence.sel $0x180000  }
0x65f: {  	[bflag:$0x0] =	sbarrier.arrive $0xFFFF  }
0x660: {  	_ =	strace $0x90000047  }
0x661: {  	[bflag:$0x2] =	sbarrier.arrive $0xFFFF  }
0x662: {  	s31 =	rddreg [dreg:$0x5]  }
0x663: {  	s0 =	sadd.s32 $0x100000, s31  }
0x664: {  	[sflag:s0] =	ssyncadd.tile.s32 $0x1;
	_ =	shalt  }
.Lfunc_end2:
_tile_overlayer_lowered:
.L_overlay_start_2:
0x665: {  	(tag) =	ssettag $0x2  }
0x666: {  	s0 =	rddreg [dreg:$0x0];
	s2 =	stileid.u32  }
0x667: {  	s1 =	rddreg [dreg:$0x1];
	p0 =	sne.s32 s2, $0x0  }
0x668: {  	s3 =	rddreg [dreg:$0x2];
	[bflag:$0x3] =	sbarrier.arrive $0xFFFF;
	s2 =	simm.s32 @!p0 $0x1C04  }
0x669: {  	[timem:s3], [sflag:s2] =	dma.local @!p0 [hbm:s0], s1  }
0x66a: {  	s0 =	simm.s32 @!p0 $0x4  }
0x66b: {  	_ =	swait.ge @!p0 [sflag:s0], s1  }
0x66c: {  	s1 =	ssub.s32 @!p0 $0x0, s1;
	[sflag:s0] =	ssyncset.done @!p0 $0x0  }
0x66d: {  	[sflag:s0] =	ssyncadd.s32 @!p0 s1  }
0x66e: {  	[bflag:$0x3] =	sbarrier.arrive $0xFFFF  }
0x66f: {  	_ =	shalt  }

</sc_bundles>
